<compile_context>
chip_gen: v7x
topology: tpu7x:2x2x1
jax: 0.10.2.dev20260603
libtpu: 0.0.44.dev20260713+nightly
codegen_flags: <defaults>
</compile_context>

<pallas_src>
import functools

import jax
import jax.numpy as jnp
from jax import lax
from jax.experimental import pallas as pl
from jax.experimental.pallas import tpu as pltpu
from jax.experimental.pallas import tpu_sc as plsc

_D = 128
_B = 128
_K = 64
_NC = 2
_NS = 16
_NW = _NC * _NS
_BPW = _B // _NW
_NEG_PW = _BPW * _K


def _logsig(x):
  u = jnp.exp(-jnp.abs(x))
  z = u / (2.0 + u)
  z2 = z * z
  p = 1.0 + z2 * (1.0 / 3.0 + z2 * (1.0 / 5.0 + z2 * (
      1.0 / 7.0 + z2 * (1.0 / 9.0 + z2 * (1.0 / 11.0 + z2 * (1.0 / 13.0))))))
  return jnp.minimum(x, 0.0) - 2.0 * z * p


def _fused_sc(pos_input, pos_output, neg_idx, input_weight, output_weight):
  mesh = plsc.VectorSubcoreMesh(core_axis_name="c", subcore_axis_name="s")

  @functools.partial(
      pl.kernel,
      mesh=mesh,
      compiler_params=pltpu.CompilerParams(needs_layout_passes=False),
      out_type=jax.ShapeDtypeStruct((_NW, 16), jnp.float32),
      scratch_types=[
          pltpu.VMEM((8,), jnp.int32),
          pltpu.VMEM((16,), jnp.int32),
          pltpu.VMEM((2, 128), jnp.int32),
          pltpu.VMEM((8, _D), jnp.float32),
          pltpu.VMEM((16, _D), jnp.float32),
          pltpu.VMEM((_NEG_PW, _D), jnp.float32),
          pltpu.VMEM((16,), jnp.float32),
          pltpu.VMEM((8, 16), jnp.float32),
          pltpu.VMEM((16,), jnp.float32),
          pltpu.VMEM_SHARED((8, 16), jnp.float32),
          pltpu.SemaphoreType.DMA,
          pltpu.SemaphoreType.DMA,
          pltpu.SemaphoreType.DMA,
          pltpu.SemaphoreType.DMA,
      ],
  )
  def fused_kernel(pi_hbm, po_hbm, ineg_hbm, iw_hbm, ow_hbm, out_hbm,
                   pi8_v, po16_v, ineg_v, rin8_v, rout16_v, rneg_v,
                   rsv_v, rv_v, pv_v, rsum_shared, s0, s1, s2, s3):
    c = lax.axis_index("c")
    s = lax.axis_index("s")
    w = s * _NC + c
    par = w % 2
    iota = lax.iota(jnp.int32, 16)

    pltpu.sync_copy(pi_hbm.at[pl.ds(pl.multiple_of(8 * (w // 2), 8), 8)],
                    pi8_v)
    pltpu.sync_copy(ineg_hbm.at[w], ineg_v)

    cin = pltpu.async_copy(iw_hbm.at[pi8_v], rin8_v, s0)
    cn0 = pltpu.async_copy(ow_hbm.at[ineg_v.at[0]],
                           rneg_v.at[pl.ds(0, 128)], s1)
    cn1 = pltpu.async_copy(ow_hbm.at[ineg_v.at[1]],
                           rneg_v.at[pl.ds(128, 128)], s2)

    @pl.when(s < 8)
    def _rowsum():
      pltpu.sync_copy(po_hbm.at[pl.ds(pl.multiple_of(16 * s, 8), 16)],
                      po16_v)
      pltpu.async_copy(ow_hbm.at[po16_v], rout16_v, s3).wait()

      def rs_body(j, acc):
        g0 = plsc.load_gather(rout16_v, [iota, jnp.full((16,), 4 * j,
                                                        jnp.int32)])
        g1 = plsc.load_gather(rout16_v, [iota, jnp.full((16,), 4 * j + 1,
                                                        jnp.int32)])
        g2 = plsc.load_gather(rout16_v, [iota, jnp.full((16,), 4 * j + 2,
                                                        jnp.int32)])
        g3 = plsc.load_gather(rout16_v, [iota, jnp.full((16,), 4 * j + 3,
                                                        jnp.int32)])
        return acc + (g0 + g1) + (g2 + g3)

      acc = lax.fori_loop(0, _D // 4, rs_body, jnp.zeros((16,), jnp.float32))
      rsv_v[...] = acc
      pltpu.sync_copy(rsv_v, rsum_shared.at[s])

    cin.wait()
    cn0.wait()
    cn1.wait()
    rows = [(b * _K + kg * 16) + iota for b in range(_BPW) for kg in range(4)]

    def dot_body(jc, accs):
      base = jc * 16
      ebs = [rin8_v[par * _BPW + b, pl.ds(base, 16)] for b in range(_BPW)]
      new = list(accs)
      for dl in range(16):
        cols = jnp.full((16,), base + dl, jnp.int32)
        for b in range(_BPW):
          e = ebs[b][dl]
          for kg in range(4):
            t = b * 4 + kg
            g = plsc.load_gather(rneg_v, [rows[t], cols])
            new[t] = new[t] + g * e
      return tuple(new)

    accs = lax.fori_loop(
        0, _D // 16, dot_body,
        tuple(jnp.zeros((16,), jnp.float32) for _ in range(16)))

    plsc.subcore_barrier()
    pltpu.sync_copy(rsum_shared, rv_v)

    score_v = jnp.zeros((16,), jnp.float32)
    t_v = jnp.zeros((16,), jnp.float32)
    for b in range(_BPW):
      r0 = par * _BPW + b
      acc = rin8_v[r0, pl.ds(0, 16)] * rv_v[0]
      for j in range(1, 8):
        acc = acc + rin8_v[r0, pl.ds(16 * j, 16)] * rv_v[j]
      score_v = jnp.where(iota == b, jnp.sum(acc), score_v)
      sb = jnp.zeros((16,), jnp.float32)
      for kg in range(4):
        ns = jnp.clip(accs[b * 4 + kg], -10.0, 10.0)
        sb = sb + _logsig(-ns)
      t_v = jnp.where(iota == b, -jnp.sum(sb), t_v)

    pv = -_logsig(score_v) * (1.0 / _B) - _logsig(-t_v)
    pv_v[...] = jnp.where(iota < _BPW, pv, 0.0)
    pltpu.sync_copy(pv_v, out_hbm.at[w])

  return fused_kernel(pos_input, pos_output, neg_idx,
                      input_weight, output_weight)


def kernel(pos_input, pos_output, neg_v, input_weight, output_weight):
  pi = pos_input.astype(jnp.int32)
  po = pos_output.astype(jnp.int32)
  nv = neg_v.astype(jnp.int32).reshape(_NW, 2, 128)
  partials = _fused_sc(pi, po, nv, input_weight, output_weight)
  return jnp.sum(partials)

# --- scband reference (transcript-rebuilt; emitter-appended) ---
"""Pipeline reference for scband-skip-gram-31250182046281 (READ-ONLY COPY).

The authoritative reference and input builder live on the scoring server;
editing this copy changes nothing except your own understanding.
"""

import jax, jax.numpy as jnp
import numpy as np

VOCAB = 1000000
EMBED_DIM = 128
BATCH = 128
N_NEG = 64


def setup_inputs(seed: int = 0) -> dict:
    key = jax.random.key(seed)
    k1, k2, k3, k4 = jax.random.split(key, 4)
    pos_input = jax.random.randint(k1, (BATCH,), 0, VOCAB, dtype=jnp.int64 if jax.config.jax_enable_x64 else jnp.int32)
    pos_output = jax.random.randint(k2, (BATCH,), 0, VOCAB, dtype=jnp.int64 if jax.config.jax_enable_x64 else jnp.int32)
    neg_v = jax.random.randint(k3, (BATCH, N_NEG), 0, VOCAB, dtype=jnp.int64 if jax.config.jax_enable_x64 else jnp.int32)
    init_range = 1.0 / EMBED_DIM
    input_weight = jax.random.uniform(k4, (VOCAB, EMBED_DIM), minval=-init_range, maxval=init_range, dtype=jnp.float32)
    # torch code: init.constant(self.output_weight.weight, 0)
    output_weight = jnp.zeros((VOCAB, EMBED_DIM), dtype=jnp.float32)
    return {
        "pos_input": pos_input,
        "pos_output": pos_output,
        "neg_v": neg_v,
        "input_weight": input_weight,
        "output_weight": output_weight,
    }


def reference(pos_input, pos_output, neg_v, input_weight, output_weight):
    # embedding lookups (gather)
    emb_input = jnp.take(input_weight, pos_input, axis=0)    # [B, D]
    emb_output = jnp.take(output_weight, pos_output, axis=0)  # [B, D]
    emb_neg = jnp.take(output_weight, neg_v, axis=0)          # [B, K, D]

    # torch.sum(torch.matmul(emb_input, emb_output), dim=1)  (requires B == D)
    score = jnp.sum(jnp.matmul(emb_input, emb_output), axis=1)  # [B]
    pos_loss = -jax.nn.log_sigmoid(score)                        # [B]

    # torch.bmm(emb_neg, emb_input.unsqueeze(2)).squeeze() -> [B, K]
    neg_score = jnp.einsum('bkd,bd->bk', emb_neg, emb_input)
    neg_score = jnp.clip(neg_score, -10.0, 10.0)
    neg_score = -jnp.sum(jax.nn.log_sigmoid(-neg_score), axis=1)  # [B]
    # original line `neg_loss = -torch.sum(F.logsigmoid(-neg_score), dim=1)` is applied to a 1-D
    # tensor; dim=1 is out of range in torch. Nearest executable faithful form: reduce axis 0.
    neg_loss = -jnp.sum(jax.nn.log_sigmoid(-neg_score), axis=0)   # scalar

    return jnp.mean(pos_loss + neg_loss)

if __name__ == "__main__":
    import jax
    _d = setup_inputs()
    print(jax.jit(kernel)(*tuple(_d.values())))

</pallas_src>

<mosaic_0001>
#map = affine_map<(d0, d1) -> (0)>
#map1 = affine_map<(d0, d1) -> (0, 0, 0)>
#map2 = affine_map<(d0, d1) -> (0, 0)>
module attributes {stable_mosaic.version = 14 : i64} {
  func.func @fused_kernel(%arg0: i32, %arg1: i32, %arg2: memref<128xi32, #tpu.memory_space<hbm>>, %arg3: memref<128xi32, #tpu.memory_space<hbm>>, %arg4: memref<32x2x128xi32, #tpu.memory_space<hbm>>, %arg5: memref<1000000x128xf32, #tpu.memory_space<hbm>>, %arg6: memref<1000000x128xf32, #tpu.memory_space<hbm>>, %arg7: memref<32x16xf32, #tpu.memory_space<hbm>>, %arg8: memref<8xi32, #tpu.memory_space<vmem>>, %arg9: memref<16xi32, #tpu.memory_space<vmem>>, %arg10: memref<2x128xi32, #tpu.memory_space<vmem>>, %arg11: memref<8x128xf32, #tpu.memory_space<vmem>>, %arg12: memref<16x128xf32, #tpu.memory_space<vmem>>, %arg13: memref<256x128xf32, #tpu.memory_space<vmem>>, %arg14: memref<16xf32, #tpu.memory_space<vmem>>, %arg15: memref<8x16xf32, #tpu.memory_space<vmem>>, %arg16: memref<16xf32, #tpu.memory_space<vmem>>, %arg17: memref<8x16xf32, #tpu.memory_space<vmem_shared>>, %arg18: memref<!tpu.dma_semaphore, #tpu.memory_space<semaphore_mem>>, %arg19: memref<!tpu.dma_semaphore, #tpu.memory_space<semaphore_mem>>, %arg20: memref<!tpu.dma_semaphore, #tpu.memory_space<semaphore_mem>>, %arg21: memref<!tpu.dma_semaphore, #tpu.memory_space<semaphore_mem>>) attributes {dimension_semantics = [#tpu.dimension_semantics<core_parallel>, #tpu.dimension_semantics<subcore_parallel>], iteration_bounds = array<i64: 2, 16>, scalar_prefetch = 0 : i64, scratch_operands = 14 : i64, tpu.core_type = #tpu.core_type<sc_vector_subcore>, window_params = [{transform_indices = #map}, {transform_indices = #map}, {transform_indices = #map1}, {transform_indices = #map2}, {transform_indices = #map2}, {transform_indices = #map2}]} {
    %mul3A = arith.constant 2 : i32
    %mul3A_0 = arith.muli %arg1, %mul3A : i32
    %add3A = arith.addi %mul3A_0, %arg0 : i32
    %jit3A = arith.constant 2 : i32
    %eq3A = arith.constant 0 : i32
    %eq3A_1 = arith.cmpi eq, %jit3A, %eq3A : i32
    %jit3A_2 = arith.constant 1 : i32
    %select_n3A = arith.select %eq3A_1, %jit3A_2, %jit3A : i32
    %rem3A = arith.remsi %add3A, %select_n3A : i32
    %ne3A = arith.constant 0 : i32
    %ne3A_3 = arith.cmpi ne, %rem3A, %ne3A : i32
    %lt3A = arith.constant 0 : i32
    %lt3A_4 = arith.cmpi slt, %rem3A, %lt3A : i32
    %lt3A_5 = arith.constant 0 : i32
    %lt3A_6 = arith.cmpi slt, %select_n3A, %lt3A_5 : i32
    %ne3A_7 = arith.xori %lt3A_4, %lt3A_6 : i1
    %and3A = arith.andi %ne3A_7, %ne3A_3 : i1
    %add3A_8 = arith.addi %rem3A, %select_n3A : i32
    %select_n3A_9 = arith.select %and3A, %add3A_8, %rem3A : i32
    %iota3A = tpu.iota {dimensions = array<i32: 0>} : vector<16xi32>
    %jit3A_10 = arith.constant 2 : i32
    %div3A = arith.divsi %add3A, %jit3A_10 : i32
    %sign3A = arith.constant 0 : i32
    %sign3A_11 = arith.cmpi sgt, %add3A, %sign3A : i32
    %sign3A_12 = arith.extui %sign3A_11 : i1 to i32
    %sign3A_13 = arith.constant 0 : i32
    %sign3A_14 = arith.cmpi slt, %add3A, %sign3A_13 : i32
    %sign3A_15 = arith.extui %sign3A_14 : i1 to i32
    %sign3A_16 = arith.subi %sign3A_12, %sign3A_15 : i32
    %sign3A_17 = arith.constant 0 : i32
    %sign3A_18 = arith.cmpi sgt, %jit3A_10, %sign3A_17 : i32
    %sign3A_19 = arith.extui %sign3A_18 : i1 to i32
    %sign3A_20 = arith.constant 0 : i32
    %sign3A_21 = arith.cmpi slt, %jit3A_10, %sign3A_20 : i32
    %sign3A_22 = arith.extui %sign3A_21 : i1 to i32
    %sign3A_23 = arith.subi %sign3A_19, %sign3A_22 : i32
    %ne3A_24 = arith.cmpi ne, %sign3A_16, %sign3A_23 : i32
    %rem3A_25 = arith.remsi %add3A, %jit3A_10 : i32
    %ne3A_26 = arith.constant 0 : i32
    %ne3A_27 = arith.cmpi ne, %rem3A_25, %ne3A_26 : i32
    %and3A_28 = arith.andi %ne3A_24, %ne3A_27 : i1
    %sub3A = arith.constant 1 : i32
    %sub3A_29 = arith.subi %div3A, %sub3A : i32
    %select_n3A_30 = arith.select %and3A_28, %sub3A_29, %div3A : i32
    %mul3A_31 = arith.constant 8 : i32
    %mul3A_32 = arith.muli %mul3A_31, %select_n3A_30 : i32
    %multiple_of3A = tpu.assume_multiple %mul3A_32, 8 : i32
    "tpu.region"() ({
      %run_scoped3A = tpu.sem_alloc : memref<!tpu.dma_semaphore, #tpu.memory_space<semaphore_mem>>
      %dma_start3A_1518 = tpu.memref_slice %arg2[%multiple_of3A] : memref<128xi32, #tpu.memory_space<hbm>> -> memref<8xi32, #tpu.memory_space<hbm>>
      %dma_start3A_1519 = tpu.memref_slice %arg2[%multiple_of3A] : memref<128xi32, #tpu.memory_space<hbm>> -> memref<8xi32, #tpu.memory_space<hbm>>
      tpu.enqueue_dma source(%dma_start3A_1519 : memref<8xi32, #tpu.memory_space<hbm>>) target(%arg8 : memref<8xi32, #tpu.memory_space<vmem>>) target_semaphore(%run_scoped3A : memref<!tpu.dma_semaphore, #tpu.memory_space<semaphore_mem>>)
      %dma_wait3A_1520 = tpu.memref_slice %arg2[%multiple_of3A] : memref<128xi32, #tpu.memory_space<hbm>> -> memref<8xi32, #tpu.memory_space<hbm>>
      %dma_wait3A_1521 = tpu.memref_slice %arg2[%multiple_of3A] : memref<128xi32, #tpu.memory_space<hbm>> -> memref<8xi32, #tpu.memory_space<hbm>>
      tpu.wait_dma2 semaphore(%run_scoped3A : memref<!tpu.dma_semaphore, #tpu.memory_space<semaphore_mem>>) src(%dma_wait3A_1521 : memref<8xi32, #tpu.memory_space<hbm>>) dst(%arg8 : memref<8xi32, #tpu.memory_space<vmem>>)
      tpu.yield
    }) : () -> ()
    "tpu.region"() ({
      %run_scoped3A = tpu.sem_alloc : memref<!tpu.dma_semaphore, #tpu.memory_space<semaphore_mem>>
      %dma_start3A_1518 = arith.constant 0 : i32
      %dma_start3A_1519 = arith.constant 0 : i32
      %dma_start3A_1520 = tpu.memref_slice %arg4[%add3A, %dma_start3A_1518, %dma_start3A_1519] : memref<32x2x128xi32, #tpu.memory_space<hbm>> -> memref<1x2x128xi32, #tpu.memory_space<hbm>>
      %dma_start3A_1521 = tpu.memref_squeeze %dma_start3A_1520 : memref<1x2x128xi32, #tpu.memory_space<hbm>> -> memref<2x128xi32, #tpu.memory_space<hbm>>
      %dma_start3A_1522 = arith.constant 0 : i32
      %dma_start3A_1523 = arith.constant 0 : i32
      %dma_start3A_1524 = tpu.memref_slice %arg4[%add3A, %dma_start3A_1522, %dma_start3A_1523] : memref<32x2x128xi32, #tpu.memory_space<hbm>> -> memref<1x2x128xi32, #tpu.memory_space<hbm>>
      %dma_start3A_1525 = tpu.memref_squeeze %dma_start3A_1524 : memref<1x2x128xi32, #tpu.memory_space<hbm>> -> memref<2x128xi32, #tpu.memory_space<hbm>>
      tpu.enqueue_dma source(%dma_start3A_1525 : memref<2x128xi32, #tpu.memory_space<hbm>>) target(%arg10 : memref<2x128xi32, #tpu.memory_space<vmem>>) target_semaphore(%run_scoped3A : memref<!tpu.dma_semaphore, #tpu.memory_space<semaphore_mem>>)
      %dma_wait3A_1526 = arith.constant 0 : i32
      %dma_wait3A_1527 = arith.constant 0 : i32
      %dma_wait3A_1528 = tpu.memref_slice %arg4[%add3A, %dma_wait3A_1526, %dma_wait3A_1527] : memref<32x2x128xi32, #tpu.memory_space<hbm>> -> memref<1x2x128xi32, #tpu.memory_space<hbm>>
      %dma_wait3A_1529 = tpu.memref_squeeze %dma_wait3A_1528 : memref<1x2x128xi32, #tpu.memory_space<hbm>> -> memref<2x128xi32, #tpu.memory_space<hbm>>
      %dma_wait3A_1530 = arith.constant 0 : i32
      %dma_wait3A_1531 = arith.constant 0 : i32
      %dma_wait3A_1532 = tpu.memref_slice %arg4[%add3A, %dma_wait3A_1530, %dma_wait3A_1531] : memref<32x2x128xi32, #tpu.memory_space<hbm>> -> memref<1x2x128xi32, #tpu.memory_space<hbm>>
      %dma_wait3A_1533 = tpu.memref_squeeze %dma_wait3A_1532 : memref<1x2x128xi32, #tpu.memory_space<hbm>> -> memref<2x128xi32, #tpu.memory_space<hbm>>
      tpu.wait_dma2 semaphore(%run_scoped3A : memref<!tpu.dma_semaphore, #tpu.memory_space<semaphore_mem>>) src(%dma_wait3A_1533 : memref<2x128xi32, #tpu.memory_space<hbm>>) dst(%arg10 : memref<2x128xi32, #tpu.memory_space<vmem>>)
      tpu.yield
    }) : () -> ()
    %dma_start3A = arith.constant 0 : i32
    %dma_start3A_33 = arith.constant 0 : i32
    %dma_start3A_34 = tpu.memref_slice %arg5[%dma_start3A, %dma_start3A_33] : memref<1000000x128xf32, #tpu.memory_space<hbm>> -> memref<1000000x128xf32, #tpu.memory_space<hbm>>
    tpu.enqueue_indirect_dma source(%dma_start3A_34 : memref<1000000x128xf32, #tpu.memory_space<hbm>>) target(%arg11 : memref<8x128xf32, #tpu.memory_space<vmem>>) offsets(%arg8 : memref<8xi32, #tpu.memory_space<vmem>>) semaphore(%arg18 : memref<!tpu.dma_semaphore, #tpu.memory_space<semaphore_mem>>)
    %dma_start3A_35 = arith.constant 0 : i32
    %dma_start3A_36 = arith.constant 0 : i32
    %dma_start3A_37 = arith.constant 0 : i32
    %dma_start3A_38 = tpu.memref_slice %arg13[%dma_start3A_36, %dma_start3A_37] : memref<256x128xf32, #tpu.memory_space<vmem>> -> memref<128x128xf32, #tpu.memory_space<vmem>>
    %dma_start3A_39 = arith.constant 0 : i32
    %dma_start3A_40 = tpu.memref_slice %arg10[%dma_start3A_35, %dma_start3A_39] : memref<2x128xi32, #tpu.memory_space<vmem>> -> memref<1x128xi32, #tpu.memory_space<vmem>>
    %dma_start3A_41 = tpu.memref_squeeze %dma_start3A_40 : memref<1x128xi32, #tpu.memory_space<vmem>> -> memref<128xi32, #tpu.memory_space<vmem>>
    %dma_start3A_42 = arith.constant 0 : i32
    %dma_start3A_43 = arith.constant 0 : i32
    %dma_start3A_44 = tpu.memref_slice %arg6[%dma_start3A_42, %dma_start3A_43] : memref<1000000x128xf32, #tpu.memory_space<hbm>> -> memref<1000000x128xf32, #tpu.memory_space<hbm>>
    tpu.enqueue_indirect_dma source(%dma_start3A_44 : memref<1000000x128xf32, #tpu.memory_space<hbm>>) target(%dma_start3A_38 : memref<128x128xf32, #tpu.memory_space<vmem>>) offsets(%dma_start3A_41 : memref<128xi32, #tpu.memory_space<vmem>>) semaphore(%arg19 : memref<!tpu.dma_semaphore, #tpu.memory_space<semaphore_mem>>)
    %dma_start3A_45 = arith.constant 1 : i32
    %dma_start3A_46 = arith.constant 128 : i32
    %dma_start3A_47 = arith.constant 0 : i32
    %dma_start3A_48 = tpu.memref_slice %arg13[%dma_start3A_46, %dma_start3A_47] : memref<256x128xf32, #tpu.memory_space<vmem>> -> memref<128x128xf32, #tpu.memory_space<vmem>>
    %dma_start3A_49 = arith.constant 0 : i32
    %dma_start3A_50 = tpu.memref_slice %arg10[%dma_start3A_45, %dma_start3A_49] : memref<2x128xi32, #tpu.memory_space<vmem>> -> memref<1x128xi32, #tpu.memory_space<vmem>>
    %dma_start3A_51 = tpu.memref_squeeze %dma_start3A_50 : memref<1x128xi32, #tpu.memory_space<vmem>> -> memref<128xi32, #tpu.memory_space<vmem>>
    %dma_start3A_52 = arith.constant 0 : i32
    %dma_start3A_53 = arith.constant 0 : i32
    %dma_start3A_54 = tpu.memref_slice %arg6[%dma_start3A_52, %dma_start3A_53] : memref<1000000x128xf32, #tpu.memory_space<hbm>> -> memref<1000000x128xf32, #tpu.memory_space<hbm>>
    tpu.enqueue_indirect_dma source(%dma_start3A_54 : memref<1000000x128xf32, #tpu.memory_space<hbm>>) target(%dma_start3A_48 : memref<128x128xf32, #tpu.memory_space<vmem>>) offsets(%dma_start3A_51 : memref<128xi32, #tpu.memory_space<vmem>>) semaphore(%arg20 : memref<!tpu.dma_semaphore, #tpu.memory_space<semaphore_mem>>)
    %lt3A_55 = arith.constant 8 : i32
    %lt3A_56 = arith.cmpi slt, %arg1, %lt3A_55 : i32
    %convert_element_type3A = arith.extui %lt3A_56 : i1 to i32
    %cond3A = arith.constant 0 : i32
    %cond3A_57 = arith.cmpi ne, %convert_element_type3A, %cond3A : i32
    scf.if %cond3A_57 {
      %mul3A_1518 = arith.constant 16 : i32
      %mul3A_1519 = arith.muli %mul3A_1518, %arg1 : i32
      %multiple_of3A_1520 = tpu.assume_multiple %mul3A_1519, 8 : i32
      "tpu.region"() ({
        %run_scoped3A = tpu.sem_alloc : memref<!tpu.dma_semaphore, #tpu.memory_space<semaphore_mem>>
        %dma_start3A_1537 = tpu.memref_slice %arg3[%multiple_of3A_1520] : memref<128xi32, #tpu.memory_space<hbm>> -> memref<16xi32, #tpu.memory_space<hbm>>
        %dma_start3A_1538 = tpu.memref_slice %arg3[%multiple_of3A_1520] : memref<128xi32, #tpu.memory_space<hbm>> -> memref<16xi32, #tpu.memory_space<hbm>>
        tpu.enqueue_dma source(%dma_start3A_1538 : memref<16xi32, #tpu.memory_space<hbm>>) target(%arg9 : memref<16xi32, #tpu.memory_space<vmem>>) target_semaphore(%run_scoped3A : memref<!tpu.dma_semaphore, #tpu.memory_space<semaphore_mem>>)
        %dma_wait3A_1539 = tpu.memref_slice %arg3[%multiple_of3A_1520] : memref<128xi32, #tpu.memory_space<hbm>> -> memref<16xi32, #tpu.memory_space<hbm>>
        %dma_wait3A_1540 = tpu.memref_slice %arg3[%multiple_of3A_1520] : memref<128xi32, #tpu.memory_space<hbm>> -> memref<16xi32, #tpu.memory_space<hbm>>
        tpu.wait_dma2 semaphore(%run_scoped3A : memref<!tpu.dma_semaphore, #tpu.memory_space<semaphore_mem>>) src(%dma_wait3A_1540 : memref<16xi32, #tpu.memory_space<hbm>>) dst(%arg9 : memref<16xi32, #tpu.memory_space<vmem>>)
        tpu.yield
      }) : () -> ()
      %dma_start3A_1521 = arith.constant 0 : i32
      %dma_start3A_1522 = arith.constant 0 : i32
      %dma_start3A_1523 = tpu.memref_slice %arg6[%dma_start3A_1521, %dma_start3A_1522] : memref<1000000x128xf32, #tpu.memory_space<hbm>> -> memref<1000000x128xf32, #tpu.memory_space<hbm>>
      tpu.enqueue_indirect_dma source(%dma_start3A_1523 : memref<1000000x128xf32, #tpu.memory_space<hbm>>) target(%arg12 : memref<16x128xf32, #tpu.memory_space<vmem>>) offsets(%arg9 : memref<16xi32, #tpu.memory_space<vmem>>) semaphore(%arg21 : memref<!tpu.dma_semaphore, #tpu.memory_space<semaphore_mem>>)
      %dma_wait3A_1524 = arith.constant 0 : i32
      %dma_wait3A_1525 = arith.constant 0 : i32
      %dma_wait3A_1526 = tpu.memref_slice %arg6[%dma_wait3A_1524, %dma_wait3A_1525] : memref<1000000x128xf32, #tpu.memory_space<hbm>> -> memref<1000000x128xf32, #tpu.memory_space<hbm>>
      tpu.wait_indirect_dma semaphore(%arg21 : memref<!tpu.dma_semaphore, #tpu.memory_space<semaphore_mem>>) src(%dma_wait3A_1526 : memref<1000000x128xf32, #tpu.memory_space<hbm>>) dst(%arg12 : memref<16x128xf32, #tpu.memory_space<vmem>>)
      %broadcast_in_dim3A_1527 = arith.constant 0.000000e+00 : f32
      %broadcast_in_dim3A_1528 = vector.broadcast %broadcast_in_dim3A_1527 : f32 to vector<16xf32>
      %scan3A_1529 = arith.constant 0 : i32
      %scan3A_1530 = arith.constant 32 : i32
      %scan3A_1531 = arith.addi %scan3A_1529, %scan3A_1530 : i32
      %scan3A_1532 = arith.constant 1 : i32
      %scan3A_1533 = scf.for %scan3A_1537 = %scan3A_1529 to %scan3A_1531 step %scan3A_1532 iter_args(%scan3A_1538 = %broadcast_in_dim3A_1528) -> (vector<16xf32>)  : i32 {
        %mul3A_1539 = arith.constant 4 : i32
        %mul3A_1540 = arith.muli %mul3A_1539, %scan3A_1537 : i32
        %broadcast_in_dim3A_1541 = vector.broadcast %mul3A_1540 : i32 to vector<16xi32>
        %gather3A = tpu.vector_load_idx %arg12[%iota3A, %broadcast_in_dim3A_1541] : memref<16x128xf32, #tpu.memory_space<vmem>>[vector<16xi32>, vector<16xi32>], vector<16xf32>,
        %mul3A_1542 = arith.constant 4 : i32
        %mul3A_1543 = arith.muli %mul3A_1542, %scan3A_1537 : i32
        %add3A_1544 = arith.constant 1 : i32
        %add3A_1545 = arith.addi %mul3A_1543, %add3A_1544 : i32
        %broadcast_in_dim3A_1546 = vector.broadcast %add3A_1545 : i32 to vector<16xi32>
        %gather3A_1547 = tpu.vector_load_idx %arg12[%iota3A, %broadcast_in_dim3A_1546] : memref<16x128xf32, #tpu.memory_space<vmem>>[vector<16xi32>, vector<16xi32>], vector<16xf32>,
        %mul3A_1548 = arith.constant 4 : i32
        %mul3A_1549 = arith.muli %mul3A_1548, %scan3A_1537 : i32
        %add3A_1550 = arith.constant 2 : i32
        %add3A_1551 = arith.addi %mul3A_1549, %add3A_1550 : i32
        %broadcast_in_dim3A_1552 = vector.broadcast %add3A_1551 : i32 to vector<16xi32>
        %gather3A_1553 = tpu.vector_load_idx %arg12[%iota3A, %broadcast_in_dim3A_1552] : memref<16x128xf32, #tpu.memory_space<vmem>>[vector<16xi32>, vector<16xi32>], vector<16xf32>,
        %mul3A_1554 = arith.constant 4 : i32
        %mul3A_1555 = arith.muli %mul3A_1554, %scan3A_1537 : i32
        %add3A_1556 = arith.constant 3 : i32
        %add3A_1557 = arith.addi %mul3A_1555, %add3A_1556 : i32
        %broadcast_in_dim3A_1558 = vector.broadcast %add3A_1557 : i32 to vector<16xi32>
        %gather3A_1559 = tpu.vector_load_idx %arg12[%iota3A, %broadcast_in_dim3A_1558] : memref<16x128xf32, #tpu.memory_space<vmem>>[vector<16xi32>, vector<16xi32>], vector<16xf32>,
        %add3A_1560 = arith.addf %gather3A, %gather3A_1547 : vector<16xf32>
        %add3A_1561 = arith.addf %scan3A_1538, %add3A_1560 : vector<16xf32>
        %add3A_1562 = arith.addf %gather3A_1553, %gather3A_1559 : vector<16xf32>
        %add3A_1563 = arith.addf %add3A_1561, %add3A_1562 : vector<16xf32>
        scf.yield %add3A_1563 : vector<16xf32>
      }
      %scan3A_1534 = arith.constant 32 : i32
      %swap3A_1535 = arith.constant 0 : index
      %swap3A_1536 = tpu.vector_load %arg14[%swap3A_1535] {strides = array<i32>} : memref<16xf32, #tpu.memory_space<vmem>>, vector<16xf32>,
      tpu.vector_store %arg14[%swap3A_1535], %scan3A_1533 {strides = array<i32>} : memref<16xf32, #tpu.memory_space<vmem>>, vector<16xf32>,
      "tpu.region"() ({
        %run_scoped3A = tpu.sem_alloc : memref<!tpu.dma_semaphore, #tpu.memory_space<semaphore_mem>>
        %dma_start3A_1537 = arith.constant 0 : i32
        %dma_start3A_1538 = tpu.memref_slice %arg17[%arg1, %dma_start3A_1537] : memref<8x16xf32, #tpu.memory_space<vmem_shared>> -> memref<1x16xf32, #tpu.memory_space<vmem_shared>>
        %dma_start3A_1539 = tpu.memref_squeeze %dma_start3A_1538 : memref<1x16xf32, #tpu.memory_space<vmem_shared>> -> memref<16xf32, #tpu.memory_space<vmem_shared>>
        %dma_start3A_1540 = arith.constant 0 : i32
        %dma_start3A_1541 = tpu.memref_slice %arg17[%arg1, %dma_start3A_1540] : memref<8x16xf32, #tpu.memory_space<vmem_shared>> -> memref<1x16xf32, #tpu.memory_space<vmem_shared>>
        %dma_start3A_1542 = tpu.memref_squeeze %dma_start3A_1541 : memref<1x16xf32, #tpu.memory_space<vmem_shared>> -> memref<16xf32, #tpu.memory_space<vmem_shared>>
        tpu.enqueue_dma source(%arg14 : memref<16xf32, #tpu.memory_space<vmem>>) target(%dma_start3A_1542 : memref<16xf32, #tpu.memory_space<vmem_shared>>) target_semaphore(%run_scoped3A : memref<!tpu.dma_semaphore, #tpu.memory_space<semaphore_mem>>)
        %dma_wait3A_1543 = arith.constant 0 : i32
        %dma_wait3A_1544 = tpu.memref_slice %arg17[%arg1, %dma_wait3A_1543] : memref<8x16xf32, #tpu.memory_space<vmem_shared>> -> memref<1x16xf32, #tpu.memory_space<vmem_shared>>
        %dma_wait3A_1545 = tpu.memref_squeeze %dma_wait3A_1544 : memref<1x16xf32, #tpu.memory_space<vmem_shared>> -> memref<16xf32, #tpu.memory_space<vmem_shared>>
        %dma_wait3A_1546 = arith.constant 0 : i32
        %dma_wait3A_1547 = tpu.memref_slice %arg17[%arg1, %dma_wait3A_1546] : memref<8x16xf32, #tpu.memory_space<vmem_shared>> -> memref<1x16xf32, #tpu.memory_space<vmem_shared>>
        %dma_wait3A_1548 = tpu.memref_squeeze %dma_wait3A_1547 : memref<1x16xf32, #tpu.memory_space<vmem_shared>> -> memref<16xf32, #tpu.memory_space<vmem_shared>>
        tpu.wait_dma2 semaphore(%run_scoped3A : memref<!tpu.dma_semaphore, #tpu.memory_space<semaphore_mem>>) src(%arg14 : memref<16xf32, #tpu.memory_space<vmem>>) dst(%dma_wait3A_1548 : memref<16xf32, #tpu.memory_space<vmem_shared>>)
        tpu.yield
      }) : () -> ()
    } else {
    }
    %dma_wait3A = arith.constant 0 : i32
    %dma_wait3A_58 = arith.constant 0 : i32
    %dma_wait3A_59 = tpu.memref_slice %arg5[%dma_wait3A, %dma_wait3A_58] : memref<1000000x128xf32, #tpu.memory_space<hbm>> -> memref<1000000x128xf32, #tpu.memory_space<hbm>>
    tpu.wait_indirect_dma semaphore(%arg18 : memref<!tpu.dma_semaphore, #tpu.memory_space<semaphore_mem>>) src(%dma_wait3A_59 : memref<1000000x128xf32, #tpu.memory_space<hbm>>) dst(%arg11 : memref<8x128xf32, #tpu.memory_space<vmem>>)
    %dma_wait3A_60 = arith.constant 0 : i32
    %dma_wait3A_61 = arith.constant 0 : i32
    %dma_wait3A_62 = arith.constant 0 : i32
    %dma_wait3A_63 = tpu.memref_slice %arg13[%dma_wait3A_61, %dma_wait3A_62] : memref<256x128xf32, #tpu.memory_space<vmem>> -> memref<128x128xf32, #tpu.memory_space<vmem>>
    %dma_wait3A_64 = arith.constant 0 : i32
    %dma_wait3A_65 = tpu.memref_slice %arg10[%dma_wait3A_60, %dma_wait3A_64] : memref<2x128xi32, #tpu.memory_space<vmem>> -> memref<1x128xi32, #tpu.memory_space<vmem>>
    %dma_wait3A_66 = tpu.memref_squeeze %dma_wait3A_65 : memref<1x128xi32, #tpu.memory_space<vmem>> -> memref<128xi32, #tpu.memory_space<vmem>>
    %dma_wait3A_67 = arith.constant 0 : i32
    %dma_wait3A_68 = arith.constant 0 : i32
    %dma_wait3A_69 = tpu.memref_slice %arg6[%dma_wait3A_67, %dma_wait3A_68] : memref<1000000x128xf32, #tpu.memory_space<hbm>> -> memref<1000000x128xf32, #tpu.memory_space<hbm>>
    tpu.wait_indirect_dma semaphore(%arg19 : memref<!tpu.dma_semaphore, #tpu.memory_space<semaphore_mem>>) src(%dma_wait3A_69 : memref<1000000x128xf32, #tpu.memory_space<hbm>>) dst(%dma_wait3A_63 : memref<128x128xf32, #tpu.memory_space<vmem>>)
    %dma_wait3A_70 = arith.constant 1 : i32
    %dma_wait3A_71 = arith.constant 128 : i32
    %dma_wait3A_72 = arith.constant 0 : i32
    %dma_wait3A_73 = tpu.memref_slice %arg13[%dma_wait3A_71, %dma_wait3A_72] : memref<256x128xf32, #tpu.memory_space<vmem>> -> memref<128x128xf32, #tpu.memory_space<vmem>>
    %dma_wait3A_74 = arith.constant 0 : i32
    %dma_wait3A_75 = tpu.memref_slice %arg10[%dma_wait3A_70, %dma_wait3A_74] : memref<2x128xi32, #tpu.memory_space<vmem>> -> memref<1x128xi32, #tpu.memory_space<vmem>>
    %dma_wait3A_76 = tpu.memref_squeeze %dma_wait3A_75 : memref<1x128xi32, #tpu.memory_space<vmem>> -> memref<128xi32, #tpu.memory_space<vmem>>
    %dma_wait3A_77 = arith.constant 0 : i32
    %dma_wait3A_78 = arith.constant 0 : i32
    %dma_wait3A_79 = tpu.memref_slice %arg6[%dma_wait3A_77, %dma_wait3A_78] : memref<1000000x128xf32, #tpu.memory_space<hbm>> -> memref<1000000x128xf32, #tpu.memory_space<hbm>>
    tpu.wait_indirect_dma semaphore(%arg20 : memref<!tpu.dma_semaphore, #tpu.memory_space<semaphore_mem>>) src(%dma_wait3A_79 : memref<1000000x128xf32, #tpu.memory_space<hbm>>) dst(%dma_wait3A_73 : memref<128x128xf32, #tpu.memory_space<vmem>>)
    %add3A_80 = arith.constant 0 : i32
    %add3A_81 = vector.broadcast %add3A_80 : i32 to vector<16xi32>
    %add3A_82 = arith.addi %add3A_81, %iota3A : vector<16xi32>
    %add3A_83 = arith.constant 16 : i32
    %add3A_84 = vector.broadcast %add3A_83 : i32 to vector<16xi32>
    %add3A_85 = arith.addi %add3A_84, %iota3A : vector<16xi32>
    %add3A_86 = arith.constant 32 : i32
    %add3A_87 = vector.broadcast %add3A_86 : i32 to vector<16xi32>
    %add3A_88 = arith.addi %add3A_87, %iota3A : vector<16xi32>
    %add3A_89 = arith.constant 48 : i32
    %add3A_90 = vector.broadcast %add3A_89 : i32 to vector<16xi32>
    %add3A_91 = arith.addi %add3A_90, %iota3A : vector<16xi32>
    %add3A_92 = arith.constant 64 : i32
    %add3A_93 = vector.broadcast %add3A_92 : i32 to vector<16xi32>
    %add3A_94 = arith.addi %add3A_93, %iota3A : vector<16xi32>
    %add3A_95 = arith.constant 80 : i32
    %add3A_96 = vector.broadcast %add3A_95 : i32 to vector<16xi32>
    %add3A_97 = arith.addi %add3A_96, %iota3A : vector<16xi32>
    %add3A_98 = arith.constant 96 : i32
    %add3A_99 = vector.broadcast %add3A_98 : i32 to vector<16xi32>
    %add3A_100 = arith.addi %add3A_99, %iota3A : vector<16xi32>
    %add3A_101 = arith.constant 112 : i32
    %add3A_102 = vector.broadcast %add3A_101 : i32 to vector<16xi32>
    %add3A_103 = arith.addi %add3A_102, %iota3A : vector<16xi32>
    %add3A_104 = arith.constant 128 : i32
    %add3A_105 = vector.broadcast %add3A_104 : i32 to vector<16xi32>
    %add3A_106 = arith.addi %add3A_105, %iota3A : vector<16xi32>
    %add3A_107 = arith.constant 144 : i32
    %add3A_108 = vector.broadcast %add3A_107 : i32 to vector<16xi32>
    %add3A_109 = arith.addi %add3A_108, %iota3A : vector<16xi32>
    %add3A_110 = arith.constant 160 : i32
    %add3A_111 = vector.broadcast %add3A_110 : i32 to vector<16xi32>
    %add3A_112 = arith.addi %add3A_111, %iota3A : vector<16xi32>
    %add3A_113 = arith.constant 176 : i32
    %add3A_114 = vector.broadcast %add3A_113 : i32 to vector<16xi32>
    %add3A_115 = arith.addi %add3A_114, %iota3A : vector<16xi32>
    %add3A_116 = arith.constant 192 : i32
    %add3A_117 = vector.broadcast %add3A_116 : i32 to vector<16xi32>
    %add3A_118 = arith.addi %add3A_117, %iota3A : vector<16xi32>
    %add3A_119 = arith.constant 208 : i32
    %add3A_120 = vector.broadcast %add3A_119 : i32 to vector<16xi32>
    %add3A_121 = arith.addi %add3A_120, %iota3A : vector<16xi32>
    %add3A_122 = arith.constant 224 : i32
    %add3A_123 = vector.broadcast %add3A_122 : i32 to vector<16xi32>
    %add3A_124 = arith.addi %add3A_123, %iota3A : vector<16xi32>
    %add3A_125 = arith.constant 240 : i32
    %add3A_126 = vector.broadcast %add3A_125 : i32 to vector<16xi32>
    %add3A_127 = arith.addi %add3A_126, %iota3A : vector<16xi32>
    %broadcast_in_dim3A = arith.constant 0.000000e+00 : f32
    %broadcast_in_dim3A_128 = vector.broadcast %broadcast_in_dim3A : f32 to vector<16xf32>
    %broadcast_in_dim3A_129 = arith.constant 0.000000e+00 : f32
    %broadcast_in_dim3A_130 = vector.broadcast %broadcast_in_dim3A_129 : f32 to vector<16xf32>
    %broadcast_in_dim3A_131 = arith.constant 0.000000e+00 : f32
    %broadcast_in_dim3A_132 = vector.broadcast %broadcast_in_dim3A_131 : f32 to vector<16xf32>
    %broadcast_in_dim3A_133 = arith.constant 0.000000e+00 : f32
    %broadcast_in_dim3A_134 = vector.broadcast %broadcast_in_dim3A_133 : f32 to vector<16xf32>
    %broadcast_in_dim3A_135 = arith.constant 0.000000e+00 : f32
    %broadcast_in_dim3A_136 = vector.broadcast %broadcast_in_dim3A_135 : f32 to vector<16xf32>
    %broadcast_in_dim3A_137 = arith.constant 0.000000e+00 : f32
    %broadcast_in_dim3A_138 = vector.broadcast %broadcast_in_dim3A_137 : f32 to vector<16xf32>
    %broadcast_in_dim3A_139 = arith.constant 0.000000e+00 : f32
    %broadcast_in_dim3A_140 = vector.broadcast %broadcast_in_dim3A_139 : f32 to vector<16xf32>
    %broadcast_in_dim3A_141 = arith.constant 0.000000e+00 : f32
    %broadcast_in_dim3A_142 = vector.broadcast %broadcast_in_dim3A_141 : f32 to vector<16xf32>
    %broadcast_in_dim3A_143 = arith.constant 0.000000e+00 : f32
    %broadcast_in_dim3A_144 = vector.broadcast %broadcast_in_dim3A_143 : f32 to vector<16xf32>
    %broadcast_in_dim3A_145 = arith.constant 0.000000e+00 : f32
    %broadcast_in_dim3A_146 = vector.broadcast %broadcast_in_dim3A_145 : f32 to vector<16xf32>
    %broadcast_in_dim3A_147 = arith.constant 0.000000e+00 : f32
    %broadcast_in_dim3A_148 = vector.broadcast %broadcast_in_dim3A_147 : f32 to vector<16xf32>
    %broadcast_in_dim3A_149 = arith.constant 0.000000e+00 : f32
    %broadcast_in_dim3A_150 = vector.broadcast %broadcast_in_dim3A_149 : f32 to vector<16xf32>
    %broadcast_in_dim3A_151 = arith.constant 0.000000e+00 : f32
    %broadcast_in_dim3A_152 = vector.broadcast %broadcast_in_dim3A_151 : f32 to vector<16xf32>
    %broadcast_in_dim3A_153 = arith.constant 0.000000e+00 : f32
    %broadcast_in_dim3A_154 = vector.broadcast %broadcast_in_dim3A_153 : f32 to vector<16xf32>
    %broadcast_in_dim3A_155 = arith.constant 0.000000e+00 : f32
    %broadcast_in_dim3A_156 = vector.broadcast %broadcast_in_dim3A_155 : f32 to vector<16xf32>
    %broadcast_in_dim3A_157 = arith.constant 0.000000e+00 : f32
    %broadcast_in_dim3A_158 = vector.broadcast %broadcast_in_dim3A_157 : f32 to vector<16xf32>
    %scan3A = arith.constant 0 : i32
    %scan3A_159 = arith.constant 8 : i32
    %scan3A_160 = arith.addi %scan3A, %scan3A_159 : i32
    %scan3A_161 = arith.constant 1 : i32
    %scan3A_162:16 = scf.for %scan3A_1518 = %scan3A to %scan3A_160 step %scan3A_161 iter_args(%scan3A_1519 = %broadcast_in_dim3A_128, %scan3A_1520 = %broadcast_in_dim3A_130, %scan3A_1521 = %broadcast_in_dim3A_132, %scan3A_1522 = %broadcast_in_dim3A_134, %scan3A_1523 = %broadcast_in_dim3A_136, %scan3A_1524 = %broadcast_in_dim3A_138, %scan3A_1525 = %broadcast_in_dim3A_140, %scan3A_1526 = %broadcast_in_dim3A_142, %scan3A_1527 = %broadcast_in_dim3A_144, %scan3A_1528 = %broadcast_in_dim3A_146, %scan3A_1529 = %broadcast_in_dim3A_148, %scan3A_1530 = %broadcast_in_dim3A_150, %scan3A_1531 = %broadcast_in_dim3A_152, %scan3A_1532 = %broadcast_in_dim3A_154, %scan3A_1533 = %broadcast_in_dim3A_156, %scan3A_1534 = %broadcast_in_dim3A_158) -> (vector<16xf32>, vector<16xf32>, vector<16xf32>, vector<16xf32>, vector<16xf32>, vector<16xf32>, vector<16xf32>, vector<16xf32>, vector<16xf32>, vector<16xf32>, vector<16xf32>, vector<16xf32>, vector<16xf32>, vector<16xf32>, vector<16xf32>, vector<16xf32>)  : i32 {
      %mul3A_1535 = arith.constant 16 : i32
      %mul3A_1536 = arith.muli %scan3A_1518, %mul3A_1535 : i32
      %mul3A_1537 = arith.constant 4 : i32
      %mul3A_1538 = arith.muli %select_n3A_9, %mul3A_1537 : i32
      %add3A_1539 = arith.constant 0 : i32
      %add3A_1540 = arith.addi %mul3A_1538, %add3A_1539 : i32
      %get3A_1541 = arith.index_cast %add3A_1540 : i32 to index
      %get3A_1542 = arith.index_cast %mul3A_1536 : i32 to index
      %get3A_1543 = tpu.vector_load %arg11[%get3A_1541, %get3A_1542] {strides = array<i32>} : memref<8x128xf32, #tpu.memory_space<vmem>>, vector<16xf32>,
      %mul3A_1544 = arith.constant 4 : i32
      %mul3A_1545 = arith.muli %select_n3A_9, %mul3A_1544 : i32
      %add3A_1546 = arith.constant 1 : i32
      %add3A_1547 = arith.addi %mul3A_1545, %add3A_1546 : i32
      %get3A_1548 = arith.index_cast %add3A_1547 : i32 to index
      %get3A_1549 = arith.index_cast %mul3A_1536 : i32 to index
      %get3A_1550 = tpu.vector_load %arg11[%get3A_1548, %get3A_1549] {strides = array<i32>} : memref<8x128xf32, #tpu.memory_space<vmem>>, vector<16xf32>,
      %mul3A_1551 = arith.constant 4 : i32
      %mul3A_1552 = arith.muli %select_n3A_9, %mul3A_1551 : i32
      %add3A_1553 = arith.constant 2 : i32
      %add3A_1554 = arith.addi %mul3A_1552, %add3A_1553 : i32
      %get3A_1555 = arith.index_cast %add3A_1554 : i32 to index
      %get3A_1556 = arith.index_cast %mul3A_1536 : i32 to index
      %get3A_1557 = tpu.vector_load %arg11[%get3A_1555, %get3A_1556] {strides = array<i32>} : memref<8x128xf32, #tpu.memory_space<vmem>>, vector<16xf32>,
      %mul3A_1558 = arith.constant 4 : i32
      %mul3A_1559 = arith.muli %select_n3A_9, %mul3A_1558 : i32
      %add3A_1560 = arith.constant 3 : i32
      %add3A_1561 = arith.addi %mul3A_1559, %add3A_1560 : i32
      %get3A_1562 = arith.index_cast %add3A_1561 : i32 to index
      %get3A_1563 = arith.index_cast %mul3A_1536 : i32 to index
      %get3A_1564 = tpu.vector_load %arg11[%get3A_1562, %get3A_1563] {strides = array<i32>} : memref<8x128xf32, #tpu.memory_space<vmem>>, vector<16xf32>,
      %add3A_1565 = arith.constant 0 : i32
      %add3A_1566 = arith.addi %mul3A_1536, %add3A_1565 : i32
      %broadcast_in_dim3A_1567 = vector.broadcast %add3A_1566 : i32 to vector<16xi32>
      %slice3A = vector.extract_strided_slice %get3A_1543 {offsets = [0], sizes = [1], strides = [1]} : vector<16xf32> to vector<1xf32>
      %squeeze3A = vector.extract %slice3A[0] : f32 from vector<1xf32>
      %gather3A = tpu.vector_load_idx %arg13[%add3A_82, %broadcast_in_dim3A_1567] : memref<256x128xf32, #tpu.memory_space<vmem>>[vector<16xi32>, vector<16xi32>], vector<16xf32>,
      %mul3A_1568 = vector.broadcast %squeeze3A : f32 to vector<16xf32>
      %mul3A_1569 = arith.mulf %gather3A, %mul3A_1568 : vector<16xf32>
      %add3A_1570 = arith.addf %scan3A_1519, %mul3A_1569 : vector<16xf32>
      %gather3A_1571 = tpu.vector_load_idx %arg13[%add3A_85, %broadcast_in_dim3A_1567] : memref<256x128xf32, #tpu.memory_space<vmem>>[vector<16xi32>, vector<16xi32>], vector<16xf32>,
      %mul3A_1572 = vector.broadcast %squeeze3A : f32 to vector<16xf32>
      %mul3A_1573 = arith.mulf %gather3A_1571, %mul3A_1572 : vector<16xf32>
      %add3A_1574 = arith.addf %scan3A_1520, %mul3A_1573 : vector<16xf32>
      %gather3A_1575 = tpu.vector_load_idx %arg13[%add3A_88, %broadcast_in_dim3A_1567] : memref<256x128xf32, #tpu.memory_space<vmem>>[vector<16xi32>, vector<16xi32>], vector<16xf32>,
      %mul3A_1576 = vector.broadcast %squeeze3A : f32 to vector<16xf32>
      %mul3A_1577 = arith.mulf %gather3A_1575, %mul3A_1576 : vector<16xf32>
      %add3A_1578 = arith.addf %scan3A_1521, %mul3A_1577 : vector<16xf32>
      %gather3A_1579 = tpu.vector_load_idx %arg13[%add3A_91, %broadcast_in_dim3A_1567] : memref<256x128xf32, #tpu.memory_space<vmem>>[vector<16xi32>, vector<16xi32>], vector<16xf32>,
      %mul3A_1580 = vector.broadcast %squeeze3A : f32 to vector<16xf32>
      %mul3A_1581 = arith.mulf %gather3A_1579, %mul3A_1580 : vector<16xf32>
      %add3A_1582 = arith.addf %scan3A_1522, %mul3A_1581 : vector<16xf32>
      %slice3A_1583 = vector.extract_strided_slice %get3A_1550 {offsets = [0], sizes = [1], strides = [1]} : vector<16xf32> to vector<1xf32>
      %squeeze3A_1584 = vector.extract %slice3A_1583[0] : f32 from vector<1xf32>
      %gather3A_1585 = tpu.vector_load_idx %arg13[%add3A_94, %broadcast_in_dim3A_1567] : memref<256x128xf32, #tpu.memory_space<vmem>>[vector<16xi32>, vector<16xi32>], vector<16xf32>,
      %mul3A_1586 = vector.broadcast %squeeze3A_1584 : f32 to vector<16xf32>
      %mul3A_1587 = arith.mulf %gather3A_1585, %mul3A_1586 : vector<16xf32>
      %add3A_1588 = arith.addf %scan3A_1523, %mul3A_1587 : vector<16xf32>
      %gather3A_1589 = tpu.vector_load_idx %arg13[%add3A_97, %broadcast_in_dim3A_1567] : memref<256x128xf32, #tpu.memory_space<vmem>>[vector<16xi32>, vector<16xi32>], vector<16xf32>,
      %mul3A_1590 = vector.broadcast %squeeze3A_1584 : f32 to vector<16xf32>
      %mul3A_1591 = arith.mulf %gather3A_1589, %mul3A_1590 : vector<16xf32>
      %add3A_1592 = arith.addf %scan3A_1524, %mul3A_1591 : vector<16xf32>
      %gather3A_1593 = tpu.vector_load_idx %arg13[%add3A_100, %broadcast_in_dim3A_1567] : memref<256x128xf32, #tpu.memory_space<vmem>>[vector<16xi32>, vector<16xi32>], vector<16xf32>,
      %mul3A_1594 = vector.broadcast %squeeze3A_1584 : f32 to vector<16xf32>
      %mul3A_1595 = arith.mulf %gather3A_1593, %mul3A_1594 : vector<16xf32>
      %add3A_1596 = arith.addf %scan3A_1525, %mul3A_1595 : vector<16xf32>
      %gather3A_1597 = tpu.vector_load_idx %arg13[%add3A_103, %broadcast_in_dim3A_1567] : memref<256x128xf32, #tpu.memory_space<vmem>>[vector<16xi32>, vector<16xi32>], vector<16xf32>,
      %mul3A_1598 = vector.broadcast %squeeze3A_1584 : f32 to vector<16xf32>
      %mul3A_1599 = arith.mulf %gather3A_1597, %mul3A_1598 : vector<16xf32>
      %add3A_1600 = arith.addf %scan3A_1526, %mul3A_1599 : vector<16xf32>
      %slice3A_1601 = vector.extract_strided_slice %get3A_1557 {offsets = [0], sizes = [1], strides = [1]} : vector<16xf32> to vector<1xf32>
      %squeeze3A_1602 = vector.extract %slice3A_1601[0] : f32 from vector<1xf32>
      %gather3A_1603 = tpu.vector_load_idx %arg13[%add3A_106, %broadcast_in_dim3A_1567] : memref<256x128xf32, #tpu.memory_space<vmem>>[vector<16xi32>, vector<16xi32>], vector<16xf32>,
      %mul3A_1604 = vector.broadcast %squeeze3A_1602 : f32 to vector<16xf32>
      %mul3A_1605 = arith.mulf %gather3A_1603, %mul3A_1604 : vector<16xf32>
      %add3A_1606 = arith.addf %scan3A_1527, %mul3A_1605 : vector<16xf32>
      %gather3A_1607 = tpu.vector_load_idx %arg13[%add3A_109, %broadcast_in_dim3A_1567] : memref<256x128xf32, #tpu.memory_space<vmem>>[vector<16xi32>, vector<16xi32>], vector<16xf32>,
      %mul3A_1608 = vector.broadcast %squeeze3A_1602 : f32 to vector<16xf32>
      %mul3A_1609 = arith.mulf %gather3A_1607, %mul3A_1608 : vector<16xf32>
      %add3A_1610 = arith.addf %scan3A_1528, %mul3A_1609 : vector<16xf32>
      %gather3A_1611 = tpu.vector_load_idx %arg13[%add3A_112, %broadcast_in_dim3A_1567] : memref<256x128xf32, #tpu.memory_space<vmem>>[vector<16xi32>, vector<16xi32>], vector<16xf32>,
      %mul3A_1612 = vector.broadcast %squeeze3A_1602 : f32 to vector<16xf32>
      %mul3A_1613 = arith.mulf %gather3A_1611, %mul3A_1612 : vector<16xf32>
      %add3A_1614 = arith.addf %scan3A_1529, %mul3A_1613 : vector<16xf32>
      %gather3A_1615 = tpu.vector_load_idx %arg13[%add3A_115, %broadcast_in_dim3A_1567] : memref<256x128xf32, #tpu.memory_space<vmem>>[vector<16xi32>, vector<16xi32>], vector<16xf32>,
      %mul3A_1616 = vector.broadcast %squeeze3A_1602 : f32 to vector<16xf32>
      %mul3A_1617 = arith.mulf %gather3A_1615, %mul3A_1616 : vector<16xf32>
      %add3A_1618 = arith.addf %scan3A_1530, %mul3A_1617 : vector<16xf32>
      %slice3A_1619 = vector.extract_strided_slice %get3A_1564 {offsets = [0], sizes = [1], strides = [1]} : vector<16xf32> to vector<1xf32>
      %squeeze3A_1620 = vector.extract %slice3A_1619[0] : f32 from vector<1xf32>
      %gather3A_1621 = tpu.vector_load_idx %arg13[%add3A_118, %broadcast_in_dim3A_1567] : memref<256x128xf32, #tpu.memory_space<vmem>>[vector<16xi32>, vector<16xi32>], vector<16xf32>,
      %mul3A_1622 = vector.broadcast %squeeze3A_1620 : f32 to vector<16xf32>
      %mul3A_1623 = arith.mulf %gather3A_1621, %mul3A_1622 : vector<16xf32>
      %add3A_1624 = arith.addf %scan3A_1531, %mul3A_1623 : vector<16xf32>
      %gather3A_1625 = tpu.vector_load_idx %arg13[%add3A_121, %broadcast_in_dim3A_1567] : memref<256x128xf32, #tpu.memory_space<vmem>>[vector<16xi32>, vector<16xi32>], vector<16xf32>,
      %mul3A_1626 = vector.broadcast %squeeze3A_1620 : f32 to vector<16xf32>
      %mul3A_1627 = arith.mulf %gather3A_1625, %mul3A_1626 : vector<16xf32>
      %add3A_1628 = arith.addf %scan3A_1532, %mul3A_1627 : vector<16xf32>
      %gather3A_1629 = tpu.vector_load_idx %arg13[%add3A_124, %broadcast_in_dim3A_1567] : memref<256x128xf32, #tpu.memory_space<vmem>>[vector<16xi32>, vector<16xi32>], vector<16xf32>,
      %mul3A_1630 = vector.broadcast %squeeze3A_1620 : f32 to vector<16xf32>
      %mul3A_1631 = arith.mulf %gather3A_1629, %mul3A_1630 : vector<16xf32>
      %add3A_1632 = arith.addf %scan3A_1533, %mul3A_1631 : vector<16xf32>
      %gather3A_1633 = tpu.vector_load_idx %arg13[%add3A_127, %broadcast_in_dim3A_1567] : memref<256x128xf32, #tpu.memory_space<vmem>>[vector<16xi32>, vector<16xi32>], vector<16xf32>,
      %mul3A_1634 = vector.broadcast %squeeze3A_1620 : f32 to vector<16xf32>
      %mul3A_1635 = arith.mulf %gather3A_1633, %mul3A_1634 : vector<16xf32>
      %add3A_1636 = arith.addf %scan3A_1534, %mul3A_1635 : vector<16xf32>
      %add3A_1637 = arith.constant 1 : i32
      %add3A_1638 = arith.addi %mul3A_1536, %add3A_1637 : i32
      %broadcast_in_dim3A_1639 = vector.broadcast %add3A_1638 : i32 to vector<16xi32>
      %slice3A_1640 = vector.extract_strided_slice %get3A_1543 {offsets = [1], sizes = [1], strides = [1]} : vector<16xf32> to vector<1xf32>
      %squeeze3A_1641 = vector.extract %slice3A_1640[0] : f32 from vector<1xf32>
      %gather3A_1642 = tpu.vector_load_idx %arg13[%add3A_82, %broadcast_in_dim3A_1639] : memref<256x128xf32, #tpu.memory_space<vmem>>[vector<16xi32>, vector<16xi32>], vector<16xf32>,
      %mul3A_1643 = vector.broadcast %squeeze3A_1641 : f32 to vector<16xf32>
      %mul3A_1644 = arith.mulf %gather3A_1642, %mul3A_1643 : vector<16xf32>
      %add3A_1645 = arith.addf %add3A_1570, %mul3A_1644 : vector<16xf32>
      %gather3A_1646 = tpu.vector_load_idx %arg13[%add3A_85, %broadcast_in_dim3A_1639] : memref<256x128xf32, #tpu.memory_space<vmem>>[vector<16xi32>, vector<16xi32>], vector<16xf32>,
      %mul3A_1647 = vector.broadcast %squeeze3A_1641 : f32 to vector<16xf32>
      %mul3A_1648 = arith.mulf %gather3A_1646, %mul3A_1647 : vector<16xf32>
      %add3A_1649 = arith.addf %add3A_1574, %mul3A_1648 : vector<16xf32>
      %gather3A_1650 = tpu.vector_load_idx %arg13[%add3A_88, %broadcast_in_dim3A_1639] : memref<256x128xf32, #tpu.memory_space<vmem>>[vector<16xi32>, vector<16xi32>], vector<16xf32>,
      %mul3A_1651 = vector.broadcast %squeeze3A_1641 : f32 to vector<16xf32>
      %mul3A_1652 = arith.mulf %gather3A_1650, %mul3A_1651 : vector<16xf32>
      %add3A_1653 = arith.addf %add3A_1578, %mul3A_1652 : vector<16xf32>
      %gather3A_1654 = tpu.vector_load_idx %arg13[%add3A_91, %broadcast_in_dim3A_1639] : memref<256x128xf32, #tpu.memory_space<vmem>>[vector<16xi32>, vector<16xi32>], vector<16xf32>,
      %mul3A_1655 = vector.broadcast %squeeze3A_1641 : f32 to vector<16xf32>
      %mul3A_1656 = arith.mulf %gather3A_1654, %mul3A_1655 : vector<16xf32>
      %add3A_1657 = arith.addf %add3A_1582, %mul3A_1656 : vector<16xf32>
      %slice3A_1658 = vector.extract_strided_slice %get3A_1550 {offsets = [1], sizes = [1], strides = [1]} : vector<16xf32> to vector<1xf32>
      %squeeze3A_1659 = vector.extract %slice3A_1658[0] : f32 from vector<1xf32>
      %gather3A_1660 = tpu.vector_load_idx %arg13[%add3A_94, %broadcast_in_dim3A_1639] : memref<256x128xf32, #tpu.memory_space<vmem>>[vector<16xi32>, vector<16xi32>], vector<16xf32>,
      %mul3A_1661 = vector.broadcast %squeeze3A_1659 : f32 to vector<16xf32>
      %mul3A_1662 = arith.mulf %gather3A_1660, %mul3A_1661 : vector<16xf32>
      %add3A_1663 = arith.addf %add3A_1588, %mul3A_1662 : vector<16xf32>
      %gather3A_1664 = tpu.vector_load_idx %arg13[%add3A_97, %broadcast_in_dim3A_1639] : memref<256x128xf32, #tpu.memory_space<vmem>>[vector<16xi32>, vector<16xi32>], vector<16xf32>,
      %mul3A_1665 = vector.broadcast %squeeze3A_1659 : f32 to vector<16xf32>
      %mul3A_1666 = arith.mulf %gather3A_1664, %mul3A_1665 : vector<16xf32>
      %add3A_1667 = arith.addf %add3A_1592, %mul3A_1666 : vector<16xf32>
      %gather3A_1668 = tpu.vector_load_idx %arg13[%add3A_100, %broadcast_in_dim3A_1639] : memref<256x128xf32, #tpu.memory_space<vmem>>[vector<16xi32>, vector<16xi32>], vector<16xf32>,
      %mul3A_1669 = vector.broadcast %squeeze3A_1659 : f32 to vector<16xf32>
      %mul3A_1670 = arith.mulf %gather3A_1668, %mul3A_1669 : vector<16xf32>
      %add3A_1671 = arith.addf %add3A_1596, %mul3A_1670 : vector<16xf32>
      %gather3A_1672 = tpu.vector_load_idx %arg13[%add3A_103, %broadcast_in_dim3A_1639] : memref<256x128xf32, #tpu.memory_space<vmem>>[vector<16xi32>, vector<16xi32>], vector<16xf32>,
      %mul3A_1673 = vector.broadcast %squeeze3A_1659 : f32 to vector<16xf32>
      %mul3A_1674 = arith.mulf %gather3A_1672, %mul3A_1673 : vector<16xf32>
      %add3A_1675 = arith.addf %add3A_1600, %mul3A_1674 : vector<16xf32>
      %slice3A_1676 = vector.extract_strided_slice %get3A_1557 {offsets = [1], sizes = [1], strides = [1]} : vector<16xf32> to vector<1xf32>
      %squeeze3A_1677 = vector.extract %slice3A_1676[0] : f32 from vector<1xf32>
      %gather3A_1678 = tpu.vector_load_idx %arg13[%add3A_106, %broadcast_in_dim3A_1639] : memref<256x128xf32, #tpu.memory_space<vmem>>[vector<16xi32>, vector<16xi32>], vector<16xf32>,
      %mul3A_1679 = vector.broadcast %squeeze3A_1677 : f32 to vector<16xf32>
      %mul3A_1680 = arith.mulf %gather3A_1678, %mul3A_1679 : vector<16xf32>
      %add3A_1681 = arith.addf %add3A_1606, %mul3A_1680 : vector<16xf32>
      %gather3A_1682 = tpu.vector_load_idx %arg13[%add3A_109, %broadcast_in_dim3A_1639] : memref<256x128xf32, #tpu.memory_space<vmem>>[vector<16xi32>, vector<16xi32>], vector<16xf32>,
      %mul3A_1683 = vector.broadcast %squeeze3A_1677 : f32 to vector<16xf32>
      %mul3A_1684 = arith.mulf %gather3A_1682, %mul3A_1683 : vector<16xf32>
      %add3A_1685 = arith.addf %add3A_1610, %mul3A_1684 : vector<16xf32>
      %gather3A_1686 = tpu.vector_load_idx %arg13[%add3A_112, %broadcast_in_dim3A_1639] : memref<256x128xf32, #tpu.memory_space<vmem>>[vector<16xi32>, vector<16xi32>], vector<16xf32>,
      %mul3A_1687 = vector.broadcast %squeeze3A_1677 : f32 to vector<16xf32>
      %mul3A_1688 = arith.mulf %gather3A_1686, %mul3A_1687 : vector<16xf32>
      %add3A_1689 = arith.addf %add3A_1614, %mul3A_1688 : vector<16xf32>
      %gather3A_1690 = tpu.vector_load_idx %arg13[%add3A_115, %broadcast_in_dim3A_1639] : memref<256x128xf32, #tpu.memory_space<vmem>>[vector<16xi32>, vector<16xi32>], vector<16xf32>,
      %mul3A_1691 = vector.broadcast %squeeze3A_1677 : f32 to vector<16xf32>
      %mul3A_1692 = arith.mulf %gather3A_1690, %mul3A_1691 : vector<16xf32>
      %add3A_1693 = arith.addf %add3A_1618, %mul3A_1692 : vector<16xf32>
      %slice3A_1694 = vector.extract_strided_slice %get3A_1564 {offsets = [1], sizes = [1], strides = [1]} : vector<16xf32> to vector<1xf32>
      %squeeze3A_1695 = vector.extract %slice3A_1694[0] : f32 from vector<1xf32>
      %gather3A_1696 = tpu.vector_load_idx %arg13[%add3A_118, %broadcast_in_dim3A_1639] : memref<256x128xf32, #tpu.memory_space<vmem>>[vector<16xi32>, vector<16xi32>], vector<16xf32>,
      %mul3A_1697 = vector.broadcast %squeeze3A_1695 : f32 to vector<16xf32>
      %mul3A_1698 = arith.mulf %gather3A_1696, %mul3A_1697 : vector<16xf32>
      %add3A_1699 = arith.addf %add3A_1624, %mul3A_1698 : vector<16xf32>
      %gather3A_1700 = tpu.vector_load_idx %arg13[%add3A_121, %broadcast_in_dim3A_1639] : memref<256x128xf32, #tpu.memory_space<vmem>>[vector<16xi32>, vector<16xi32>], vector<16xf32>,
      %mul3A_1701 = vector.broadcast %squeeze3A_1695 : f32 to vector<16xf32>
      %mul3A_1702 = arith.mulf %gather3A_1700, %mul3A_1701 : vector<16xf32>
      %add3A_1703 = arith.addf %add3A_1628, %mul3A_1702 : vector<16xf32>
      %gather3A_1704 = tpu.vector_load_idx %arg13[%add3A_124, %broadcast_in_dim3A_1639] : memref<256x128xf32, #tpu.memory_space<vmem>>[vector<16xi32>, vector<16xi32>], vector<16xf32>,
      %mul3A_1705 = vector.broadcast %squeeze3A_1695 : f32 to vector<16xf32>
      %mul3A_1706 = arith.mulf %gather3A_1704, %mul3A_1705 : vector<16xf32>
      %add3A_1707 = arith.addf %add3A_1632, %mul3A_1706 : vector<16xf32>
      %gather3A_1708 = tpu.vector_load_idx %arg13[%add3A_127, %broadcast_in_dim3A_1639] : memref<256x128xf32, #tpu.memory_space<vmem>>[vector<16xi32>, vector<16xi32>], vector<16xf32>,
      %mul3A_1709 = vector.broadcast %squeeze3A_1695 : f32 to vector<16xf32>
      %mul3A_1710 = arith.mulf %gather3A_1708, %mul3A_1709 : vector<16xf32>
      %add3A_1711 = arith.addf %add3A_1636, %mul3A_1710 : vector<16xf32>
      %add3A_1712 = arith.constant 2 : i32
      %add3A_1713 = arith.addi %mul3A_1536, %add3A_1712 : i32
      %broadcast_in_dim3A_1714 = vector.broadcast %add3A_1713 : i32 to vector<16xi32>
      %slice3A_1715 = vector.extract_strided_slice %get3A_1543 {offsets = [2], sizes = [1], strides = [1]} : vector<16xf32> to vector<1xf32>
      %squeeze3A_1716 = vector.extract %slice3A_1715[0] : f32 from vector<1xf32>
      %gather3A_1717 = tpu.vector_load_idx %arg13[%add3A_82, %broadcast_in_dim3A_1714] : memref<256x128xf32, #tpu.memory_space<vmem>>[vector<16xi32>, vector<16xi32>], vector<16xf32>,
      %mul3A_1718 = vector.broadcast %squeeze3A_1716 : f32 to vector<16xf32>
      %mul3A_1719 = arith.mulf %gather3A_1717, %mul3A_1718 : vector<16xf32>
      %add3A_1720 = arith.addf %add3A_1645, %mul3A_1719 : vector<16xf32>
      %gather3A_1721 = tpu.vector_load_idx %arg13[%add3A_85, %broadcast_in_dim3A_1714] : memref<256x128xf32, #tpu.memory_space<vmem>>[vector<16xi32>, vector<16xi32>], vector<16xf32>,
      %mul3A_1722 = vector.broadcast %squeeze3A_1716 : f32 to vector<16xf32>
      %mul3A_1723 = arith.mulf %gather3A_1721, %mul3A_1722 : vector<16xf32>
      %add3A_1724 = arith.addf %add3A_1649, %mul3A_1723 : vector<16xf32>
      %gather3A_1725 = tpu.vector_load_idx %arg13[%add3A_88, %broadcast_in_dim3A_1714] : memref<256x128xf32, #tpu.memory_space<vmem>>[vector<16xi32>, vector<16xi32>], vector<16xf32>,
      %mul3A_1726 = vector.broadcast %squeeze3A_1716 : f32 to vector<16xf32>
      %mul3A_1727 = arith.mulf %gather3A_1725, %mul3A_1726 : vector<16xf32>
      %add3A_1728 = arith.addf %add3A_1653, %mul3A_1727 : vector<16xf32>
      %gather3A_1729 = tpu.vector_load_idx %arg13[%add3A_91, %broadcast_in_dim3A_1714] : memref<256x128xf32, #tpu.memory_space<vmem>>[vector<16xi32>, vector<16xi32>], vector<16xf32>,
      %mul3A_1730 = vector.broadcast %squeeze3A_1716 : f32 to vector<16xf32>
      %mul3A_1731 = arith.mulf %gather3A_1729, %mul3A_1730 : vector<16xf32>
      %add3A_1732 = arith.addf %add3A_1657, %mul3A_1731 : vector<16xf32>
      %slice3A_1733 = vector.extract_strided_slice %get3A_1550 {offsets = [2], sizes = [1], strides = [1]} : vector<16xf32> to vector<1xf32>
      %squeeze3A_1734 = vector.extract %slice3A_1733[0] : f32 from vector<1xf32>
      %gather3A_1735 = tpu.vector_load_idx %arg13[%add3A_94, %broadcast_in_dim3A_1714] : memref<256x128xf32, #tpu.memory_space<vmem>>[vector<16xi32>, vector<16xi32>], vector<16xf32>,
      %mul3A_1736 = vector.broadcast %squeeze3A_1734 : f32 to vector<16xf32>
      %mul3A_1737 = arith.mulf %gather3A_1735, %mul3A_1736 : vector<16xf32>
      %add3A_1738 = arith.addf %add3A_1663, %mul3A_1737 : vector<16xf32>
      %gather3A_1739 = tpu.vector_load_idx %arg13[%add3A_97, %broadcast_in_dim3A_1714] : memref<256x128xf32, #tpu.memory_space<vmem>>[vector<16xi32>, vector<16xi32>], vector<16xf32>,
      %mul3A_1740 = vector.broadcast %squeeze3A_1734 : f32 to vector<16xf32>
      %mul3A_1741 = arith.mulf %gather3A_1739, %mul3A_1740 : vector<16xf32>
      %add3A_1742 = arith.addf %add3A_1667, %mul3A_1741 : vector<16xf32>
      %gather3A_1743 = tpu.vector_load_idx %arg13[%add3A_100, %broadcast_in_dim3A_1714] : memref<256x128xf32, #tpu.memory_space<vmem>>[vector<16xi32>, vector<16xi32>], vector<16xf32>,
      %mul3A_1744 = vector.broadcast %squeeze3A_1734 : f32 to vector<16xf32>
      %mul3A_1745 = arith.mulf %gather3A_1743, %mul3A_1744 : vector<16xf32>
      %add3A_1746 = arith.addf %add3A_1671, %mul3A_1745 : vector<16xf32>
      %gather3A_1747 = tpu.vector_load_idx %arg13[%add3A_103, %broadcast_in_dim3A_1714] : memref<256x128xf32, #tpu.memory_space<vmem>>[vector<16xi32>, vector<16xi32>], vector<16xf32>,
      %mul3A_1748 = vector.broadcast %squeeze3A_1734 : f32 to vector<16xf32>
      %mul3A_1749 = arith.mulf %gather3A_1747, %mul3A_1748 : vector<16xf32>
      %add3A_1750 = arith.addf %add3A_1675, %mul3A_1749 : vector<16xf32>
      %slice3A_1751 = vector.extract_strided_slice %get3A_1557 {offsets = [2], sizes = [1], strides = [1]} : vector<16xf32> to vector<1xf32>
      %squeeze3A_1752 = vector.extract %slice3A_1751[0] : f32 from vector<1xf32>
      %gather3A_1753 = tpu.vector_load_idx %arg13[%add3A_106, %broadcast_in_dim3A_1714] : memref<256x128xf32, #tpu.memory_space<vmem>>[vector<16xi32>, vector<16xi32>], vector<16xf32>,
      %mul3A_1754 = vector.broadcast %squeeze3A_1752 : f32 to vector<16xf32>
      %mul3A_1755 = arith.mulf %gather3A_1753, %mul3A_1754 : vector<16xf32>
      %add3A_1756 = arith.addf %add3A_1681, %mul3A_1755 : vector<16xf32>
      %gather3A_1757 = tpu.vector_load_idx %arg13[%add3A_109, %broadcast_in_dim3A_1714] : memref<256x128xf32, #tpu.memory_space<vmem>>[vector<16xi32>, vector<16xi32>], vector<16xf32>,
      %mul3A_1758 = vector.broadcast %squeeze3A_1752 : f32 to vector<16xf32>
      %mul3A_1759 = arith.mulf %gather3A_1757, %mul3A_1758 : vector<16xf32>
      %add3A_1760 = arith.addf %add3A_1685, %mul3A_1759 : vector<16xf32>
      %gather3A_1761 = tpu.vector_load_idx %arg13[%add3A_112, %broadcast_in_dim3A_1714] : memref<256x128xf32, #tpu.memory_space<vmem>>[vector<16xi32>, vector<16xi32>], vector<16xf32>,
      %mul3A_1762 = vector.broadcast %squeeze3A_1752 : f32 to vector<16xf32>
      %mul3A_1763 = arith.mulf %gather3A_1761, %mul3A_1762 : vector<16xf32>
      %add3A_1764 = arith.addf %add3A_1689, %mul3A_1763 : vector<16xf32>
      %gather3A_1765 = tpu.vector_load_idx %arg13[%add3A_115, %broadcast_in_dim3A_1714] : memref<256x128xf32, #tpu.memory_space<vmem>>[vector<16xi32>, vector<16xi32>], vector<16xf32>,
      %mul3A_1766 = vector.broadcast %squeeze3A_1752 : f32 to vector<16xf32>
      %mul3A_1767 = arith.mulf %gather3A_1765, %mul3A_1766 : vector<16xf32>
      %add3A_1768 = arith.addf %add3A_1693, %mul3A_1767 : vector<16xf32>
      %slice3A_1769 = vector.extract_strided_slice %get3A_1564 {offsets = [2], sizes = [1], strides = [1]} : vector<16xf32> to vector<1xf32>
      %squeeze3A_1770 = vector.extract %slice3A_1769[0] : f32 from vector<1xf32>
      %gather3A_1771 = tpu.vector_load_idx %arg13[%add3A_118, %broadcast_in_dim3A_1714] : memref<256x128xf32, #tpu.memory_space<vmem>>[vector<16xi32>, vector<16xi32>], vector<16xf32>,
      %mul3A_1772 = vector.broadcast %squeeze3A_1770 : f32 to vector<16xf32>
      %mul3A_1773 = arith.mulf %gather3A_1771, %mul3A_1772 : vector<16xf32>
      %add3A_1774 = arith.addf %add3A_1699, %mul3A_1773 : vector<16xf32>
      %gather3A_1775 = tpu.vector_load_idx %arg13[%add3A_121, %broadcast_in_dim3A_1714] : memref<256x128xf32, #tpu.memory_space<vmem>>[vector<16xi32>, vector<16xi32>], vector<16xf32>,
      %mul3A_1776 = vector.broadcast %squeeze3A_1770 : f32 to vector<16xf32>
      %mul3A_1777 = arith.mulf %gather3A_1775, %mul3A_1776 : vector<16xf32>
      %add3A_1778 = arith.addf %add3A_1703, %mul3A_1777 : vector<16xf32>
      %gather3A_1779 = tpu.vector_load_idx %arg13[%add3A_124, %broadcast_in_dim3A_1714] : memref<256x128xf32, #tpu.memory_space<vmem>>[vector<16xi32>, vector<16xi32>], vector<16xf32>,
      %mul3A_1780 = vector.broadcast %squeeze3A_1770 : f32 to vector<16xf32>
      %mul3A_1781 = arith.mulf %gather3A_1779, %mul3A_1780 : vector<16xf32>
      %add3A_1782 = arith.addf %add3A_1707, %mul3A_1781 : vector<16xf32>
      %gather3A_1783 = tpu.vector_load_idx %arg13[%add3A_127, %broadcast_in_dim3A_1714] : memref<256x128xf32, #tpu.memory_space<vmem>>[vector<16xi32>, vector<16xi32>], vector<16xf32>,
      %mul3A_1784 = vector.broadcast %squeeze3A_1770 : f32 to vector<16xf32>
      %mul3A_1785 = arith.mulf %gather3A_1783, %mul3A_1784 : vector<16xf32>
      %add3A_1786 = arith.addf %add3A_1711, %mul3A_1785 : vector<16xf32>
      %add3A_1787 = arith.constant 3 : i32
      %add3A_1788 = arith.addi %mul3A_1536, %add3A_1787 : i32
      %broadcast_in_dim3A_1789 = vector.broadcast %add3A_1788 : i32 to vector<16xi32>
      %slice3A_1790 = vector.extract_strided_slice %get3A_1543 {offsets = [3], sizes = [1], strides = [1]} : vector<16xf32> to vector<1xf32>
      %squeeze3A_1791 = vector.extract %slice3A_1790[0] : f32 from vector<1xf32>
      %gather3A_1792 = tpu.vector_load_idx %arg13[%add3A_82, %broadcast_in_dim3A_1789] : memref<256x128xf32, #tpu.memory_space<vmem>>[vector<16xi32>, vector<16xi32>], vector<16xf32>,
      %mul3A_1793 = vector.broadcast %squeeze3A_1791 : f32 to vector<16xf32>
      %mul3A_1794 = arith.mulf %gather3A_1792, %mul3A_1793 : vector<16xf32>
      %add3A_1795 = arith.addf %add3A_1720, %mul3A_1794 : vector<16xf32>
      %gather3A_1796 = tpu.vector_load_idx %arg13[%add3A_85, %broadcast_in_dim3A_1789] : memref<256x128xf32, #tpu.memory_space<vmem>>[vector<16xi32>, vector<16xi32>], vector<16xf32>,
      %mul3A_1797 = vector.broadcast %squeeze3A_1791 : f32 to vector<16xf32>
      %mul3A_1798 = arith.mulf %gather3A_1796, %mul3A_1797 : vector<16xf32>
      %add3A_1799 = arith.addf %add3A_1724, %mul3A_1798 : vector<16xf32>
      %gather3A_1800 = tpu.vector_load_idx %arg13[%add3A_88, %broadcast_in_dim3A_1789] : memref<256x128xf32, #tpu.memory_space<vmem>>[vector<16xi32>, vector<16xi32>], vector<16xf32>,
      %mul3A_1801 = vector.broadcast %squeeze3A_1791 : f32 to vector<16xf32>
      %mul3A_1802 = arith.mulf %gather3A_1800, %mul3A_1801 : vector<16xf32>
      %add3A_1803 = arith.addf %add3A_1728, %mul3A_1802 : vector<16xf32>
      %gather3A_1804 = tpu.vector_load_idx %arg13[%add3A_91, %broadcast_in_dim3A_1789] : memref<256x128xf32, #tpu.memory_space<vmem>>[vector<16xi32>, vector<16xi32>], vector<16xf32>,
      %mul3A_1805 = vector.broadcast %squeeze3A_1791 : f32 to vector<16xf32>
      %mul3A_1806 = arith.mulf %gather3A_1804, %mul3A_1805 : vector<16xf32>
      %add3A_1807 = arith.addf %add3A_1732, %mul3A_1806 : vector<16xf32>
      %slice3A_1808 = vector.extract_strided_slice %get3A_1550 {offsets = [3], sizes = [1], strides = [1]} : vector<16xf32> to vector<1xf32>
      %squeeze3A_1809 = vector.extract %slice3A_1808[0] : f32 from vector<1xf32>
      %gather3A_1810 = tpu.vector_load_idx %arg13[%add3A_94, %broadcast_in_dim3A_1789] : memref<256x128xf32, #tpu.memory_space<vmem>>[vector<16xi32>, vector<16xi32>], vector<16xf32>,
      %mul3A_1811 = vector.broadcast %squeeze3A_1809 : f32 to vector<16xf32>
      %mul3A_1812 = arith.mulf %gather3A_1810, %mul3A_1811 : vector<16xf32>
      %add3A_1813 = arith.addf %add3A_1738, %mul3A_1812 : vector<16xf32>
      %gather3A_1814 = tpu.vector_load_idx %arg13[%add3A_97, %broadcast_in_dim3A_1789] : memref<256x128xf32, #tpu.memory_space<vmem>>[vector<16xi32>, vector<16xi32>], vector<16xf32>,
      %mul3A_1815 = vector.broadcast %squeeze3A_1809 : f32 to vector<16xf32>
      %mul3A_1816 = arith.mulf %gather3A_1814, %mul3A_1815 : vector<16xf32>
      %add3A_1817 = arith.addf %add3A_1742, %mul3A_1816 : vector<16xf32>
      %gather3A_1818 = tpu.vector_load_idx %arg13[%add3A_100, %broadcast_in_dim3A_1789] : memref<256x128xf32, #tpu.memory_space<vmem>>[vector<16xi32>, vector<16xi32>], vector<16xf32>,
      %mul3A_1819 = vector.broadcast %squeeze3A_1809 : f32 to vector<16xf32>
      %mul3A_1820 = arith.mulf %gather3A_1818, %mul3A_1819 : vector<16xf32>
      %add3A_1821 = arith.addf %add3A_1746, %mul3A_1820 : vector<16xf32>
      %gather3A_1822 = tpu.vector_load_idx %arg13[%add3A_103, %broadcast_in_dim3A_1789] : memref<256x128xf32, #tpu.memory_space<vmem>>[vector<16xi32>, vector<16xi32>], vector<16xf32>,
      %mul3A_1823 = vector.broadcast %squeeze3A_1809 : f32 to vector<16xf32>
      %mul3A_1824 = arith.mulf %gather3A_1822, %mul3A_1823 : vector<16xf32>
      %add3A_1825 = arith.addf %add3A_1750, %mul3A_1824 : vector<16xf32>
      %slice3A_1826 = vector.extract_strided_slice %get3A_1557 {offsets = [3], sizes = [1], strides = [1]} : vector<16xf32> to vector<1xf32>
      %squeeze3A_1827 = vector.extract %slice3A_1826[0] : f32 from vector<1xf32>
      %gather3A_1828 = tpu.vector_load_idx %arg13[%add3A_106, %broadcast_in_dim3A_1789] : memref<256x128xf32, #tpu.memory_space<vmem>>[vector<16xi32>, vector<16xi32>], vector<16xf32>,
      %mul3A_1829 = vector.broadcast %squeeze3A_1827 : f32 to vector<16xf32>
      %mul3A_1830 = arith.mulf %gather3A_1828, %mul3A_1829 : vector<16xf32>
      %add3A_1831 = arith.addf %add3A_1756, %mul3A_1830 : vector<16xf32>
      %gather3A_1832 = tpu.vector_load_idx %arg13[%add3A_109, %broadcast_in_dim3A_1789] : memref<256x128xf32, #tpu.memory_space<vmem>>[vector<16xi32>, vector<16xi32>], vector<16xf32>,
      %mul3A_1833 = vector.broadcast %squeeze3A_1827 : f32 to vector<16xf32>
      %mul3A_1834 = arith.mulf %gather3A_1832, %mul3A_1833 : vector<16xf32>
      %add3A_1835 = arith.addf %add3A_1760, %mul3A_1834 : vector<16xf32>
      %gather3A_1836 = tpu.vector_load_idx %arg13[%add3A_112, %broadcast_in_dim3A_1789] : memref<256x128xf32, #tpu.memory_space<vmem>>[vector<16xi32>, vector<16xi32>], vector<16xf32>,
      %mul3A_1837 = vector.broadcast %squeeze3A_1827 : f32 to vector<16xf32>
      %mul3A_1838 = arith.mulf %gather3A_1836, %mul3A_1837 : vector<16xf32>
      %add3A_1839 = arith.addf %add3A_1764, %mul3A_1838 : vector<16xf32>
      %gather3A_1840 = tpu.vector_load_idx %arg13[%add3A_115, %broadcast_in_dim3A_1789] : memref<256x128xf32, #tpu.memory_space<vmem>>[vector<16xi32>, vector<16xi32>], vector<16xf32>,
      %mul3A_1841 = vector.broadcast %squeeze3A_1827 : f32 to vector<16xf32>
      %mul3A_1842 = arith.mulf %gather3A_1840, %mul3A_1841 : vector<16xf32>
      %add3A_1843 = arith.addf %add3A_1768, %mul3A_1842 : vector<16xf32>
      %slice3A_1844 = vector.extract_strided_slice %get3A_1564 {offsets = [3], sizes = [1], strides = [1]} : vector<16xf32> to vector<1xf32>
      %squeeze3A_1845 = vector.extract %slice3A_1844[0] : f32 from vector<1xf32>
      %gather3A_1846 = tpu.vector_load_idx %arg13[%add3A_118, %broadcast_in_dim3A_1789] : memref<256x128xf32, #tpu.memory_space<vmem>>[vector<16xi32>, vector<16xi32>], vector<16xf32>,
      %mul3A_1847 = vector.broadcast %squeeze3A_1845 : f32 to vector<16xf32>
      %mul3A_1848 = arith.mulf %gather3A_1846, %mul3A_1847 : vector<16xf32>
      %add3A_1849 = arith.addf %add3A_1774, %mul3A_1848 : vector<16xf32>
      %gather3A_1850 = tpu.vector_load_idx %arg13[%add3A_121, %broadcast_in_dim3A_1789] : memref<256x128xf32, #tpu.memory_space<vmem>>[vector<16xi32>, vector<16xi32>], vector<16xf32>,
      %mul3A_1851 = vector.broadcast %squeeze3A_1845 : f32 to vector<16xf32>
      %mul3A_1852 = arith.mulf %gather3A_1850, %mul3A_1851 : vector<16xf32>
      %add3A_1853 = arith.addf %add3A_1778, %mul3A_1852 : vector<16xf32>
      %gather3A_1854 = tpu.vector_load_idx %arg13[%add3A_124, %broadcast_in_dim3A_1789] : memref<256x128xf32, #tpu.memory_space<vmem>>[vector<16xi32>, vector<16xi32>], vector<16xf32>,
      %mul3A_1855 = vector.broadcast %squeeze3A_1845 : f32 to vector<16xf32>
      %mul3A_1856 = arith.mulf %gather3A_1854, %mul3A_1855 : vector<16xf32>
      %add3A_1857 = arith.addf %add3A_1782, %mul3A_1856 : vector<16xf32>
      %gather3A_1858 = tpu.vector_load_idx %arg13[%add3A_127, %broadcast_in_dim3A_1789] : memref<256x128xf32, #tpu.memory_space<vmem>>[vector<16xi32>, vector<16xi32>], vector<16xf32>,
      %mul3A_1859 = vector.broadcast %squeeze3A_1845 : f32 to vector<16xf32>
      %mul3A_1860 = arith.mulf %gather3A_1858, %mul3A_1859 : vector<16xf32>
      %add3A_1861 = arith.addf %add3A_1786, %mul3A_1860 : vector<16xf32>
      %add3A_1862 = arith.constant 4 : i32
      %add3A_1863 = arith.addi %mul3A_1536, %add3A_1862 : i32
      %broadcast_in_dim3A_1864 = vector.broadcast %add3A_1863 : i32 to vector<16xi32>
      %slice3A_1865 = vector.extract_strided_slice %get3A_1543 {offsets = [4], sizes = [1], strides = [1]} : vector<16xf32> to vector<1xf32>
      %squeeze3A_1866 = vector.extract %slice3A_1865[0] : f32 from vector<1xf32>
      %gather3A_1867 = tpu.vector_load_idx %arg13[%add3A_82, %broadcast_in_dim3A_1864] : memref<256x128xf32, #tpu.memory_space<vmem>>[vector<16xi32>, vector<16xi32>], vector<16xf32>,
      %mul3A_1868 = vector.broadcast %squeeze3A_1866 : f32 to vector<16xf32>
      %mul3A_1869 = arith.mulf %gather3A_1867, %mul3A_1868 : vector<16xf32>
      %add3A_1870 = arith.addf %add3A_1795, %mul3A_1869 : vector<16xf32>
      %gather3A_1871 = tpu.vector_load_idx %arg13[%add3A_85, %broadcast_in_dim3A_1864] : memref<256x128xf32, #tpu.memory_space<vmem>>[vector<16xi32>, vector<16xi32>], vector<16xf32>,
      %mul3A_1872 = vector.broadcast %squeeze3A_1866 : f32 to vector<16xf32>
      %mul3A_1873 = arith.mulf %gather3A_1871, %mul3A_1872 : vector<16xf32>
      %add3A_1874 = arith.addf %add3A_1799, %mul3A_1873 : vector<16xf32>
      %gather3A_1875 = tpu.vector_load_idx %arg13[%add3A_88, %broadcast_in_dim3A_1864] : memref<256x128xf32, #tpu.memory_space<vmem>>[vector<16xi32>, vector<16xi32>], vector<16xf32>,
      %mul3A_1876 = vector.broadcast %squeeze3A_1866 : f32 to vector<16xf32>
      %mul3A_1877 = arith.mulf %gather3A_1875, %mul3A_1876 : vector<16xf32>
      %add3A_1878 = arith.addf %add3A_1803, %mul3A_1877 : vector<16xf32>
      %gather3A_1879 = tpu.vector_load_idx %arg13[%add3A_91, %broadcast_in_dim3A_1864] : memref<256x128xf32, #tpu.memory_space<vmem>>[vector<16xi32>, vector<16xi32>], vector<16xf32>,
      %mul3A_1880 = vector.broadcast %squeeze3A_1866 : f32 to vector<16xf32>
      %mul3A_1881 = arith.mulf %gather3A_1879, %mul3A_1880 : vector<16xf32>
      %add3A_1882 = arith.addf %add3A_1807, %mul3A_1881 : vector<16xf32>
      %slice3A_1883 = vector.extract_strided_slice %get3A_1550 {offsets = [4], sizes = [1], strides = [1]} : vector<16xf32> to vector<1xf32>
      %squeeze3A_1884 = vector.extract %slice3A_1883[0] : f32 from vector<1xf32>
      %gather3A_1885 = tpu.vector_load_idx %arg13[%add3A_94, %broadcast_in_dim3A_1864] : memref<256x128xf32, #tpu.memory_space<vmem>>[vector<16xi32>, vector<16xi32>], vector<16xf32>,
      %mul3A_1886 = vector.broadcast %squeeze3A_1884 : f32 to vector<16xf32>
      %mul3A_1887 = arith.mulf %gather3A_1885, %mul3A_1886 : vector<16xf32>
      %add3A_1888 = arith.addf %add3A_1813, %mul3A_1887 : vector<16xf32>
      %gather3A_1889 = tpu.vector_load_idx %arg13[%add3A_97, %broadcast_in_dim3A_1864] : memref<256x128xf32, #tpu.memory_space<vmem>>[vector<16xi32>, vector<16xi32>], vector<16xf32>,
      %mul3A_1890 = vector.broadcast %squeeze3A_1884 : f32 to vector<16xf32>
      %mul3A_1891 = arith.mulf %gather3A_1889, %mul3A_1890 : vector<16xf32>
      %add3A_1892 = arith.addf %add3A_1817, %mul3A_1891 : vector<16xf32>
      %gather3A_1893 = tpu.vector_load_idx %arg13[%add3A_100, %broadcast_in_dim3A_1864] : memref<256x128xf32, #tpu.memory_space<vmem>>[vector<16xi32>, vector<16xi32>], vector<16xf32>,
      %mul3A_1894 = vector.broadcast %squeeze3A_1884 : f32 to vector<16xf32>
      %mul3A_1895 = arith.mulf %gather3A_1893, %mul3A_1894 : vector<16xf32>
      %add3A_1896 = arith.addf %add3A_1821, %mul3A_1895 : vector<16xf32>
      %gather3A_1897 = tpu.vector_load_idx %arg13[%add3A_103, %broadcast_in_dim3A_1864] : memref<256x128xf32, #tpu.memory_space<vmem>>[vector<16xi32>, vector<16xi32>], vector<16xf32>,
      %mul3A_1898 = vector.broadcast %squeeze3A_1884 : f32 to vector<16xf32>
      %mul3A_1899 = arith.mulf %gather3A_1897, %mul3A_1898 : vector<16xf32>
      %add3A_1900 = arith.addf %add3A_1825, %mul3A_1899 : vector<16xf32>
      %slice3A_1901 = vector.extract_strided_slice %get3A_1557 {offsets = [4], sizes = [1], strides = [1]} : vector<16xf32> to vector<1xf32>
      %squeeze3A_1902 = vector.extract %slice3A_1901[0] : f32 from vector<1xf32>
      %gather3A_1903 = tpu.vector_load_idx %arg13[%add3A_106, %broadcast_in_dim3A_1864] : memref<256x128xf32, #tpu.memory_space<vmem>>[vector<16xi32>, vector<16xi32>], vector<16xf32>,
      %mul3A_1904 = vector.broadcast %squeeze3A_1902 : f32 to vector<16xf32>
      %mul3A_1905 = arith.mulf %gather3A_1903, %mul3A_1904 : vector<16xf32>
      %add3A_1906 = arith.addf %add3A_1831, %mul3A_1905 : vector<16xf32>
      %gather3A_1907 = tpu.vector_load_idx %arg13[%add3A_109, %broadcast_in_dim3A_1864] : memref<256x128xf32, #tpu.memory_space<vmem>>[vector<16xi32>, vector<16xi32>], vector<16xf32>,
      %mul3A_1908 = vector.broadcast %squeeze3A_1902 : f32 to vector<16xf32>
      %mul3A_1909 = arith.mulf %gather3A_1907, %mul3A_1908 : vector<16xf32>
      %add3A_1910 = arith.addf %add3A_1835, %mul3A_1909 : vector<16xf32>
      %gather3A_1911 = tpu.vector_load_idx %arg13[%add3A_112, %broadcast_in_dim3A_1864] : memref<256x128xf32, #tpu.memory_space<vmem>>[vector<16xi32>, vector<16xi32>], vector<16xf32>,
      %mul3A_1912 = vector.broadcast %squeeze3A_1902 : f32 to vector<16xf32>
      %mul3A_1913 = arith.mulf %gather3A_1911, %mul3A_1912 : vector<16xf32>
      %add3A_1914 = arith.addf %add3A_1839, %mul3A_1913 : vector<16xf32>
      %gather3A_1915 = tpu.vector_load_idx %arg13[%add3A_115, %broadcast_in_dim3A_1864] : memref<256x128xf32, #tpu.memory_space<vmem>>[vector<16xi32>, vector<16xi32>], vector<16xf32>,
      %mul3A_1916 = vector.broadcast %squeeze3A_1902 : f32 to vector<16xf32>
      %mul3A_1917 = arith.mulf %gather3A_1915, %mul3A_1916 : vector<16xf32>
      %add3A_1918 = arith.addf %add3A_1843, %mul3A_1917 : vector<16xf32>
      %slice3A_1919 = vector.extract_strided_slice %get3A_1564 {offsets = [4], sizes = [1], strides = [1]} : vector<16xf32> to vector<1xf32>
      %squeeze3A_1920 = vector.extract %slice3A_1919[0] : f32 from vector<1xf32>
      %gather3A_1921 = tpu.vector_load_idx %arg13[%add3A_118, %broadcast_in_dim3A_1864] : memref<256x128xf32, #tpu.memory_space<vmem>>[vector<16xi32>, vector<16xi32>], vector<16xf32>,
      %mul3A_1922 = vector.broadcast %squeeze3A_1920 : f32 to vector<16xf32>
      %mul3A_1923 = arith.mulf %gather3A_1921, %mul3A_1922 : vector<16xf32>
      %add3A_1924 = arith.addf %add3A_1849, %mul3A_1923 : vector<16xf32>
      %gather3A_1925 = tpu.vector_load_idx %arg13[%add3A_121, %broadcast_in_dim3A_1864] : memref<256x128xf32, #tpu.memory_space<vmem>>[vector<16xi32>, vector<16xi32>], vector<16xf32>,
      %mul3A_1926 = vector.broadcast %squeeze3A_1920 : f32 to vector<16xf32>
      %mul3A_1927 = arith.mulf %gather3A_1925, %mul3A_1926 : vector<16xf32>
      %add3A_1928 = arith.addf %add3A_1853, %mul3A_1927 : vector<16xf32>
      %gather3A_1929 = tpu.vector_load_idx %arg13[%add3A_124, %broadcast_in_dim3A_1864] : memref<256x128xf32, #tpu.memory_space<vmem>>[vector<16xi32>, vector<16xi32>], vector<16xf32>,
      %mul3A_1930 = vector.broadcast %squeeze3A_1920 : f32 to vector<16xf32>
      %mul3A_1931 = arith.mulf %gather3A_1929, %mul3A_1930 : vector<16xf32>
      %add3A_1932 = arith.addf %add3A_1857, %mul3A_1931 : vector<16xf32>
      %gather3A_1933 = tpu.vector_load_idx %arg13[%add3A_127, %broadcast_in_dim3A_1864] : memref<256x128xf32, #tpu.memory_space<vmem>>[vector<16xi32>, vector<16xi32>], vector<16xf32>,
      %mul3A_1934 = vector.broadcast %squeeze3A_1920 : f32 to vector<16xf32>
      %mul3A_1935 = arith.mulf %gather3A_1933, %mul3A_1934 : vector<16xf32>
      %add3A_1936 = arith.addf %add3A_1861, %mul3A_1935 : vector<16xf32>
      %add3A_1937 = arith.constant 5 : i32
      %add3A_1938 = arith.addi %mul3A_1536, %add3A_1937 : i32
      %broadcast_in_dim3A_1939 = vector.broadcast %add3A_1938 : i32 to vector<16xi32>
      %slice3A_1940 = vector.extract_strided_slice %get3A_1543 {offsets = [5], sizes = [1], strides = [1]} : vector<16xf32> to vector<1xf32>
      %squeeze3A_1941 = vector.extract %slice3A_1940[0] : f32 from vector<1xf32>
      %gather3A_1942 = tpu.vector_load_idx %arg13[%add3A_82, %broadcast_in_dim3A_1939] : memref<256x128xf32, #tpu.memory_space<vmem>>[vector<16xi32>, vector<16xi32>], vector<16xf32>,
      %mul3A_1943 = vector.broadcast %squeeze3A_1941 : f32 to vector<16xf32>
      %mul3A_1944 = arith.mulf %gather3A_1942, %mul3A_1943 : vector<16xf32>
      %add3A_1945 = arith.addf %add3A_1870, %mul3A_1944 : vector<16xf32>
      %gather3A_1946 = tpu.vector_load_idx %arg13[%add3A_85, %broadcast_in_dim3A_1939] : memref<256x128xf32, #tpu.memory_space<vmem>>[vector<16xi32>, vector<16xi32>], vector<16xf32>,
      %mul3A_1947 = vector.broadcast %squeeze3A_1941 : f32 to vector<16xf32>
      %mul3A_1948 = arith.mulf %gather3A_1946, %mul3A_1947 : vector<16xf32>
      %add3A_1949 = arith.addf %add3A_1874, %mul3A_1948 : vector<16xf32>
      %gather3A_1950 = tpu.vector_load_idx %arg13[%add3A_88, %broadcast_in_dim3A_1939] : memref<256x128xf32, #tpu.memory_space<vmem>>[vector<16xi32>, vector<16xi32>], vector<16xf32>,
      %mul3A_1951 = vector.broadcast %squeeze3A_1941 : f32 to vector<16xf32>
      %mul3A_1952 = arith.mulf %gather3A_1950, %mul3A_1951 : vector<16xf32>
      %add3A_1953 = arith.addf %add3A_1878, %mul3A_1952 : vector<16xf32>
      %gather3A_1954 = tpu.vector_load_idx %arg13[%add3A_91, %broadcast_in_dim3A_1939] : memref<256x128xf32, #tpu.memory_space<vmem>>[vector<16xi32>, vector<16xi32>], vector<16xf32>,
      %mul3A_1955 = vector.broadcast %squeeze3A_1941 : f32 to vector<16xf32>
      %mul3A_1956 = arith.mulf %gather3A_1954, %mul3A_1955 : vector<16xf32>
      %add3A_1957 = arith.addf %add3A_1882, %mul3A_1956 : vector<16xf32>
      %slice3A_1958 = vector.extract_strided_slice %get3A_1550 {offsets = [5], sizes = [1], strides = [1]} : vector<16xf32> to vector<1xf32>
      %squeeze3A_1959 = vector.extract %slice3A_1958[0] : f32 from vector<1xf32>
      %gather3A_1960 = tpu.vector_load_idx %arg13[%add3A_94, %broadcast_in_dim3A_1939] : memref<256x128xf32, #tpu.memory_space<vmem>>[vector<16xi32>, vector<16xi32>], vector<16xf32>,
      %mul3A_1961 = vector.broadcast %squeeze3A_1959 : f32 to vector<16xf32>
      %mul3A_1962 = arith.mulf %gather3A_1960, %mul3A_1961 : vector<16xf32>
      %add3A_1963 = arith.addf %add3A_1888, %mul3A_1962 : vector<16xf32>
      %gather3A_1964 = tpu.vector_load_idx %arg13[%add3A_97, %broadcast_in_dim3A_1939] : memref<256x128xf32, #tpu.memory_space<vmem>>[vector<16xi32>, vector<16xi32>], vector<16xf32>,
      %mul3A_1965 = vector.broadcast %squeeze3A_1959 : f32 to vector<16xf32>
      %mul3A_1966 = arith.mulf %gather3A_1964, %mul3A_1965 : vector<16xf32>
      %add3A_1967 = arith.addf %add3A_1892, %mul3A_1966 : vector<16xf32>
      %gather3A_1968 = tpu.vector_load_idx %arg13[%add3A_100, %broadcast_in_dim3A_1939] : memref<256x128xf32, #tpu.memory_space<vmem>>[vector<16xi32>, vector<16xi32>], vector<16xf32>,
      %mul3A_1969 = vector.broadcast %squeeze3A_1959 : f32 to vector<16xf32>
      %mul3A_1970 = arith.mulf %gather3A_1968, %mul3A_1969 : vector<16xf32>
      %add3A_1971 = arith.addf %add3A_1896, %mul3A_1970 : vector<16xf32>
      %gather3A_1972 = tpu.vector_load_idx %arg13[%add3A_103, %broadcast_in_dim3A_1939] : memref<256x128xf32, #tpu.memory_space<vmem>>[vector<16xi32>, vector<16xi32>], vector<16xf32>,
      %mul3A_1973 = vector.broadcast %squeeze3A_1959 : f32 to vector<16xf32>
      %mul3A_1974 = arith.mulf %gather3A_1972, %mul3A_1973 : vector<16xf32>
      %add3A_1975 = arith.addf %add3A_1900, %mul3A_1974 : vector<16xf32>
      %slice3A_1976 = vector.extract_strided_slice %get3A_1557 {offsets = [5], sizes = [1], strides = [1]} : vector<16xf32> to vector<1xf32>
      %squeeze3A_1977 = vector.extract %slice3A_1976[0] : f32 from vector<1xf32>
      %gather3A_1978 = tpu.vector_load_idx %arg13[%add3A_106, %broadcast_in_dim3A_1939] : memref<256x128xf32, #tpu.memory_space<vmem>>[vector<16xi32>, vector<16xi32>], vector<16xf32>,
      %mul3A_1979 = vector.broadcast %squeeze3A_1977 : f32 to vector<16xf32>
      %mul3A_1980 = arith.mulf %gather3A_1978, %mul3A_1979 : vector<16xf32>
      %add3A_1981 = arith.addf %add3A_1906, %mul3A_1980 : vector<16xf32>
      %gather3A_1982 = tpu.vector_load_idx %arg13[%add3A_109, %broadcast_in_dim3A_1939] : memref<256x128xf32, #tpu.memory_space<vmem>>[vector<16xi32>, vector<16xi32>], vector<16xf32>,
      %mul3A_1983 = vector.broadcast %squeeze3A_1977 : f32 to vector<16xf32>
      %mul3A_1984 = arith.mulf %gather3A_1982, %mul3A_1983 : vector<16xf32>
      %add3A_1985 = arith.addf %add3A_1910, %mul3A_1984 : vector<16xf32>
      %gather3A_1986 = tpu.vector_load_idx %arg13[%add3A_112, %broadcast_in_dim3A_1939] : memref<256x128xf32, #tpu.memory_space<vmem>>[vector<16xi32>, vector<16xi32>], vector<16xf32>,
      %mul3A_1987 = vector.broadcast %squeeze3A_1977 : f32 to vector<16xf32>
      %mul3A_1988 = arith.mulf %gather3A_1986, %mul3A_1987 : vector<16xf32>
      %add3A_1989 = arith.addf %add3A_1914, %mul3A_1988 : vector<16xf32>
      %gather3A_1990 = tpu.vector_load_idx %arg13[%add3A_115, %broadcast_in_dim3A_1939] : memref<256x128xf32, #tpu.memory_space<vmem>>[vector<16xi32>, vector<16xi32>], vector<16xf32>,
      %mul3A_1991 = vector.broadcast %squeeze3A_1977 : f32 to vector<16xf32>
      %mul3A_1992 = arith.mulf %gather3A_1990, %mul3A_1991 : vector<16xf32>
      %add3A_1993 = arith.addf %add3A_1918, %mul3A_1992 : vector<16xf32>
      %slice3A_1994 = vector.extract_strided_slice %get3A_1564 {offsets = [5], sizes = [1], strides = [1]} : vector<16xf32> to vector<1xf32>
      %squeeze3A_1995 = vector.extract %slice3A_1994[0] : f32 from vector<1xf32>
      %gather3A_1996 = tpu.vector_load_idx %arg13[%add3A_118, %broadcast_in_dim3A_1939] : memref<256x128xf32, #tpu.memory_space<vmem>>[vector<16xi32>, vector<16xi32>], vector<16xf32>,
      %mul3A_1997 = vector.broadcast %squeeze3A_1995 : f32 to vector<16xf32>
      %mul3A_1998 = arith.mulf %gather3A_1996, %mul3A_1997 : vector<16xf32>
      %add3A_1999 = arith.addf %add3A_1924, %mul3A_1998 : vector<16xf32>
      %gather3A_2000 = tpu.vector_load_idx %arg13[%add3A_121, %broadcast_in_dim3A_1939] : memref<256x128xf32, #tpu.memory_space<vmem>>[vector<16xi32>, vector<16xi32>], vector<16xf32>,
      %mul3A_2001 = vector.broadcast %squeeze3A_1995 : f32 to vector<16xf32>
      %mul3A_2002 = arith.mulf %gather3A_2000, %mul3A_2001 : vector<16xf32>
      %add3A_2003 = arith.addf %add3A_1928, %mul3A_2002 : vector<16xf32>
      %gather3A_2004 = tpu.vector_load_idx %arg13[%add3A_124, %broadcast_in_dim3A_1939] : memref<256x128xf32, #tpu.memory_space<vmem>>[vector<16xi32>, vector<16xi32>], vector<16xf32>,
      %mul3A_2005 = vector.broadcast %squeeze3A_1995 : f32 to vector<16xf32>
      %mul3A_2006 = arith.mulf %gather3A_2004, %mul3A_2005 : vector<16xf32>
      %add3A_2007 = arith.addf %add3A_1932, %mul3A_2006 : vector<16xf32>
      %gather3A_2008 = tpu.vector_load_idx %arg13[%add3A_127, %broadcast_in_dim3A_1939] : memref<256x128xf32, #tpu.memory_space<vmem>>[vector<16xi32>, vector<16xi32>], vector<16xf32>,
      %mul3A_2009 = vector.broadcast %squeeze3A_1995 : f32 to vector<16xf32>
      %mul3A_2010 = arith.mulf %gather3A_2008, %mul3A_2009 : vector<16xf32>
      %add3A_2011 = arith.addf %add3A_1936, %mul3A_2010 : vector<16xf32>
      %add3A_2012 = arith.constant 6 : i32
      %add3A_2013 = arith.addi %mul3A_1536, %add3A_2012 : i32
      %broadcast_in_dim3A_2014 = vector.broadcast %add3A_2013 : i32 to vector<16xi32>
      %slice3A_2015 = vector.extract_strided_slice %get3A_1543 {offsets = [6], sizes = [1], strides = [1]} : vector<16xf32> to vector<1xf32>
      %squeeze3A_2016 = vector.extract %slice3A_2015[0] : f32 from vector<1xf32>
      %gather3A_2017 = tpu.vector_load_idx %arg13[%add3A_82, %broadcast_in_dim3A_2014] : memref<256x128xf32, #tpu.memory_space<vmem>>[vector<16xi32>, vector<16xi32>], vector<16xf32>,
      %mul3A_2018 = vector.broadcast %squeeze3A_2016 : f32 to vector<16xf32>
      %mul3A_2019 = arith.mulf %gather3A_2017, %mul3A_2018 : vector<16xf32>
      %add3A_2020 = arith.addf %add3A_1945, %mul3A_2019 : vector<16xf32>
      %gather3A_2021 = tpu.vector_load_idx %arg13[%add3A_85, %broadcast_in_dim3A_2014] : memref<256x128xf32, #tpu.memory_space<vmem>>[vector<16xi32>, vector<16xi32>], vector<16xf32>,
      %mul3A_2022 = vector.broadcast %squeeze3A_2016 : f32 to vector<16xf32>
      %mul3A_2023 = arith.mulf %gather3A_2021, %mul3A_2022 : vector<16xf32>
      %add3A_2024 = arith.addf %add3A_1949, %mul3A_2023 : vector<16xf32>
      %gather3A_2025 = tpu.vector_load_idx %arg13[%add3A_88, %broadcast_in_dim3A_2014] : memref<256x128xf32, #tpu.memory_space<vmem>>[vector<16xi32>, vector<16xi32>], vector<16xf32>,
      %mul3A_2026 = vector.broadcast %squeeze3A_2016 : f32 to vector<16xf32>
      %mul3A_2027 = arith.mulf %gather3A_2025, %mul3A_2026 : vector<16xf32>
      %add3A_2028 = arith.addf %add3A_1953, %mul3A_2027 : vector<16xf32>
      %gather3A_2029 = tpu.vector_load_idx %arg13[%add3A_91, %broadcast_in_dim3A_2014] : memref<256x128xf32, #tpu.memory_space<vmem>>[vector<16xi32>, vector<16xi32>], vector<16xf32>,
      %mul3A_2030 = vector.broadcast %squeeze3A_2016 : f32 to vector<16xf32>
      %mul3A_2031 = arith.mulf %gather3A_2029, %mul3A_2030 : vector<16xf32>
      %add3A_2032 = arith.addf %add3A_1957, %mul3A_2031 : vector<16xf32>
      %slice3A_2033 = vector.extract_strided_slice %get3A_1550 {offsets = [6], sizes = [1], strides = [1]} : vector<16xf32> to vector<1xf32>
      %squeeze3A_2034 = vector.extract %slice3A_2033[0] : f32 from vector<1xf32>
      %gather3A_2035 = tpu.vector_load_idx %arg13[%add3A_94, %broadcast_in_dim3A_2014] : memref<256x128xf32, #tpu.memory_space<vmem>>[vector<16xi32>, vector<16xi32>], vector<16xf32>,
      %mul3A_2036 = vector.broadcast %squeeze3A_2034 : f32 to vector<16xf32>
      %mul3A_2037 = arith.mulf %gather3A_2035, %mul3A_2036 : vector<16xf32>
      %add3A_2038 = arith.addf %add3A_1963, %mul3A_2037 : vector<16xf32>
      %gather3A_2039 = tpu.vector_load_idx %arg13[%add3A_97, %broadcast_in_dim3A_2014] : memref<256x128xf32, #tpu.memory_space<vmem>>[vector<16xi32>, vector<16xi32>], vector<16xf32>,
      %mul3A_2040 = vector.broadcast %squeeze3A_2034 : f32 to vector<16xf32>
      %mul3A_2041 = arith.mulf %gather3A_2039, %mul3A_2040 : vector<16xf32>
      %add3A_2042 = arith.addf %add3A_1967, %mul3A_2041 : vector<16xf32>
      %gather3A_2043 = tpu.vector_load_idx %arg13[%add3A_100, %broadcast_in_dim3A_2014] : memref<256x128xf32, #tpu.memory_space<vmem>>[vector<16xi32>, vector<16xi32>], vector<16xf32>,
      %mul3A_2044 = vector.broadcast %squeeze3A_2034 : f32 to vector<16xf32>
      %mul3A_2045 = arith.mulf %gather3A_2043, %mul3A_2044 : vector<16xf32>
      %add3A_2046 = arith.addf %add3A_1971, %mul3A_2045 : vector<16xf32>
      %gather3A_2047 = tpu.vector_load_idx %arg13[%add3A_103, %broadcast_in_dim3A_2014] : memref<256x128xf32, #tpu.memory_space<vmem>>[vector<16xi32>, vector<16xi32>], vector<16xf32>,
      %mul3A_2048 = vector.broadcast %squeeze3A_2034 : f32 to vector<16xf32>
      %mul3A_2049 = arith.mulf %gather3A_2047, %mul3A_2048 : vector<16xf32>
      %add3A_2050 = arith.addf %add3A_1975, %mul3A_2049 : vector<16xf32>
      %slice3A_2051 = vector.extract_strided_slice %get3A_1557 {offsets = [6], sizes = [1], strides = [1]} : vector<16xf32> to vector<1xf32>
      %squeeze3A_2052 = vector.extract %slice3A_2051[0] : f32 from vector<1xf32>
      %gather3A_2053 = tpu.vector_load_idx %arg13[%add3A_106, %broadcast_in_dim3A_2014] : memref<256x128xf32, #tpu.memory_space<vmem>>[vector<16xi32>, vector<16xi32>], vector<16xf32>,
      %mul3A_2054 = vector.broadcast %squeeze3A_2052 : f32 to vector<16xf32>
      %mul3A_2055 = arith.mulf %gather3A_2053, %mul3A_2054 : vector<16xf32>
      %add3A_2056 = arith.addf %add3A_1981, %mul3A_2055 : vector<16xf32>
      %gather3A_2057 = tpu.vector_load_idx %arg13[%add3A_109, %broadcast_in_dim3A_2014] : memref<256x128xf32, #tpu.memory_space<vmem>>[vector<16xi32>, vector<16xi32>], vector<16xf32>,
      %mul3A_2058 = vector.broadcast %squeeze3A_2052 : f32 to vector<16xf32>
      %mul3A_2059 = arith.mulf %gather3A_2057, %mul3A_2058 : vector<16xf32>
      %add3A_2060 = arith.addf %add3A_1985, %mul3A_2059 : vector<16xf32>
      %gather3A_2061 = tpu.vector_load_idx %arg13[%add3A_112, %broadcast_in_dim3A_2014] : memref<256x128xf32, #tpu.memory_space<vmem>>[vector<16xi32>, vector<16xi32>], vector<16xf32>,
      %mul3A_2062 = vector.broadcast %squeeze3A_2052 : f32 to vector<16xf32>
      %mul3A_2063 = arith.mulf %gather3A_2061, %mul3A_2062 : vector<16xf32>
      %add3A_2064 = arith.addf %add3A_1989, %mul3A_2063 : vector<16xf32>
      %gather3A_2065 = tpu.vector_load_idx %arg13[%add3A_115, %broadcast_in_dim3A_2014] : memref<256x128xf32, #tpu.memory_space<vmem>>[vector<16xi32>, vector<16xi32>], vector<16xf32>,
      %mul3A_2066 = vector.broadcast %squeeze3A_2052 : f32 to vector<16xf32>
      %mul3A_2067 = arith.mulf %gather3A_2065, %mul3A_2066 : vector<16xf32>
      %add3A_2068 = arith.addf %add3A_1993, %mul3A_2067 : vector<16xf32>
      %slice3A_2069 = vector.extract_strided_slice %get3A_1564 {offsets = [6], sizes = [1], strides = [1]} : vector<16xf32> to vector<1xf32>
      %squeeze3A_2070 = vector.extract %slice3A_2069[0] : f32 from vector<1xf32>
      %gather3A_2071 = tpu.vector_load_idx %arg13[%add3A_118, %broadcast_in_dim3A_2014] : memref<256x128xf32, #tpu.memory_space<vmem>>[vector<16xi32>, vector<16xi32>], vector<16xf32>,
      %mul3A_2072 = vector.broadcast %squeeze3A_2070 : f32 to vector<16xf32>
      %mul3A_2073 = arith.mulf %gather3A_2071, %mul3A_2072 : vector<16xf32>
      %add3A_2074 = arith.addf %add3A_1999, %mul3A_2073 : vector<16xf32>
      %gather3A_2075 = tpu.vector_load_idx %arg13[%add3A_121, %broadcast_in_dim3A_2014] : memref<256x128xf32, #tpu.memory_space<vmem>>[vector<16xi32>, vector<16xi32>], vector<16xf32>,
      %mul3A_2076 = vector.broadcast %squeeze3A_2070 : f32 to vector<16xf32>
      %mul3A_2077 = arith.mulf %gather3A_2075, %mul3A_2076 : vector<16xf32>
      %add3A_2078 = arith.addf %add3A_2003, %mul3A_2077 : vector<16xf32>
      %gather3A_2079 = tpu.vector_load_idx %arg13[%add3A_124, %broadcast_in_dim3A_2014] : memref<256x128xf32, #tpu.memory_space<vmem>>[vector<16xi32>, vector<16xi32>], vector<16xf32>,
      %mul3A_2080 = vector.broadcast %squeeze3A_2070 : f32 to vector<16xf32>
      %mul3A_2081 = arith.mulf %gather3A_2079, %mul3A_2080 : vector<16xf32>
      %add3A_2082 = arith.addf %add3A_2007, %mul3A_2081 : vector<16xf32>
      %gather3A_2083 = tpu.vector_load_idx %arg13[%add3A_127, %broadcast_in_dim3A_2014] : memref<256x128xf32, #tpu.memory_space<vmem>>[vector<16xi32>, vector<16xi32>], vector<16xf32>,
      %mul3A_2084 = vector.broadcast %squeeze3A_2070 : f32 to vector<16xf32>
      %mul3A_2085 = arith.mulf %gather3A_2083, %mul3A_2084 : vector<16xf32>
      %add3A_2086 = arith.addf %add3A_2011, %mul3A_2085 : vector<16xf32>
      %add3A_2087 = arith.constant 7 : i32
      %add3A_2088 = arith.addi %mul3A_1536, %add3A_2087 : i32
      %broadcast_in_dim3A_2089 = vector.broadcast %add3A_2088 : i32 to vector<16xi32>
      %slice3A_2090 = vector.extract_strided_slice %get3A_1543 {offsets = [7], sizes = [1], strides = [1]} : vector<16xf32> to vector<1xf32>
      %squeeze3A_2091 = vector.extract %slice3A_2090[0] : f32 from vector<1xf32>
      %gather3A_2092 = tpu.vector_load_idx %arg13[%add3A_82, %broadcast_in_dim3A_2089] : memref<256x128xf32, #tpu.memory_space<vmem>>[vector<16xi32>, vector<16xi32>], vector<16xf32>,
      %mul3A_2093 = vector.broadcast %squeeze3A_2091 : f32 to vector<16xf32>
      %mul3A_2094 = arith.mulf %gather3A_2092, %mul3A_2093 : vector<16xf32>
      %add3A_2095 = arith.addf %add3A_2020, %mul3A_2094 : vector<16xf32>
      %gather3A_2096 = tpu.vector_load_idx %arg13[%add3A_85, %broadcast_in_dim3A_2089] : memref<256x128xf32, #tpu.memory_space<vmem>>[vector<16xi32>, vector<16xi32>], vector<16xf32>,
      %mul3A_2097 = vector.broadcast %squeeze3A_2091 : f32 to vector<16xf32>
      %mul3A_2098 = arith.mulf %gather3A_2096, %mul3A_2097 : vector<16xf32>
      %add3A_2099 = arith.addf %add3A_2024, %mul3A_2098 : vector<16xf32>
      %gather3A_2100 = tpu.vector_load_idx %arg13[%add3A_88, %broadcast_in_dim3A_2089] : memref<256x128xf32, #tpu.memory_space<vmem>>[vector<16xi32>, vector<16xi32>], vector<16xf32>,
      %mul3A_2101 = vector.broadcast %squeeze3A_2091 : f32 to vector<16xf32>
      %mul3A_2102 = arith.mulf %gather3A_2100, %mul3A_2101 : vector<16xf32>
      %add3A_2103 = arith.addf %add3A_2028, %mul3A_2102 : vector<16xf32>
      %gather3A_2104 = tpu.vector_load_idx %arg13[%add3A_91, %broadcast_in_dim3A_2089] : memref<256x128xf32, #tpu.memory_space<vmem>>[vector<16xi32>, vector<16xi32>], vector<16xf32>,
      %mul3A_2105 = vector.broadcast %squeeze3A_2091 : f32 to vector<16xf32>
      %mul3A_2106 = arith.mulf %gather3A_2104, %mul3A_2105 : vector<16xf32>
      %add3A_2107 = arith.addf %add3A_2032, %mul3A_2106 : vector<16xf32>
      %slice3A_2108 = vector.extract_strided_slice %get3A_1550 {offsets = [7], sizes = [1], strides = [1]} : vector<16xf32> to vector<1xf32>
      %squeeze3A_2109 = vector.extract %slice3A_2108[0] : f32 from vector<1xf32>
      %gather3A_2110 = tpu.vector_load_idx %arg13[%add3A_94, %broadcast_in_dim3A_2089] : memref<256x128xf32, #tpu.memory_space<vmem>>[vector<16xi32>, vector<16xi32>], vector<16xf32>,
      %mul3A_2111 = vector.broadcast %squeeze3A_2109 : f32 to vector<16xf32>
      %mul3A_2112 = arith.mulf %gather3A_2110, %mul3A_2111 : vector<16xf32>
      %add3A_2113 = arith.addf %add3A_2038, %mul3A_2112 : vector<16xf32>
      %gather3A_2114 = tpu.vector_load_idx %arg13[%add3A_97, %broadcast_in_dim3A_2089] : memref<256x128xf32, #tpu.memory_space<vmem>>[vector<16xi32>, vector<16xi32>], vector<16xf32>,
      %mul3A_2115 = vector.broadcast %squeeze3A_2109 : f32 to vector<16xf32>
      %mul3A_2116 = arith.mulf %gather3A_2114, %mul3A_2115 : vector<16xf32>
      %add3A_2117 = arith.addf %add3A_2042, %mul3A_2116 : vector<16xf32>
      %gather3A_2118 = tpu.vector_load_idx %arg13[%add3A_100, %broadcast_in_dim3A_2089] : memref<256x128xf32, #tpu.memory_space<vmem>>[vector<16xi32>, vector<16xi32>], vector<16xf32>,
      %mul3A_2119 = vector.broadcast %squeeze3A_2109 : f32 to vector<16xf32>
      %mul3A_2120 = arith.mulf %gather3A_2118, %mul3A_2119 : vector<16xf32>
      %add3A_2121 = arith.addf %add3A_2046, %mul3A_2120 : vector<16xf32>
      %gather3A_2122 = tpu.vector_load_idx %arg13[%add3A_103, %broadcast_in_dim3A_2089] : memref<256x128xf32, #tpu.memory_space<vmem>>[vector<16xi32>, vector<16xi32>], vector<16xf32>,
      %mul3A_2123 = vector.broadcast %squeeze3A_2109 : f32 to vector<16xf32>
      %mul3A_2124 = arith.mulf %gather3A_2122, %mul3A_2123 : vector<16xf32>
      %add3A_2125 = arith.addf %add3A_2050, %mul3A_2124 : vector<16xf32>
      %slice3A_2126 = vector.extract_strided_slice %get3A_1557 {offsets = [7], sizes = [1], strides = [1]} : vector<16xf32> to vector<1xf32>
      %squeeze3A_2127 = vector.extract %slice3A_2126[0] : f32 from vector<1xf32>
      %gather3A_2128 = tpu.vector_load_idx %arg13[%add3A_106, %broadcast_in_dim3A_2089] : memref<256x128xf32, #tpu.memory_space<vmem>>[vector<16xi32>, vector<16xi32>], vector<16xf32>,
      %mul3A_2129 = vector.broadcast %squeeze3A_2127 : f32 to vector<16xf32>
      %mul3A_2130 = arith.mulf %gather3A_2128, %mul3A_2129 : vector<16xf32>
      %add3A_2131 = arith.addf %add3A_2056, %mul3A_2130 : vector<16xf32>
      %gather3A_2132 = tpu.vector_load_idx %arg13[%add3A_109, %broadcast_in_dim3A_2089] : memref<256x128xf32, #tpu.memory_space<vmem>>[vector<16xi32>, vector<16xi32>], vector<16xf32>,
      %mul3A_2133 = vector.broadcast %squeeze3A_2127 : f32 to vector<16xf32>
      %mul3A_2134 = arith.mulf %gather3A_2132, %mul3A_2133 : vector<16xf32>
      %add3A_2135 = arith.addf %add3A_2060, %mul3A_2134 : vector<16xf32>
      %gather3A_2136 = tpu.vector_load_idx %arg13[%add3A_112, %broadcast_in_dim3A_2089] : memref<256x128xf32, #tpu.memory_space<vmem>>[vector<16xi32>, vector<16xi32>], vector<16xf32>,
      %mul3A_2137 = vector.broadcast %squeeze3A_2127 : f32 to vector<16xf32>
      %mul3A_2138 = arith.mulf %gather3A_2136, %mul3A_2137 : vector<16xf32>
      %add3A_2139 = arith.addf %add3A_2064, %mul3A_2138 : vector<16xf32>
      %gather3A_2140 = tpu.vector_load_idx %arg13[%add3A_115, %broadcast_in_dim3A_2089] : memref<256x128xf32, #tpu.memory_space<vmem>>[vector<16xi32>, vector<16xi32>], vector<16xf32>,
      %mul3A_2141 = vector.broadcast %squeeze3A_2127 : f32 to vector<16xf32>
      %mul3A_2142 = arith.mulf %gather3A_2140, %mul3A_2141 : vector<16xf32>
      %add3A_2143 = arith.addf %add3A_2068, %mul3A_2142 : vector<16xf32>
      %slice3A_2144 = vector.extract_strided_slice %get3A_1564 {offsets = [7], sizes = [1], strides = [1]} : vector<16xf32> to vector<1xf32>
      %squeeze3A_2145 = vector.extract %slice3A_2144[0] : f32 from vector<1xf32>
      %gather3A_2146 = tpu.vector_load_idx %arg13[%add3A_118, %broadcast_in_dim3A_2089] : memref<256x128xf32, #tpu.memory_space<vmem>>[vector<16xi32>, vector<16xi32>], vector<16xf32>,
      %mul3A_2147 = vector.broadcast %squeeze3A_2145 : f32 to vector<16xf32>
      %mul3A_2148 = arith.mulf %gather3A_2146, %mul3A_2147 : vector<16xf32>
      %add3A_2149 = arith.addf %add3A_2074, %mul3A_2148 : vector<16xf32>
      %gather3A_2150 = tpu.vector_load_idx %arg13[%add3A_121, %broadcast_in_dim3A_2089] : memref<256x128xf32, #tpu.memory_space<vmem>>[vector<16xi32>, vector<16xi32>], vector<16xf32>,
      %mul3A_2151 = vector.broadcast %squeeze3A_2145 : f32 to vector<16xf32>
      %mul3A_2152 = arith.mulf %gather3A_2150, %mul3A_2151 : vector<16xf32>
      %add3A_2153 = arith.addf %add3A_2078, %mul3A_2152 : vector<16xf32>
      %gather3A_2154 = tpu.vector_load_idx %arg13[%add3A_124, %broadcast_in_dim3A_2089] : memref<256x128xf32, #tpu.memory_space<vmem>>[vector<16xi32>, vector<16xi32>], vector<16xf32>,
      %mul3A_2155 = vector.broadcast %squeeze3A_2145 : f32 to vector<16xf32>
      %mul3A_2156 = arith.mulf %gather3A_2154, %mul3A_2155 : vector<16xf32>
      %add3A_2157 = arith.addf %add3A_2082, %mul3A_2156 : vector<16xf32>
      %gather3A_2158 = tpu.vector_load_idx %arg13[%add3A_127, %broadcast_in_dim3A_2089] : memref<256x128xf32, #tpu.memory_space<vmem>>[vector<16xi32>, vector<16xi32>], vector<16xf32>,
      %mul3A_2159 = vector.broadcast %squeeze3A_2145 : f32 to vector<16xf32>
      %mul3A_2160 = arith.mulf %gather3A_2158, %mul3A_2159 : vector<16xf32>
      %add3A_2161 = arith.addf %add3A_2086, %mul3A_2160 : vector<16xf32>
      %add3A_2162 = arith.constant 8 : i32
      %add3A_2163 = arith.addi %mul3A_1536, %add3A_2162 : i32
      %broadcast_in_dim3A_2164 = vector.broadcast %add3A_2163 : i32 to vector<16xi32>
      %slice3A_2165 = vector.extract_strided_slice %get3A_1543 {offsets = [8], sizes = [1], strides = [1]} : vector<16xf32> to vector<1xf32>
      %squeeze3A_2166 = vector.extract %slice3A_2165[0] : f32 from vector<1xf32>
      %gather3A_2167 = tpu.vector_load_idx %arg13[%add3A_82, %broadcast_in_dim3A_2164] : memref<256x128xf32, #tpu.memory_space<vmem>>[vector<16xi32>, vector<16xi32>], vector<16xf32>,
      %mul3A_2168 = vector.broadcast %squeeze3A_2166 : f32 to vector<16xf32>
      %mul3A_2169 = arith.mulf %gather3A_2167, %mul3A_2168 : vector<16xf32>
      %add3A_2170 = arith.addf %add3A_2095, %mul3A_2169 : vector<16xf32>
      %gather3A_2171 = tpu.vector_load_idx %arg13[%add3A_85, %broadcast_in_dim3A_2164] : memref<256x128xf32, #tpu.memory_space<vmem>>[vector<16xi32>, vector<16xi32>], vector<16xf32>,
      %mul3A_2172 = vector.broadcast %squeeze3A_2166 : f32 to vector<16xf32>
      %mul3A_2173 = arith.mulf %gather3A_2171, %mul3A_2172 : vector<16xf32>
      %add3A_2174 = arith.addf %add3A_2099, %mul3A_2173 : vector<16xf32>
      %gather3A_2175 = tpu.vector_load_idx %arg13[%add3A_88, %broadcast_in_dim3A_2164] : memref<256x128xf32, #tpu.memory_space<vmem>>[vector<16xi32>, vector<16xi32>], vector<16xf32>,
      %mul3A_2176 = vector.broadcast %squeeze3A_2166 : f32 to vector<16xf32>
      %mul3A_2177 = arith.mulf %gather3A_2175, %mul3A_2176 : vector<16xf32>
      %add3A_2178 = arith.addf %add3A_2103, %mul3A_2177 : vector<16xf32>
      %gather3A_2179 = tpu.vector_load_idx %arg13[%add3A_91, %broadcast_in_dim3A_2164] : memref<256x128xf32, #tpu.memory_space<vmem>>[vector<16xi32>, vector<16xi32>], vector<16xf32>,
      %mul3A_2180 = vector.broadcast %squeeze3A_2166 : f32 to vector<16xf32>
      %mul3A_2181 = arith.mulf %gather3A_2179, %mul3A_2180 : vector<16xf32>
      %add3A_2182 = arith.addf %add3A_2107, %mul3A_2181 : vector<16xf32>
      %slice3A_2183 = vector.extract_strided_slice %get3A_1550 {offsets = [8], sizes = [1], strides = [1]} : vector<16xf32> to vector<1xf32>
      %squeeze3A_2184 = vector.extract %slice3A_2183[0] : f32 from vector<1xf32>
      %gather3A_2185 = tpu.vector_load_idx %arg13[%add3A_94, %broadcast_in_dim3A_2164] : memref<256x128xf32, #tpu.memory_space<vmem>>[vector<16xi32>, vector<16xi32>], vector<16xf32>,
      %mul3A_2186 = vector.broadcast %squeeze3A_2184 : f32 to vector<16xf32>
      %mul3A_2187 = arith.mulf %gather3A_2185, %mul3A_2186 : vector<16xf32>
      %add3A_2188 = arith.addf %add3A_2113, %mul3A_2187 : vector<16xf32>
      %gather3A_2189 = tpu.vector_load_idx %arg13[%add3A_97, %broadcast_in_dim3A_2164] : memref<256x128xf32, #tpu.memory_space<vmem>>[vector<16xi32>, vector<16xi32>], vector<16xf32>,
      %mul3A_2190 = vector.broadcast %squeeze3A_2184 : f32 to vector<16xf32>
      %mul3A_2191 = arith.mulf %gather3A_2189, %mul3A_2190 : vector<16xf32>
      %add3A_2192 = arith.addf %add3A_2117, %mul3A_2191 : vector<16xf32>
      %gather3A_2193 = tpu.vector_load_idx %arg13[%add3A_100, %broadcast_in_dim3A_2164] : memref<256x128xf32, #tpu.memory_space<vmem>>[vector<16xi32>, vector<16xi32>], vector<16xf32>,
      %mul3A_2194 = vector.broadcast %squeeze3A_2184 : f32 to vector<16xf32>
      %mul3A_2195 = arith.mulf %gather3A_2193, %mul3A_2194 : vector<16xf32>
      %add3A_2196 = arith.addf %add3A_2121, %mul3A_2195 : vector<16xf32>
      %gather3A_2197 = tpu.vector_load_idx %arg13[%add3A_103, %broadcast_in_dim3A_2164] : memref<256x128xf32, #tpu.memory_space<vmem>>[vector<16xi32>, vector<16xi32>], vector<16xf32>,
      %mul3A_2198 = vector.broadcast %squeeze3A_2184 : f32 to vector<16xf32>
      %mul3A_2199 = arith.mulf %gather3A_2197, %mul3A_2198 : vector<16xf32>
      %add3A_2200 = arith.addf %add3A_2125, %mul3A_2199 : vector<16xf32>
      %slice3A_2201 = vector.extract_strided_slice %get3A_1557 {offsets = [8], sizes = [1], strides = [1]} : vector<16xf32> to vector<1xf32>
      %squeeze3A_2202 = vector.extract %slice3A_2201[0] : f32 from vector<1xf32>
      %gather3A_2203 = tpu.vector_load_idx %arg13[%add3A_106, %broadcast_in_dim3A_2164] : memref<256x128xf32, #tpu.memory_space<vmem>>[vector<16xi32>, vector<16xi32>], vector<16xf32>,
      %mul3A_2204 = vector.broadcast %squeeze3A_2202 : f32 to vector<16xf32>
      %mul3A_2205 = arith.mulf %gather3A_2203, %mul3A_2204 : vector<16xf32>
      %add3A_2206 = arith.addf %add3A_2131, %mul3A_2205 : vector<16xf32>
      %gather3A_2207 = tpu.vector_load_idx %arg13[%add3A_109, %broadcast_in_dim3A_2164] : memref<256x128xf32, #tpu.memory_space<vmem>>[vector<16xi32>, vector<16xi32>], vector<16xf32>,
      %mul3A_2208 = vector.broadcast %squeeze3A_2202 : f32 to vector<16xf32>
      %mul3A_2209 = arith.mulf %gather3A_2207, %mul3A_2208 : vector<16xf32>
      %add3A_2210 = arith.addf %add3A_2135, %mul3A_2209 : vector<16xf32>
      %gather3A_2211 = tpu.vector_load_idx %arg13[%add3A_112, %broadcast_in_dim3A_2164] : memref<256x128xf32, #tpu.memory_space<vmem>>[vector<16xi32>, vector<16xi32>], vector<16xf32>,
      %mul3A_2212 = vector.broadcast %squeeze3A_2202 : f32 to vector<16xf32>
      %mul3A_2213 = arith.mulf %gather3A_2211, %mul3A_2212 : vector<16xf32>
      %add3A_2214 = arith.addf %add3A_2139, %mul3A_2213 : vector<16xf32>
      %gather3A_2215 = tpu.vector_load_idx %arg13[%add3A_115, %broadcast_in_dim3A_2164] : memref<256x128xf32, #tpu.memory_space<vmem>>[vector<16xi32>, vector<16xi32>], vector<16xf32>,
      %mul3A_2216 = vector.broadcast %squeeze3A_2202 : f32 to vector<16xf32>
      %mul3A_2217 = arith.mulf %gather3A_2215, %mul3A_2216 : vector<16xf32>
      %add3A_2218 = arith.addf %add3A_2143, %mul3A_2217 : vector<16xf32>
      %slice3A_2219 = vector.extract_strided_slice %get3A_1564 {offsets = [8], sizes = [1], strides = [1]} : vector<16xf32> to vector<1xf32>
      %squeeze3A_2220 = vector.extract %slice3A_2219[0] : f32 from vector<1xf32>
      %gather3A_2221 = tpu.vector_load_idx %arg13[%add3A_118, %broadcast_in_dim3A_2164] : memref<256x128xf32, #tpu.memory_space<vmem>>[vector<16xi32>, vector<16xi32>], vector<16xf32>,
      %mul3A_2222 = vector.broadcast %squeeze3A_2220 : f32 to vector<16xf32>
      %mul3A_2223 = arith.mulf %gather3A_2221, %mul3A_2222 : vector<16xf32>
      %add3A_2224 = arith.addf %add3A_2149, %mul3A_2223 : vector<16xf32>
      %gather3A_2225 = tpu.vector_load_idx %arg13[%add3A_121, %broadcast_in_dim3A_2164] : memref<256x128xf32, #tpu.memory_space<vmem>>[vector<16xi32>, vector<16xi32>], vector<16xf32>,
      %mul3A_2226 = vector.broadcast %squeeze3A_2220 : f32 to vector<16xf32>
      %mul3A_2227 = arith.mulf %gather3A_2225, %mul3A_2226 : vector<16xf32>
      %add3A_2228 = arith.addf %add3A_2153, %mul3A_2227 : vector<16xf32>
      %gather3A_2229 = tpu.vector_load_idx %arg13[%add3A_124, %broadcast_in_dim3A_2164] : memref<256x128xf32, #tpu.memory_space<vmem>>[vector<16xi32>, vector<16xi32>], vector<16xf32>,
      %mul3A_2230 = vector.broadcast %squeeze3A_2220 : f32 to vector<16xf32>
      %mul3A_2231 = arith.mulf %gather3A_2229, %mul3A_2230 : vector<16xf32>
      %add3A_2232 = arith.addf %add3A_2157, %mul3A_2231 : vector<16xf32>
      %gather3A_2233 = tpu.vector_load_idx %arg13[%add3A_127, %broadcast_in_dim3A_2164] : memref<256x128xf32, #tpu.memory_space<vmem>>[vector<16xi32>, vector<16xi32>], vector<16xf32>,
      %mul3A_2234 = vector.broadcast %squeeze3A_2220 : f32 to vector<16xf32>
      %mul3A_2235 = arith.mulf %gather3A_2233, %mul3A_2234 : vector<16xf32>
      %add3A_2236 = arith.addf %add3A_2161, %mul3A_2235 : vector<16xf32>
      %add3A_2237 = arith.constant 9 : i32
      %add3A_2238 = arith.addi %mul3A_1536, %add3A_2237 : i32
      %broadcast_in_dim3A_2239 = vector.broadcast %add3A_2238 : i32 to vector<16xi32>
      %slice3A_2240 = vector.extract_strided_slice %get3A_1543 {offsets = [9], sizes = [1], strides = [1]} : vector<16xf32> to vector<1xf32>
      %squeeze3A_2241 = vector.extract %slice3A_2240[0] : f32 from vector<1xf32>
      %gather3A_2242 = tpu.vector_load_idx %arg13[%add3A_82, %broadcast_in_dim3A_2239] : memref<256x128xf32, #tpu.memory_space<vmem>>[vector<16xi32>, vector<16xi32>], vector<16xf32>,
      %mul3A_2243 = vector.broadcast %squeeze3A_2241 : f32 to vector<16xf32>
      %mul3A_2244 = arith.mulf %gather3A_2242, %mul3A_2243 : vector<16xf32>
      %add3A_2245 = arith.addf %add3A_2170, %mul3A_2244 : vector<16xf32>
      %gather3A_2246 = tpu.vector_load_idx %arg13[%add3A_85, %broadcast_in_dim3A_2239] : memref<256x128xf32, #tpu.memory_space<vmem>>[vector<16xi32>, vector<16xi32>], vector<16xf32>,
      %mul3A_2247 = vector.broadcast %squeeze3A_2241 : f32 to vector<16xf32>
      %mul3A_2248 = arith.mulf %gather3A_2246, %mul3A_2247 : vector<16xf32>
      %add3A_2249 = arith.addf %add3A_2174, %mul3A_2248 : vector<16xf32>
      %gather3A_2250 = tpu.vector_load_idx %arg13[%add3A_88, %broadcast_in_dim3A_2239] : memref<256x128xf32, #tpu.memory_space<vmem>>[vector<16xi32>, vector<16xi32>], vector<16xf32>,
      %mul3A_2251 = vector.broadcast %squeeze3A_2241 : f32 to vector<16xf32>
      %mul3A_2252 = arith.mulf %gather3A_2250, %mul3A_2251 : vector<16xf32>
      %add3A_2253 = arith.addf %add3A_2178, %mul3A_2252 : vector<16xf32>
      %gather3A_2254 = tpu.vector_load_idx %arg13[%add3A_91, %broadcast_in_dim3A_2239] : memref<256x128xf32, #tpu.memory_space<vmem>>[vector<16xi32>, vector<16xi32>], vector<16xf32>,
      %mul3A_2255 = vector.broadcast %squeeze3A_2241 : f32 to vector<16xf32>
      %mul3A_2256 = arith.mulf %gather3A_2254, %mul3A_2255 : vector<16xf32>
      %add3A_2257 = arith.addf %add3A_2182, %mul3A_2256 : vector<16xf32>
      %slice3A_2258 = vector.extract_strided_slice %get3A_1550 {offsets = [9], sizes = [1], strides = [1]} : vector<16xf32> to vector<1xf32>
      %squeeze3A_2259 = vector.extract %slice3A_2258[0] : f32 from vector<1xf32>
      %gather3A_2260 = tpu.vector_load_idx %arg13[%add3A_94, %broadcast_in_dim3A_2239] : memref<256x128xf32, #tpu.memory_space<vmem>>[vector<16xi32>, vector<16xi32>], vector<16xf32>,
      %mul3A_2261 = vector.broadcast %squeeze3A_2259 : f32 to vector<16xf32>
      %mul3A_2262 = arith.mulf %gather3A_2260, %mul3A_2261 : vector<16xf32>
      %add3A_2263 = arith.addf %add3A_2188, %mul3A_2262 : vector<16xf32>
      %gather3A_2264 = tpu.vector_load_idx %arg13[%add3A_97, %broadcast_in_dim3A_2239] : memref<256x128xf32, #tpu.memory_space<vmem>>[vector<16xi32>, vector<16xi32>], vector<16xf32>,
      %mul3A_2265 = vector.broadcast %squeeze3A_2259 : f32 to vector<16xf32>
      %mul3A_2266 = arith.mulf %gather3A_2264, %mul3A_2265 : vector<16xf32>
      %add3A_2267 = arith.addf %add3A_2192, %mul3A_2266 : vector<16xf32>
      %gather3A_2268 = tpu.vector_load_idx %arg13[%add3A_100, %broadcast_in_dim3A_2239] : memref<256x128xf32, #tpu.memory_space<vmem>>[vector<16xi32>, vector<16xi32>], vector<16xf32>,
      %mul3A_2269 = vector.broadcast %squeeze3A_2259 : f32 to vector<16xf32>
      %mul3A_2270 = arith.mulf %gather3A_2268, %mul3A_2269 : vector<16xf32>
      %add3A_2271 = arith.addf %add3A_2196, %mul3A_2270 : vector<16xf32>
      %gather3A_2272 = tpu.vector_load_idx %arg13[%add3A_103, %broadcast_in_dim3A_2239] : memref<256x128xf32, #tpu.memory_space<vmem>>[vector<16xi32>, vector<16xi32>], vector<16xf32>,
      %mul3A_2273 = vector.broadcast %squeeze3A_2259 : f32 to vector<16xf32>
      %mul3A_2274 = arith.mulf %gather3A_2272, %mul3A_2273 : vector<16xf32>
      %add3A_2275 = arith.addf %add3A_2200, %mul3A_2274 : vector<16xf32>
      %slice3A_2276 = vector.extract_strided_slice %get3A_1557 {offsets = [9], sizes = [1], strides = [1]} : vector<16xf32> to vector<1xf32>
      %squeeze3A_2277 = vector.extract %slice3A_2276[0] : f32 from vector<1xf32>
      %gather3A_2278 = tpu.vector_load_idx %arg13[%add3A_106, %broadcast_in_dim3A_2239] : memref<256x128xf32, #tpu.memory_space<vmem>>[vector<16xi32>, vector<16xi32>], vector<16xf32>,
      %mul3A_2279 = vector.broadcast %squeeze3A_2277 : f32 to vector<16xf32>
      %mul3A_2280 = arith.mulf %gather3A_2278, %mul3A_2279 : vector<16xf32>
      %add3A_2281 = arith.addf %add3A_2206, %mul3A_2280 : vector<16xf32>
      %gather3A_2282 = tpu.vector_load_idx %arg13[%add3A_109, %broadcast_in_dim3A_2239] : memref<256x128xf32, #tpu.memory_space<vmem>>[vector<16xi32>, vector<16xi32>], vector<16xf32>,
      %mul3A_2283 = vector.broadcast %squeeze3A_2277 : f32 to vector<16xf32>
      %mul3A_2284 = arith.mulf %gather3A_2282, %mul3A_2283 : vector<16xf32>
      %add3A_2285 = arith.addf %add3A_2210, %mul3A_2284 : vector<16xf32>
      %gather3A_2286 = tpu.vector_load_idx %arg13[%add3A_112, %broadcast_in_dim3A_2239] : memref<256x128xf32, #tpu.memory_space<vmem>>[vector<16xi32>, vector<16xi32>], vector<16xf32>,
      %mul3A_2287 = vector.broadcast %squeeze3A_2277 : f32 to vector<16xf32>
      %mul3A_2288 = arith.mulf %gather3A_2286, %mul3A_2287 : vector<16xf32>
      %add3A_2289 = arith.addf %add3A_2214, %mul3A_2288 : vector<16xf32>
      %gather3A_2290 = tpu.vector_load_idx %arg13[%add3A_115, %broadcast_in_dim3A_2239] : memref<256x128xf32, #tpu.memory_space<vmem>>[vector<16xi32>, vector<16xi32>], vector<16xf32>,
      %mul3A_2291 = vector.broadcast %squeeze3A_2277 : f32 to vector<16xf32>
      %mul3A_2292 = arith.mulf %gather3A_2290, %mul3A_2291 : vector<16xf32>
      %add3A_2293 = arith.addf %add3A_2218, %mul3A_2292 : vector<16xf32>
      %slice3A_2294 = vector.extract_strided_slice %get3A_1564 {offsets = [9], sizes = [1], strides = [1]} : vector<16xf32> to vector<1xf32>
      %squeeze3A_2295 = vector.extract %slice3A_2294[0] : f32 from vector<1xf32>
      %gather3A_2296 = tpu.vector_load_idx %arg13[%add3A_118, %broadcast_in_dim3A_2239] : memref<256x128xf32, #tpu.memory_space<vmem>>[vector<16xi32>, vector<16xi32>], vector<16xf32>,
      %mul3A_2297 = vector.broadcast %squeeze3A_2295 : f32 to vector<16xf32>
      %mul3A_2298 = arith.mulf %gather3A_2296, %mul3A_2297 : vector<16xf32>
      %add3A_2299 = arith.addf %add3A_2224, %mul3A_2298 : vector<16xf32>
      %gather3A_2300 = tpu.vector_load_idx %arg13[%add3A_121, %broadcast_in_dim3A_2239] : memref<256x128xf32, #tpu.memory_space<vmem>>[vector<16xi32>, vector<16xi32>], vector<16xf32>,
      %mul3A_2301 = vector.broadcast %squeeze3A_2295 : f32 to vector<16xf32>
      %mul3A_2302 = arith.mulf %gather3A_2300, %mul3A_2301 : vector<16xf32>
      %add3A_2303 = arith.addf %add3A_2228, %mul3A_2302 : vector<16xf32>
      %gather3A_2304 = tpu.vector_load_idx %arg13[%add3A_124, %broadcast_in_dim3A_2239] : memref<256x128xf32, #tpu.memory_space<vmem>>[vector<16xi32>, vector<16xi32>], vector<16xf32>,
      %mul3A_2305 = vector.broadcast %squeeze3A_2295 : f32 to vector<16xf32>
      %mul3A_2306 = arith.mulf %gather3A_2304, %mul3A_2305 : vector<16xf32>
      %add3A_2307 = arith.addf %add3A_2232, %mul3A_2306 : vector<16xf32>
      %gather3A_2308 = tpu.vector_load_idx %arg13[%add3A_127, %broadcast_in_dim3A_2239] : memref<256x128xf32, #tpu.memory_space<vmem>>[vector<16xi32>, vector<16xi32>], vector<16xf32>,
      %mul3A_2309 = vector.broadcast %squeeze3A_2295 : f32 to vector<16xf32>
      %mul3A_2310 = arith.mulf %gather3A_2308, %mul3A_2309 : vector<16xf32>
      %add3A_2311 = arith.addf %add3A_2236, %mul3A_2310 : vector<16xf32>
      %add3A_2312 = arith.constant 10 : i32
      %add3A_2313 = arith.addi %mul3A_1536, %add3A_2312 : i32
      %broadcast_in_dim3A_2314 = vector.broadcast %add3A_2313 : i32 to vector<16xi32>
      %slice3A_2315 = vector.extract_strided_slice %get3A_1543 {offsets = [10], sizes = [1], strides = [1]} : vector<16xf32> to vector<1xf32>
      %squeeze3A_2316 = vector.extract %slice3A_2315[0] : f32 from vector<1xf32>
      %gather3A_2317 = tpu.vector_load_idx %arg13[%add3A_82, %broadcast_in_dim3A_2314] : memref<256x128xf32, #tpu.memory_space<vmem>>[vector<16xi32>, vector<16xi32>], vector<16xf32>,
      %mul3A_2318 = vector.broadcast %squeeze3A_2316 : f32 to vector<16xf32>
      %mul3A_2319 = arith.mulf %gather3A_2317, %mul3A_2318 : vector<16xf32>
      %add3A_2320 = arith.addf %add3A_2245, %mul3A_2319 : vector<16xf32>
      %gather3A_2321 = tpu.vector_load_idx %arg13[%add3A_85, %broadcast_in_dim3A_2314] : memref<256x128xf32, #tpu.memory_space<vmem>>[vector<16xi32>, vector<16xi32>], vector<16xf32>,
      %mul3A_2322 = vector.broadcast %squeeze3A_2316 : f32 to vector<16xf32>
      %mul3A_2323 = arith.mulf %gather3A_2321, %mul3A_2322 : vector<16xf32>
      %add3A_2324 = arith.addf %add3A_2249, %mul3A_2323 : vector<16xf32>
      %gather3A_2325 = tpu.vector_load_idx %arg13[%add3A_88, %broadcast_in_dim3A_2314] : memref<256x128xf32, #tpu.memory_space<vmem>>[vector<16xi32>, vector<16xi32>], vector<16xf32>,
      %mul3A_2326 = vector.broadcast %squeeze3A_2316 : f32 to vector<16xf32>
      %mul3A_2327 = arith.mulf %gather3A_2325, %mul3A_2326 : vector<16xf32>
      %add3A_2328 = arith.addf %add3A_2253, %mul3A_2327 : vector<16xf32>
      %gather3A_2329 = tpu.vector_load_idx %arg13[%add3A_91, %broadcast_in_dim3A_2314] : memref<256x128xf32, #tpu.memory_space<vmem>>[vector<16xi32>, vector<16xi32>], vector<16xf32>,
      %mul3A_2330 = vector.broadcast %squeeze3A_2316 : f32 to vector<16xf32>
      %mul3A_2331 = arith.mulf %gather3A_2329, %mul3A_2330 : vector<16xf32>
      %add3A_2332 = arith.addf %add3A_2257, %mul3A_2331 : vector<16xf32>
      %slice3A_2333 = vector.extract_strided_slice %get3A_1550 {offsets = [10], sizes = [1], strides = [1]} : vector<16xf32> to vector<1xf32>
      %squeeze3A_2334 = vector.extract %slice3A_2333[0] : f32 from vector<1xf32>
      %gather3A_2335 = tpu.vector_load_idx %arg13[%add3A_94, %broadcast_in_dim3A_2314] : memref<256x128xf32, #tpu.memory_space<vmem>>[vector<16xi32>, vector<16xi32>], vector<16xf32>,
      %mul3A_2336 = vector.broadcast %squeeze3A_2334 : f32 to vector<16xf32>
      %mul3A_2337 = arith.mulf %gather3A_2335, %mul3A_2336 : vector<16xf32>
      %add3A_2338 = arith.addf %add3A_2263, %mul3A_2337 : vector<16xf32>
      %gather3A_2339 = tpu.vector_load_idx %arg13[%add3A_97, %broadcast_in_dim3A_2314] : memref<256x128xf32, #tpu.memory_space<vmem>>[vector<16xi32>, vector<16xi32>], vector<16xf32>,
      %mul3A_2340 = vector.broadcast %squeeze3A_2334 : f32 to vector<16xf32>
      %mul3A_2341 = arith.mulf %gather3A_2339, %mul3A_2340 : vector<16xf32>
      %add3A_2342 = arith.addf %add3A_2267, %mul3A_2341 : vector<16xf32>
      %gather3A_2343 = tpu.vector_load_idx %arg13[%add3A_100, %broadcast_in_dim3A_2314] : memref<256x128xf32, #tpu.memory_space<vmem>>[vector<16xi32>, vector<16xi32>], vector<16xf32>,
      %mul3A_2344 = vector.broadcast %squeeze3A_2334 : f32 to vector<16xf32>
      %mul3A_2345 = arith.mulf %gather3A_2343, %mul3A_2344 : vector<16xf32>
      %add3A_2346 = arith.addf %add3A_2271, %mul3A_2345 : vector<16xf32>
      %gather3A_2347 = tpu.vector_load_idx %arg13[%add3A_103, %broadcast_in_dim3A_2314] : memref<256x128xf32, #tpu.memory_space<vmem>>[vector<16xi32>, vector<16xi32>], vector<16xf32>,
      %mul3A_2348 = vector.broadcast %squeeze3A_2334 : f32 to vector<16xf32>
      %mul3A_2349 = arith.mulf %gather3A_2347, %mul3A_2348 : vector<16xf32>
      %add3A_2350 = arith.addf %add3A_2275, %mul3A_2349 : vector<16xf32>
      %slice3A_2351 = vector.extract_strided_slice %get3A_1557 {offsets = [10], sizes = [1], strides = [1]} : vector<16xf32> to vector<1xf32>
      %squeeze3A_2352 = vector.extract %slice3A_2351[0] : f32 from vector<1xf32>
      %gather3A_2353 = tpu.vector_load_idx %arg13[%add3A_106, %broadcast_in_dim3A_2314] : memref<256x128xf32, #tpu.memory_space<vmem>>[vector<16xi32>, vector<16xi32>], vector<16xf32>,
      %mul3A_2354 = vector.broadcast %squeeze3A_2352 : f32 to vector<16xf32>
      %mul3A_2355 = arith.mulf %gather3A_2353, %mul3A_2354 : vector<16xf32>
      %add3A_2356 = arith.addf %add3A_2281, %mul3A_2355 : vector<16xf32>
      %gather3A_2357 = tpu.vector_load_idx %arg13[%add3A_109, %broadcast_in_dim3A_2314] : memref<256x128xf32, #tpu.memory_space<vmem>>[vector<16xi32>, vector<16xi32>], vector<16xf32>,
      %mul3A_2358 = vector.broadcast %squeeze3A_2352 : f32 to vector<16xf32>
      %mul3A_2359 = arith.mulf %gather3A_2357, %mul3A_2358 : vector<16xf32>
      %add3A_2360 = arith.addf %add3A_2285, %mul3A_2359 : vector<16xf32>
      %gather3A_2361 = tpu.vector_load_idx %arg13[%add3A_112, %broadcast_in_dim3A_2314] : memref<256x128xf32, #tpu.memory_space<vmem>>[vector<16xi32>, vector<16xi32>], vector<16xf32>,
      %mul3A_2362 = vector.broadcast %squeeze3A_2352 : f32 to vector<16xf32>
      %mul3A_2363 = arith.mulf %gather3A_2361, %mul3A_2362 : vector<16xf32>
      %add3A_2364 = arith.addf %add3A_2289, %mul3A_2363 : vector<16xf32>
      %gather3A_2365 = tpu.vector_load_idx %arg13[%add3A_115, %broadcast_in_dim3A_2314] : memref<256x128xf32, #tpu.memory_space<vmem>>[vector<16xi32>, vector<16xi32>], vector<16xf32>,
      %mul3A_2366 = vector.broadcast %squeeze3A_2352 : f32 to vector<16xf32>
      %mul3A_2367 = arith.mulf %gather3A_2365, %mul3A_2366 : vector<16xf32>
      %add3A_2368 = arith.addf %add3A_2293, %mul3A_2367 : vector<16xf32>
      %slice3A_2369 = vector.extract_strided_slice %get3A_1564 {offsets = [10], sizes = [1], strides = [1]} : vector<16xf32> to vector<1xf32>
      %squeeze3A_2370 = vector.extract %slice3A_2369[0] : f32 from vector<1xf32>
      %gather3A_2371 = tpu.vector_load_idx %arg13[%add3A_118, %broadcast_in_dim3A_2314] : memref<256x128xf32, #tpu.memory_space<vmem>>[vector<16xi32>, vector<16xi32>], vector<16xf32>,
      %mul3A_2372 = vector.broadcast %squeeze3A_2370 : f32 to vector<16xf32>
      %mul3A_2373 = arith.mulf %gather3A_2371, %mul3A_2372 : vector<16xf32>
      %add3A_2374 = arith.addf %add3A_2299, %mul3A_2373 : vector<16xf32>
      %gather3A_2375 = tpu.vector_load_idx %arg13[%add3A_121, %broadcast_in_dim3A_2314] : memref<256x128xf32, #tpu.memory_space<vmem>>[vector<16xi32>, vector<16xi32>], vector<16xf32>,
      %mul3A_2376 = vector.broadcast %squeeze3A_2370 : f32 to vector<16xf32>
      %mul3A_2377 = arith.mulf %gather3A_2375, %mul3A_2376 : vector<16xf32>
      %add3A_2378 = arith.addf %add3A_2303, %mul3A_2377 : vector<16xf32>
      %gather3A_2379 = tpu.vector_load_idx %arg13[%add3A_124, %broadcast_in_dim3A_2314] : memref<256x128xf32, #tpu.memory_space<vmem>>[vector<16xi32>, vector<16xi32>], vector<16xf32>,
      %mul3A_2380 = vector.broadcast %squeeze3A_2370 : f32 to vector<16xf32>
      %mul3A_2381 = arith.mulf %gather3A_2379, %mul3A_2380 : vector<16xf32>
      %add3A_2382 = arith.addf %add3A_2307, %mul3A_2381 : vector<16xf32>
      %gather3A_2383 = tpu.vector_load_idx %arg13[%add3A_127, %broadcast_in_dim3A_2314] : memref<256x128xf32, #tpu.memory_space<vmem>>[vector<16xi32>, vector<16xi32>], vector<16xf32>,
      %mul3A_2384 = vector.broadcast %squeeze3A_2370 : f32 to vector<16xf32>
      %mul3A_2385 = arith.mulf %gather3A_2383, %mul3A_2384 : vector<16xf32>
      %add3A_2386 = arith.addf %add3A_2311, %mul3A_2385 : vector<16xf32>
      %add3A_2387 = arith.constant 11 : i32
      %add3A_2388 = arith.addi %mul3A_1536, %add3A_2387 : i32
      %broadcast_in_dim3A_2389 = vector.broadcast %add3A_2388 : i32 to vector<16xi32>
      %slice3A_2390 = vector.extract_strided_slice %get3A_1543 {offsets = [11], sizes = [1], strides = [1]} : vector<16xf32> to vector<1xf32>
      %squeeze3A_2391 = vector.extract %slice3A_2390[0] : f32 from vector<1xf32>
      %gather3A_2392 = tpu.vector_load_idx %arg13[%add3A_82, %broadcast_in_dim3A_2389] : memref<256x128xf32, #tpu.memory_space<vmem>>[vector<16xi32>, vector<16xi32>], vector<16xf32>,
      %mul3A_2393 = vector.broadcast %squeeze3A_2391 : f32 to vector<16xf32>
      %mul3A_2394 = arith.mulf %gather3A_2392, %mul3A_2393 : vector<16xf32>
      %add3A_2395 = arith.addf %add3A_2320, %mul3A_2394 : vector<16xf32>
      %gather3A_2396 = tpu.vector_load_idx %arg13[%add3A_85, %broadcast_in_dim3A_2389] : memref<256x128xf32, #tpu.memory_space<vmem>>[vector<16xi32>, vector<16xi32>], vector<16xf32>,
      %mul3A_2397 = vector.broadcast %squeeze3A_2391 : f32 to vector<16xf32>
      %mul3A_2398 = arith.mulf %gather3A_2396, %mul3A_2397 : vector<16xf32>
      %add3A_2399 = arith.addf %add3A_2324, %mul3A_2398 : vector<16xf32>
      %gather3A_2400 = tpu.vector_load_idx %arg13[%add3A_88, %broadcast_in_dim3A_2389] : memref<256x128xf32, #tpu.memory_space<vmem>>[vector<16xi32>, vector<16xi32>], vector<16xf32>,
      %mul3A_2401 = vector.broadcast %squeeze3A_2391 : f32 to vector<16xf32>
      %mul3A_2402 = arith.mulf %gather3A_2400, %mul3A_2401 : vector<16xf32>
      %add3A_2403 = arith.addf %add3A_2328, %mul3A_2402 : vector<16xf32>
      %gather3A_2404 = tpu.vector_load_idx %arg13[%add3A_91, %broadcast_in_dim3A_2389] : memref<256x128xf32, #tpu.memory_space<vmem>>[vector<16xi32>, vector<16xi32>], vector<16xf32>,
      %mul3A_2405 = vector.broadcast %squeeze3A_2391 : f32 to vector<16xf32>
      %mul3A_2406 = arith.mulf %gather3A_2404, %mul3A_2405 : vector<16xf32>
      %add3A_2407 = arith.addf %add3A_2332, %mul3A_2406 : vector<16xf32>
      %slice3A_2408 = vector.extract_strided_slice %get3A_1550 {offsets = [11], sizes = [1], strides = [1]} : vector<16xf32> to vector<1xf32>
      %squeeze3A_2409 = vector.extract %slice3A_2408[0] : f32 from vector<1xf32>
      %gather3A_2410 = tpu.vector_load_idx %arg13[%add3A_94, %broadcast_in_dim3A_2389] : memref<256x128xf32, #tpu.memory_space<vmem>>[vector<16xi32>, vector<16xi32>], vector<16xf32>,
      %mul3A_2411 = vector.broadcast %squeeze3A_2409 : f32 to vector<16xf32>
      %mul3A_2412 = arith.mulf %gather3A_2410, %mul3A_2411 : vector<16xf32>
      %add3A_2413 = arith.addf %add3A_2338, %mul3A_2412 : vector<16xf32>
      %gather3A_2414 = tpu.vector_load_idx %arg13[%add3A_97, %broadcast_in_dim3A_2389] : memref<256x128xf32, #tpu.memory_space<vmem>>[vector<16xi32>, vector<16xi32>], vector<16xf32>,
      %mul3A_2415 = vector.broadcast %squeeze3A_2409 : f32 to vector<16xf32>
      %mul3A_2416 = arith.mulf %gather3A_2414, %mul3A_2415 : vector<16xf32>
      %add3A_2417 = arith.addf %add3A_2342, %mul3A_2416 : vector<16xf32>
      %gather3A_2418 = tpu.vector_load_idx %arg13[%add3A_100, %broadcast_in_dim3A_2389] : memref<256x128xf32, #tpu.memory_space<vmem>>[vector<16xi32>, vector<16xi32>], vector<16xf32>,
      %mul3A_2419 = vector.broadcast %squeeze3A_2409 : f32 to vector<16xf32>
      %mul3A_2420 = arith.mulf %gather3A_2418, %mul3A_2419 : vector<16xf32>
      %add3A_2421 = arith.addf %add3A_2346, %mul3A_2420 : vector<16xf32>
      %gather3A_2422 = tpu.vector_load_idx %arg13[%add3A_103, %broadcast_in_dim3A_2389] : memref<256x128xf32, #tpu.memory_space<vmem>>[vector<16xi32>, vector<16xi32>], vector<16xf32>,
      %mul3A_2423 = vector.broadcast %squeeze3A_2409 : f32 to vector<16xf32>
      %mul3A_2424 = arith.mulf %gather3A_2422, %mul3A_2423 : vector<16xf32>
      %add3A_2425 = arith.addf %add3A_2350, %mul3A_2424 : vector<16xf32>
      %slice3A_2426 = vector.extract_strided_slice %get3A_1557 {offsets = [11], sizes = [1], strides = [1]} : vector<16xf32> to vector<1xf32>
      %squeeze3A_2427 = vector.extract %slice3A_2426[0] : f32 from vector<1xf32>
      %gather3A_2428 = tpu.vector_load_idx %arg13[%add3A_106, %broadcast_in_dim3A_2389] : memref<256x128xf32, #tpu.memory_space<vmem>>[vector<16xi32>, vector<16xi32>], vector<16xf32>,
      %mul3A_2429 = vector.broadcast %squeeze3A_2427 : f32 to vector<16xf32>
      %mul3A_2430 = arith.mulf %gather3A_2428, %mul3A_2429 : vector<16xf32>
      %add3A_2431 = arith.addf %add3A_2356, %mul3A_2430 : vector<16xf32>
      %gather3A_2432 = tpu.vector_load_idx %arg13[%add3A_109, %broadcast_in_dim3A_2389] : memref<256x128xf32, #tpu.memory_space<vmem>>[vector<16xi32>, vector<16xi32>], vector<16xf32>,
      %mul3A_2433 = vector.broadcast %squeeze3A_2427 : f32 to vector<16xf32>
      %mul3A_2434 = arith.mulf %gather3A_2432, %mul3A_2433 : vector<16xf32>
      %add3A_2435 = arith.addf %add3A_2360, %mul3A_2434 : vector<16xf32>
      %gather3A_2436 = tpu.vector_load_idx %arg13[%add3A_112, %broadcast_in_dim3A_2389] : memref<256x128xf32, #tpu.memory_space<vmem>>[vector<16xi32>, vector<16xi32>], vector<16xf32>,
      %mul3A_2437 = vector.broadcast %squeeze3A_2427 : f32 to vector<16xf32>
      %mul3A_2438 = arith.mulf %gather3A_2436, %mul3A_2437 : vector<16xf32>
      %add3A_2439 = arith.addf %add3A_2364, %mul3A_2438 : vector<16xf32>
      %gather3A_2440 = tpu.vector_load_idx %arg13[%add3A_115, %broadcast_in_dim3A_2389] : memref<256x128xf32, #tpu.memory_space<vmem>>[vector<16xi32>, vector<16xi32>], vector<16xf32>,
      %mul3A_2441 = vector.broadcast %squeeze3A_2427 : f32 to vector<16xf32>
      %mul3A_2442 = arith.mulf %gather3A_2440, %mul3A_2441 : vector<16xf32>
      %add3A_2443 = arith.addf %add3A_2368, %mul3A_2442 : vector<16xf32>
      %slice3A_2444 = vector.extract_strided_slice %get3A_1564 {offsets = [11], sizes = [1], strides = [1]} : vector<16xf32> to vector<1xf32>
      %squeeze3A_2445 = vector.extract %slice3A_2444[0] : f32 from vector<1xf32>
      %gather3A_2446 = tpu.vector_load_idx %arg13[%add3A_118, %broadcast_in_dim3A_2389] : memref<256x128xf32, #tpu.memory_space<vmem>>[vector<16xi32>, vector<16xi32>], vector<16xf32>,
      %mul3A_2447 = vector.broadcast %squeeze3A_2445 : f32 to vector<16xf32>
      %mul3A_2448 = arith.mulf %gather3A_2446, %mul3A_2447 : vector<16xf32>
      %add3A_2449 = arith.addf %add3A_2374, %mul3A_2448 : vector<16xf32>
      %gather3A_2450 = tpu.vector_load_idx %arg13[%add3A_121, %broadcast_in_dim3A_2389] : memref<256x128xf32, #tpu.memory_space<vmem>>[vector<16xi32>, vector<16xi32>], vector<16xf32>,
      %mul3A_2451 = vector.broadcast %squeeze3A_2445 : f32 to vector<16xf32>
      %mul3A_2452 = arith.mulf %gather3A_2450, %mul3A_2451 : vector<16xf32>
      %add3A_2453 = arith.addf %add3A_2378, %mul3A_2452 : vector<16xf32>
      %gather3A_2454 = tpu.vector_load_idx %arg13[%add3A_124, %broadcast_in_dim3A_2389] : memref<256x128xf32, #tpu.memory_space<vmem>>[vector<16xi32>, vector<16xi32>], vector<16xf32>,
      %mul3A_2455 = vector.broadcast %squeeze3A_2445 : f32 to vector<16xf32>
      %mul3A_2456 = arith.mulf %gather3A_2454, %mul3A_2455 : vector<16xf32>
      %add3A_2457 = arith.addf %add3A_2382, %mul3A_2456 : vector<16xf32>
      %gather3A_2458 = tpu.vector_load_idx %arg13[%add3A_127, %broadcast_in_dim3A_2389] : memref<256x128xf32, #tpu.memory_space<vmem>>[vector<16xi32>, vector<16xi32>], vector<16xf32>,
      %mul3A_2459 = vector.broadcast %squeeze3A_2445 : f32 to vector<16xf32>
      %mul3A_2460 = arith.mulf %gather3A_2458, %mul3A_2459 : vector<16xf32>
      %add3A_2461 = arith.addf %add3A_2386, %mul3A_2460 : vector<16xf32>
      %add3A_2462 = arith.constant 12 : i32
      %add3A_2463 = arith.addi %mul3A_1536, %add3A_2462 : i32
      %broadcast_in_dim3A_2464 = vector.broadcast %add3A_2463 : i32 to vector<16xi32>
      %slice3A_2465 = vector.extract_strided_slice %get3A_1543 {offsets = [12], sizes = [1], strides = [1]} : vector<16xf32> to vector<1xf32>
      %squeeze3A_2466 = vector.extract %slice3A_2465[0] : f32 from vector<1xf32>
      %gather3A_2467 = tpu.vector_load_idx %arg13[%add3A_82, %broadcast_in_dim3A_2464] : memref<256x128xf32, #tpu.memory_space<vmem>>[vector<16xi32>, vector<16xi32>], vector<16xf32>,
      %mul3A_2468 = vector.broadcast %squeeze3A_2466 : f32 to vector<16xf32>
      %mul3A_2469 = arith.mulf %gather3A_2467, %mul3A_2468 : vector<16xf32>
      %add3A_2470 = arith.addf %add3A_2395, %mul3A_2469 : vector<16xf32>
      %gather3A_2471 = tpu.vector_load_idx %arg13[%add3A_85, %broadcast_in_dim3A_2464] : memref<256x128xf32, #tpu.memory_space<vmem>>[vector<16xi32>, vector<16xi32>], vector<16xf32>,
      %mul3A_2472 = vector.broadcast %squeeze3A_2466 : f32 to vector<16xf32>
      %mul3A_2473 = arith.mulf %gather3A_2471, %mul3A_2472 : vector<16xf32>
      %add3A_2474 = arith.addf %add3A_2399, %mul3A_2473 : vector<16xf32>
      %gather3A_2475 = tpu.vector_load_idx %arg13[%add3A_88, %broadcast_in_dim3A_2464] : memref<256x128xf32, #tpu.memory_space<vmem>>[vector<16xi32>, vector<16xi32>], vector<16xf32>,
      %mul3A_2476 = vector.broadcast %squeeze3A_2466 : f32 to vector<16xf32>
      %mul3A_2477 = arith.mulf %gather3A_2475, %mul3A_2476 : vector<16xf32>
      %add3A_2478 = arith.addf %add3A_2403, %mul3A_2477 : vector<16xf32>
      %gather3A_2479 = tpu.vector_load_idx %arg13[%add3A_91, %broadcast_in_dim3A_2464] : memref<256x128xf32, #tpu.memory_space<vmem>>[vector<16xi32>, vector<16xi32>], vector<16xf32>,
      %mul3A_2480 = vector.broadcast %squeeze3A_2466 : f32 to vector<16xf32>
      %mul3A_2481 = arith.mulf %gather3A_2479, %mul3A_2480 : vector<16xf32>
      %add3A_2482 = arith.addf %add3A_2407, %mul3A_2481 : vector<16xf32>
      %slice3A_2483 = vector.extract_strided_slice %get3A_1550 {offsets = [12], sizes = [1], strides = [1]} : vector<16xf32> to vector<1xf32>
      %squeeze3A_2484 = vector.extract %slice3A_2483[0] : f32 from vector<1xf32>
      %gather3A_2485 = tpu.vector_load_idx %arg13[%add3A_94, %broadcast_in_dim3A_2464] : memref<256x128xf32, #tpu.memory_space<vmem>>[vector<16xi32>, vector<16xi32>], vector<16xf32>,
      %mul3A_2486 = vector.broadcast %squeeze3A_2484 : f32 to vector<16xf32>
      %mul3A_2487 = arith.mulf %gather3A_2485, %mul3A_2486 : vector<16xf32>
      %add3A_2488 = arith.addf %add3A_2413, %mul3A_2487 : vector<16xf32>
      %gather3A_2489 = tpu.vector_load_idx %arg13[%add3A_97, %broadcast_in_dim3A_2464] : memref<256x128xf32, #tpu.memory_space<vmem>>[vector<16xi32>, vector<16xi32>], vector<16xf32>,
      %mul3A_2490 = vector.broadcast %squeeze3A_2484 : f32 to vector<16xf32>
      %mul3A_2491 = arith.mulf %gather3A_2489, %mul3A_2490 : vector<16xf32>
      %add3A_2492 = arith.addf %add3A_2417, %mul3A_2491 : vector<16xf32>
      %gather3A_2493 = tpu.vector_load_idx %arg13[%add3A_100, %broadcast_in_dim3A_2464] : memref<256x128xf32, #tpu.memory_space<vmem>>[vector<16xi32>, vector<16xi32>], vector<16xf32>,
      %mul3A_2494 = vector.broadcast %squeeze3A_2484 : f32 to vector<16xf32>
      %mul3A_2495 = arith.mulf %gather3A_2493, %mul3A_2494 : vector<16xf32>
      %add3A_2496 = arith.addf %add3A_2421, %mul3A_2495 : vector<16xf32>
      %gather3A_2497 = tpu.vector_load_idx %arg13[%add3A_103, %broadcast_in_dim3A_2464] : memref<256x128xf32, #tpu.memory_space<vmem>>[vector<16xi32>, vector<16xi32>], vector<16xf32>,
      %mul3A_2498 = vector.broadcast %squeeze3A_2484 : f32 to vector<16xf32>
      %mul3A_2499 = arith.mulf %gather3A_2497, %mul3A_2498 : vector<16xf32>
      %add3A_2500 = arith.addf %add3A_2425, %mul3A_2499 : vector<16xf32>
      %slice3A_2501 = vector.extract_strided_slice %get3A_1557 {offsets = [12], sizes = [1], strides = [1]} : vector<16xf32> to vector<1xf32>
      %squeeze3A_2502 = vector.extract %slice3A_2501[0] : f32 from vector<1xf32>
      %gather3A_2503 = tpu.vector_load_idx %arg13[%add3A_106, %broadcast_in_dim3A_2464] : memref<256x128xf32, #tpu.memory_space<vmem>>[vector<16xi32>, vector<16xi32>], vector<16xf32>,
      %mul3A_2504 = vector.broadcast %squeeze3A_2502 : f32 to vector<16xf32>
      %mul3A_2505 = arith.mulf %gather3A_2503, %mul3A_2504 : vector<16xf32>
      %add3A_2506 = arith.addf %add3A_2431, %mul3A_2505 : vector<16xf32>
      %gather3A_2507 = tpu.vector_load_idx %arg13[%add3A_109, %broadcast_in_dim3A_2464] : memref<256x128xf32, #tpu.memory_space<vmem>>[vector<16xi32>, vector<16xi32>], vector<16xf32>,
      %mul3A_2508 = vector.broadcast %squeeze3A_2502 : f32 to vector<16xf32>
      %mul3A_2509 = arith.mulf %gather3A_2507, %mul3A_2508 : vector<16xf32>
      %add3A_2510 = arith.addf %add3A_2435, %mul3A_2509 : vector<16xf32>
      %gather3A_2511 = tpu.vector_load_idx %arg13[%add3A_112, %broadcast_in_dim3A_2464] : memref<256x128xf32, #tpu.memory_space<vmem>>[vector<16xi32>, vector<16xi32>], vector<16xf32>,
      %mul3A_2512 = vector.broadcast %squeeze3A_2502 : f32 to vector<16xf32>
      %mul3A_2513 = arith.mulf %gather3A_2511, %mul3A_2512 : vector<16xf32>
      %add3A_2514 = arith.addf %add3A_2439, %mul3A_2513 : vector<16xf32>
      %gather3A_2515 = tpu.vector_load_idx %arg13[%add3A_115, %broadcast_in_dim3A_2464] : memref<256x128xf32, #tpu.memory_space<vmem>>[vector<16xi32>, vector<16xi32>], vector<16xf32>,
      %mul3A_2516 = vector.broadcast %squeeze3A_2502 : f32 to vector<16xf32>
      %mul3A_2517 = arith.mulf %gather3A_2515, %mul3A_2516 : vector<16xf32>
      %add3A_2518 = arith.addf %add3A_2443, %mul3A_2517 : vector<16xf32>
      %slice3A_2519 = vector.extract_strided_slice %get3A_1564 {offsets = [12], sizes = [1], strides = [1]} : vector<16xf32> to vector<1xf32>
      %squeeze3A_2520 = vector.extract %slice3A_2519[0] : f32 from vector<1xf32>
      %gather3A_2521 = tpu.vector_load_idx %arg13[%add3A_118, %broadcast_in_dim3A_2464] : memref<256x128xf32, #tpu.memory_space<vmem>>[vector<16xi32>, vector<16xi32>], vector<16xf32>,
      %mul3A_2522 = vector.broadcast %squeeze3A_2520 : f32 to vector<16xf32>
      %mul3A_2523 = arith.mulf %gather3A_2521, %mul3A_2522 : vector<16xf32>
      %add3A_2524 = arith.addf %add3A_2449, %mul3A_2523 : vector<16xf32>
      %gather3A_2525 = tpu.vector_load_idx %arg13[%add3A_121, %broadcast_in_dim3A_2464] : memref<256x128xf32, #tpu.memory_space<vmem>>[vector<16xi32>, vector<16xi32>], vector<16xf32>,
      %mul3A_2526 = vector.broadcast %squeeze3A_2520 : f32 to vector<16xf32>
      %mul3A_2527 = arith.mulf %gather3A_2525, %mul3A_2526 : vector<16xf32>
      %add3A_2528 = arith.addf %add3A_2453, %mul3A_2527 : vector<16xf32>
      %gather3A_2529 = tpu.vector_load_idx %arg13[%add3A_124, %broadcast_in_dim3A_2464] : memref<256x128xf32, #tpu.memory_space<vmem>>[vector<16xi32>, vector<16xi32>], vector<16xf32>,
      %mul3A_2530 = vector.broadcast %squeeze3A_2520 : f32 to vector<16xf32>
      %mul3A_2531 = arith.mulf %gather3A_2529, %mul3A_2530 : vector<16xf32>
      %add3A_2532 = arith.addf %add3A_2457, %mul3A_2531 : vector<16xf32>
      %gather3A_2533 = tpu.vector_load_idx %arg13[%add3A_127, %broadcast_in_dim3A_2464] : memref<256x128xf32, #tpu.memory_space<vmem>>[vector<16xi32>, vector<16xi32>], vector<16xf32>,
      %mul3A_2534 = vector.broadcast %squeeze3A_2520 : f32 to vector<16xf32>
      %mul3A_2535 = arith.mulf %gather3A_2533, %mul3A_2534 : vector<16xf32>
      %add3A_2536 = arith.addf %add3A_2461, %mul3A_2535 : vector<16xf32>
      %add3A_2537 = arith.constant 13 : i32
      %add3A_2538 = arith.addi %mul3A_1536, %add3A_2537 : i32
      %broadcast_in_dim3A_2539 = vector.broadcast %add3A_2538 : i32 to vector<16xi32>
      %slice3A_2540 = vector.extract_strided_slice %get3A_1543 {offsets = [13], sizes = [1], strides = [1]} : vector<16xf32> to vector<1xf32>
      %squeeze3A_2541 = vector.extract %slice3A_2540[0] : f32 from vector<1xf32>
      %gather3A_2542 = tpu.vector_load_idx %arg13[%add3A_82, %broadcast_in_dim3A_2539] : memref<256x128xf32, #tpu.memory_space<vmem>>[vector<16xi32>, vector<16xi32>], vector<16xf32>,
      %mul3A_2543 = vector.broadcast %squeeze3A_2541 : f32 to vector<16xf32>
      %mul3A_2544 = arith.mulf %gather3A_2542, %mul3A_2543 : vector<16xf32>
      %add3A_2545 = arith.addf %add3A_2470, %mul3A_2544 : vector<16xf32>
      %gather3A_2546 = tpu.vector_load_idx %arg13[%add3A_85, %broadcast_in_dim3A_2539] : memref<256x128xf32, #tpu.memory_space<vmem>>[vector<16xi32>, vector<16xi32>], vector<16xf32>,
      %mul3A_2547 = vector.broadcast %squeeze3A_2541 : f32 to vector<16xf32>
      %mul3A_2548 = arith.mulf %gather3A_2546, %mul3A_2547 : vector<16xf32>
      %add3A_2549 = arith.addf %add3A_2474, %mul3A_2548 : vector<16xf32>
      %gather3A_2550 = tpu.vector_load_idx %arg13[%add3A_88, %broadcast_in_dim3A_2539] : memref<256x128xf32, #tpu.memory_space<vmem>>[vector<16xi32>, vector<16xi32>], vector<16xf32>,
      %mul3A_2551 = vector.broadcast %squeeze3A_2541 : f32 to vector<16xf32>
      %mul3A_2552 = arith.mulf %gather3A_2550, %mul3A_2551 : vector<16xf32>
      %add3A_2553 = arith.addf %add3A_2478, %mul3A_2552 : vector<16xf32>
      %gather3A_2554 = tpu.vector_load_idx %arg13[%add3A_91, %broadcast_in_dim3A_2539] : memref<256x128xf32, #tpu.memory_space<vmem>>[vector<16xi32>, vector<16xi32>], vector<16xf32>,
      %mul3A_2555 = vector.broadcast %squeeze3A_2541 : f32 to vector<16xf32>
      %mul3A_2556 = arith.mulf %gather3A_2554, %mul3A_2555 : vector<16xf32>
      %add3A_2557 = arith.addf %add3A_2482, %mul3A_2556 : vector<16xf32>
      %slice3A_2558 = vector.extract_strided_slice %get3A_1550 {offsets = [13], sizes = [1], strides = [1]} : vector<16xf32> to vector<1xf32>
      %squeeze3A_2559 = vector.extract %slice3A_2558[0] : f32 from vector<1xf32>
      %gather3A_2560 = tpu.vector_load_idx %arg13[%add3A_94, %broadcast_in_dim3A_2539] : memref<256x128xf32, #tpu.memory_space<vmem>>[vector<16xi32>, vector<16xi32>], vector<16xf32>,
      %mul3A_2561 = vector.broadcast %squeeze3A_2559 : f32 to vector<16xf32>
      %mul3A_2562 = arith.mulf %gather3A_2560, %mul3A_2561 : vector<16xf32>
      %add3A_2563 = arith.addf %add3A_2488, %mul3A_2562 : vector<16xf32>
      %gather3A_2564 = tpu.vector_load_idx %arg13[%add3A_97, %broadcast_in_dim3A_2539] : memref<256x128xf32, #tpu.memory_space<vmem>>[vector<16xi32>, vector<16xi32>], vector<16xf32>,
      %mul3A_2565 = vector.broadcast %squeeze3A_2559 : f32 to vector<16xf32>
      %mul3A_2566 = arith.mulf %gather3A_2564, %mul3A_2565 : vector<16xf32>
      %add3A_2567 = arith.addf %add3A_2492, %mul3A_2566 : vector<16xf32>
      %gather3A_2568 = tpu.vector_load_idx %arg13[%add3A_100, %broadcast_in_dim3A_2539] : memref<256x128xf32, #tpu.memory_space<vmem>>[vector<16xi32>, vector<16xi32>], vector<16xf32>,
      %mul3A_2569 = vector.broadcast %squeeze3A_2559 : f32 to vector<16xf32>
      %mul3A_2570 = arith.mulf %gather3A_2568, %mul3A_2569 : vector<16xf32>
      %add3A_2571 = arith.addf %add3A_2496, %mul3A_2570 : vector<16xf32>
      %gather3A_2572 = tpu.vector_load_idx %arg13[%add3A_103, %broadcast_in_dim3A_2539] : memref<256x128xf32, #tpu.memory_space<vmem>>[vector<16xi32>, vector<16xi32>], vector<16xf32>,
      %mul3A_2573 = vector.broadcast %squeeze3A_2559 : f32 to vector<16xf32>
      %mul3A_2574 = arith.mulf %gather3A_2572, %mul3A_2573 : vector<16xf32>
      %add3A_2575 = arith.addf %add3A_2500, %mul3A_2574 : vector<16xf32>
      %slice3A_2576 = vector.extract_strided_slice %get3A_1557 {offsets = [13], sizes = [1], strides = [1]} : vector<16xf32> to vector<1xf32>
      %squeeze3A_2577 = vector.extract %slice3A_2576[0] : f32 from vector<1xf32>
      %gather3A_2578 = tpu.vector_load_idx %arg13[%add3A_106, %broadcast_in_dim3A_2539] : memref<256x128xf32, #tpu.memory_space<vmem>>[vector<16xi32>, vector<16xi32>], vector<16xf32>,
      %mul3A_2579 = vector.broadcast %squeeze3A_2577 : f32 to vector<16xf32>
      %mul3A_2580 = arith.mulf %gather3A_2578, %mul3A_2579 : vector<16xf32>
      %add3A_2581 = arith.addf %add3A_2506, %mul3A_2580 : vector<16xf32>
      %gather3A_2582 = tpu.vector_load_idx %arg13[%add3A_109, %broadcast_in_dim3A_2539] : memref<256x128xf32, #tpu.memory_space<vmem>>[vector<16xi32>, vector<16xi32>], vector<16xf32>,
      %mul3A_2583 = vector.broadcast %squeeze3A_2577 : f32 to vector<16xf32>
      %mul3A_2584 = arith.mulf %gather3A_2582, %mul3A_2583 : vector<16xf32>
      %add3A_2585 = arith.addf %add3A_2510, %mul3A_2584 : vector<16xf32>
      %gather3A_2586 = tpu.vector_load_idx %arg13[%add3A_112, %broadcast_in_dim3A_2539] : memref<256x128xf32, #tpu.memory_space<vmem>>[vector<16xi32>, vector<16xi32>], vector<16xf32>,
      %mul3A_2587 = vector.broadcast %squeeze3A_2577 : f32 to vector<16xf32>
      %mul3A_2588 = arith.mulf %gather3A_2586, %mul3A_2587 : vector<16xf32>
      %add3A_2589 = arith.addf %add3A_2514, %mul3A_2588 : vector<16xf32>
      %gather3A_2590 = tpu.vector_load_idx %arg13[%add3A_115, %broadcast_in_dim3A_2539] : memref<256x128xf32, #tpu.memory_space<vmem>>[vector<16xi32>, vector<16xi32>], vector<16xf32>,
      %mul3A_2591 = vector.broadcast %squeeze3A_2577 : f32 to vector<16xf32>
      %mul3A_2592 = arith.mulf %gather3A_2590, %mul3A_2591 : vector<16xf32>
      %add3A_2593 = arith.addf %add3A_2518, %mul3A_2592 : vector<16xf32>
      %slice3A_2594 = vector.extract_strided_slice %get3A_1564 {offsets = [13], sizes = [1], strides = [1]} : vector<16xf32> to vector<1xf32>
      %squeeze3A_2595 = vector.extract %slice3A_2594[0] : f32 from vector<1xf32>
      %gather3A_2596 = tpu.vector_load_idx %arg13[%add3A_118, %broadcast_in_dim3A_2539] : memref<256x128xf32, #tpu.memory_space<vmem>>[vector<16xi32>, vector<16xi32>], vector<16xf32>,
      %mul3A_2597 = vector.broadcast %squeeze3A_2595 : f32 to vector<16xf32>
      %mul3A_2598 = arith.mulf %gather3A_2596, %mul3A_2597 : vector<16xf32>
      %add3A_2599 = arith.addf %add3A_2524, %mul3A_2598 : vector<16xf32>
      %gather3A_2600 = tpu.vector_load_idx %arg13[%add3A_121, %broadcast_in_dim3A_2539] : memref<256x128xf32, #tpu.memory_space<vmem>>[vector<16xi32>, vector<16xi32>], vector<16xf32>,
      %mul3A_2601 = vector.broadcast %squeeze3A_2595 : f32 to vector<16xf32>
      %mul3A_2602 = arith.mulf %gather3A_2600, %mul3A_2601 : vector<16xf32>
      %add3A_2603 = arith.addf %add3A_2528, %mul3A_2602 : vector<16xf32>
      %gather3A_2604 = tpu.vector_load_idx %arg13[%add3A_124, %broadcast_in_dim3A_2539] : memref<256x128xf32, #tpu.memory_space<vmem>>[vector<16xi32>, vector<16xi32>], vector<16xf32>,
      %mul3A_2605 = vector.broadcast %squeeze3A_2595 : f32 to vector<16xf32>
      %mul3A_2606 = arith.mulf %gather3A_2604, %mul3A_2605 : vector<16xf32>
      %add3A_2607 = arith.addf %add3A_2532, %mul3A_2606 : vector<16xf32>
      %gather3A_2608 = tpu.vector_load_idx %arg13[%add3A_127, %broadcast_in_dim3A_2539] : memref<256x128xf32, #tpu.memory_space<vmem>>[vector<16xi32>, vector<16xi32>], vector<16xf32>,
      %mul3A_2609 = vector.broadcast %squeeze3A_2595 : f32 to vector<16xf32>
      %mul3A_2610 = arith.mulf %gather3A_2608, %mul3A_2609 : vector<16xf32>
      %add3A_2611 = arith.addf %add3A_2536, %mul3A_2610 : vector<16xf32>
      %add3A_2612 = arith.constant 14 : i32
      %add3A_2613 = arith.addi %mul3A_1536, %add3A_2612 : i32
      %broadcast_in_dim3A_2614 = vector.broadcast %add3A_2613 : i32 to vector<16xi32>
      %slice3A_2615 = vector.extract_strided_slice %get3A_1543 {offsets = [14], sizes = [1], strides = [1]} : vector<16xf32> to vector<1xf32>
      %squeeze3A_2616 = vector.extract %slice3A_2615[0] : f32 from vector<1xf32>
      %gather3A_2617 = tpu.vector_load_idx %arg13[%add3A_82, %broadcast_in_dim3A_2614] : memref<256x128xf32, #tpu.memory_space<vmem>>[vector<16xi32>, vector<16xi32>], vector<16xf32>,
      %mul3A_2618 = vector.broadcast %squeeze3A_2616 : f32 to vector<16xf32>
      %mul3A_2619 = arith.mulf %gather3A_2617, %mul3A_2618 : vector<16xf32>
      %add3A_2620 = arith.addf %add3A_2545, %mul3A_2619 : vector<16xf32>
      %gather3A_2621 = tpu.vector_load_idx %arg13[%add3A_85, %broadcast_in_dim3A_2614] : memref<256x128xf32, #tpu.memory_space<vmem>>[vector<16xi32>, vector<16xi32>], vector<16xf32>,
      %mul3A_2622 = vector.broadcast %squeeze3A_2616 : f32 to vector<16xf32>
      %mul3A_2623 = arith.mulf %gather3A_2621, %mul3A_2622 : vector<16xf32>
      %add3A_2624 = arith.addf %add3A_2549, %mul3A_2623 : vector<16xf32>
      %gather3A_2625 = tpu.vector_load_idx %arg13[%add3A_88, %broadcast_in_dim3A_2614] : memref<256x128xf32, #tpu.memory_space<vmem>>[vector<16xi32>, vector<16xi32>], vector<16xf32>,
      %mul3A_2626 = vector.broadcast %squeeze3A_2616 : f32 to vector<16xf32>
      %mul3A_2627 = arith.mulf %gather3A_2625, %mul3A_2626 : vector<16xf32>
      %add3A_2628 = arith.addf %add3A_2553, %mul3A_2627 : vector<16xf32>
      %gather3A_2629 = tpu.vector_load_idx %arg13[%add3A_91, %broadcast_in_dim3A_2614] : memref<256x128xf32, #tpu.memory_space<vmem>>[vector<16xi32>, vector<16xi32>], vector<16xf32>,
      %mul3A_2630 = vector.broadcast %squeeze3A_2616 : f32 to vector<16xf32>
      %mul3A_2631 = arith.mulf %gather3A_2629, %mul3A_2630 : vector<16xf32>
      %add3A_2632 = arith.addf %add3A_2557, %mul3A_2631 : vector<16xf32>
      %slice3A_2633 = vector.extract_strided_slice %get3A_1550 {offsets = [14], sizes = [1], strides = [1]} : vector<16xf32> to vector<1xf32>
      %squeeze3A_2634 = vector.extract %slice3A_2633[0] : f32 from vector<1xf32>
      %gather3A_2635 = tpu.vector_load_idx %arg13[%add3A_94, %broadcast_in_dim3A_2614] : memref<256x128xf32, #tpu.memory_space<vmem>>[vector<16xi32>, vector<16xi32>], vector<16xf32>,
      %mul3A_2636 = vector.broadcast %squeeze3A_2634 : f32 to vector<16xf32>
      %mul3A_2637 = arith.mulf %gather3A_2635, %mul3A_2636 : vector<16xf32>
      %add3A_2638 = arith.addf %add3A_2563, %mul3A_2637 : vector<16xf32>
      %gather3A_2639 = tpu.vector_load_idx %arg13[%add3A_97, %broadcast_in_dim3A_2614] : memref<256x128xf32, #tpu.memory_space<vmem>>[vector<16xi32>, vector<16xi32>], vector<16xf32>,
      %mul3A_2640 = vector.broadcast %squeeze3A_2634 : f32 to vector<16xf32>
      %mul3A_2641 = arith.mulf %gather3A_2639, %mul3A_2640 : vector<16xf32>
      %add3A_2642 = arith.addf %add3A_2567, %mul3A_2641 : vector<16xf32>
      %gather3A_2643 = tpu.vector_load_idx %arg13[%add3A_100, %broadcast_in_dim3A_2614] : memref<256x128xf32, #tpu.memory_space<vmem>>[vector<16xi32>, vector<16xi32>], vector<16xf32>,
      %mul3A_2644 = vector.broadcast %squeeze3A_2634 : f32 to vector<16xf32>
      %mul3A_2645 = arith.mulf %gather3A_2643, %mul3A_2644 : vector<16xf32>
      %add3A_2646 = arith.addf %add3A_2571, %mul3A_2645 : vector<16xf32>
      %gather3A_2647 = tpu.vector_load_idx %arg13[%add3A_103, %broadcast_in_dim3A_2614] : memref<256x128xf32, #tpu.memory_space<vmem>>[vector<16xi32>, vector<16xi32>], vector<16xf32>,
      %mul3A_2648 = vector.broadcast %squeeze3A_2634 : f32 to vector<16xf32>
      %mul3A_2649 = arith.mulf %gather3A_2647, %mul3A_2648 : vector<16xf32>
      %add3A_2650 = arith.addf %add3A_2575, %mul3A_2649 : vector<16xf32>
      %slice3A_2651 = vector.extract_strided_slice %get3A_1557 {offsets = [14], sizes = [1], strides = [1]} : vector<16xf32> to vector<1xf32>
      %squeeze3A_2652 = vector.extract %slice3A_2651[0] : f32 from vector<1xf32>
      %gather3A_2653 = tpu.vector_load_idx %arg13[%add3A_106, %broadcast_in_dim3A_2614] : memref<256x128xf32, #tpu.memory_space<vmem>>[vector<16xi32>, vector<16xi32>], vector<16xf32>,
      %mul3A_2654 = vector.broadcast %squeeze3A_2652 : f32 to vector<16xf32>
      %mul3A_2655 = arith.mulf %gather3A_2653, %mul3A_2654 : vector<16xf32>
      %add3A_2656 = arith.addf %add3A_2581, %mul3A_2655 : vector<16xf32>
      %gather3A_2657 = tpu.vector_load_idx %arg13[%add3A_109, %broadcast_in_dim3A_2614] : memref<256x128xf32, #tpu.memory_space<vmem>>[vector<16xi32>, vector<16xi32>], vector<16xf32>,
      %mul3A_2658 = vector.broadcast %squeeze3A_2652 : f32 to vector<16xf32>
      %mul3A_2659 = arith.mulf %gather3A_2657, %mul3A_2658 : vector<16xf32>
      %add3A_2660 = arith.addf %add3A_2585, %mul3A_2659 : vector<16xf32>
      %gather3A_2661 = tpu.vector_load_idx %arg13[%add3A_112, %broadcast_in_dim3A_2614] : memref<256x128xf32, #tpu.memory_space<vmem>>[vector<16xi32>, vector<16xi32>], vector<16xf32>,
      %mul3A_2662 = vector.broadcast %squeeze3A_2652 : f32 to vector<16xf32>
      %mul3A_2663 = arith.mulf %gather3A_2661, %mul3A_2662 : vector<16xf32>
      %add3A_2664 = arith.addf %add3A_2589, %mul3A_2663 : vector<16xf32>
      %gather3A_2665 = tpu.vector_load_idx %arg13[%add3A_115, %broadcast_in_dim3A_2614] : memref<256x128xf32, #tpu.memory_space<vmem>>[vector<16xi32>, vector<16xi32>], vector<16xf32>,
      %mul3A_2666 = vector.broadcast %squeeze3A_2652 : f32 to vector<16xf32>
      %mul3A_2667 = arith.mulf %gather3A_2665, %mul3A_2666 : vector<16xf32>
      %add3A_2668 = arith.addf %add3A_2593, %mul3A_2667 : vector<16xf32>
      %slice3A_2669 = vector.extract_strided_slice %get3A_1564 {offsets = [14], sizes = [1], strides = [1]} : vector<16xf32> to vector<1xf32>
      %squeeze3A_2670 = vector.extract %slice3A_2669[0] : f32 from vector<1xf32>
      %gather3A_2671 = tpu.vector_load_idx %arg13[%add3A_118, %broadcast_in_dim3A_2614] : memref<256x128xf32, #tpu.memory_space<vmem>>[vector<16xi32>, vector<16xi32>], vector<16xf32>,
      %mul3A_2672 = vector.broadcast %squeeze3A_2670 : f32 to vector<16xf32>
      %mul3A_2673 = arith.mulf %gather3A_2671, %mul3A_2672 : vector<16xf32>
      %add3A_2674 = arith.addf %add3A_2599, %mul3A_2673 : vector<16xf32>
      %gather3A_2675 = tpu.vector_load_idx %arg13[%add3A_121, %broadcast_in_dim3A_2614] : memref<256x128xf32, #tpu.memory_space<vmem>>[vector<16xi32>, vector<16xi32>], vector<16xf32>,
      %mul3A_2676 = vector.broadcast %squeeze3A_2670 : f32 to vector<16xf32>
      %mul3A_2677 = arith.mulf %gather3A_2675, %mul3A_2676 : vector<16xf32>
      %add3A_2678 = arith.addf %add3A_2603, %mul3A_2677 : vector<16xf32>
      %gather3A_2679 = tpu.vector_load_idx %arg13[%add3A_124, %broadcast_in_dim3A_2614] : memref<256x128xf32, #tpu.memory_space<vmem>>[vector<16xi32>, vector<16xi32>], vector<16xf32>,
      %mul3A_2680 = vector.broadcast %squeeze3A_2670 : f32 to vector<16xf32>
      %mul3A_2681 = arith.mulf %gather3A_2679, %mul3A_2680 : vector<16xf32>
      %add3A_2682 = arith.addf %add3A_2607, %mul3A_2681 : vector<16xf32>
      %gather3A_2683 = tpu.vector_load_idx %arg13[%add3A_127, %broadcast_in_dim3A_2614] : memref<256x128xf32, #tpu.memory_space<vmem>>[vector<16xi32>, vector<16xi32>], vector<16xf32>,
      %mul3A_2684 = vector.broadcast %squeeze3A_2670 : f32 to vector<16xf32>
      %mul3A_2685 = arith.mulf %gather3A_2683, %mul3A_2684 : vector<16xf32>
      %add3A_2686 = arith.addf %add3A_2611, %mul3A_2685 : vector<16xf32>
      %add3A_2687 = arith.constant 15 : i32
      %add3A_2688 = arith.addi %mul3A_1536, %add3A_2687 : i32
      %broadcast_in_dim3A_2689 = vector.broadcast %add3A_2688 : i32 to vector<16xi32>
      %slice3A_2690 = vector.extract_strided_slice %get3A_1543 {offsets = [15], sizes = [1], strides = [1]} : vector<16xf32> to vector<1xf32>
      %squeeze3A_2691 = vector.extract %slice3A_2690[0] : f32 from vector<1xf32>
      %gather3A_2692 = tpu.vector_load_idx %arg13[%add3A_82, %broadcast_in_dim3A_2689] : memref<256x128xf32, #tpu.memory_space<vmem>>[vector<16xi32>, vector<16xi32>], vector<16xf32>,
      %mul3A_2693 = vector.broadcast %squeeze3A_2691 : f32 to vector<16xf32>
      %mul3A_2694 = arith.mulf %gather3A_2692, %mul3A_2693 : vector<16xf32>
      %add3A_2695 = arith.addf %add3A_2620, %mul3A_2694 : vector<16xf32>
      %gather3A_2696 = tpu.vector_load_idx %arg13[%add3A_85, %broadcast_in_dim3A_2689] : memref<256x128xf32, #tpu.memory_space<vmem>>[vector<16xi32>, vector<16xi32>], vector<16xf32>,
      %mul3A_2697 = vector.broadcast %squeeze3A_2691 : f32 to vector<16xf32>
      %mul3A_2698 = arith.mulf %gather3A_2696, %mul3A_2697 : vector<16xf32>
      %add3A_2699 = arith.addf %add3A_2624, %mul3A_2698 : vector<16xf32>
      %gather3A_2700 = tpu.vector_load_idx %arg13[%add3A_88, %broadcast_in_dim3A_2689] : memref<256x128xf32, #tpu.memory_space<vmem>>[vector<16xi32>, vector<16xi32>], vector<16xf32>,
      %mul3A_2701 = vector.broadcast %squeeze3A_2691 : f32 to vector<16xf32>
      %mul3A_2702 = arith.mulf %gather3A_2700, %mul3A_2701 : vector<16xf32>
      %add3A_2703 = arith.addf %add3A_2628, %mul3A_2702 : vector<16xf32>
      %gather3A_2704 = tpu.vector_load_idx %arg13[%add3A_91, %broadcast_in_dim3A_2689] : memref<256x128xf32, #tpu.memory_space<vmem>>[vector<16xi32>, vector<16xi32>], vector<16xf32>,
      %mul3A_2705 = vector.broadcast %squeeze3A_2691 : f32 to vector<16xf32>
      %mul3A_2706 = arith.mulf %gather3A_2704, %mul3A_2705 : vector<16xf32>
      %add3A_2707 = arith.addf %add3A_2632, %mul3A_2706 : vector<16xf32>
      %slice3A_2708 = vector.extract_strided_slice %get3A_1550 {offsets = [15], sizes = [1], strides = [1]} : vector<16xf32> to vector<1xf32>
      %squeeze3A_2709 = vector.extract %slice3A_2708[0] : f32 from vector<1xf32>
      %gather3A_2710 = tpu.vector_load_idx %arg13[%add3A_94, %broadcast_in_dim3A_2689] : memref<256x128xf32, #tpu.memory_space<vmem>>[vector<16xi32>, vector<16xi32>], vector<16xf32>,
      %mul3A_2711 = vector.broadcast %squeeze3A_2709 : f32 to vector<16xf32>
      %mul3A_2712 = arith.mulf %gather3A_2710, %mul3A_2711 : vector<16xf32>
      %add3A_2713 = arith.addf %add3A_2638, %mul3A_2712 : vector<16xf32>
      %gather3A_2714 = tpu.vector_load_idx %arg13[%add3A_97, %broadcast_in_dim3A_2689] : memref<256x128xf32, #tpu.memory_space<vmem>>[vector<16xi32>, vector<16xi32>], vector<16xf32>,
      %mul3A_2715 = vector.broadcast %squeeze3A_2709 : f32 to vector<16xf32>
      %mul3A_2716 = arith.mulf %gather3A_2714, %mul3A_2715 : vector<16xf32>
      %add3A_2717 = arith.addf %add3A_2642, %mul3A_2716 : vector<16xf32>
      %gather3A_2718 = tpu.vector_load_idx %arg13[%add3A_100, %broadcast_in_dim3A_2689] : memref<256x128xf32, #tpu.memory_space<vmem>>[vector<16xi32>, vector<16xi32>], vector<16xf32>,
      %mul3A_2719 = vector.broadcast %squeeze3A_2709 : f32 to vector<16xf32>
      %mul3A_2720 = arith.mulf %gather3A_2718, %mul3A_2719 : vector<16xf32>
      %add3A_2721 = arith.addf %add3A_2646, %mul3A_2720 : vector<16xf32>
      %gather3A_2722 = tpu.vector_load_idx %arg13[%add3A_103, %broadcast_in_dim3A_2689] : memref<256x128xf32, #tpu.memory_space<vmem>>[vector<16xi32>, vector<16xi32>], vector<16xf32>,
      %mul3A_2723 = vector.broadcast %squeeze3A_2709 : f32 to vector<16xf32>
      %mul3A_2724 = arith.mulf %gather3A_2722, %mul3A_2723 : vector<16xf32>
      %add3A_2725 = arith.addf %add3A_2650, %mul3A_2724 : vector<16xf32>
      %slice3A_2726 = vector.extract_strided_slice %get3A_1557 {offsets = [15], sizes = [1], strides = [1]} : vector<16xf32> to vector<1xf32>
      %squeeze3A_2727 = vector.extract %slice3A_2726[0] : f32 from vector<1xf32>
      %gather3A_2728 = tpu.vector_load_idx %arg13[%add3A_106, %broadcast_in_dim3A_2689] : memref<256x128xf32, #tpu.memory_space<vmem>>[vector<16xi32>, vector<16xi32>], vector<16xf32>,
      %mul3A_2729 = vector.broadcast %squeeze3A_2727 : f32 to vector<16xf32>
      %mul3A_2730 = arith.mulf %gather3A_2728, %mul3A_2729 : vector<16xf32>
      %add3A_2731 = arith.addf %add3A_2656, %mul3A_2730 : vector<16xf32>
      %gather3A_2732 = tpu.vector_load_idx %arg13[%add3A_109, %broadcast_in_dim3A_2689] : memref<256x128xf32, #tpu.memory_space<vmem>>[vector<16xi32>, vector<16xi32>], vector<16xf32>,
      %mul3A_2733 = vector.broadcast %squeeze3A_2727 : f32 to vector<16xf32>
      %mul3A_2734 = arith.mulf %gather3A_2732, %mul3A_2733 : vector<16xf32>
      %add3A_2735 = arith.addf %add3A_2660, %mul3A_2734 : vector<16xf32>
      %gather3A_2736 = tpu.vector_load_idx %arg13[%add3A_112, %broadcast_in_dim3A_2689] : memref<256x128xf32, #tpu.memory_space<vmem>>[vector<16xi32>, vector<16xi32>], vector<16xf32>,
      %mul3A_2737 = vector.broadcast %squeeze3A_2727 : f32 to vector<16xf32>
      %mul3A_2738 = arith.mulf %gather3A_2736, %mul3A_2737 : vector<16xf32>
      %add3A_2739 = arith.addf %add3A_2664, %mul3A_2738 : vector<16xf32>
      %gather3A_2740 = tpu.vector_load_idx %arg13[%add3A_115, %broadcast_in_dim3A_2689] : memref<256x128xf32, #tpu.memory_space<vmem>>[vector<16xi32>, vector<16xi32>], vector<16xf32>,
      %mul3A_2741 = vector.broadcast %squeeze3A_2727 : f32 to vector<16xf32>
      %mul3A_2742 = arith.mulf %gather3A_2740, %mul3A_2741 : vector<16xf32>
      %add3A_2743 = arith.addf %add3A_2668, %mul3A_2742 : vector<16xf32>
      %slice3A_2744 = vector.extract_strided_slice %get3A_1564 {offsets = [15], sizes = [1], strides = [1]} : vector<16xf32> to vector<1xf32>
      %squeeze3A_2745 = vector.extract %slice3A_2744[0] : f32 from vector<1xf32>
      %gather3A_2746 = tpu.vector_load_idx %arg13[%add3A_118, %broadcast_in_dim3A_2689] : memref<256x128xf32, #tpu.memory_space<vmem>>[vector<16xi32>, vector<16xi32>], vector<16xf32>,
      %mul3A_2747 = vector.broadcast %squeeze3A_2745 : f32 to vector<16xf32>
      %mul3A_2748 = arith.mulf %gather3A_2746, %mul3A_2747 : vector<16xf32>
      %add3A_2749 = arith.addf %add3A_2674, %mul3A_2748 : vector<16xf32>
      %gather3A_2750 = tpu.vector_load_idx %arg13[%add3A_121, %broadcast_in_dim3A_2689] : memref<256x128xf32, #tpu.memory_space<vmem>>[vector<16xi32>, vector<16xi32>], vector<16xf32>,
      %mul3A_2751 = vector.broadcast %squeeze3A_2745 : f32 to vector<16xf32>
      %mul3A_2752 = arith.mulf %gather3A_2750, %mul3A_2751 : vector<16xf32>
      %add3A_2753 = arith.addf %add3A_2678, %mul3A_2752 : vector<16xf32>
      %gather3A_2754 = tpu.vector_load_idx %arg13[%add3A_124, %broadcast_in_dim3A_2689] : memref<256x128xf32, #tpu.memory_space<vmem>>[vector<16xi32>, vector<16xi32>], vector<16xf32>,
      %mul3A_2755 = vector.broadcast %squeeze3A_2745 : f32 to vector<16xf32>
      %mul3A_2756 = arith.mulf %gather3A_2754, %mul3A_2755 : vector<16xf32>
      %add3A_2757 = arith.addf %add3A_2682, %mul3A_2756 : vector<16xf32>
      %gather3A_2758 = tpu.vector_load_idx %arg13[%add3A_127, %broadcast_in_dim3A_2689] : memref<256x128xf32, #tpu.memory_space<vmem>>[vector<16xi32>, vector<16xi32>], vector<16xf32>,
      %mul3A_2759 = vector.broadcast %squeeze3A_2745 : f32 to vector<16xf32>
      %mul3A_2760 = arith.mulf %gather3A_2758, %mul3A_2759 : vector<16xf32>
      %add3A_2761 = arith.addf %add3A_2686, %mul3A_2760 : vector<16xf32>
      scf.yield %add3A_2695, %add3A_2699, %add3A_2703, %add3A_2707, %add3A_2713, %add3A_2717, %add3A_2721, %add3A_2725, %add3A_2731, %add3A_2735, %add3A_2739, %add3A_2743, %add3A_2749, %add3A_2753, %add3A_2757, %add3A_2761 : vector<16xf32>, vector<16xf32>, vector<16xf32>, vector<16xf32>, vector<16xf32>, vector<16xf32>, vector<16xf32>, vector<16xf32>, vector<16xf32>, vector<16xf32>, vector<16xf32>, vector<16xf32>, vector<16xf32>, vector<16xf32>, vector<16xf32>, vector<16xf32>
    }
    %scan3A_163 = arith.constant 8 : i32
    %barrier3A = arith.constant 0 : index
    tpu.barrier barrier_id(%barrier3A)
    "tpu.region"() ({
      %run_scoped3A = tpu.sem_alloc : memref<!tpu.dma_semaphore, #tpu.memory_space<semaphore_mem>>
      tpu.enqueue_dma source(%arg17 : memref<8x16xf32, #tpu.memory_space<vmem_shared>>) target(%arg15 : memref<8x16xf32, #tpu.memory_space<vmem>>) target_semaphore(%run_scoped3A : memref<!tpu.dma_semaphore, #tpu.memory_space<semaphore_mem>>)
      tpu.wait_dma2 semaphore(%run_scoped3A : memref<!tpu.dma_semaphore, #tpu.memory_space<semaphore_mem>>) src(%arg17 : memref<8x16xf32, #tpu.memory_space<vmem_shared>>) dst(%arg15 : memref<8x16xf32, #tpu.memory_space<vmem>>)
      tpu.yield
    }) : () -> ()
    %broadcast_in_dim3A_164 = arith.constant 0.000000e+00 : f32
    %broadcast_in_dim3A_165 = vector.broadcast %broadcast_in_dim3A_164 : f32 to vector<16xf32>
    %broadcast_in_dim3A_166 = arith.constant 0.000000e+00 : f32
    %broadcast_in_dim3A_167 = vector.broadcast %broadcast_in_dim3A_166 : f32 to vector<16xf32>
    %mul3A_168 = arith.constant 4 : i32
    %mul3A_169 = arith.muli %select_n3A_9, %mul3A_168 : i32
    %add3A_170 = arith.constant 0 : i32
    %add3A_171 = arith.addi %mul3A_169, %add3A_170 : i32
    %get3A = arith.index_cast %add3A_171 : i32 to index
    %get3A_172 = arith.constant 0 : index
    %get3A_173 = tpu.vector_load %arg11[%get3A, %get3A_172] {strides = array<i32>} : memref<8x128xf32, #tpu.memory_space<vmem>>, vector<16xf32>,
    %get3A_174 = arith.constant 0 : i32
    %get3A_175 = arith.index_cast %get3A_174 : i32 to index
    %get3A_176 = arith.constant 0 : index
    %get3A_177 = tpu.vector_load %arg15[%get3A_175, %get3A_176] {strides = array<i32>} : memref<8x16xf32, #tpu.memory_space<vmem>>, vector<16xf32>,
    %mul3A_178 = arith.mulf %get3A_173, %get3A_177 : vector<16xf32>
    %get3A_179 = arith.index_cast %add3A_171 : i32 to index
    %get3A_180 = arith.constant 16 : index
    %get3A_181 = tpu.vector_load %arg11[%get3A_179, %get3A_180] {strides = array<i32>} : memref<8x128xf32, #tpu.memory_space<vmem>>, vector<16xf32>,
    %get3A_182 = arith.constant 1 : i32
    %get3A_183 = arith.index_cast %get3A_182 : i32 to index
    %get3A_184 = arith.constant 0 : index
    %get3A_185 = tpu.vector_load %arg15[%get3A_183, %get3A_184] {strides = array<i32>} : memref<8x16xf32, #tpu.memory_space<vmem>>, vector<16xf32>,
    %mul3A_186 = arith.mulf %get3A_181, %get3A_185 : vector<16xf32>
    %add3A_187 = arith.addf %mul3A_178, %mul3A_186 : vector<16xf32>
    %get3A_188 = arith.index_cast %add3A_171 : i32 to index
    %get3A_189 = arith.constant 32 : index
    %get3A_190 = tpu.vector_load %arg11[%get3A_188, %get3A_189] {strides = array<i32>} : memref<8x128xf32, #tpu.memory_space<vmem>>, vector<16xf32>,
    %get3A_191 = arith.constant 2 : i32
    %get3A_192 = arith.index_cast %get3A_191 : i32 to index
    %get3A_193 = arith.constant 0 : index
    %get3A_194 = tpu.vector_load %arg15[%get3A_192, %get3A_193] {strides = array<i32>} : memref<8x16xf32, #tpu.memory_space<vmem>>, vector<16xf32>,
    %mul3A_195 = arith.mulf %get3A_190, %get3A_194 : vector<16xf32>
    %add3A_196 = arith.addf %add3A_187, %mul3A_195 : vector<16xf32>
    %get3A_197 = arith.index_cast %add3A_171 : i32 to index
    %get3A_198 = arith.constant 48 : index
    %get3A_199 = tpu.vector_load %arg11[%get3A_197, %get3A_198] {strides = array<i32>} : memref<8x128xf32, #tpu.memory_space<vmem>>, vector<16xf32>,
    %get3A_200 = arith.constant 3 : i32
    %get3A_201 = arith.index_cast %get3A_200 : i32 to index
    %get3A_202 = arith.constant 0 : index
    %get3A_203 = tpu.vector_load %arg15[%get3A_201, %get3A_202] {strides = array<i32>} : memref<8x16xf32, #tpu.memory_space<vmem>>, vector<16xf32>,
    %mul3A_204 = arith.mulf %get3A_199, %get3A_203 : vector<16xf32>
    %add3A_205 = arith.addf %add3A_196, %mul3A_204 : vector<16xf32>
    %get3A_206 = arith.index_cast %add3A_171 : i32 to index
    %get3A_207 = arith.constant 64 : index
    %get3A_208 = tpu.vector_load %arg11[%get3A_206, %get3A_207] {strides = array<i32>} : memref<8x128xf32, #tpu.memory_space<vmem>>, vector<16xf32>,
    %get3A_209 = arith.constant 4 : i32
    %get3A_210 = arith.index_cast %get3A_209 : i32 to index
    %get3A_211 = arith.constant 0 : index
    %get3A_212 = tpu.vector_load %arg15[%get3A_210, %get3A_211] {strides = array<i32>} : memref<8x16xf32, #tpu.memory_space<vmem>>, vector<16xf32>,
    %mul3A_213 = arith.mulf %get3A_208, %get3A_212 : vector<16xf32>
    %add3A_214 = arith.addf %add3A_205, %mul3A_213 : vector<16xf32>
    %get3A_215 = arith.index_cast %add3A_171 : i32 to index
    %get3A_216 = arith.constant 80 : index
    %get3A_217 = tpu.vector_load %arg11[%get3A_215, %get3A_216] {strides = array<i32>} : memref<8x128xf32, #tpu.memory_space<vmem>>, vector<16xf32>,
    %get3A_218 = arith.constant 5 : i32
    %get3A_219 = arith.index_cast %get3A_218 : i32 to index
    %get3A_220 = arith.constant 0 : index
    %get3A_221 = tpu.vector_load %arg15[%get3A_219, %get3A_220] {strides = array<i32>} : memref<8x16xf32, #tpu.memory_space<vmem>>, vector<16xf32>,
    %mul3A_222 = arith.mulf %get3A_217, %get3A_221 : vector<16xf32>
    %add3A_223 = arith.addf %add3A_214, %mul3A_222 : vector<16xf32>
    %get3A_224 = arith.index_cast %add3A_171 : i32 to index
    %get3A_225 = arith.constant 96 : index
    %get3A_226 = tpu.vector_load %arg11[%get3A_224, %get3A_225] {strides = array<i32>} : memref<8x128xf32, #tpu.memory_space<vmem>>, vector<16xf32>,
    %get3A_227 = arith.constant 6 : i32
    %get3A_228 = arith.index_cast %get3A_227 : i32 to index
    %get3A_229 = arith.constant 0 : index
    %get3A_230 = tpu.vector_load %arg15[%get3A_228, %get3A_229] {strides = array<i32>} : memref<8x16xf32, #tpu.memory_space<vmem>>, vector<16xf32>,
    %mul3A_231 = arith.mulf %get3A_226, %get3A_230 : vector<16xf32>
    %add3A_232 = arith.addf %add3A_223, %mul3A_231 : vector<16xf32>
    %get3A_233 = arith.index_cast %add3A_171 : i32 to index
    %get3A_234 = arith.constant 112 : index
    %get3A_235 = tpu.vector_load %arg11[%get3A_233, %get3A_234] {strides = array<i32>} : memref<8x128xf32, #tpu.memory_space<vmem>>, vector<16xf32>,
    %get3A_236 = arith.constant 7 : i32
    %get3A_237 = arith.index_cast %get3A_236 : i32 to index
    %get3A_238 = arith.constant 0 : index
    %get3A_239 = tpu.vector_load %arg15[%get3A_237, %get3A_238] {strides = array<i32>} : memref<8x16xf32, #tpu.memory_space<vmem>>, vector<16xf32>,
    %mul3A_240 = arith.mulf %get3A_235, %get3A_239 : vector<16xf32>
    %add3A_241 = arith.addf %add3A_232, %mul3A_240 : vector<16xf32>
    %eq3A_242 = arith.constant 0 : i32
    %eq3A_243 = vector.broadcast %eq3A_242 : i32 to vector<16xi32>
    %eq3A_244 = arith.cmpi eq, %iota3A, %eq3A_243 : vector<16xi32>
    %reduce_sum3A = arith.constant true
    %reduce_sum3A_245 = vector.broadcast %reduce_sum3A : i1 to vector<16xi1>
    %reduce_sum3A_246 = tpu.scan <sum>, %add3A_241 masked %reduce_sum3A_245 : vector<16xf32>, vector<16xi1> -> vector<16xf32>
    %reduce_sum3A_247 = vector.extract %reduce_sum3A_246[15] : f32 from vector<16xf32>
    %broadcast_in_dim3A_248 = vector.broadcast %reduce_sum3A_247 : f32 to vector<16xf32>
    %select_n3A_249 = arith.select %eq3A_244, %broadcast_in_dim3A_248, %broadcast_in_dim3A_165 : vector<16xi1>, vector<16xf32>
    %broadcast_in_dim3A_250 = arith.constant 0.000000e+00 : f32
    %broadcast_in_dim3A_251 = vector.broadcast %broadcast_in_dim3A_250 : f32 to vector<16xf32>
    %jit3A_252 = arith.constant -1.000000e+01 : f32
    %jit3A_253 = arith.constant 1.000000e+01 : f32
    %max3A = vector.broadcast %jit3A_252 : f32 to vector<16xf32>
    %max3A_254 = arith.maximumf %max3A, %scan3A_162#0 : vector<16xf32>
    %min3A = vector.broadcast %jit3A_253 : f32 to vector<16xf32>
    %min3A_255 = arith.minimumf %min3A, %max3A_254 : vector<16xf32>
    %neg3A = arith.constant 0.000000e+00 : f32
    %neg3A_256 = vector.broadcast %neg3A : f32 to vector<16xf32>
    %neg3A_257 = arith.subf %neg3A_256, %min3A_255 : vector<16xf32>
    %abs3A = math.absf %neg3A_257 : vector<16xf32>
    %neg3A_258 = arith.constant 0.000000e+00 : f32
    %neg3A_259 = vector.broadcast %neg3A_258 : f32 to vector<16xf32>
    %neg3A_260 = arith.subf %neg3A_259, %abs3A : vector<16xf32>
    %exp3A = math.exp %neg3A_260 : vector<16xf32>
    %add3A_261 = arith.constant 2.000000e+00 : f32
    %add3A_262 = vector.broadcast %add3A_261 : f32 to vector<16xf32>
    %add3A_263 = arith.addf %add3A_262, %exp3A : vector<16xf32>
    %div3A_264 = arith.divf %exp3A, %add3A_263 : vector<16xf32>
    %mul3A_265 = arith.mulf %div3A_264, %div3A_264 : vector<16xf32>
    %mul3A_266 = arith.constant 0.0769230798 : f32
    %mul3A_267 = vector.broadcast %mul3A_266 : f32 to vector<16xf32>
    %mul3A_268 = arith.mulf %mul3A_265, %mul3A_267 : vector<16xf32>
    %add3A_269 = arith.constant 0.0909090936 : f32
    %add3A_270 = vector.broadcast %add3A_269 : f32 to vector<16xf32>
    %add3A_271 = arith.addf %add3A_270, %mul3A_268 : vector<16xf32>
    %mul3A_272 = arith.mulf %mul3A_265, %add3A_271 : vector<16xf32>
    %add3A_273 = arith.constant 0.111111112 : f32
    %add3A_274 = vector.broadcast %add3A_273 : f32 to vector<16xf32>
    %add3A_275 = arith.addf %add3A_274, %mul3A_272 : vector<16xf32>
    %mul3A_276 = arith.mulf %mul3A_265, %add3A_275 : vector<16xf32>
    %add3A_277 = arith.constant 0.142857149 : f32
    %add3A_278 = vector.broadcast %add3A_277 : f32 to vector<16xf32>
    %add3A_279 = arith.addf %add3A_278, %mul3A_276 : vector<16xf32>
    %mul3A_280 = arith.mulf %mul3A_265, %add3A_279 : vector<16xf32>
    %add3A_281 = arith.constant 2.000000e-01 : f32
    %add3A_282 = vector.broadcast %add3A_281 : f32 to vector<16xf32>
    %add3A_283 = arith.addf %add3A_282, %mul3A_280 : vector<16xf32>
    %mul3A_284 = arith.mulf %mul3A_265, %add3A_283 : vector<16xf32>
    %add3A_285 = arith.constant 0.333333343 : f32
    %add3A_286 = vector.broadcast %add3A_285 : f32 to vector<16xf32>
    %add3A_287 = arith.addf %add3A_286, %mul3A_284 : vector<16xf32>
    %mul3A_288 = arith.mulf %mul3A_265, %add3A_287 : vector<16xf32>
    %add3A_289 = arith.constant 1.000000e+00 : f32
    %add3A_290 = vector.broadcast %add3A_289 : f32 to vector<16xf32>
    %add3A_291 = arith.addf %add3A_290, %mul3A_288 : vector<16xf32>
    %min3A_292 = arith.constant 0.000000e+00 : f32
    %min3A_293 = vector.broadcast %min3A_292 : f32 to vector<16xf32>
    %min3A_294 = arith.minimumf %neg3A_257, %min3A_293 : vector<16xf32>
    %mul3A_295 = arith.constant 2.000000e+00 : f32
    %mul3A_296 = vector.broadcast %mul3A_295 : f32 to vector<16xf32>
    %mul3A_297 = arith.mulf %mul3A_296, %div3A_264 : vector<16xf32>
    %mul3A_298 = arith.mulf %mul3A_297, %add3A_291 : vector<16xf32>
    %sub3A_299 = arith.subf %min3A_294, %mul3A_298 : vector<16xf32>
    %add3A_300 = arith.addf %broadcast_in_dim3A_251, %sub3A_299 : vector<16xf32>
    %jit3A_301 = arith.constant -1.000000e+01 : f32
    %jit3A_302 = arith.constant 1.000000e+01 : f32
    %max3A_303 = vector.broadcast %jit3A_301 : f32 to vector<16xf32>
    %max3A_304 = arith.maximumf %max3A_303, %scan3A_162#1 : vector<16xf32>
    %min3A_305 = vector.broadcast %jit3A_302 : f32 to vector<16xf32>
    %min3A_306 = arith.minimumf %min3A_305, %max3A_304 : vector<16xf32>
    %neg3A_307 = arith.constant 0.000000e+00 : f32
    %neg3A_308 = vector.broadcast %neg3A_307 : f32 to vector<16xf32>
    %neg3A_309 = arith.subf %neg3A_308, %min3A_306 : vector<16xf32>
    %abs3A_310 = math.absf %neg3A_309 : vector<16xf32>
    %neg3A_311 = arith.constant 0.000000e+00 : f32
    %neg3A_312 = vector.broadcast %neg3A_311 : f32 to vector<16xf32>
    %neg3A_313 = arith.subf %neg3A_312, %abs3A_310 : vector<16xf32>
    %exp3A_314 = math.exp %neg3A_313 : vector<16xf32>
    %add3A_315 = arith.constant 2.000000e+00 : f32
    %add3A_316 = vector.broadcast %add3A_315 : f32 to vector<16xf32>
    %add3A_317 = arith.addf %add3A_316, %exp3A_314 : vector<16xf32>
    %div3A_318 = arith.divf %exp3A_314, %add3A_317 : vector<16xf32>
    %mul3A_319 = arith.mulf %div3A_318, %div3A_318 : vector<16xf32>
    %mul3A_320 = arith.constant 0.0769230798 : f32
    %mul3A_321 = vector.broadcast %mul3A_320 : f32 to vector<16xf32>
    %mul3A_322 = arith.mulf %mul3A_319, %mul3A_321 : vector<16xf32>
    %add3A_323 = arith.constant 0.0909090936 : f32
    %add3A_324 = vector.broadcast %add3A_323 : f32 to vector<16xf32>
    %add3A_325 = arith.addf %add3A_324, %mul3A_322 : vector<16xf32>
    %mul3A_326 = arith.mulf %mul3A_319, %add3A_325 : vector<16xf32>
    %add3A_327 = arith.constant 0.111111112 : f32
    %add3A_328 = vector.broadcast %add3A_327 : f32 to vector<16xf32>
    %add3A_329 = arith.addf %add3A_328, %mul3A_326 : vector<16xf32>
    %mul3A_330 = arith.mulf %mul3A_319, %add3A_329 : vector<16xf32>
    %add3A_331 = arith.constant 0.142857149 : f32
    %add3A_332 = vector.broadcast %add3A_331 : f32 to vector<16xf32>
    %add3A_333 = arith.addf %add3A_332, %mul3A_330 : vector<16xf32>
    %mul3A_334 = arith.mulf %mul3A_319, %add3A_333 : vector<16xf32>
    %add3A_335 = arith.constant 2.000000e-01 : f32
    %add3A_336 = vector.broadcast %add3A_335 : f32 to vector<16xf32>
    %add3A_337 = arith.addf %add3A_336, %mul3A_334 : vector<16xf32>
    %mul3A_338 = arith.mulf %mul3A_319, %add3A_337 : vector<16xf32>
    %add3A_339 = arith.constant 0.333333343 : f32
    %add3A_340 = vector.broadcast %add3A_339 : f32 to vector<16xf32>
    %add3A_341 = arith.addf %add3A_340, %mul3A_338 : vector<16xf32>
    %mul3A_342 = arith.mulf %mul3A_319, %add3A_341 : vector<16xf32>
    %add3A_343 = arith.constant 1.000000e+00 : f32
    %add3A_344 = vector.broadcast %add3A_343 : f32 to vector<16xf32>
    %add3A_345 = arith.addf %add3A_344, %mul3A_342 : vector<16xf32>
    %min3A_346 = arith.constant 0.000000e+00 : f32
    %min3A_347 = vector.broadcast %min3A_346 : f32 to vector<16xf32>
    %min3A_348 = arith.minimumf %neg3A_309, %min3A_347 : vector<16xf32>
    %mul3A_349 = arith.constant 2.000000e+00 : f32
    %mul3A_350 = vector.broadcast %mul3A_349 : f32 to vector<16xf32>
    %mul3A_351 = arith.mulf %mul3A_350, %div3A_318 : vector<16xf32>
    %mul3A_352 = arith.mulf %mul3A_351, %add3A_345 : vector<16xf32>
    %sub3A_353 = arith.subf %min3A_348, %mul3A_352 : vector<16xf32>
    %add3A_354 = arith.addf %add3A_300, %sub3A_353 : vector<16xf32>
    %jit3A_355 = arith.constant -1.000000e+01 : f32
    %jit3A_356 = arith.constant 1.000000e+01 : f32
    %max3A_357 = vector.broadcast %jit3A_355 : f32 to vector<16xf32>
    %max3A_358 = arith.maximumf %max3A_357, %scan3A_162#2 : vector<16xf32>
    %min3A_359 = vector.broadcast %jit3A_356 : f32 to vector<16xf32>
    %min3A_360 = arith.minimumf %min3A_359, %max3A_358 : vector<16xf32>
    %neg3A_361 = arith.constant 0.000000e+00 : f32
    %neg3A_362 = vector.broadcast %neg3A_361 : f32 to vector<16xf32>
    %neg3A_363 = arith.subf %neg3A_362, %min3A_360 : vector<16xf32>
    %abs3A_364 = math.absf %neg3A_363 : vector<16xf32>
    %neg3A_365 = arith.constant 0.000000e+00 : f32
    %neg3A_366 = vector.broadcast %neg3A_365 : f32 to vector<16xf32>
    %neg3A_367 = arith.subf %neg3A_366, %abs3A_364 : vector<16xf32>
    %exp3A_368 = math.exp %neg3A_367 : vector<16xf32>
    %add3A_369 = arith.constant 2.000000e+00 : f32
    %add3A_370 = vector.broadcast %add3A_369 : f32 to vector<16xf32>
    %add3A_371 = arith.addf %add3A_370, %exp3A_368 : vector<16xf32>
    %div3A_372 = arith.divf %exp3A_368, %add3A_371 : vector<16xf32>
    %mul3A_373 = arith.mulf %div3A_372, %div3A_372 : vector<16xf32>
    %mul3A_374 = arith.constant 0.0769230798 : f32
    %mul3A_375 = vector.broadcast %mul3A_374 : f32 to vector<16xf32>
    %mul3A_376 = arith.mulf %mul3A_373, %mul3A_375 : vector<16xf32>
    %add3A_377 = arith.constant 0.0909090936 : f32
    %add3A_378 = vector.broadcast %add3A_377 : f32 to vector<16xf32>
    %add3A_379 = arith.addf %add3A_378, %mul3A_376 : vector<16xf32>
    %mul3A_380 = arith.mulf %mul3A_373, %add3A_379 : vector<16xf32>
    %add3A_381 = arith.constant 0.111111112 : f32
    %add3A_382 = vector.broadcast %add3A_381 : f32 to vector<16xf32>
    %add3A_383 = arith.addf %add3A_382, %mul3A_380 : vector<16xf32>
    %mul3A_384 = arith.mulf %mul3A_373, %add3A_383 : vector<16xf32>
    %add3A_385 = arith.constant 0.142857149 : f32
    %add3A_386 = vector.broadcast %add3A_385 : f32 to vector<16xf32>
    %add3A_387 = arith.addf %add3A_386, %mul3A_384 : vector<16xf32>
    %mul3A_388 = arith.mulf %mul3A_373, %add3A_387 : vector<16xf32>
    %add3A_389 = arith.constant 2.000000e-01 : f32
    %add3A_390 = vector.broadcast %add3A_389 : f32 to vector<16xf32>
    %add3A_391 = arith.addf %add3A_390, %mul3A_388 : vector<16xf32>
    %mul3A_392 = arith.mulf %mul3A_373, %add3A_391 : vector<16xf32>
    %add3A_393 = arith.constant 0.333333343 : f32
    %add3A_394 = vector.broadcast %add3A_393 : f32 to vector<16xf32>
    %add3A_395 = arith.addf %add3A_394, %mul3A_392 : vector<16xf32>
    %mul3A_396 = arith.mulf %mul3A_373, %add3A_395 : vector<16xf32>
    %add3A_397 = arith.constant 1.000000e+00 : f32
    %add3A_398 = vector.broadcast %add3A_397 : f32 to vector<16xf32>
    %add3A_399 = arith.addf %add3A_398, %mul3A_396 : vector<16xf32>
    %min3A_400 = arith.constant 0.000000e+00 : f32
    %min3A_401 = vector.broadcast %min3A_400 : f32 to vector<16xf32>
    %min3A_402 = arith.minimumf %neg3A_363, %min3A_401 : vector<16xf32>
    %mul3A_403 = arith.constant 2.000000e+00 : f32
    %mul3A_404 = vector.broadcast %mul3A_403 : f32 to vector<16xf32>
    %mul3A_405 = arith.mulf %mul3A_404, %div3A_372 : vector<16xf32>
    %mul3A_406 = arith.mulf %mul3A_405, %add3A_399 : vector<16xf32>
    %sub3A_407 = arith.subf %min3A_402, %mul3A_406 : vector<16xf32>
    %add3A_408 = arith.addf %add3A_354, %sub3A_407 : vector<16xf32>
    %jit3A_409 = arith.constant -1.000000e+01 : f32
    %jit3A_410 = arith.constant 1.000000e+01 : f32
    %max3A_411 = vector.broadcast %jit3A_409 : f32 to vector<16xf32>
    %max3A_412 = arith.maximumf %max3A_411, %scan3A_162#3 : vector<16xf32>
    %min3A_413 = vector.broadcast %jit3A_410 : f32 to vector<16xf32>
    %min3A_414 = arith.minimumf %min3A_413, %max3A_412 : vector<16xf32>
    %neg3A_415 = arith.constant 0.000000e+00 : f32
    %neg3A_416 = vector.broadcast %neg3A_415 : f32 to vector<16xf32>
    %neg3A_417 = arith.subf %neg3A_416, %min3A_414 : vector<16xf32>
    %abs3A_418 = math.absf %neg3A_417 : vector<16xf32>
    %neg3A_419 = arith.constant 0.000000e+00 : f32
    %neg3A_420 = vector.broadcast %neg3A_419 : f32 to vector<16xf32>
    %neg3A_421 = arith.subf %neg3A_420, %abs3A_418 : vector<16xf32>
    %exp3A_422 = math.exp %neg3A_421 : vector<16xf32>
    %add3A_423 = arith.constant 2.000000e+00 : f32
    %add3A_424 = vector.broadcast %add3A_423 : f32 to vector<16xf32>
    %add3A_425 = arith.addf %add3A_424, %exp3A_422 : vector<16xf32>
    %div3A_426 = arith.divf %exp3A_422, %add3A_425 : vector<16xf32>
    %mul3A_427 = arith.mulf %div3A_426, %div3A_426 : vector<16xf32>
    %mul3A_428 = arith.constant 0.0769230798 : f32
    %mul3A_429 = vector.broadcast %mul3A_428 : f32 to vector<16xf32>
    %mul3A_430 = arith.mulf %mul3A_427, %mul3A_429 : vector<16xf32>
    %add3A_431 = arith.constant 0.0909090936 : f32
    %add3A_432 = vector.broadcast %add3A_431 : f32 to vector<16xf32>
    %add3A_433 = arith.addf %add3A_432, %mul3A_430 : vector<16xf32>
    %mul3A_434 = arith.mulf %mul3A_427, %add3A_433 : vector<16xf32>
    %add3A_435 = arith.constant 0.111111112 : f32
    %add3A_436 = vector.broadcast %add3A_435 : f32 to vector<16xf32>
    %add3A_437 = arith.addf %add3A_436, %mul3A_434 : vector<16xf32>
    %mul3A_438 = arith.mulf %mul3A_427, %add3A_437 : vector<16xf32>
    %add3A_439 = arith.constant 0.142857149 : f32
    %add3A_440 = vector.broadcast %add3A_439 : f32 to vector<16xf32>
    %add3A_441 = arith.addf %add3A_440, %mul3A_438 : vector<16xf32>
    %mul3A_442 = arith.mulf %mul3A_427, %add3A_441 : vector<16xf32>
    %add3A_443 = arith.constant 2.000000e-01 : f32
    %add3A_444 = vector.broadcast %add3A_443 : f32 to vector<16xf32>
    %add3A_445 = arith.addf %add3A_444, %mul3A_442 : vector<16xf32>
    %mul3A_446 = arith.mulf %mul3A_427, %add3A_445 : vector<16xf32>
    %add3A_447 = arith.constant 0.333333343 : f32
    %add3A_448 = vector.broadcast %add3A_447 : f32 to vector<16xf32>
    %add3A_449 = arith.addf %add3A_448, %mul3A_446 : vector<16xf32>
    %mul3A_450 = arith.mulf %mul3A_427, %add3A_449 : vector<16xf32>
    %add3A_451 = arith.constant 1.000000e+00 : f32
    %add3A_452 = vector.broadcast %add3A_451 : f32 to vector<16xf32>
    %add3A_453 = arith.addf %add3A_452, %mul3A_450 : vector<16xf32>
    %min3A_454 = arith.constant 0.000000e+00 : f32
    %min3A_455 = vector.broadcast %min3A_454 : f32 to vector<16xf32>
    %min3A_456 = arith.minimumf %neg3A_417, %min3A_455 : vector<16xf32>
    %mul3A_457 = arith.constant 2.000000e+00 : f32
    %mul3A_458 = vector.broadcast %mul3A_457 : f32 to vector<16xf32>
    %mul3A_459 = arith.mulf %mul3A_458, %div3A_426 : vector<16xf32>
    %mul3A_460 = arith.mulf %mul3A_459, %add3A_453 : vector<16xf32>
    %sub3A_461 = arith.subf %min3A_456, %mul3A_460 : vector<16xf32>
    %add3A_462 = arith.addf %add3A_408, %sub3A_461 : vector<16xf32>
    %eq3A_463 = arith.constant 0 : i32
    %eq3A_464 = vector.broadcast %eq3A_463 : i32 to vector<16xi32>
    %eq3A_465 = arith.cmpi eq, %iota3A, %eq3A_464 : vector<16xi32>
    %reduce_sum3A_466 = arith.constant true
    %reduce_sum3A_467 = vector.broadcast %reduce_sum3A_466 : i1 to vector<16xi1>
    %reduce_sum3A_468 = tpu.scan <sum>, %add3A_462 masked %reduce_sum3A_467 : vector<16xf32>, vector<16xi1> -> vector<16xf32>
    %reduce_sum3A_469 = vector.extract %reduce_sum3A_468[15] : f32 from vector<16xf32>
    %neg3A_470 = arith.constant 0.000000e+00 : f32
    %neg3A_471 = arith.subf %neg3A_470, %reduce_sum3A_469 : f32
    %broadcast_in_dim3A_472 = vector.broadcast %neg3A_471 : f32 to vector<16xf32>
    %select_n3A_473 = arith.select %eq3A_465, %broadcast_in_dim3A_472, %broadcast_in_dim3A_167 : vector<16xi1>, vector<16xf32>
    %mul3A_474 = arith.constant 4 : i32
    %mul3A_475 = arith.muli %select_n3A_9, %mul3A_474 : i32
    %add3A_476 = arith.constant 1 : i32
    %add3A_477 = arith.addi %mul3A_475, %add3A_476 : i32
    %get3A_478 = arith.index_cast %add3A_477 : i32 to index
    %get3A_479 = arith.constant 0 : index
    %get3A_480 = tpu.vector_load %arg11[%get3A_478, %get3A_479] {strides = array<i32>} : memref<8x128xf32, #tpu.memory_space<vmem>>, vector<16xf32>,
    %get3A_481 = arith.constant 0 : i32
    %get3A_482 = arith.index_cast %get3A_481 : i32 to index
    %get3A_483 = arith.constant 0 : index
    %get3A_484 = tpu.vector_load %arg15[%get3A_482, %get3A_483] {strides = array<i32>} : memref<8x16xf32, #tpu.memory_space<vmem>>, vector<16xf32>,
    %mul3A_485 = arith.mulf %get3A_480, %get3A_484 : vector<16xf32>
    %get3A_486 = arith.index_cast %add3A_477 : i32 to index
    %get3A_487 = arith.constant 16 : index
    %get3A_488 = tpu.vector_load %arg11[%get3A_486, %get3A_487] {strides = array<i32>} : memref<8x128xf32, #tpu.memory_space<vmem>>, vector<16xf32>,
    %get3A_489 = arith.constant 1 : i32
    %get3A_490 = arith.index_cast %get3A_489 : i32 to index
    %get3A_491 = arith.constant 0 : index
    %get3A_492 = tpu.vector_load %arg15[%get3A_490, %get3A_491] {strides = array<i32>} : memref<8x16xf32, #tpu.memory_space<vmem>>, vector<16xf32>,
    %mul3A_493 = arith.mulf %get3A_488, %get3A_492 : vector<16xf32>
    %add3A_494 = arith.addf %mul3A_485, %mul3A_493 : vector<16xf32>
    %get3A_495 = arith.index_cast %add3A_477 : i32 to index
    %get3A_496 = arith.constant 32 : index
    %get3A_497 = tpu.vector_load %arg11[%get3A_495, %get3A_496] {strides = array<i32>} : memref<8x128xf32, #tpu.memory_space<vmem>>, vector<16xf32>,
    %get3A_498 = arith.constant 2 : i32
    %get3A_499 = arith.index_cast %get3A_498 : i32 to index
    %get3A_500 = arith.constant 0 : index
    %get3A_501 = tpu.vector_load %arg15[%get3A_499, %get3A_500] {strides = array<i32>} : memref<8x16xf32, #tpu.memory_space<vmem>>, vector<16xf32>,
    %mul3A_502 = arith.mulf %get3A_497, %get3A_501 : vector<16xf32>
    %add3A_503 = arith.addf %add3A_494, %mul3A_502 : vector<16xf32>
    %get3A_504 = arith.index_cast %add3A_477 : i32 to index
    %get3A_505 = arith.constant 48 : index
    %get3A_506 = tpu.vector_load %arg11[%get3A_504, %get3A_505] {strides = array<i32>} : memref<8x128xf32, #tpu.memory_space<vmem>>, vector<16xf32>,
    %get3A_507 = arith.constant 3 : i32
    %get3A_508 = arith.index_cast %get3A_507 : i32 to index
    %get3A_509 = arith.constant 0 : index
    %get3A_510 = tpu.vector_load %arg15[%get3A_508, %get3A_509] {strides = array<i32>} : memref<8x16xf32, #tpu.memory_space<vmem>>, vector<16xf32>,
    %mul3A_511 = arith.mulf %get3A_506, %get3A_510 : vector<16xf32>
    %add3A_512 = arith.addf %add3A_503, %mul3A_511 : vector<16xf32>
    %get3A_513 = arith.index_cast %add3A_477 : i32 to index
    %get3A_514 = arith.constant 64 : index
    %get3A_515 = tpu.vector_load %arg11[%get3A_513, %get3A_514] {strides = array<i32>} : memref<8x128xf32, #tpu.memory_space<vmem>>, vector<16xf32>,
    %get3A_516 = arith.constant 4 : i32
    %get3A_517 = arith.index_cast %get3A_516 : i32 to index
    %get3A_518 = arith.constant 0 : index
    %get3A_519 = tpu.vector_load %arg15[%get3A_517, %get3A_518] {strides = array<i32>} : memref<8x16xf32, #tpu.memory_space<vmem>>, vector<16xf32>,
    %mul3A_520 = arith.mulf %get3A_515, %get3A_519 : vector<16xf32>
    %add3A_521 = arith.addf %add3A_512, %mul3A_520 : vector<16xf32>
    %get3A_522 = arith.index_cast %add3A_477 : i32 to index
    %get3A_523 = arith.constant 80 : index
    %get3A_524 = tpu.vector_load %arg11[%get3A_522, %get3A_523] {strides = array<i32>} : memref<8x128xf32, #tpu.memory_space<vmem>>, vector<16xf32>,
    %get3A_525 = arith.constant 5 : i32
    %get3A_526 = arith.index_cast %get3A_525 : i32 to index
    %get3A_527 = arith.constant 0 : index
    %get3A_528 = tpu.vector_load %arg15[%get3A_526, %get3A_527] {strides = array<i32>} : memref<8x16xf32, #tpu.memory_space<vmem>>, vector<16xf32>,
    %mul3A_529 = arith.mulf %get3A_524, %get3A_528 : vector<16xf32>
    %add3A_530 = arith.addf %add3A_521, %mul3A_529 : vector<16xf32>
    %get3A_531 = arith.index_cast %add3A_477 : i32 to index
    %get3A_532 = arith.constant 96 : index
    %get3A_533 = tpu.vector_load %arg11[%get3A_531, %get3A_532] {strides = array<i32>} : memref<8x128xf32, #tpu.memory_space<vmem>>, vector<16xf32>,
    %get3A_534 = arith.constant 6 : i32
    %get3A_535 = arith.index_cast %get3A_534 : i32 to index
    %get3A_536 = arith.constant 0 : index
    %get3A_537 = tpu.vector_load %arg15[%get3A_535, %get3A_536] {strides = array<i32>} : memref<8x16xf32, #tpu.memory_space<vmem>>, vector<16xf32>,
    %mul3A_538 = arith.mulf %get3A_533, %get3A_537 : vector<16xf32>
    %add3A_539 = arith.addf %add3A_530, %mul3A_538 : vector<16xf32>
    %get3A_540 = arith.index_cast %add3A_477 : i32 to index
    %get3A_541 = arith.constant 112 : index
    %get3A_542 = tpu.vector_load %arg11[%get3A_540, %get3A_541] {strides = array<i32>} : memref<8x128xf32, #tpu.memory_space<vmem>>, vector<16xf32>,
    %get3A_543 = arith.constant 7 : i32
    %get3A_544 = arith.index_cast %get3A_543 : i32 to index
    %get3A_545 = arith.constant 0 : index
    %get3A_546 = tpu.vector_load %arg15[%get3A_544, %get3A_545] {strides = array<i32>} : memref<8x16xf32, #tpu.memory_space<vmem>>, vector<16xf32>,
    %mul3A_547 = arith.mulf %get3A_542, %get3A_546 : vector<16xf32>
    %add3A_548 = arith.addf %add3A_539, %mul3A_547 : vector<16xf32>
    %eq3A_549 = arith.constant 1 : i32
    %eq3A_550 = vector.broadcast %eq3A_549 : i32 to vector<16xi32>
    %eq3A_551 = arith.cmpi eq, %iota3A, %eq3A_550 : vector<16xi32>
    %reduce_sum3A_552 = arith.constant true
    %reduce_sum3A_553 = vector.broadcast %reduce_sum3A_552 : i1 to vector<16xi1>
    %reduce_sum3A_554 = tpu.scan <sum>, %add3A_548 masked %reduce_sum3A_553 : vector<16xf32>, vector<16xi1> -> vector<16xf32>
    %reduce_sum3A_555 = vector.extract %reduce_sum3A_554[15] : f32 from vector<16xf32>
    %broadcast_in_dim3A_556 = vector.broadcast %reduce_sum3A_555 : f32 to vector<16xf32>
    %select_n3A_557 = arith.select %eq3A_551, %broadcast_in_dim3A_556, %select_n3A_249 : vector<16xi1>, vector<16xf32>
    %broadcast_in_dim3A_558 = arith.constant 0.000000e+00 : f32
    %broadcast_in_dim3A_559 = vector.broadcast %broadcast_in_dim3A_558 : f32 to vector<16xf32>
    %jit3A_560 = arith.constant -1.000000e+01 : f32
    %jit3A_561 = arith.constant 1.000000e+01 : f32
    %max3A_562 = vector.broadcast %jit3A_560 : f32 to vector<16xf32>
    %max3A_563 = arith.maximumf %max3A_562, %scan3A_162#4 : vector<16xf32>
    %min3A_564 = vector.broadcast %jit3A_561 : f32 to vector<16xf32>
    %min3A_565 = arith.minimumf %min3A_564, %max3A_563 : vector<16xf32>
    %neg3A_566 = arith.constant 0.000000e+00 : f32
    %neg3A_567 = vector.broadcast %neg3A_566 : f32 to vector<16xf32>
    %neg3A_568 = arith.subf %neg3A_567, %min3A_565 : vector<16xf32>
    %abs3A_569 = math.absf %neg3A_568 : vector<16xf32>
    %neg3A_570 = arith.constant 0.000000e+00 : f32
    %neg3A_571 = vector.broadcast %neg3A_570 : f32 to vector<16xf32>
    %neg3A_572 = arith.subf %neg3A_571, %abs3A_569 : vector<16xf32>
    %exp3A_573 = math.exp %neg3A_572 : vector<16xf32>
    %add3A_574 = arith.constant 2.000000e+00 : f32
    %add3A_575 = vector.broadcast %add3A_574 : f32 to vector<16xf32>
    %add3A_576 = arith.addf %add3A_575, %exp3A_573 : vector<16xf32>
    %div3A_577 = arith.divf %exp3A_573, %add3A_576 : vector<16xf32>
    %mul3A_578 = arith.mulf %div3A_577, %div3A_577 : vector<16xf32>
    %mul3A_579 = arith.constant 0.0769230798 : f32
    %mul3A_580 = vector.broadcast %mul3A_579 : f32 to vector<16xf32>
    %mul3A_581 = arith.mulf %mul3A_578, %mul3A_580 : vector<16xf32>
    %add3A_582 = arith.constant 0.0909090936 : f32
    %add3A_583 = vector.broadcast %add3A_582 : f32 to vector<16xf32>
    %add3A_584 = arith.addf %add3A_583, %mul3A_581 : vector<16xf32>
    %mul3A_585 = arith.mulf %mul3A_578, %add3A_584 : vector<16xf32>
    %add3A_586 = arith.constant 0.111111112 : f32
    %add3A_587 = vector.broadcast %add3A_586 : f32 to vector<16xf32>
    %add3A_588 = arith.addf %add3A_587, %mul3A_585 : vector<16xf32>
    %mul3A_589 = arith.mulf %mul3A_578, %add3A_588 : vector<16xf32>
    %add3A_590 = arith.constant 0.142857149 : f32
    %add3A_591 = vector.broadcast %add3A_590 : f32 to vector<16xf32>
    %add3A_592 = arith.addf %add3A_591, %mul3A_589 : vector<16xf32>
    %mul3A_593 = arith.mulf %mul3A_578, %add3A_592 : vector<16xf32>
    %add3A_594 = arith.constant 2.000000e-01 : f32
    %add3A_595 = vector.broadcast %add3A_594 : f32 to vector<16xf32>
    %add3A_596 = arith.addf %add3A_595, %mul3A_593 : vector<16xf32>
    %mul3A_597 = arith.mulf %mul3A_578, %add3A_596 : vector<16xf32>
    %add3A_598 = arith.constant 0.333333343 : f32
    %add3A_599 = vector.broadcast %add3A_598 : f32 to vector<16xf32>
    %add3A_600 = arith.addf %add3A_599, %mul3A_597 : vector<16xf32>
    %mul3A_601 = arith.mulf %mul3A_578, %add3A_600 : vector<16xf32>
    %add3A_602 = arith.constant 1.000000e+00 : f32
    %add3A_603 = vector.broadcast %add3A_602 : f32 to vector<16xf32>
    %add3A_604 = arith.addf %add3A_603, %mul3A_601 : vector<16xf32>
    %min3A_605 = arith.constant 0.000000e+00 : f32
    %min3A_606 = vector.broadcast %min3A_605 : f32 to vector<16xf32>
    %min3A_607 = arith.minimumf %neg3A_568, %min3A_606 : vector<16xf32>
    %mul3A_608 = arith.constant 2.000000e+00 : f32
    %mul3A_609 = vector.broadcast %mul3A_608 : f32 to vector<16xf32>
    %mul3A_610 = arith.mulf %mul3A_609, %div3A_577 : vector<16xf32>
    %mul3A_611 = arith.mulf %mul3A_610, %add3A_604 : vector<16xf32>
    %sub3A_612 = arith.subf %min3A_607, %mul3A_611 : vector<16xf32>
    %add3A_613 = arith.addf %broadcast_in_dim3A_559, %sub3A_612 : vector<16xf32>
    %jit3A_614 = arith.constant -1.000000e+01 : f32
    %jit3A_615 = arith.constant 1.000000e+01 : f32
    %max3A_616 = vector.broadcast %jit3A_614 : f32 to vector<16xf32>
    %max3A_617 = arith.maximumf %max3A_616, %scan3A_162#5 : vector<16xf32>
    %min3A_618 = vector.broadcast %jit3A_615 : f32 to vector<16xf32>
    %min3A_619 = arith.minimumf %min3A_618, %max3A_617 : vector<16xf32>
    %neg3A_620 = arith.constant 0.000000e+00 : f32
    %neg3A_621 = vector.broadcast %neg3A_620 : f32 to vector<16xf32>
    %neg3A_622 = arith.subf %neg3A_621, %min3A_619 : vector<16xf32>
    %abs3A_623 = math.absf %neg3A_622 : vector<16xf32>
    %neg3A_624 = arith.constant 0.000000e+00 : f32
    %neg3A_625 = vector.broadcast %neg3A_624 : f32 to vector<16xf32>
    %neg3A_626 = arith.subf %neg3A_625, %abs3A_623 : vector<16xf32>
    %exp3A_627 = math.exp %neg3A_626 : vector<16xf32>
    %add3A_628 = arith.constant 2.000000e+00 : f32
    %add3A_629 = vector.broadcast %add3A_628 : f32 to vector<16xf32>
    %add3A_630 = arith.addf %add3A_629, %exp3A_627 : vector<16xf32>
    %div3A_631 = arith.divf %exp3A_627, %add3A_630 : vector<16xf32>
    %mul3A_632 = arith.mulf %div3A_631, %div3A_631 : vector<16xf32>
    %mul3A_633 = arith.constant 0.0769230798 : f32
    %mul3A_634 = vector.broadcast %mul3A_633 : f32 to vector<16xf32>
    %mul3A_635 = arith.mulf %mul3A_632, %mul3A_634 : vector<16xf32>
    %add3A_636 = arith.constant 0.0909090936 : f32
    %add3A_637 = vector.broadcast %add3A_636 : f32 to vector<16xf32>
    %add3A_638 = arith.addf %add3A_637, %mul3A_635 : vector<16xf32>
    %mul3A_639 = arith.mulf %mul3A_632, %add3A_638 : vector<16xf32>
    %add3A_640 = arith.constant 0.111111112 : f32
    %add3A_641 = vector.broadcast %add3A_640 : f32 to vector<16xf32>
    %add3A_642 = arith.addf %add3A_641, %mul3A_639 : vector<16xf32>
    %mul3A_643 = arith.mulf %mul3A_632, %add3A_642 : vector<16xf32>
    %add3A_644 = arith.constant 0.142857149 : f32
    %add3A_645 = vector.broadcast %add3A_644 : f32 to vector<16xf32>
    %add3A_646 = arith.addf %add3A_645, %mul3A_643 : vector<16xf32>
    %mul3A_647 = arith.mulf %mul3A_632, %add3A_646 : vector<16xf32>
    %add3A_648 = arith.constant 2.000000e-01 : f32
    %add3A_649 = vector.broadcast %add3A_648 : f32 to vector<16xf32>
    %add3A_650 = arith.addf %add3A_649, %mul3A_647 : vector<16xf32>
    %mul3A_651 = arith.mulf %mul3A_632, %add3A_650 : vector<16xf32>
    %add3A_652 = arith.constant 0.333333343 : f32
    %add3A_653 = vector.broadcast %add3A_652 : f32 to vector<16xf32>
    %add3A_654 = arith.addf %add3A_653, %mul3A_651 : vector<16xf32>
    %mul3A_655 = arith.mulf %mul3A_632, %add3A_654 : vector<16xf32>
    %add3A_656 = arith.constant 1.000000e+00 : f32
    %add3A_657 = vector.broadcast %add3A_656 : f32 to vector<16xf32>
    %add3A_658 = arith.addf %add3A_657, %mul3A_655 : vector<16xf32>
    %min3A_659 = arith.constant 0.000000e+00 : f32
    %min3A_660 = vector.broadcast %min3A_659 : f32 to vector<16xf32>
    %min3A_661 = arith.minimumf %neg3A_622, %min3A_660 : vector<16xf32>
    %mul3A_662 = arith.constant 2.000000e+00 : f32
    %mul3A_663 = vector.broadcast %mul3A_662 : f32 to vector<16xf32>
    %mul3A_664 = arith.mulf %mul3A_663, %div3A_631 : vector<16xf32>
    %mul3A_665 = arith.mulf %mul3A_664, %add3A_658 : vector<16xf32>
    %sub3A_666 = arith.subf %min3A_661, %mul3A_665 : vector<16xf32>
    %add3A_667 = arith.addf %add3A_613, %sub3A_666 : vector<16xf32>
    %jit3A_668 = arith.constant -1.000000e+01 : f32
    %jit3A_669 = arith.constant 1.000000e+01 : f32
    %max3A_670 = vector.broadcast %jit3A_668 : f32 to vector<16xf32>
    %max3A_671 = arith.maximumf %max3A_670, %scan3A_162#6 : vector<16xf32>
    %min3A_672 = vector.broadcast %jit3A_669 : f32 to vector<16xf32>
    %min3A_673 = arith.minimumf %min3A_672, %max3A_671 : vector<16xf32>
    %neg3A_674 = arith.constant 0.000000e+00 : f32
    %neg3A_675 = vector.broadcast %neg3A_674 : f32 to vector<16xf32>
    %neg3A_676 = arith.subf %neg3A_675, %min3A_673 : vector<16xf32>
    %abs3A_677 = math.absf %neg3A_676 : vector<16xf32>
    %neg3A_678 = arith.constant 0.000000e+00 : f32
    %neg3A_679 = vector.broadcast %neg3A_678 : f32 to vector<16xf32>
    %neg3A_680 = arith.subf %neg3A_679, %abs3A_677 : vector<16xf32>
    %exp3A_681 = math.exp %neg3A_680 : vector<16xf32>
    %add3A_682 = arith.constant 2.000000e+00 : f32
    %add3A_683 = vector.broadcast %add3A_682 : f32 to vector<16xf32>
    %add3A_684 = arith.addf %add3A_683, %exp3A_681 : vector<16xf32>
    %div3A_685 = arith.divf %exp3A_681, %add3A_684 : vector<16xf32>
    %mul3A_686 = arith.mulf %div3A_685, %div3A_685 : vector<16xf32>
    %mul3A_687 = arith.constant 0.0769230798 : f32
    %mul3A_688 = vector.broadcast %mul3A_687 : f32 to vector<16xf32>
    %mul3A_689 = arith.mulf %mul3A_686, %mul3A_688 : vector<16xf32>
    %add3A_690 = arith.constant 0.0909090936 : f32
    %add3A_691 = vector.broadcast %add3A_690 : f32 to vector<16xf32>
    %add3A_692 = arith.addf %add3A_691, %mul3A_689 : vector<16xf32>
    %mul3A_693 = arith.mulf %mul3A_686, %add3A_692 : vector<16xf32>
    %add3A_694 = arith.constant 0.111111112 : f32
    %add3A_695 = vector.broadcast %add3A_694 : f32 to vector<16xf32>
    %add3A_696 = arith.addf %add3A_695, %mul3A_693 : vector<16xf32>
    %mul3A_697 = arith.mulf %mul3A_686, %add3A_696 : vector<16xf32>
    %add3A_698 = arith.constant 0.142857149 : f32
    %add3A_699 = vector.broadcast %add3A_698 : f32 to vector<16xf32>
    %add3A_700 = arith.addf %add3A_699, %mul3A_697 : vector<16xf32>
    %mul3A_701 = arith.mulf %mul3A_686, %add3A_700 : vector<16xf32>
    %add3A_702 = arith.constant 2.000000e-01 : f32
    %add3A_703 = vector.broadcast %add3A_702 : f32 to vector<16xf32>
    %add3A_704 = arith.addf %add3A_703, %mul3A_701 : vector<16xf32>
    %mul3A_705 = arith.mulf %mul3A_686, %add3A_704 : vector<16xf32>
    %add3A_706 = arith.constant 0.333333343 : f32
    %add3A_707 = vector.broadcast %add3A_706 : f32 to vector<16xf32>
    %add3A_708 = arith.addf %add3A_707, %mul3A_705 : vector<16xf32>
    %mul3A_709 = arith.mulf %mul3A_686, %add3A_708 : vector<16xf32>
    %add3A_710 = arith.constant 1.000000e+00 : f32
    %add3A_711 = vector.broadcast %add3A_710 : f32 to vector<16xf32>
    %add3A_712 = arith.addf %add3A_711, %mul3A_709 : vector<16xf32>
    %min3A_713 = arith.constant 0.000000e+00 : f32
    %min3A_714 = vector.broadcast %min3A_713 : f32 to vector<16xf32>
    %min3A_715 = arith.minimumf %neg3A_676, %min3A_714 : vector<16xf32>
    %mul3A_716 = arith.constant 2.000000e+00 : f32
    %mul3A_717 = vector.broadcast %mul3A_716 : f32 to vector<16xf32>
    %mul3A_718 = arith.mulf %mul3A_717, %div3A_685 : vector<16xf32>
    %mul3A_719 = arith.mulf %mul3A_718, %add3A_712 : vector<16xf32>
    %sub3A_720 = arith.subf %min3A_715, %mul3A_719 : vector<16xf32>
    %add3A_721 = arith.addf %add3A_667, %sub3A_720 : vector<16xf32>
    %jit3A_722 = arith.constant -1.000000e+01 : f32
    %jit3A_723 = arith.constant 1.000000e+01 : f32
    %max3A_724 = vector.broadcast %jit3A_722 : f32 to vector<16xf32>
    %max3A_725 = arith.maximumf %max3A_724, %scan3A_162#7 : vector<16xf32>
    %min3A_726 = vector.broadcast %jit3A_723 : f32 to vector<16xf32>
    %min3A_727 = arith.minimumf %min3A_726, %max3A_725 : vector<16xf32>
    %neg3A_728 = arith.constant 0.000000e+00 : f32
    %neg3A_729 = vector.broadcast %neg3A_728 : f32 to vector<16xf32>
    %neg3A_730 = arith.subf %neg3A_729, %min3A_727 : vector<16xf32>
    %abs3A_731 = math.absf %neg3A_730 : vector<16xf32>
    %neg3A_732 = arith.constant 0.000000e+00 : f32
    %neg3A_733 = vector.broadcast %neg3A_732 : f32 to vector<16xf32>
    %neg3A_734 = arith.subf %neg3A_733, %abs3A_731 : vector<16xf32>
    %exp3A_735 = math.exp %neg3A_734 : vector<16xf32>
    %add3A_736 = arith.constant 2.000000e+00 : f32
    %add3A_737 = vector.broadcast %add3A_736 : f32 to vector<16xf32>
    %add3A_738 = arith.addf %add3A_737, %exp3A_735 : vector<16xf32>
    %div3A_739 = arith.divf %exp3A_735, %add3A_738 : vector<16xf32>
    %mul3A_740 = arith.mulf %div3A_739, %div3A_739 : vector<16xf32>
    %mul3A_741 = arith.constant 0.0769230798 : f32
    %mul3A_742 = vector.broadcast %mul3A_741 : f32 to vector<16xf32>
    %mul3A_743 = arith.mulf %mul3A_740, %mul3A_742 : vector<16xf32>
    %add3A_744 = arith.constant 0.0909090936 : f32
    %add3A_745 = vector.broadcast %add3A_744 : f32 to vector<16xf32>
    %add3A_746 = arith.addf %add3A_745, %mul3A_743 : vector<16xf32>
    %mul3A_747 = arith.mulf %mul3A_740, %add3A_746 : vector<16xf32>
    %add3A_748 = arith.constant 0.111111112 : f32
    %add3A_749 = vector.broadcast %add3A_748 : f32 to vector<16xf32>
    %add3A_750 = arith.addf %add3A_749, %mul3A_747 : vector<16xf32>
    %mul3A_751 = arith.mulf %mul3A_740, %add3A_750 : vector<16xf32>
    %add3A_752 = arith.constant 0.142857149 : f32
    %add3A_753 = vector.broadcast %add3A_752 : f32 to vector<16xf32>
    %add3A_754 = arith.addf %add3A_753, %mul3A_751 : vector<16xf32>
    %mul3A_755 = arith.mulf %mul3A_740, %add3A_754 : vector<16xf32>
    %add3A_756 = arith.constant 2.000000e-01 : f32
    %add3A_757 = vector.broadcast %add3A_756 : f32 to vector<16xf32>
    %add3A_758 = arith.addf %add3A_757, %mul3A_755 : vector<16xf32>
    %mul3A_759 = arith.mulf %mul3A_740, %add3A_758 : vector<16xf32>
    %add3A_760 = arith.constant 0.333333343 : f32
    %add3A_761 = vector.broadcast %add3A_760 : f32 to vector<16xf32>
    %add3A_762 = arith.addf %add3A_761, %mul3A_759 : vector<16xf32>
    %mul3A_763 = arith.mulf %mul3A_740, %add3A_762 : vector<16xf32>
    %add3A_764 = arith.constant 1.000000e+00 : f32
    %add3A_765 = vector.broadcast %add3A_764 : f32 to vector<16xf32>
    %add3A_766 = arith.addf %add3A_765, %mul3A_763 : vector<16xf32>
    %min3A_767 = arith.constant 0.000000e+00 : f32
    %min3A_768 = vector.broadcast %min3A_767 : f32 to vector<16xf32>
    %min3A_769 = arith.minimumf %neg3A_730, %min3A_768 : vector<16xf32>
    %mul3A_770 = arith.constant 2.000000e+00 : f32
    %mul3A_771 = vector.broadcast %mul3A_770 : f32 to vector<16xf32>
    %mul3A_772 = arith.mulf %mul3A_771, %div3A_739 : vector<16xf32>
    %mul3A_773 = arith.mulf %mul3A_772, %add3A_766 : vector<16xf32>
    %sub3A_774 = arith.subf %min3A_769, %mul3A_773 : vector<16xf32>
    %add3A_775 = arith.addf %add3A_721, %sub3A_774 : vector<16xf32>
    %eq3A_776 = arith.constant 1 : i32
    %eq3A_777 = vector.broadcast %eq3A_776 : i32 to vector<16xi32>
    %eq3A_778 = arith.cmpi eq, %iota3A, %eq3A_777 : vector<16xi32>
    %reduce_sum3A_779 = arith.constant true
    %reduce_sum3A_780 = vector.broadcast %reduce_sum3A_779 : i1 to vector<16xi1>
    %reduce_sum3A_781 = tpu.scan <sum>, %add3A_775 masked %reduce_sum3A_780 : vector<16xf32>, vector<16xi1> -> vector<16xf32>
    %reduce_sum3A_782 = vector.extract %reduce_sum3A_781[15] : f32 from vector<16xf32>
    %neg3A_783 = arith.constant 0.000000e+00 : f32
    %neg3A_784 = arith.subf %neg3A_783, %reduce_sum3A_782 : f32
    %broadcast_in_dim3A_785 = vector.broadcast %neg3A_784 : f32 to vector<16xf32>
    %select_n3A_786 = arith.select %eq3A_778, %broadcast_in_dim3A_785, %select_n3A_473 : vector<16xi1>, vector<16xf32>
    %mul3A_787 = arith.constant 4 : i32
    %mul3A_788 = arith.muli %select_n3A_9, %mul3A_787 : i32
    %add3A_789 = arith.constant 2 : i32
    %add3A_790 = arith.addi %mul3A_788, %add3A_789 : i32
    %get3A_791 = arith.index_cast %add3A_790 : i32 to index
    %get3A_792 = arith.constant 0 : index
    %get3A_793 = tpu.vector_load %arg11[%get3A_791, %get3A_792] {strides = array<i32>} : memref<8x128xf32, #tpu.memory_space<vmem>>, vector<16xf32>,
    %get3A_794 = arith.constant 0 : i32
    %get3A_795 = arith.index_cast %get3A_794 : i32 to index
    %get3A_796 = arith.constant 0 : index
    %get3A_797 = tpu.vector_load %arg15[%get3A_795, %get3A_796] {strides = array<i32>} : memref<8x16xf32, #tpu.memory_space<vmem>>, vector<16xf32>,
    %mul3A_798 = arith.mulf %get3A_793, %get3A_797 : vector<16xf32>
    %get3A_799 = arith.index_cast %add3A_790 : i32 to index
    %get3A_800 = arith.constant 16 : index
    %get3A_801 = tpu.vector_load %arg11[%get3A_799, %get3A_800] {strides = array<i32>} : memref<8x128xf32, #tpu.memory_space<vmem>>, vector<16xf32>,
    %get3A_802 = arith.constant 1 : i32
    %get3A_803 = arith.index_cast %get3A_802 : i32 to index
    %get3A_804 = arith.constant 0 : index
    %get3A_805 = tpu.vector_load %arg15[%get3A_803, %get3A_804] {strides = array<i32>} : memref<8x16xf32, #tpu.memory_space<vmem>>, vector<16xf32>,
    %mul3A_806 = arith.mulf %get3A_801, %get3A_805 : vector<16xf32>
    %add3A_807 = arith.addf %mul3A_798, %mul3A_806 : vector<16xf32>
    %get3A_808 = arith.index_cast %add3A_790 : i32 to index
    %get3A_809 = arith.constant 32 : index
    %get3A_810 = tpu.vector_load %arg11[%get3A_808, %get3A_809] {strides = array<i32>} : memref<8x128xf32, #tpu.memory_space<vmem>>, vector<16xf32>,
    %get3A_811 = arith.constant 2 : i32
    %get3A_812 = arith.index_cast %get3A_811 : i32 to index
    %get3A_813 = arith.constant 0 : index
    %get3A_814 = tpu.vector_load %arg15[%get3A_812, %get3A_813] {strides = array<i32>} : memref<8x16xf32, #tpu.memory_space<vmem>>, vector<16xf32>,
    %mul3A_815 = arith.mulf %get3A_810, %get3A_814 : vector<16xf32>
    %add3A_816 = arith.addf %add3A_807, %mul3A_815 : vector<16xf32>
    %get3A_817 = arith.index_cast %add3A_790 : i32 to index
    %get3A_818 = arith.constant 48 : index
    %get3A_819 = tpu.vector_load %arg11[%get3A_817, %get3A_818] {strides = array<i32>} : memref<8x128xf32, #tpu.memory_space<vmem>>, vector<16xf32>,
    %get3A_820 = arith.constant 3 : i32
    %get3A_821 = arith.index_cast %get3A_820 : i32 to index
    %get3A_822 = arith.constant 0 : index
    %get3A_823 = tpu.vector_load %arg15[%get3A_821, %get3A_822] {strides = array<i32>} : memref<8x16xf32, #tpu.memory_space<vmem>>, vector<16xf32>,
    %mul3A_824 = arith.mulf %get3A_819, %get3A_823 : vector<16xf32>
    %add3A_825 = arith.addf %add3A_816, %mul3A_824 : vector<16xf32>
    %get3A_826 = arith.index_cast %add3A_790 : i32 to index
    %get3A_827 = arith.constant 64 : index
    %get3A_828 = tpu.vector_load %arg11[%get3A_826, %get3A_827] {strides = array<i32>} : memref<8x128xf32, #tpu.memory_space<vmem>>, vector<16xf32>,
    %get3A_829 = arith.constant 4 : i32
    %get3A_830 = arith.index_cast %get3A_829 : i32 to index
    %get3A_831 = arith.constant 0 : index
    %get3A_832 = tpu.vector_load %arg15[%get3A_830, %get3A_831] {strides = array<i32>} : memref<8x16xf32, #tpu.memory_space<vmem>>, vector<16xf32>,
    %mul3A_833 = arith.mulf %get3A_828, %get3A_832 : vector<16xf32>
    %add3A_834 = arith.addf %add3A_825, %mul3A_833 : vector<16xf32>
    %get3A_835 = arith.index_cast %add3A_790 : i32 to index
    %get3A_836 = arith.constant 80 : index
    %get3A_837 = tpu.vector_load %arg11[%get3A_835, %get3A_836] {strides = array<i32>} : memref<8x128xf32, #tpu.memory_space<vmem>>, vector<16xf32>,
    %get3A_838 = arith.constant 5 : i32
    %get3A_839 = arith.index_cast %get3A_838 : i32 to index
    %get3A_840 = arith.constant 0 : index
    %get3A_841 = tpu.vector_load %arg15[%get3A_839, %get3A_840] {strides = array<i32>} : memref<8x16xf32, #tpu.memory_space<vmem>>, vector<16xf32>,
    %mul3A_842 = arith.mulf %get3A_837, %get3A_841 : vector<16xf32>
    %add3A_843 = arith.addf %add3A_834, %mul3A_842 : vector<16xf32>
    %get3A_844 = arith.index_cast %add3A_790 : i32 to index
    %get3A_845 = arith.constant 96 : index
    %get3A_846 = tpu.vector_load %arg11[%get3A_844, %get3A_845] {strides = array<i32>} : memref<8x128xf32, #tpu.memory_space<vmem>>, vector<16xf32>,
    %get3A_847 = arith.constant 6 : i32
    %get3A_848 = arith.index_cast %get3A_847 : i32 to index
    %get3A_849 = arith.constant 0 : index
    %get3A_850 = tpu.vector_load %arg15[%get3A_848, %get3A_849] {strides = array<i32>} : memref<8x16xf32, #tpu.memory_space<vmem>>, vector<16xf32>,
    %mul3A_851 = arith.mulf %get3A_846, %get3A_850 : vector<16xf32>
    %add3A_852 = arith.addf %add3A_843, %mul3A_851 : vector<16xf32>
    %get3A_853 = arith.index_cast %add3A_790 : i32 to index
    %get3A_854 = arith.constant 112 : index
    %get3A_855 = tpu.vector_load %arg11[%get3A_853, %get3A_854] {strides = array<i32>} : memref<8x128xf32, #tpu.memory_space<vmem>>, vector<16xf32>,
    %get3A_856 = arith.constant 7 : i32
    %get3A_857 = arith.index_cast %get3A_856 : i32 to index
    %get3A_858 = arith.constant 0 : index
    %get3A_859 = tpu.vector_load %arg15[%get3A_857, %get3A_858] {strides = array<i32>} : memref<8x16xf32, #tpu.memory_space<vmem>>, vector<16xf32>,
    %mul3A_860 = arith.mulf %get3A_855, %get3A_859 : vector<16xf32>
    %add3A_861 = arith.addf %add3A_852, %mul3A_860 : vector<16xf32>
    %eq3A_862 = arith.constant 2 : i32
    %eq3A_863 = vector.broadcast %eq3A_862 : i32 to vector<16xi32>
    %eq3A_864 = arith.cmpi eq, %iota3A, %eq3A_863 : vector<16xi32>
    %reduce_sum3A_865 = arith.constant true
    %reduce_sum3A_866 = vector.broadcast %reduce_sum3A_865 : i1 to vector<16xi1>
    %reduce_sum3A_867 = tpu.scan <sum>, %add3A_861 masked %reduce_sum3A_866 : vector<16xf32>, vector<16xi1> -> vector<16xf32>
    %reduce_sum3A_868 = vector.extract %reduce_sum3A_867[15] : f32 from vector<16xf32>
    %broadcast_in_dim3A_869 = vector.broadcast %reduce_sum3A_868 : f32 to vector<16xf32>
    %select_n3A_870 = arith.select %eq3A_864, %broadcast_in_dim3A_869, %select_n3A_557 : vector<16xi1>, vector<16xf32>
    %broadcast_in_dim3A_871 = arith.constant 0.000000e+00 : f32
    %broadcast_in_dim3A_872 = vector.broadcast %broadcast_in_dim3A_871 : f32 to vector<16xf32>
    %jit3A_873 = arith.constant -1.000000e+01 : f32
    %jit3A_874 = arith.constant 1.000000e+01 : f32
    %max3A_875 = vector.broadcast %jit3A_873 : f32 to vector<16xf32>
    %max3A_876 = arith.maximumf %max3A_875, %scan3A_162#8 : vector<16xf32>
    %min3A_877 = vector.broadcast %jit3A_874 : f32 to vector<16xf32>
    %min3A_878 = arith.minimumf %min3A_877, %max3A_876 : vector<16xf32>
    %neg3A_879 = arith.constant 0.000000e+00 : f32
    %neg3A_880 = vector.broadcast %neg3A_879 : f32 to vector<16xf32>
    %neg3A_881 = arith.subf %neg3A_880, %min3A_878 : vector<16xf32>
    %abs3A_882 = math.absf %neg3A_881 : vector<16xf32>
    %neg3A_883 = arith.constant 0.000000e+00 : f32
    %neg3A_884 = vector.broadcast %neg3A_883 : f32 to vector<16xf32>
    %neg3A_885 = arith.subf %neg3A_884, %abs3A_882 : vector<16xf32>
    %exp3A_886 = math.exp %neg3A_885 : vector<16xf32>
    %add3A_887 = arith.constant 2.000000e+00 : f32
    %add3A_888 = vector.broadcast %add3A_887 : f32 to vector<16xf32>
    %add3A_889 = arith.addf %add3A_888, %exp3A_886 : vector<16xf32>
    %div3A_890 = arith.divf %exp3A_886, %add3A_889 : vector<16xf32>
    %mul3A_891 = arith.mulf %div3A_890, %div3A_890 : vector<16xf32>
    %mul3A_892 = arith.constant 0.0769230798 : f32
    %mul3A_893 = vector.broadcast %mul3A_892 : f32 to vector<16xf32>
    %mul3A_894 = arith.mulf %mul3A_891, %mul3A_893 : vector<16xf32>
    %add3A_895 = arith.constant 0.0909090936 : f32
    %add3A_896 = vector.broadcast %add3A_895 : f32 to vector<16xf32>
    %add3A_897 = arith.addf %add3A_896, %mul3A_894 : vector<16xf32>
    %mul3A_898 = arith.mulf %mul3A_891, %add3A_897 : vector<16xf32>
    %add3A_899 = arith.constant 0.111111112 : f32
    %add3A_900 = vector.broadcast %add3A_899 : f32 to vector<16xf32>
    %add3A_901 = arith.addf %add3A_900, %mul3A_898 : vector<16xf32>
    %mul3A_902 = arith.mulf %mul3A_891, %add3A_901 : vector<16xf32>
    %add3A_903 = arith.constant 0.142857149 : f32
    %add3A_904 = vector.broadcast %add3A_903 : f32 to vector<16xf32>
    %add3A_905 = arith.addf %add3A_904, %mul3A_902 : vector<16xf32>
    %mul3A_906 = arith.mulf %mul3A_891, %add3A_905 : vector<16xf32>
    %add3A_907 = arith.constant 2.000000e-01 : f32
    %add3A_908 = vector.broadcast %add3A_907 : f32 to vector<16xf32>
    %add3A_909 = arith.addf %add3A_908, %mul3A_906 : vector<16xf32>
    %mul3A_910 = arith.mulf %mul3A_891, %add3A_909 : vector<16xf32>
    %add3A_911 = arith.constant 0.333333343 : f32
    %add3A_912 = vector.broadcast %add3A_911 : f32 to vector<16xf32>
    %add3A_913 = arith.addf %add3A_912, %mul3A_910 : vector<16xf32>
    %mul3A_914 = arith.mulf %mul3A_891, %add3A_913 : vector<16xf32>
    %add3A_915 = arith.constant 1.000000e+00 : f32
    %add3A_916 = vector.broadcast %add3A_915 : f32 to vector<16xf32>
    %add3A_917 = arith.addf %add3A_916, %mul3A_914 : vector<16xf32>
    %min3A_918 = arith.constant 0.000000e+00 : f32
    %min3A_919 = vector.broadcast %min3A_918 : f32 to vector<16xf32>
    %min3A_920 = arith.minimumf %neg3A_881, %min3A_919 : vector<16xf32>
    %mul3A_921 = arith.constant 2.000000e+00 : f32
    %mul3A_922 = vector.broadcast %mul3A_921 : f32 to vector<16xf32>
    %mul3A_923 = arith.mulf %mul3A_922, %div3A_890 : vector<16xf32>
    %mul3A_924 = arith.mulf %mul3A_923, %add3A_917 : vector<16xf32>
    %sub3A_925 = arith.subf %min3A_920, %mul3A_924 : vector<16xf32>
    %add3A_926 = arith.addf %broadcast_in_dim3A_872, %sub3A_925 : vector<16xf32>
    %jit3A_927 = arith.constant -1.000000e+01 : f32
    %jit3A_928 = arith.constant 1.000000e+01 : f32
    %max3A_929 = vector.broadcast %jit3A_927 : f32 to vector<16xf32>
    %max3A_930 = arith.maximumf %max3A_929, %scan3A_162#9 : vector<16xf32>
    %min3A_931 = vector.broadcast %jit3A_928 : f32 to vector<16xf32>
    %min3A_932 = arith.minimumf %min3A_931, %max3A_930 : vector<16xf32>
    %neg3A_933 = arith.constant 0.000000e+00 : f32
    %neg3A_934 = vector.broadcast %neg3A_933 : f32 to vector<16xf32>
    %neg3A_935 = arith.subf %neg3A_934, %min3A_932 : vector<16xf32>
    %abs3A_936 = math.absf %neg3A_935 : vector<16xf32>
    %neg3A_937 = arith.constant 0.000000e+00 : f32
    %neg3A_938 = vector.broadcast %neg3A_937 : f32 to vector<16xf32>
    %neg3A_939 = arith.subf %neg3A_938, %abs3A_936 : vector<16xf32>
    %exp3A_940 = math.exp %neg3A_939 : vector<16xf32>
    %add3A_941 = arith.constant 2.000000e+00 : f32
    %add3A_942 = vector.broadcast %add3A_941 : f32 to vector<16xf32>
    %add3A_943 = arith.addf %add3A_942, %exp3A_940 : vector<16xf32>
    %div3A_944 = arith.divf %exp3A_940, %add3A_943 : vector<16xf32>
    %mul3A_945 = arith.mulf %div3A_944, %div3A_944 : vector<16xf32>
    %mul3A_946 = arith.constant 0.0769230798 : f32
    %mul3A_947 = vector.broadcast %mul3A_946 : f32 to vector<16xf32>
    %mul3A_948 = arith.mulf %mul3A_945, %mul3A_947 : vector<16xf32>
    %add3A_949 = arith.constant 0.0909090936 : f32
    %add3A_950 = vector.broadcast %add3A_949 : f32 to vector<16xf32>
    %add3A_951 = arith.addf %add3A_950, %mul3A_948 : vector<16xf32>
    %mul3A_952 = arith.mulf %mul3A_945, %add3A_951 : vector<16xf32>
    %add3A_953 = arith.constant 0.111111112 : f32
    %add3A_954 = vector.broadcast %add3A_953 : f32 to vector<16xf32>
    %add3A_955 = arith.addf %add3A_954, %mul3A_952 : vector<16xf32>
    %mul3A_956 = arith.mulf %mul3A_945, %add3A_955 : vector<16xf32>
    %add3A_957 = arith.constant 0.142857149 : f32
    %add3A_958 = vector.broadcast %add3A_957 : f32 to vector<16xf32>
    %add3A_959 = arith.addf %add3A_958, %mul3A_956 : vector<16xf32>
    %mul3A_960 = arith.mulf %mul3A_945, %add3A_959 : vector<16xf32>
    %add3A_961 = arith.constant 2.000000e-01 : f32
    %add3A_962 = vector.broadcast %add3A_961 : f32 to vector<16xf32>
    %add3A_963 = arith.addf %add3A_962, %mul3A_960 : vector<16xf32>
    %mul3A_964 = arith.mulf %mul3A_945, %add3A_963 : vector<16xf32>
    %add3A_965 = arith.constant 0.333333343 : f32
    %add3A_966 = vector.broadcast %add3A_965 : f32 to vector<16xf32>
    %add3A_967 = arith.addf %add3A_966, %mul3A_964 : vector<16xf32>
    %mul3A_968 = arith.mulf %mul3A_945, %add3A_967 : vector<16xf32>
    %add3A_969 = arith.constant 1.000000e+00 : f32
    %add3A_970 = vector.broadcast %add3A_969 : f32 to vector<16xf32>
    %add3A_971 = arith.addf %add3A_970, %mul3A_968 : vector<16xf32>
    %min3A_972 = arith.constant 0.000000e+00 : f32
    %min3A_973 = vector.broadcast %min3A_972 : f32 to vector<16xf32>
    %min3A_974 = arith.minimumf %neg3A_935, %min3A_973 : vector<16xf32>
    %mul3A_975 = arith.constant 2.000000e+00 : f32
    %mul3A_976 = vector.broadcast %mul3A_975 : f32 to vector<16xf32>
    %mul3A_977 = arith.mulf %mul3A_976, %div3A_944 : vector<16xf32>
    %mul3A_978 = arith.mulf %mul3A_977, %add3A_971 : vector<16xf32>
    %sub3A_979 = arith.subf %min3A_974, %mul3A_978 : vector<16xf32>
    %add3A_980 = arith.addf %add3A_926, %sub3A_979 : vector<16xf32>
    %jit3A_981 = arith.constant -1.000000e+01 : f32
    %jit3A_982 = arith.constant 1.000000e+01 : f32
    %max3A_983 = vector.broadcast %jit3A_981 : f32 to vector<16xf32>
    %max3A_984 = arith.maximumf %max3A_983, %scan3A_162#10 : vector<16xf32>
    %min3A_985 = vector.broadcast %jit3A_982 : f32 to vector<16xf32>
    %min3A_986 = arith.minimumf %min3A_985, %max3A_984 : vector<16xf32>
    %neg3A_987 = arith.constant 0.000000e+00 : f32
    %neg3A_988 = vector.broadcast %neg3A_987 : f32 to vector<16xf32>
    %neg3A_989 = arith.subf %neg3A_988, %min3A_986 : vector<16xf32>
    %abs3A_990 = math.absf %neg3A_989 : vector<16xf32>
    %neg3A_991 = arith.constant 0.000000e+00 : f32
    %neg3A_992 = vector.broadcast %neg3A_991 : f32 to vector<16xf32>
    %neg3A_993 = arith.subf %neg3A_992, %abs3A_990 : vector<16xf32>
    %exp3A_994 = math.exp %neg3A_993 : vector<16xf32>
    %add3A_995 = arith.constant 2.000000e+00 : f32
    %add3A_996 = vector.broadcast %add3A_995 : f32 to vector<16xf32>
    %add3A_997 = arith.addf %add3A_996, %exp3A_994 : vector<16xf32>
    %div3A_998 = arith.divf %exp3A_994, %add3A_997 : vector<16xf32>
    %mul3A_999 = arith.mulf %div3A_998, %div3A_998 : vector<16xf32>
    %mul3A_1000 = arith.constant 0.0769230798 : f32
    %mul3A_1001 = vector.broadcast %mul3A_1000 : f32 to vector<16xf32>
    %mul3A_1002 = arith.mulf %mul3A_999, %mul3A_1001 : vector<16xf32>
    %add3A_1003 = arith.constant 0.0909090936 : f32
    %add3A_1004 = vector.broadcast %add3A_1003 : f32 to vector<16xf32>
    %add3A_1005 = arith.addf %add3A_1004, %mul3A_1002 : vector<16xf32>
    %mul3A_1006 = arith.mulf %mul3A_999, %add3A_1005 : vector<16xf32>
    %add3A_1007 = arith.constant 0.111111112 : f32
    %add3A_1008 = vector.broadcast %add3A_1007 : f32 to vector<16xf32>
    %add3A_1009 = arith.addf %add3A_1008, %mul3A_1006 : vector<16xf32>
    %mul3A_1010 = arith.mulf %mul3A_999, %add3A_1009 : vector<16xf32>
    %add3A_1011 = arith.constant 0.142857149 : f32
    %add3A_1012 = vector.broadcast %add3A_1011 : f32 to vector<16xf32>
    %add3A_1013 = arith.addf %add3A_1012, %mul3A_1010 : vector<16xf32>
    %mul3A_1014 = arith.mulf %mul3A_999, %add3A_1013 : vector<16xf32>
    %add3A_1015 = arith.constant 2.000000e-01 : f32
    %add3A_1016 = vector.broadcast %add3A_1015 : f32 to vector<16xf32>
    %add3A_1017 = arith.addf %add3A_1016, %mul3A_1014 : vector<16xf32>
    %mul3A_1018 = arith.mulf %mul3A_999, %add3A_1017 : vector<16xf32>
    %add3A_1019 = arith.constant 0.333333343 : f32
    %add3A_1020 = vector.broadcast %add3A_1019 : f32 to vector<16xf32>
    %add3A_1021 = arith.addf %add3A_1020, %mul3A_1018 : vector<16xf32>
    %mul3A_1022 = arith.mulf %mul3A_999, %add3A_1021 : vector<16xf32>
    %add3A_1023 = arith.constant 1.000000e+00 : f32
    %add3A_1024 = vector.broadcast %add3A_1023 : f32 to vector<16xf32>
    %add3A_1025 = arith.addf %add3A_1024, %mul3A_1022 : vector<16xf32>
    %min3A_1026 = arith.constant 0.000000e+00 : f32
    %min3A_1027 = vector.broadcast %min3A_1026 : f32 to vector<16xf32>
    %min3A_1028 = arith.minimumf %neg3A_989, %min3A_1027 : vector<16xf32>
    %mul3A_1029 = arith.constant 2.000000e+00 : f32
    %mul3A_1030 = vector.broadcast %mul3A_1029 : f32 to vector<16xf32>
    %mul3A_1031 = arith.mulf %mul3A_1030, %div3A_998 : vector<16xf32>
    %mul3A_1032 = arith.mulf %mul3A_1031, %add3A_1025 : vector<16xf32>
    %sub3A_1033 = arith.subf %min3A_1028, %mul3A_1032 : vector<16xf32>
    %add3A_1034 = arith.addf %add3A_980, %sub3A_1033 : vector<16xf32>
    %jit3A_1035 = arith.constant -1.000000e+01 : f32
    %jit3A_1036 = arith.constant 1.000000e+01 : f32
    %max3A_1037 = vector.broadcast %jit3A_1035 : f32 to vector<16xf32>
    %max3A_1038 = arith.maximumf %max3A_1037, %scan3A_162#11 : vector<16xf32>
    %min3A_1039 = vector.broadcast %jit3A_1036 : f32 to vector<16xf32>
    %min3A_1040 = arith.minimumf %min3A_1039, %max3A_1038 : vector<16xf32>
    %neg3A_1041 = arith.constant 0.000000e+00 : f32
    %neg3A_1042 = vector.broadcast %neg3A_1041 : f32 to vector<16xf32>
    %neg3A_1043 = arith.subf %neg3A_1042, %min3A_1040 : vector<16xf32>
    %abs3A_1044 = math.absf %neg3A_1043 : vector<16xf32>
    %neg3A_1045 = arith.constant 0.000000e+00 : f32
    %neg3A_1046 = vector.broadcast %neg3A_1045 : f32 to vector<16xf32>
    %neg3A_1047 = arith.subf %neg3A_1046, %abs3A_1044 : vector<16xf32>
    %exp3A_1048 = math.exp %neg3A_1047 : vector<16xf32>
    %add3A_1049 = arith.constant 2.000000e+00 : f32
    %add3A_1050 = vector.broadcast %add3A_1049 : f32 to vector<16xf32>
    %add3A_1051 = arith.addf %add3A_1050, %exp3A_1048 : vector<16xf32>
    %div3A_1052 = arith.divf %exp3A_1048, %add3A_1051 : vector<16xf32>
    %mul3A_1053 = arith.mulf %div3A_1052, %div3A_1052 : vector<16xf32>
    %mul3A_1054 = arith.constant 0.0769230798 : f32
    %mul3A_1055 = vector.broadcast %mul3A_1054 : f32 to vector<16xf32>
    %mul3A_1056 = arith.mulf %mul3A_1053, %mul3A_1055 : vector<16xf32>
    %add3A_1057 = arith.constant 0.0909090936 : f32
    %add3A_1058 = vector.broadcast %add3A_1057 : f32 to vector<16xf32>
    %add3A_1059 = arith.addf %add3A_1058, %mul3A_1056 : vector<16xf32>
    %mul3A_1060 = arith.mulf %mul3A_1053, %add3A_1059 : vector<16xf32>
    %add3A_1061 = arith.constant 0.111111112 : f32
    %add3A_1062 = vector.broadcast %add3A_1061 : f32 to vector<16xf32>
    %add3A_1063 = arith.addf %add3A_1062, %mul3A_1060 : vector<16xf32>
    %mul3A_1064 = arith.mulf %mul3A_1053, %add3A_1063 : vector<16xf32>
    %add3A_1065 = arith.constant 0.142857149 : f32
    %add3A_1066 = vector.broadcast %add3A_1065 : f32 to vector<16xf32>
    %add3A_1067 = arith.addf %add3A_1066, %mul3A_1064 : vector<16xf32>
    %mul3A_1068 = arith.mulf %mul3A_1053, %add3A_1067 : vector<16xf32>
    %add3A_1069 = arith.constant 2.000000e-01 : f32
    %add3A_1070 = vector.broadcast %add3A_1069 : f32 to vector<16xf32>
    %add3A_1071 = arith.addf %add3A_1070, %mul3A_1068 : vector<16xf32>
    %mul3A_1072 = arith.mulf %mul3A_1053, %add3A_1071 : vector<16xf32>
    %add3A_1073 = arith.constant 0.333333343 : f32
    %add3A_1074 = vector.broadcast %add3A_1073 : f32 to vector<16xf32>
    %add3A_1075 = arith.addf %add3A_1074, %mul3A_1072 : vector<16xf32>
    %mul3A_1076 = arith.mulf %mul3A_1053, %add3A_1075 : vector<16xf32>
    %add3A_1077 = arith.constant 1.000000e+00 : f32
    %add3A_1078 = vector.broadcast %add3A_1077 : f32 to vector<16xf32>
    %add3A_1079 = arith.addf %add3A_1078, %mul3A_1076 : vector<16xf32>
    %min3A_1080 = arith.constant 0.000000e+00 : f32
    %min3A_1081 = vector.broadcast %min3A_1080 : f32 to vector<16xf32>
    %min3A_1082 = arith.minimumf %neg3A_1043, %min3A_1081 : vector<16xf32>
    %mul3A_1083 = arith.constant 2.000000e+00 : f32
    %mul3A_1084 = vector.broadcast %mul3A_1083 : f32 to vector<16xf32>
    %mul3A_1085 = arith.mulf %mul3A_1084, %div3A_1052 : vector<16xf32>
    %mul3A_1086 = arith.mulf %mul3A_1085, %add3A_1079 : vector<16xf32>
    %sub3A_1087 = arith.subf %min3A_1082, %mul3A_1086 : vector<16xf32>
    %add3A_1088 = arith.addf %add3A_1034, %sub3A_1087 : vector<16xf32>
    %eq3A_1089 = arith.constant 2 : i32
    %eq3A_1090 = vector.broadcast %eq3A_1089 : i32 to vector<16xi32>
    %eq3A_1091 = arith.cmpi eq, %iota3A, %eq3A_1090 : vector<16xi32>
    %reduce_sum3A_1092 = arith.constant true
    %reduce_sum3A_1093 = vector.broadcast %reduce_sum3A_1092 : i1 to vector<16xi1>
    %reduce_sum3A_1094 = tpu.scan <sum>, %add3A_1088 masked %reduce_sum3A_1093 : vector<16xf32>, vector<16xi1> -> vector<16xf32>
    %reduce_sum3A_1095 = vector.extract %reduce_sum3A_1094[15] : f32 from vector<16xf32>
    %neg3A_1096 = arith.constant 0.000000e+00 : f32
    %neg3A_1097 = arith.subf %neg3A_1096, %reduce_sum3A_1095 : f32
    %broadcast_in_dim3A_1098 = vector.broadcast %neg3A_1097 : f32 to vector<16xf32>
    %select_n3A_1099 = arith.select %eq3A_1091, %broadcast_in_dim3A_1098, %select_n3A_786 : vector<16xi1>, vector<16xf32>
    %mul3A_1100 = arith.constant 4 : i32
    %mul3A_1101 = arith.muli %select_n3A_9, %mul3A_1100 : i32
    %add3A_1102 = arith.constant 3 : i32
    %add3A_1103 = arith.addi %mul3A_1101, %add3A_1102 : i32
    %get3A_1104 = arith.index_cast %add3A_1103 : i32 to index
    %get3A_1105 = arith.constant 0 : index
    %get3A_1106 = tpu.vector_load %arg11[%get3A_1104, %get3A_1105] {strides = array<i32>} : memref<8x128xf32, #tpu.memory_space<vmem>>, vector<16xf32>,
    %get3A_1107 = arith.constant 0 : i32
    %get3A_1108 = arith.index_cast %get3A_1107 : i32 to index
    %get3A_1109 = arith.constant 0 : index
    %get3A_1110 = tpu.vector_load %arg15[%get3A_1108, %get3A_1109] {strides = array<i32>} : memref<8x16xf32, #tpu.memory_space<vmem>>, vector<16xf32>,
    %mul3A_1111 = arith.mulf %get3A_1106, %get3A_1110 : vector<16xf32>
    %get3A_1112 = arith.index_cast %add3A_1103 : i32 to index
    %get3A_1113 = arith.constant 16 : index
    %get3A_1114 = tpu.vector_load %arg11[%get3A_1112, %get3A_1113] {strides = array<i32>} : memref<8x128xf32, #tpu.memory_space<vmem>>, vector<16xf32>,
    %get3A_1115 = arith.constant 1 : i32
    %get3A_1116 = arith.index_cast %get3A_1115 : i32 to index
    %get3A_1117 = arith.constant 0 : index
    %get3A_1118 = tpu.vector_load %arg15[%get3A_1116, %get3A_1117] {strides = array<i32>} : memref<8x16xf32, #tpu.memory_space<vmem>>, vector<16xf32>,
    %mul3A_1119 = arith.mulf %get3A_1114, %get3A_1118 : vector<16xf32>
    %add3A_1120 = arith.addf %mul3A_1111, %mul3A_1119 : vector<16xf32>
    %get3A_1121 = arith.index_cast %add3A_1103 : i32 to index
    %get3A_1122 = arith.constant 32 : index
    %get3A_1123 = tpu.vector_load %arg11[%get3A_1121, %get3A_1122] {strides = array<i32>} : memref<8x128xf32, #tpu.memory_space<vmem>>, vector<16xf32>,
    %get3A_1124 = arith.constant 2 : i32
    %get3A_1125 = arith.index_cast %get3A_1124 : i32 to index
    %get3A_1126 = arith.constant 0 : index
    %get3A_1127 = tpu.vector_load %arg15[%get3A_1125, %get3A_1126] {strides = array<i32>} : memref<8x16xf32, #tpu.memory_space<vmem>>, vector<16xf32>,
    %mul3A_1128 = arith.mulf %get3A_1123, %get3A_1127 : vector<16xf32>
    %add3A_1129 = arith.addf %add3A_1120, %mul3A_1128 : vector<16xf32>
    %get3A_1130 = arith.index_cast %add3A_1103 : i32 to index
    %get3A_1131 = arith.constant 48 : index
    %get3A_1132 = tpu.vector_load %arg11[%get3A_1130, %get3A_1131] {strides = array<i32>} : memref<8x128xf32, #tpu.memory_space<vmem>>, vector<16xf32>,
    %get3A_1133 = arith.constant 3 : i32
    %get3A_1134 = arith.index_cast %get3A_1133 : i32 to index
    %get3A_1135 = arith.constant 0 : index
    %get3A_1136 = tpu.vector_load %arg15[%get3A_1134, %get3A_1135] {strides = array<i32>} : memref<8x16xf32, #tpu.memory_space<vmem>>, vector<16xf32>,
    %mul3A_1137 = arith.mulf %get3A_1132, %get3A_1136 : vector<16xf32>
    %add3A_1138 = arith.addf %add3A_1129, %mul3A_1137 : vector<16xf32>
    %get3A_1139 = arith.index_cast %add3A_1103 : i32 to index
    %get3A_1140 = arith.constant 64 : index
    %get3A_1141 = tpu.vector_load %arg11[%get3A_1139, %get3A_1140] {strides = array<i32>} : memref<8x128xf32, #tpu.memory_space<vmem>>, vector<16xf32>,
    %get3A_1142 = arith.constant 4 : i32
    %get3A_1143 = arith.index_cast %get3A_1142 : i32 to index
    %get3A_1144 = arith.constant 0 : index
    %get3A_1145 = tpu.vector_load %arg15[%get3A_1143, %get3A_1144] {strides = array<i32>} : memref<8x16xf32, #tpu.memory_space<vmem>>, vector<16xf32>,
    %mul3A_1146 = arith.mulf %get3A_1141, %get3A_1145 : vector<16xf32>
    %add3A_1147 = arith.addf %add3A_1138, %mul3A_1146 : vector<16xf32>
    %get3A_1148 = arith.index_cast %add3A_1103 : i32 to index
    %get3A_1149 = arith.constant 80 : index
    %get3A_1150 = tpu.vector_load %arg11[%get3A_1148, %get3A_1149] {strides = array<i32>} : memref<8x128xf32, #tpu.memory_space<vmem>>, vector<16xf32>,
    %get3A_1151 = arith.constant 5 : i32
    %get3A_1152 = arith.index_cast %get3A_1151 : i32 to index
    %get3A_1153 = arith.constant 0 : index
    %get3A_1154 = tpu.vector_load %arg15[%get3A_1152, %get3A_1153] {strides = array<i32>} : memref<8x16xf32, #tpu.memory_space<vmem>>, vector<16xf32>,
    %mul3A_1155 = arith.mulf %get3A_1150, %get3A_1154 : vector<16xf32>
    %add3A_1156 = arith.addf %add3A_1147, %mul3A_1155 : vector<16xf32>
    %get3A_1157 = arith.index_cast %add3A_1103 : i32 to index
    %get3A_1158 = arith.constant 96 : index
    %get3A_1159 = tpu.vector_load %arg11[%get3A_1157, %get3A_1158] {strides = array<i32>} : memref<8x128xf32, #tpu.memory_space<vmem>>, vector<16xf32>,
    %get3A_1160 = arith.constant 6 : i32
    %get3A_1161 = arith.index_cast %get3A_1160 : i32 to index
    %get3A_1162 = arith.constant 0 : index
    %get3A_1163 = tpu.vector_load %arg15[%get3A_1161, %get3A_1162] {strides = array<i32>} : memref<8x16xf32, #tpu.memory_space<vmem>>, vector<16xf32>,
    %mul3A_1164 = arith.mulf %get3A_1159, %get3A_1163 : vector<16xf32>
    %add3A_1165 = arith.addf %add3A_1156, %mul3A_1164 : vector<16xf32>
    %get3A_1166 = arith.index_cast %add3A_1103 : i32 to index
    %get3A_1167 = arith.constant 112 : index
    %get3A_1168 = tpu.vector_load %arg11[%get3A_1166, %get3A_1167] {strides = array<i32>} : memref<8x128xf32, #tpu.memory_space<vmem>>, vector<16xf32>,
    %get3A_1169 = arith.constant 7 : i32
    %get3A_1170 = arith.index_cast %get3A_1169 : i32 to index
    %get3A_1171 = arith.constant 0 : index
    %get3A_1172 = tpu.vector_load %arg15[%get3A_1170, %get3A_1171] {strides = array<i32>} : memref<8x16xf32, #tpu.memory_space<vmem>>, vector<16xf32>,
    %mul3A_1173 = arith.mulf %get3A_1168, %get3A_1172 : vector<16xf32>
    %add3A_1174 = arith.addf %add3A_1165, %mul3A_1173 : vector<16xf32>
    %eq3A_1175 = arith.constant 3 : i32
    %eq3A_1176 = vector.broadcast %eq3A_1175 : i32 to vector<16xi32>
    %eq3A_1177 = arith.cmpi eq, %iota3A, %eq3A_1176 : vector<16xi32>
    %reduce_sum3A_1178 = arith.constant true
    %reduce_sum3A_1179 = vector.broadcast %reduce_sum3A_1178 : i1 to vector<16xi1>
    %reduce_sum3A_1180 = tpu.scan <sum>, %add3A_1174 masked %reduce_sum3A_1179 : vector<16xf32>, vector<16xi1> -> vector<16xf32>
    %reduce_sum3A_1181 = vector.extract %reduce_sum3A_1180[15] : f32 from vector<16xf32>
    %broadcast_in_dim3A_1182 = vector.broadcast %reduce_sum3A_1181 : f32 to vector<16xf32>
    %select_n3A_1183 = arith.select %eq3A_1177, %broadcast_in_dim3A_1182, %select_n3A_870 : vector<16xi1>, vector<16xf32>
    %broadcast_in_dim3A_1184 = arith.constant 0.000000e+00 : f32
    %broadcast_in_dim3A_1185 = vector.broadcast %broadcast_in_dim3A_1184 : f32 to vector<16xf32>
    %jit3A_1186 = arith.constant -1.000000e+01 : f32
    %jit3A_1187 = arith.constant 1.000000e+01 : f32
    %max3A_1188 = vector.broadcast %jit3A_1186 : f32 to vector<16xf32>
    %max3A_1189 = arith.maximumf %max3A_1188, %scan3A_162#12 : vector<16xf32>
    %min3A_1190 = vector.broadcast %jit3A_1187 : f32 to vector<16xf32>
    %min3A_1191 = arith.minimumf %min3A_1190, %max3A_1189 : vector<16xf32>
    %neg3A_1192 = arith.constant 0.000000e+00 : f32
    %neg3A_1193 = vector.broadcast %neg3A_1192 : f32 to vector<16xf32>
    %neg3A_1194 = arith.subf %neg3A_1193, %min3A_1191 : vector<16xf32>
    %abs3A_1195 = math.absf %neg3A_1194 : vector<16xf32>
    %neg3A_1196 = arith.constant 0.000000e+00 : f32
    %neg3A_1197 = vector.broadcast %neg3A_1196 : f32 to vector<16xf32>
    %neg3A_1198 = arith.subf %neg3A_1197, %abs3A_1195 : vector<16xf32>
    %exp3A_1199 = math.exp %neg3A_1198 : vector<16xf32>
    %add3A_1200 = arith.constant 2.000000e+00 : f32
    %add3A_1201 = vector.broadcast %add3A_1200 : f32 to vector<16xf32>
    %add3A_1202 = arith.addf %add3A_1201, %exp3A_1199 : vector<16xf32>
    %div3A_1203 = arith.divf %exp3A_1199, %add3A_1202 : vector<16xf32>
    %mul3A_1204 = arith.mulf %div3A_1203, %div3A_1203 : vector<16xf32>
    %mul3A_1205 = arith.constant 0.0769230798 : f32
    %mul3A_1206 = vector.broadcast %mul3A_1205 : f32 to vector<16xf32>
    %mul3A_1207 = arith.mulf %mul3A_1204, %mul3A_1206 : vector<16xf32>
    %add3A_1208 = arith.constant 0.0909090936 : f32
    %add3A_1209 = vector.broadcast %add3A_1208 : f32 to vector<16xf32>
    %add3A_1210 = arith.addf %add3A_1209, %mul3A_1207 : vector<16xf32>
    %mul3A_1211 = arith.mulf %mul3A_1204, %add3A_1210 : vector<16xf32>
    %add3A_1212 = arith.constant 0.111111112 : f32
    %add3A_1213 = vector.broadcast %add3A_1212 : f32 to vector<16xf32>
    %add3A_1214 = arith.addf %add3A_1213, %mul3A_1211 : vector<16xf32>
    %mul3A_1215 = arith.mulf %mul3A_1204, %add3A_1214 : vector<16xf32>
    %add3A_1216 = arith.constant 0.142857149 : f32
    %add3A_1217 = vector.broadcast %add3A_1216 : f32 to vector<16xf32>
    %add3A_1218 = arith.addf %add3A_1217, %mul3A_1215 : vector<16xf32>
    %mul3A_1219 = arith.mulf %mul3A_1204, %add3A_1218 : vector<16xf32>
    %add3A_1220 = arith.constant 2.000000e-01 : f32
    %add3A_1221 = vector.broadcast %add3A_1220 : f32 to vector<16xf32>
    %add3A_1222 = arith.addf %add3A_1221, %mul3A_1219 : vector<16xf32>
    %mul3A_1223 = arith.mulf %mul3A_1204, %add3A_1222 : vector<16xf32>
    %add3A_1224 = arith.constant 0.333333343 : f32
    %add3A_1225 = vector.broadcast %add3A_1224 : f32 to vector<16xf32>
    %add3A_1226 = arith.addf %add3A_1225, %mul3A_1223 : vector<16xf32>
    %mul3A_1227 = arith.mulf %mul3A_1204, %add3A_1226 : vector<16xf32>
    %add3A_1228 = arith.constant 1.000000e+00 : f32
    %add3A_1229 = vector.broadcast %add3A_1228 : f32 to vector<16xf32>
    %add3A_1230 = arith.addf %add3A_1229, %mul3A_1227 : vector<16xf32>
    %min3A_1231 = arith.constant 0.000000e+00 : f32
    %min3A_1232 = vector.broadcast %min3A_1231 : f32 to vector<16xf32>
    %min3A_1233 = arith.minimumf %neg3A_1194, %min3A_1232 : vector<16xf32>
    %mul3A_1234 = arith.constant 2.000000e+00 : f32
    %mul3A_1235 = vector.broadcast %mul3A_1234 : f32 to vector<16xf32>
    %mul3A_1236 = arith.mulf %mul3A_1235, %div3A_1203 : vector<16xf32>
    %mul3A_1237 = arith.mulf %mul3A_1236, %add3A_1230 : vector<16xf32>
    %sub3A_1238 = arith.subf %min3A_1233, %mul3A_1237 : vector<16xf32>
    %add3A_1239 = arith.addf %broadcast_in_dim3A_1185, %sub3A_1238 : vector<16xf32>
    %jit3A_1240 = arith.constant -1.000000e+01 : f32
    %jit3A_1241 = arith.constant 1.000000e+01 : f32
    %max3A_1242 = vector.broadcast %jit3A_1240 : f32 to vector<16xf32>
    %max3A_1243 = arith.maximumf %max3A_1242, %scan3A_162#13 : vector<16xf32>
    %min3A_1244 = vector.broadcast %jit3A_1241 : f32 to vector<16xf32>
    %min3A_1245 = arith.minimumf %min3A_1244, %max3A_1243 : vector<16xf32>
    %neg3A_1246 = arith.constant 0.000000e+00 : f32
    %neg3A_1247 = vector.broadcast %neg3A_1246 : f32 to vector<16xf32>
    %neg3A_1248 = arith.subf %neg3A_1247, %min3A_1245 : vector<16xf32>
    %abs3A_1249 = math.absf %neg3A_1248 : vector<16xf32>
    %neg3A_1250 = arith.constant 0.000000e+00 : f32
    %neg3A_1251 = vector.broadcast %neg3A_1250 : f32 to vector<16xf32>
    %neg3A_1252 = arith.subf %neg3A_1251, %abs3A_1249 : vector<16xf32>
    %exp3A_1253 = math.exp %neg3A_1252 : vector<16xf32>
    %add3A_1254 = arith.constant 2.000000e+00 : f32
    %add3A_1255 = vector.broadcast %add3A_1254 : f32 to vector<16xf32>
    %add3A_1256 = arith.addf %add3A_1255, %exp3A_1253 : vector<16xf32>
    %div3A_1257 = arith.divf %exp3A_1253, %add3A_1256 : vector<16xf32>
    %mul3A_1258 = arith.mulf %div3A_1257, %div3A_1257 : vector<16xf32>
    %mul3A_1259 = arith.constant 0.0769230798 : f32
    %mul3A_1260 = vector.broadcast %mul3A_1259 : f32 to vector<16xf32>
    %mul3A_1261 = arith.mulf %mul3A_1258, %mul3A_1260 : vector<16xf32>
    %add3A_1262 = arith.constant 0.0909090936 : f32
    %add3A_1263 = vector.broadcast %add3A_1262 : f32 to vector<16xf32>
    %add3A_1264 = arith.addf %add3A_1263, %mul3A_1261 : vector<16xf32>
    %mul3A_1265 = arith.mulf %mul3A_1258, %add3A_1264 : vector<16xf32>
    %add3A_1266 = arith.constant 0.111111112 : f32
    %add3A_1267 = vector.broadcast %add3A_1266 : f32 to vector<16xf32>
    %add3A_1268 = arith.addf %add3A_1267, %mul3A_1265 : vector<16xf32>
    %mul3A_1269 = arith.mulf %mul3A_1258, %add3A_1268 : vector<16xf32>
    %add3A_1270 = arith.constant 0.142857149 : f32
    %add3A_1271 = vector.broadcast %add3A_1270 : f32 to vector<16xf32>
    %add3A_1272 = arith.addf %add3A_1271, %mul3A_1269 : vector<16xf32>
    %mul3A_1273 = arith.mulf %mul3A_1258, %add3A_1272 : vector<16xf32>
    %add3A_1274 = arith.constant 2.000000e-01 : f32
    %add3A_1275 = vector.broadcast %add3A_1274 : f32 to vector<16xf32>
    %add3A_1276 = arith.addf %add3A_1275, %mul3A_1273 : vector<16xf32>
    %mul3A_1277 = arith.mulf %mul3A_1258, %add3A_1276 : vector<16xf32>
    %add3A_1278 = arith.constant 0.333333343 : f32
    %add3A_1279 = vector.broadcast %add3A_1278 : f32 to vector<16xf32>
    %add3A_1280 = arith.addf %add3A_1279, %mul3A_1277 : vector<16xf32>
    %mul3A_1281 = arith.mulf %mul3A_1258, %add3A_1280 : vector<16xf32>
    %add3A_1282 = arith.constant 1.000000e+00 : f32
    %add3A_1283 = vector.broadcast %add3A_1282 : f32 to vector<16xf32>
    %add3A_1284 = arith.addf %add3A_1283, %mul3A_1281 : vector<16xf32>
    %min3A_1285 = arith.constant 0.000000e+00 : f32
    %min3A_1286 = vector.broadcast %min3A_1285 : f32 to vector<16xf32>
    %min3A_1287 = arith.minimumf %neg3A_1248, %min3A_1286 : vector<16xf32>
    %mul3A_1288 = arith.constant 2.000000e+00 : f32
    %mul3A_1289 = vector.broadcast %mul3A_1288 : f32 to vector<16xf32>
    %mul3A_1290 = arith.mulf %mul3A_1289, %div3A_1257 : vector<16xf32>
    %mul3A_1291 = arith.mulf %mul3A_1290, %add3A_1284 : vector<16xf32>
    %sub3A_1292 = arith.subf %min3A_1287, %mul3A_1291 : vector<16xf32>
    %add3A_1293 = arith.addf %add3A_1239, %sub3A_1292 : vector<16xf32>
    %jit3A_1294 = arith.constant -1.000000e+01 : f32
    %jit3A_1295 = arith.constant 1.000000e+01 : f32
    %max3A_1296 = vector.broadcast %jit3A_1294 : f32 to vector<16xf32>
    %max3A_1297 = arith.maximumf %max3A_1296, %scan3A_162#14 : vector<16xf32>
    %min3A_1298 = vector.broadcast %jit3A_1295 : f32 to vector<16xf32>
    %min3A_1299 = arith.minimumf %min3A_1298, %max3A_1297 : vector<16xf32>
    %neg3A_1300 = arith.constant 0.000000e+00 : f32
    %neg3A_1301 = vector.broadcast %neg3A_1300 : f32 to vector<16xf32>
    %neg3A_1302 = arith.subf %neg3A_1301, %min3A_1299 : vector<16xf32>
    %abs3A_1303 = math.absf %neg3A_1302 : vector<16xf32>
    %neg3A_1304 = arith.constant 0.000000e+00 : f32
    %neg3A_1305 = vector.broadcast %neg3A_1304 : f32 to vector<16xf32>
    %neg3A_1306 = arith.subf %neg3A_1305, %abs3A_1303 : vector<16xf32>
    %exp3A_1307 = math.exp %neg3A_1306 : vector<16xf32>
    %add3A_1308 = arith.constant 2.000000e+00 : f32
    %add3A_1309 = vector.broadcast %add3A_1308 : f32 to vector<16xf32>
    %add3A_1310 = arith.addf %add3A_1309, %exp3A_1307 : vector<16xf32>
    %div3A_1311 = arith.divf %exp3A_1307, %add3A_1310 : vector<16xf32>
    %mul3A_1312 = arith.mulf %div3A_1311, %div3A_1311 : vector<16xf32>
    %mul3A_1313 = arith.constant 0.0769230798 : f32
    %mul3A_1314 = vector.broadcast %mul3A_1313 : f32 to vector<16xf32>
    %mul3A_1315 = arith.mulf %mul3A_1312, %mul3A_1314 : vector<16xf32>
    %add3A_1316 = arith.constant 0.0909090936 : f32
    %add3A_1317 = vector.broadcast %add3A_1316 : f32 to vector<16xf32>
    %add3A_1318 = arith.addf %add3A_1317, %mul3A_1315 : vector<16xf32>
    %mul3A_1319 = arith.mulf %mul3A_1312, %add3A_1318 : vector<16xf32>
    %add3A_1320 = arith.constant 0.111111112 : f32
    %add3A_1321 = vector.broadcast %add3A_1320 : f32 to vector<16xf32>
    %add3A_1322 = arith.addf %add3A_1321, %mul3A_1319 : vector<16xf32>
    %mul3A_1323 = arith.mulf %mul3A_1312, %add3A_1322 : vector<16xf32>
    %add3A_1324 = arith.constant 0.142857149 : f32
    %add3A_1325 = vector.broadcast %add3A_1324 : f32 to vector<16xf32>
    %add3A_1326 = arith.addf %add3A_1325, %mul3A_1323 : vector<16xf32>
    %mul3A_1327 = arith.mulf %mul3A_1312, %add3A_1326 : vector<16xf32>
    %add3A_1328 = arith.constant 2.000000e-01 : f32
    %add3A_1329 = vector.broadcast %add3A_1328 : f32 to vector<16xf32>
    %add3A_1330 = arith.addf %add3A_1329, %mul3A_1327 : vector<16xf32>
    %mul3A_1331 = arith.mulf %mul3A_1312, %add3A_1330 : vector<16xf32>
    %add3A_1332 = arith.constant 0.333333343 : f32
    %add3A_1333 = vector.broadcast %add3A_1332 : f32 to vector<16xf32>
    %add3A_1334 = arith.addf %add3A_1333, %mul3A_1331 : vector<16xf32>
    %mul3A_1335 = arith.mulf %mul3A_1312, %add3A_1334 : vector<16xf32>
    %add3A_1336 = arith.constant 1.000000e+00 : f32
    %add3A_1337 = vector.broadcast %add3A_1336 : f32 to vector<16xf32>
    %add3A_1338 = arith.addf %add3A_1337, %mul3A_1335 : vector<16xf32>
    %min3A_1339 = arith.constant 0.000000e+00 : f32
    %min3A_1340 = vector.broadcast %min3A_1339 : f32 to vector<16xf32>
    %min3A_1341 = arith.minimumf %neg3A_1302, %min3A_1340 : vector<16xf32>
    %mul3A_1342 = arith.constant 2.000000e+00 : f32
    %mul3A_1343 = vector.broadcast %mul3A_1342 : f32 to vector<16xf32>
    %mul3A_1344 = arith.mulf %mul3A_1343, %div3A_1311 : vector<16xf32>
    %mul3A_1345 = arith.mulf %mul3A_1344, %add3A_1338 : vector<16xf32>
    %sub3A_1346 = arith.subf %min3A_1341, %mul3A_1345 : vector<16xf32>
    %add3A_1347 = arith.addf %add3A_1293, %sub3A_1346 : vector<16xf32>
    %jit3A_1348 = arith.constant -1.000000e+01 : f32
    %jit3A_1349 = arith.constant 1.000000e+01 : f32
    %max3A_1350 = vector.broadcast %jit3A_1348 : f32 to vector<16xf32>
    %max3A_1351 = arith.maximumf %max3A_1350, %scan3A_162#15 : vector<16xf32>
    %min3A_1352 = vector.broadcast %jit3A_1349 : f32 to vector<16xf32>
    %min3A_1353 = arith.minimumf %min3A_1352, %max3A_1351 : vector<16xf32>
    %neg3A_1354 = arith.constant 0.000000e+00 : f32
    %neg3A_1355 = vector.broadcast %neg3A_1354 : f32 to vector<16xf32>
    %neg3A_1356 = arith.subf %neg3A_1355, %min3A_1353 : vector<16xf32>
    %abs3A_1357 = math.absf %neg3A_1356 : vector<16xf32>
    %neg3A_1358 = arith.constant 0.000000e+00 : f32
    %neg3A_1359 = vector.broadcast %neg3A_1358 : f32 to vector<16xf32>
    %neg3A_1360 = arith.subf %neg3A_1359, %abs3A_1357 : vector<16xf32>
    %exp3A_1361 = math.exp %neg3A_1360 : vector<16xf32>
    %add3A_1362 = arith.constant 2.000000e+00 : f32
    %add3A_1363 = vector.broadcast %add3A_1362 : f32 to vector<16xf32>
    %add3A_1364 = arith.addf %add3A_1363, %exp3A_1361 : vector<16xf32>
    %div3A_1365 = arith.divf %exp3A_1361, %add3A_1364 : vector<16xf32>
    %mul3A_1366 = arith.mulf %div3A_1365, %div3A_1365 : vector<16xf32>
    %mul3A_1367 = arith.constant 0.0769230798 : f32
    %mul3A_1368 = vector.broadcast %mul3A_1367 : f32 to vector<16xf32>
    %mul3A_1369 = arith.mulf %mul3A_1366, %mul3A_1368 : vector<16xf32>
    %add3A_1370 = arith.constant 0.0909090936 : f32
    %add3A_1371 = vector.broadcast %add3A_1370 : f32 to vector<16xf32>
    %add3A_1372 = arith.addf %add3A_1371, %mul3A_1369 : vector<16xf32>
    %mul3A_1373 = arith.mulf %mul3A_1366, %add3A_1372 : vector<16xf32>
    %add3A_1374 = arith.constant 0.111111112 : f32
    %add3A_1375 = vector.broadcast %add3A_1374 : f32 to vector<16xf32>
    %add3A_1376 = arith.addf %add3A_1375, %mul3A_1373 : vector<16xf32>
    %mul3A_1377 = arith.mulf %mul3A_1366, %add3A_1376 : vector<16xf32>
    %add3A_1378 = arith.constant 0.142857149 : f32
    %add3A_1379 = vector.broadcast %add3A_1378 : f32 to vector<16xf32>
    %add3A_1380 = arith.addf %add3A_1379, %mul3A_1377 : vector<16xf32>
    %mul3A_1381 = arith.mulf %mul3A_1366, %add3A_1380 : vector<16xf32>
    %add3A_1382 = arith.constant 2.000000e-01 : f32
    %add3A_1383 = vector.broadcast %add3A_1382 : f32 to vector<16xf32>
    %add3A_1384 = arith.addf %add3A_1383, %mul3A_1381 : vector<16xf32>
    %mul3A_1385 = arith.mulf %mul3A_1366, %add3A_1384 : vector<16xf32>
    %add3A_1386 = arith.constant 0.333333343 : f32
    %add3A_1387 = vector.broadcast %add3A_1386 : f32 to vector<16xf32>
    %add3A_1388 = arith.addf %add3A_1387, %mul3A_1385 : vector<16xf32>
    %mul3A_1389 = arith.mulf %mul3A_1366, %add3A_1388 : vector<16xf32>
    %add3A_1390 = arith.constant 1.000000e+00 : f32
    %add3A_1391 = vector.broadcast %add3A_1390 : f32 to vector<16xf32>
    %add3A_1392 = arith.addf %add3A_1391, %mul3A_1389 : vector<16xf32>
    %min3A_1393 = arith.constant 0.000000e+00 : f32
    %min3A_1394 = vector.broadcast %min3A_1393 : f32 to vector<16xf32>
    %min3A_1395 = arith.minimumf %neg3A_1356, %min3A_1394 : vector<16xf32>
    %mul3A_1396 = arith.constant 2.000000e+00 : f32
    %mul3A_1397 = vector.broadcast %mul3A_1396 : f32 to vector<16xf32>
    %mul3A_1398 = arith.mulf %mul3A_1397, %div3A_1365 : vector<16xf32>
    %mul3A_1399 = arith.mulf %mul3A_1398, %add3A_1392 : vector<16xf32>
    %sub3A_1400 = arith.subf %min3A_1395, %mul3A_1399 : vector<16xf32>
    %add3A_1401 = arith.addf %add3A_1347, %sub3A_1400 : vector<16xf32>
    %eq3A_1402 = arith.constant 3 : i32
    %eq3A_1403 = vector.broadcast %eq3A_1402 : i32 to vector<16xi32>
    %eq3A_1404 = arith.cmpi eq, %iota3A, %eq3A_1403 : vector<16xi32>
    %reduce_sum3A_1405 = arith.constant true
    %reduce_sum3A_1406 = vector.broadcast %reduce_sum3A_1405 : i1 to vector<16xi1>
    %reduce_sum3A_1407 = tpu.scan <sum>, %add3A_1401 masked %reduce_sum3A_1406 : vector<16xf32>, vector<16xi1> -> vector<16xf32>
    %reduce_sum3A_1408 = vector.extract %reduce_sum3A_1407[15] : f32 from vector<16xf32>
    %neg3A_1409 = arith.constant 0.000000e+00 : f32
    %neg3A_1410 = arith.subf %neg3A_1409, %reduce_sum3A_1408 : f32
    %broadcast_in_dim3A_1411 = vector.broadcast %neg3A_1410 : f32 to vector<16xf32>
    %select_n3A_1412 = arith.select %eq3A_1404, %broadcast_in_dim3A_1411, %select_n3A_1099 : vector<16xi1>, vector<16xf32>
    %abs3A_1413 = math.absf %select_n3A_1183 : vector<16xf32>
    %neg3A_1414 = arith.constant 0.000000e+00 : f32
    %neg3A_1415 = vector.broadcast %neg3A_1414 : f32 to vector<16xf32>
    %neg3A_1416 = arith.subf %neg3A_1415, %abs3A_1413 : vector<16xf32>
    %exp3A_1417 = math.exp %neg3A_1416 : vector<16xf32>
    %add3A_1418 = arith.constant 2.000000e+00 : f32
    %add3A_1419 = vector.broadcast %add3A_1418 : f32 to vector<16xf32>
    %add3A_1420 = arith.addf %add3A_1419, %exp3A_1417 : vector<16xf32>
    %div3A_1421 = arith.divf %exp3A_1417, %add3A_1420 : vector<16xf32>
    %mul3A_1422 = arith.mulf %div3A_1421, %div3A_1421 : vector<16xf32>
    %mul3A_1423 = arith.constant 0.0769230798 : f32
    %mul3A_1424 = vector.broadcast %mul3A_1423 : f32 to vector<16xf32>
    %mul3A_1425 = arith.mulf %mul3A_1422, %mul3A_1424 : vector<16xf32>
    %add3A_1426 = arith.constant 0.0909090936 : f32
    %add3A_1427 = vector.broadcast %add3A_1426 : f32 to vector<16xf32>
    %add3A_1428 = arith.addf %add3A_1427, %mul3A_1425 : vector<16xf32>
    %mul3A_1429 = arith.mulf %mul3A_1422, %add3A_1428 : vector<16xf32>
    %add3A_1430 = arith.constant 0.111111112 : f32
    %add3A_1431 = vector.broadcast %add3A_1430 : f32 to vector<16xf32>
    %add3A_1432 = arith.addf %add3A_1431, %mul3A_1429 : vector<16xf32>
    %mul3A_1433 = arith.mulf %mul3A_1422, %add3A_1432 : vector<16xf32>
    %add3A_1434 = arith.constant 0.142857149 : f32
    %add3A_1435 = vector.broadcast %add3A_1434 : f32 to vector<16xf32>
    %add3A_1436 = arith.addf %add3A_1435, %mul3A_1433 : vector<16xf32>
    %mul3A_1437 = arith.mulf %mul3A_1422, %add3A_1436 : vector<16xf32>
    %add3A_1438 = arith.constant 2.000000e-01 : f32
    %add3A_1439 = vector.broadcast %add3A_1438 : f32 to vector<16xf32>
    %add3A_1440 = arith.addf %add3A_1439, %mul3A_1437 : vector<16xf32>
    %mul3A_1441 = arith.mulf %mul3A_1422, %add3A_1440 : vector<16xf32>
    %add3A_1442 = arith.constant 0.333333343 : f32
    %add3A_1443 = vector.broadcast %add3A_1442 : f32 to vector<16xf32>
    %add3A_1444 = arith.addf %add3A_1443, %mul3A_1441 : vector<16xf32>
    %mul3A_1445 = arith.mulf %mul3A_1422, %add3A_1444 : vector<16xf32>
    %add3A_1446 = arith.constant 1.000000e+00 : f32
    %add3A_1447 = vector.broadcast %add3A_1446 : f32 to vector<16xf32>
    %add3A_1448 = arith.addf %add3A_1447, %mul3A_1445 : vector<16xf32>
    %min3A_1449 = arith.constant 0.000000e+00 : f32
    %min3A_1450 = vector.broadcast %min3A_1449 : f32 to vector<16xf32>
    %min3A_1451 = arith.minimumf %select_n3A_1183, %min3A_1450 : vector<16xf32>
    %mul3A_1452 = arith.constant 2.000000e+00 : f32
    %mul3A_1453 = vector.broadcast %mul3A_1452 : f32 to vector<16xf32>
    %mul3A_1454 = arith.mulf %mul3A_1453, %div3A_1421 : vector<16xf32>
    %mul3A_1455 = arith.mulf %mul3A_1454, %add3A_1448 : vector<16xf32>
    %sub3A_1456 = arith.subf %min3A_1451, %mul3A_1455 : vector<16xf32>
    %neg3A_1457 = arith.constant 0.000000e+00 : f32
    %neg3A_1458 = vector.broadcast %neg3A_1457 : f32 to vector<16xf32>
    %neg3A_1459 = arith.subf %neg3A_1458, %sub3A_1456 : vector<16xf32>
    %mul3A_1460 = arith.constant 7.812500e-03 : f32
    %mul3A_1461 = vector.broadcast %mul3A_1460 : f32 to vector<16xf32>
    %mul3A_1462 = arith.mulf %neg3A_1459, %mul3A_1461 : vector<16xf32>
    %neg3A_1463 = arith.constant 0.000000e+00 : f32
    %neg3A_1464 = vector.broadcast %neg3A_1463 : f32 to vector<16xf32>
    %neg3A_1465 = arith.subf %neg3A_1464, %select_n3A_1412 : vector<16xf32>
    %abs3A_1466 = math.absf %neg3A_1465 : vector<16xf32>
    %neg3A_1467 = arith.constant 0.000000e+00 : f32
    %neg3A_1468 = vector.broadcast %neg3A_1467 : f32 to vector<16xf32>
    %neg3A_1469 = arith.subf %neg3A_1468, %abs3A_1466 : vector<16xf32>
    %exp3A_1470 = math.exp %neg3A_1469 : vector<16xf32>
    %add3A_1471 = arith.constant 2.000000e+00 : f32
    %add3A_1472 = vector.broadcast %add3A_1471 : f32 to vector<16xf32>
    %add3A_1473 = arith.addf %add3A_1472, %exp3A_1470 : vector<16xf32>
    %div3A_1474 = arith.divf %exp3A_1470, %add3A_1473 : vector<16xf32>
    %mul3A_1475 = arith.mulf %div3A_1474, %div3A_1474 : vector<16xf32>
    %mul3A_1476 = arith.constant 0.0769230798 : f32
    %mul3A_1477 = vector.broadcast %mul3A_1476 : f32 to vector<16xf32>
    %mul3A_1478 = arith.mulf %mul3A_1475, %mul3A_1477 : vector<16xf32>
    %add3A_1479 = arith.constant 0.0909090936 : f32
    %add3A_1480 = vector.broadcast %add3A_1479 : f32 to vector<16xf32>
    %add3A_1481 = arith.addf %add3A_1480, %mul3A_1478 : vector<16xf32>
    %mul3A_1482 = arith.mulf %mul3A_1475, %add3A_1481 : vector<16xf32>
    %add3A_1483 = arith.constant 0.111111112 : f32
    %add3A_1484 = vector.broadcast %add3A_1483 : f32 to vector<16xf32>
    %add3A_1485 = arith.addf %add3A_1484, %mul3A_1482 : vector<16xf32>
    %mul3A_1486 = arith.mulf %mul3A_1475, %add3A_1485 : vector<16xf32>
    %add3A_1487 = arith.constant 0.142857149 : f32
    %add3A_1488 = vector.broadcast %add3A_1487 : f32 to vector<16xf32>
    %add3A_1489 = arith.addf %add3A_1488, %mul3A_1486 : vector<16xf32>
    %mul3A_1490 = arith.mulf %mul3A_1475, %add3A_1489 : vector<16xf32>
    %add3A_1491 = arith.constant 2.000000e-01 : f32
    %add3A_1492 = vector.broadcast %add3A_1491 : f32 to vector<16xf32>
    %add3A_1493 = arith.addf %add3A_1492, %mul3A_1490 : vector<16xf32>
    %mul3A_1494 = arith.mulf %mul3A_1475, %add3A_1493 : vector<16xf32>
    %add3A_1495 = arith.constant 0.333333343 : f32
    %add3A_1496 = vector.broadcast %add3A_1495 : f32 to vector<16xf32>
    %add3A_1497 = arith.addf %add3A_1496, %mul3A_1494 : vector<16xf32>
    %mul3A_1498 = arith.mulf %mul3A_1475, %add3A_1497 : vector<16xf32>
    %add3A_1499 = arith.constant 1.000000e+00 : f32
    %add3A_1500 = vector.broadcast %add3A_1499 : f32 to vector<16xf32>
    %add3A_1501 = arith.addf %add3A_1500, %mul3A_1498 : vector<16xf32>
    %min3A_1502 = arith.constant 0.000000e+00 : f32
    %min3A_1503 = vector.broadcast %min3A_1502 : f32 to vector<16xf32>
    %min3A_1504 = arith.minimumf %neg3A_1465, %min3A_1503 : vector<16xf32>
    %mul3A_1505 = arith.constant 2.000000e+00 : f32
    %mul3A_1506 = vector.broadcast %mul3A_1505 : f32 to vector<16xf32>
    %mul3A_1507 = arith.mulf %mul3A_1506, %div3A_1474 : vector<16xf32>
    %mul3A_1508 = arith.mulf %mul3A_1507, %add3A_1501 : vector<16xf32>
    %sub3A_1509 = arith.subf %min3A_1504, %mul3A_1508 : vector<16xf32>
    %sub3A_1510 = arith.subf %mul3A_1462, %sub3A_1509 : vector<16xf32>
    %lt3A_1511 = arith.constant 4 : i32
    %lt3A_1512 = vector.broadcast %lt3A_1511 : i32 to vector<16xi32>
    %lt3A_1513 = arith.cmpi slt, %iota3A, %lt3A_1512 : vector<16xi32>
    %jit3A_1514 = arith.constant 0.000000e+00 : f32
    %broadcast_in_dim3A_1515 = vector.broadcast %jit3A_1514 : f32 to vector<16xf32>
    %select_n3A_1516 = arith.select %lt3A_1513, %sub3A_1510, %broadcast_in_dim3A_1515 : vector<16xi1>, vector<16xf32>
    %swap3A = arith.constant 0 : index
    %swap3A_1517 = tpu.vector_load %arg16[%swap3A] {strides = array<i32>} : memref<16xf32, #tpu.memory_space<vmem>>, vector<16xf32>,
    tpu.vector_store %arg16[%swap3A], %select_n3A_1516 {strides = array<i32>} : memref<16xf32, #tpu.memory_space<vmem>>, vector<16xf32>,
    "tpu.region"() ({
      %run_scoped3A = tpu.sem_alloc : memref<!tpu.dma_semaphore, #tpu.memory_space<semaphore_mem>>
      %dma_start3A_1518 = arith.constant 0 : i32
      %dma_start3A_1519 = tpu.memref_slice %arg7[%add3A, %dma_start3A_1518] : memref<32x16xf32, #tpu.memory_space<hbm>> -> memref<1x16xf32, #tpu.memory_space<hbm>>
      %dma_start3A_1520 = tpu.memref_squeeze %dma_start3A_1519 : memref<1x16xf32, #tpu.memory_space<hbm>> -> memref<16xf32, #tpu.memory_space<hbm>>
      %dma_start3A_1521 = arith.constant 0 : i32
      %dma_start3A_1522 = tpu.memref_slice %arg7[%add3A, %dma_start3A_1521] : memref<32x16xf32, #tpu.memory_space<hbm>> -> memref<1x16xf32, #tpu.memory_space<hbm>>
      %dma_start3A_1523 = tpu.memref_squeeze %dma_start3A_1522 : memref<1x16xf32, #tpu.memory_space<hbm>> -> memref<16xf32, #tpu.memory_space<hbm>>
      tpu.enqueue_dma source(%arg16 : memref<16xf32, #tpu.memory_space<vmem>>) target(%dma_start3A_1523 : memref<16xf32, #tpu.memory_space<hbm>>) target_semaphore(%run_scoped3A : memref<!tpu.dma_semaphore, #tpu.memory_space<semaphore_mem>>)
      %dma_wait3A_1524 = arith.constant 0 : i32
      %dma_wait3A_1525 = tpu.memref_slice %arg7[%add3A, %dma_wait3A_1524] : memref<32x16xf32, #tpu.memory_space<hbm>> -> memref<1x16xf32, #tpu.memory_space<hbm>>
      %dma_wait3A_1526 = tpu.memref_squeeze %dma_wait3A_1525 : memref<1x16xf32, #tpu.memory_space<hbm>> -> memref<16xf32, #tpu.memory_space<hbm>>
      %dma_wait3A_1527 = arith.constant 0 : i32
      %dma_wait3A_1528 = tpu.memref_slice %arg7[%add3A, %dma_wait3A_1527] : memref<32x16xf32, #tpu.memory_space<hbm>> -> memref<1x16xf32, #tpu.memory_space<hbm>>
      %dma_wait3A_1529 = tpu.memref_squeeze %dma_wait3A_1528 : memref<1x16xf32, #tpu.memory_space<hbm>> -> memref<16xf32, #tpu.memory_space<hbm>>
      tpu.wait_dma2 semaphore(%run_scoped3A : memref<!tpu.dma_semaphore, #tpu.memory_space<semaphore_mem>>) src(%arg16 : memref<16xf32, #tpu.memory_space<vmem>>) dst(%dma_wait3A_1529 : memref<16xf32, #tpu.memory_space<hbm>>)
      tpu.yield
    }) : () -> ()
    return
  }
}

</mosaic_0001>

<sc_bundles>
// kernel: kernel.3.cloned.1.call-start
scs
__scs_entry_jumppad:
0x0: {  	(pc) =	sbr.rel $0x88, $3  }
0x1: {  	(tag) =	ssettag $0x0;
	lr =	simm.s32 $0x1  }
0x2: {  	[smem:$0x3F9C] =	sst lr;
	_ =	strace $0xD0000000  }
0x3: {  	_ = 	snop  }
0x4: {  	_ = 	snop  }
0x5: {  	_ = 	snop  }
0x6: {  	_ = 	snop  }
0x7: {  	_ = 	snop  }
__scs_overlays_trampoline_lowered:
0x8: {  	[smem:$0x3FAB] =	sst s0  }
0x9: {  	[smem:$0x3FAC] =	sst s1  }
0xa: {  	[smem:$0x3FAD] =	sst s2  }
0xb: {  	[smem:$0x3FAE] =	sst s3  }
0xc: {  	[smem:$0x3FAF] =	sst s4  }
0xd: {  	[smem:$0x3FB0] =	sst s5  }
0xe: {  	[smem:$0x3FB1] =	sst s6  }
0xf: {  	[smem:$0x3FB2] =	sst s7  }
0x10: {  	[smem:$0x3FB3] =	sst s8  }
0x11: {  	[smem:$0x3FB4] =	sst s9;
	s0 =	simm.s32 @!p0 $0x0  }
0x12: {  	s1 =	sld [smem:$0x3F9A];
	s0 =	simm.s32 @p0 $0x1  }
0x13: {  	[smem:$0x3FB5] =	sst s0;
	s0 =	simm.s32 @!p1 $0x0  }
0x14: {  	s2 =	sld [smem:$0x3F99];
	s0 =	simm.s32 @p1 $0x1  }
0x15: {  	[smem:$0x3FB6] =	sst s0;
	s0 =	simm.s32 @!p2 $0x0  }
0x16: {  	s3 =	sld [smem:$0x3FDB];
	s0 =	simm.s32 @p2 $0x1  }
0x17: {  	s4 =	simm.s32 $0x1BF5;
	[smem:$0x3FB8] =	sst s0  }
0x18: {  	s0 =	sld [smem:$0x3F9B];
	_ =	swait.ge [sflag:s4], $0x0  }
0x19: {  	s7 =	sld [smem:$0x3F9C]  }
0x1a: {  	s8 =	sadd.s32 $0xFFFFE003, lr  }
0x1b: {  	s9 =	sadd.s32 $0xFFFFFEF7, lr;
	s5 =	simm.s32 $0xFFFFFFFF;
	p2 =	slt.u32 s8, $0xFFFFF086  }
0x1c: {  	p1 =	slt.u32 s9, $0xF7A;
	s5 =	simm.s32 @!p2 $0x0  }
0x1d: {  	s5 =	simm.s32 @p1 $0x1;
	p0 =	seq.s32 s7, s2  }
0x1e: {  	s7 =	smul.u32 @!p0 $0xF7A, s2;
	p2 =	seq.s32 @!p0 s5, $0x0  }
0x1f: {  	s9 =	smul.u32 $0xF7A, s1;
	s8 =	simm.s32 @!p0 $0x1BF5;
	p2 =	por !p2, p0  }
0x20: {  	[sflag:s8] =	ssyncset.s32 @!p0 $0xFFFFF086;
	s6 =	sadd.s32 @!p0 s3, s7;
	s7 =	simm.s32 @!p0 $0x108  }
0x21: {  	s3 =	sadd.s32 s3, s9;
	s6 =	sadd.s32 @!p0 $0x88, s6;
	s7 =	simm.s32 @p2 $0x1082  }
0x22: {  	[simem:s7], [sflag:s8] =	dma.local @!p0 [hbm:s6], $0xF7A  }
0x23: {  	s9 =	sor.u32 $0xD0000000, s2;
	s6 =	simm.s32 $0x108;
	_ =	swait.ge @!p0 [sflag:s8], $0x0  }
0x24: {  	s3 =	sadd.s32 $0x88, s3;
	s6 =	simm.s32 @!p1 $0x1082;
	[sflag:s4] =	ssyncset.s32 $0xFFFFF086  }
0x25: {  	[simem:s6], [sflag:s4] =	dma.local [hbm:s3], $0xF7A  }
0x26: {  	[smem:$0x3F9C] =	sst s1;
	(tag) =	ssettag s2;
	_ =	strace s9  }
0x27: {  	s1 =	sld [smem:$0x3FAC]  }
0x28: {  	s2 =	sld [smem:$0x3FAD]  }
0x29: {  	s4 =	sld [smem:$0x3FAF]  }
0x2a: {  	p0 =	seq.s32 s5, $0x0;
	s5 =	sld [smem:$0x3FB0]  }
0x2b: {  	s6 =	sld [smem:$0x3FB1]  }
0x2c: {  	s7 =	sld [smem:$0x3FB2]  }
0x2d: {  	s3 =	simm.s32 $0x108;
	s8 =	sld [smem:$0x3FB3]  }
0x2e: {  	s3 =	simm.s32 @!p0 $0x1082;
	s9 =	sld [smem:$0x3FB4]  }
0x2f: {  	lr =	sadd.s32 s0, s3;
	s0 =	sld [smem:$0x3FAB]  }
0x30: {  	s3 =	sld [smem:$0x3FAE]  }
0x31: {  	[smem:$0x3FB7] =	sst s10  }
0x32: {  	s10 =	sld [smem:$0x3FB5];
	_ =	sdelay $0x3  }
0x33: {  	p0 =	seq.s32 s10, $0x1;
	s10 =	sld [smem:$0x3FB7];
	_ =	sdelay $0x3  }
0x34: {  	[smem:$0x3FB7] =	sst s10  }
0x35: {  	s10 =	sld [smem:$0x3FB6];
	_ =	sdelay $0x3  }
0x36: {  	p1 =	seq.s32 s10, $0x1;
	s10 =	sld [smem:$0x3FB7];
	_ =	sdelay $0x3  }
0x37: {  	[smem:$0x3FB7] =	sst s10  }
0x38: {  	s10 =	sld [smem:$0x3FB8]  }
0x39: {  	_ = 	snop;
	(pc) =	sbr.ind lr, $3  }
0x3a: {  	_ = 	snop  }
0x3b: {  	_ = 	snop  }
0x3c: {  	p2 =	seq.s32 s10, $0x1;
	s10 =	sld [smem:$0x3FB7]  }
0x3d: {  	_ =	shalt  }
0x3e: {  	_ =	shalt  }
0x3f: {  	_ =	shalt  }
0x40: {  	_ =	shalt  }
0x41: {  	_ =	shalt  }
0x42: {  	_ =	shalt  }
0x43: {  	_ =	shalt  }
0x44: {  	_ =	shalt  }
0x45: {  	_ =	shalt  }
0x46: {  	_ =	shalt  }
0x47: {  	_ =	shalt  }
0x48: {  	_ =	shalt  }
0x49: {  	_ =	shalt  }
0x4a: {  	_ =	shalt  }
0x4b: {  	_ =	shalt  }
0x4c: {  	_ =	shalt  }
0x4d: {  	_ =	shalt  }
0x4e: {  	_ =	shalt  }
0x4f: {  	_ =	shalt  }
0x50: {  	_ =	shalt  }
0x51: {  	_ =	shalt  }
0x52: {  	_ =	shalt  }
0x53: {  	_ =	shalt  }
0x54: {  	_ =	shalt  }
0x55: {  	_ =	shalt  }
0x56: {  	_ =	shalt  }
0x57: {  	_ =	shalt  }
0x58: {  	_ =	shalt  }
0x59: {  	_ =	shalt  }
0x5a: {  	_ =	shalt  }
0x5b: {  	_ =	shalt  }
0x5c: {  	_ =	shalt  }
0x5d: {  	_ =	shalt  }
0x5e: {  	_ =	shalt  }
0x5f: {  	_ =	shalt  }
0x60: {  	_ =	shalt  }
0x61: {  	_ =	shalt  }
0x62: {  	_ =	shalt  }
0x63: {  	_ =	shalt  }
0x64: {  	_ =	shalt  }
0x65: {  	_ =	shalt  }
0x66: {  	_ =	shalt  }
0x67: {  	_ =	shalt  }
0x68: {  	_ =	shalt  }
0x69: {  	_ =	shalt  }
0x6a: {  	_ =	shalt  }
0x6b: {  	_ =	shalt  }
0x6c: {  	_ =	shalt  }
0x6d: {  	_ =	shalt  }
0x6e: {  	_ =	shalt  }
0x6f: {  	_ =	shalt  }
0x70: {  	_ =	shalt  }
0x71: {  	_ =	shalt  }
0x72: {  	_ =	shalt  }
0x73: {  	_ =	shalt  }
0x74: {  	_ =	shalt  }
0x75: {  	_ =	shalt  }
0x76: {  	_ =	shalt  }
0x77: {  	_ =	shalt  }
0x78: {  	_ =	shalt  }
0x79: {  	_ =	shalt  }
0x7a: {  	_ =	shalt  }
0x7b: {  	_ =	shalt  }
0x7c: {  	_ =	shalt  }
0x7d: {  	_ =	shalt  }
0x7e: {  	_ =	shalt  }
0x7f: {  	_ =	shalt  }
0x80: {  	_ =	shalt  }
0x81: {  	_ =	shalt  }
0x82: {  	_ =	shalt  }
0x83: {  	_ =	shalt  }
0x84: {  	_ =	shalt  }
0x85: {  	_ =	shalt  }
0x86: {  	_ =	shalt  }
0x87: {  	_ =	shalt  }
.Lfunc_end0:
.L_simem_size_0:
called_computation_lowered:
.L_overlay_start_0:
0x88: {  	s2 =	sld [smem:$0x3FD9]  }
0x89: {  	s3 =	sld [smem:$0x3FFE];
	_ =	sdelay $0x1  }
0x8a: {  	s1 =	srdreg.scid  }
0x8b: {  	s0 =	sand.u32 $0x1, s1  }
0x8c: {  	s17 =	sshll.u32 s0, $0xA;
	s2 =	sadd.s32 s3, s2  }
0x8d: {  	s2 =	sadd.s32 s2, s17  }
0x8e: {  	[smem:$0x3FC3] =	sst s2  }
0x8f: {  	_ = 	snop  }
0x90: {  	s2 =	sld [smem:$0x3FC9]  }
0x91: {  	s18 =	sld [smem:$0x3FC8]  }
0x92: {  	s4 =	sld [smem:$0x3FC6]  }
0x93: {  	s5 =	sld [smem:$0x3FC5];
	(tm) =	ssettm $0x1  }
0x94: {  	s6 =	sld [smem:$0x3FFB];
	_ =	sdelay $0x3  }
0x95: {  	_ =	strace s6  }
0x96: {  	s6 =	sld [smem:$0x3FFC];
	_ =	sdelay $0x3  }
0x97: {  	_ =	strace s6  }
0x98: {  	s6 =	sld [smem:$0x3FFD];
	_ =	sdelay $0x3  }
0x99: {  	_ =	strace s6  }
0x9a: {  	_ =	strace $0x8FFFFFFF  }
0x9b: {  	s19 =	sld [smem:$0x3FDB];
	_ =	sdelay $0x1  }
0x9c: {  	s7 =	simm.s32 $_scs_section_size  }
0x9d: {  	s8 =	simm.s32 $_size__tile_overlayer_lowered;
	s9 =	simm.s32 $_tile_overlayer_lowered  }
0x9e: {  	s22 =	simm.s32 $0x1BFF;
	s21 =	sshll.u32 s9, $0x1;
	s6 =	sadd.s32 s7, s19  }
0x9f: {  	s10 =	simm.s32 $0x0;
	s20 =	sshll.u32 s8, $0x1;
	s8 =	sadd.s32 s21, s6  }
0xa0: {  	[timem:s10], [sflag:s22] =	dma.local [hbm:s8], s20  }
0xa1: {  	_ =	swait.ge [sflag:s22], s20  }
0xa2: {  	s7 =	ssub.s32 $0x0, s20;
	[sflag:s22] =	ssyncset.done $0x0  }
0xa3: {  	[sflag:s22] =	ssyncadd.s32 s7;
	_ =	sdelay $0x1  }
0xa4: {  	s23 =	simm.s32 $0x1B8B  }
0xa5: {  	_ =	swait.ge [sflag:s23], $0x1  }
0xa6: {  	[sflag:s23] =	ssyncset.done $0x0  }
0xa7: {  	s25 =	simm.s32 $0x1B8E;
	s24 =	sld [smem:$0x3FFE];
	[sflag:s23] =	ssyncadd.s32 $0xFFFFFFFF  }
0xa8: {  	s26 =	simm.s32 $execute0_lowered;
	[smem:$0x3FD2] =	sst s25  }
0xa9: {  	s8 =	sshll.u32 s26, $0x1;
	_ =	strace $0x80000046;
	[dreg:$0x1] =	wrdreg $0xFFFFFFFF  }
0xaa: {  	s28 =	simm.s32 $_size_execute0_lowered;
	s6 =	sadd.s32 s6, s8;
	[dreg:$0x0] =	wrdreg $0x0  }
0xab: {  	s8 =	sshll.u32 s28, $0x1;
	[dreg:$0x2] =	wrdreg s6  }
0xac: {  	[dreg:$0x3] =	wrdreg s8  }
0xad: {  	[dreg:$0x4] =	wrdreg $0xC0  }
0xae: {  	_ =	task [dreg:s10], $0x5FFFF  }
0xaf: {  	[dreg:$0x1] =	wrdreg $0xFFFFFFFF  }
0xb0: {  	[dreg:$0x0] =	wrdreg $0x60  }
0xb1: {  	[dreg:$0x2] =	wrdreg s2  }
0xb2: {  	[dreg:$0x3] =	wrdreg s18  }
0xb3: {  	[dreg:$0x4] =	wrdreg s24  }
0xb4: {  	[dreg:$0x5] =	wrdreg s4  }
0xb5: {  	[dreg:$0x6] =	wrdreg s5  }
0xb6: {  	[dreg:$0x7] =	wrdreg $0x93000  }
0xb7: {  	[dreg:$0x8] =	wrdreg $0x9  }
0xb8: {  	_ =	task.clear_ibuf [dreg:s10], $0x9FFFF;
	_ =	strace $0x90000046  }
0xb9: {  	s29 =	simm.s32 $0x9;
	_ =	strace $0x80000048  }
0xba: {  	_ =	swait.ge [sflag:s29], $0x1  }
0xbb: {  	[sflag:s29] =	ssyncadd.s32 $0xFFFFFFFF  }
0xbc: {  	_ =	strace $0x90000048  }
0xbd: {  	_ =	sfence  }
0xbe: {  	s30 =	sld [smem:$0x0];
	_ =	sdelay $0x2  }
0xbf: {  	s31 =	sshll.u32 s1, $0xD;
	s1 =	sshrl.u32 s1, $0x2  }
0xc0: {  	s3 =	sand.u32 $0x4000, s31;
	s1 =	sadd.s32 s1, s30  }
0xc1: {  	s0 =	sor.u32 s3, s0;
	s1 =	sshll.u32 s1, $0x11  }
0xc2: {  	s0 =	sor.u32 s1, s0  }
0xc3: {  	s0 =	sadd.s32 $0x8F2B, s0  }
0xc4: {  	[sflag:s0] =	ssyncadd.remote.s32 $0x1  }
0xc5: {  	_ =	sfence.sel $0xFFFF  }
0xc6: {  	[dreg:$0x0] =	wrdreg $0xFFFFFFFF;
	(pc) =	sbr.abs _section_cstart, $3  }
0xc7: {  	[dreg:$0x1] =	wrdreg $0xFFFFFFFF  }
0xc8: {  	_ =	task.clear_ibuf [dreg:s10], $0x2FFFF;
	_ =	strace $0x9FFFFFFF  }
0xc9: {  	(tm) =	ssettm $0x7FFFFFFF  }
tec
execute0_lowered:
.L_overlay_start_1:
0x0: {  	(tag) =	ssettag $0x1  }
0x1: {  	s0 =	rddreg [dreg:$0x0]  }
0x2: {  	s2 =	rddreg [dreg:$0x1]  }
0x3: {  	s8 =	rddreg [dreg:$0x2]  }
0x4: {  	s26 =	rddreg [dreg:$0x3]  }
0x5: {  	s3 =	rddreg [dreg:$0x4];
	s5 =	srdreg.scid  }
0x6: {  	s1 =	stileid.u32;
	s4 =	rddreg [dreg:$0x5];
	s10 =	simm.s32 $0x1  }
0x7: {  	s15 =	simm.s32 $0x5;
	s16 =	simm.s32 $0x100;
	s17 =	simm.s32 $0x8  }
0x8: {  	s18 =	simm.s32 $0x200;
	s19 =	simm.s32 $0x80;
	s20 =	simm.s32 $0xE00  }
0x9: {  	s21 =	simm.s32 $0x180;
	s22 =	simm.s32 $0x4E00;
	s28 =	simm.s32 $0x2  }
0xa: {  	s29 =	simm.s32 $0x3;
	s30 =	simm.s32 $0x8E80;
	s31 =	simm.s32 $0x9280  }
0xb: {  	s11 =	sand.u32 $0x1, s5;
	s9 =	sshll.u32 s1, $0x1;
	s5 =	simm.s32 $0x0  }
0xc: {  	s25 =	sshll.u32 s1, $0x7;
	s7 =	sor.u32 s11, s9;
	[smem:$0x7FF] =	sst s5  }
0xd: {  	p1 =	seq.s32 s11, $0x1;
	s6 =	ssub.s32 $0x2, s11;
	s9 =	sadd.s32 s2, s9  }
0xe: {  	v0 =	vlaneseq.u32;
	vm0 =	vcmask $0x310;
	vm1 =	vcmask $0x710;
	s11 =	sshll.u32 s11, $0x9;
	s2 =	simm.s32 $0x0;
	p0 =	seq.s32 s7, $0x0  }
0xf: {  	vm2 =	vcmask $0xB10;
	vm3 =	vcmask $0x300;
	v0 =	vmul.u32 $0x80, v0;
	_ =	strace $0x80000047;
	s12 =	sshll.u32 s7, $0x4;
	s13 =	sshrl.u32 s6, $0x1  }
0x10: {  	vm4 =	vcmask $0x704;
	vm5 =	vcmask $0xB08;
	vm6 =	vcmask $0xF0C;
	s24 =	sshll.u32 s7, $0x5;
	s23 =	sadd.s32 $0x300, s11;
	p0 =	por !p0, !p1  }
0x11: {  	v1 =	vor.u32 $0x800, v0;
	v2 =	vor.u32 $0x1000, v0;
	v3 =	vor.u32 $0x1800, v0;
	s12 =	sadd.s32 s12, s8;
	s14 =	ssub.s32 s6, s13;
	p0 =	por !p0, !p0  }
0x12: {  	v4 =	vor.u32 $0x2000, v0;
	v5 =	vor.u32 $0x2800, v0;
	v6 =	vor.u32 $0x3000, v0;
	s6 =	simm.s32 $0x1;
	s8 =	sadd.s32 s8, s24;
	s10 =	simm.s32 @!p0 $0x0  }
0x13: {  	v7 =	vor.u32 $0x3800, v0;
	v8 =	vor.u32 $0x4000, v0;
	v9 =	vor.u32 $0x4800, v0;
	s24 =	simm.s32 $0x600;
	s13 =	sadd.s32 $0x400, s12;
	s10 =	ssub.s32 s1, s10  }
0x14: {  	v10 =	vor.u32 $0x5000, v0;
	v11 =	vor.u32 $0x5800, v0;
	v12 =	vor.u32 $0x6000, v0;
	s14 =	smax.u32 s14, $0x1;
	p0 =	sgt.u32 s1, $0x7;
	s10 =	sand.u32 $0x1FFFFFFF, s10  }
0x15: {  	v13 =	vor.u32 $0x6800, v0;
	v14 =	vor.u32 $0x7000, v0;
	v15 =	vor.u32 $0x7800, v0;
	s7 =	sadd.s32 s0, s10;
	s10 =	sadd.s32 s25, s4;
	s25 =	simm.s32 $0x4  }
.LBB2_1:
0x16: {  	[tilespmem:s5], [sflag:$0x5] =	stream.linear.gather [hbm4b:s7+s5], $0x8, $0x38;
	[tilespmem:$0x9308] =	vst v63  }
0x17: {  	_ =	swait.ge [sflag:s15], $0x8  }
0x18: {  	[sflag:s15] =	ssyncset.done $0x0  }
0x19: {  	[sflag:s15] =	ssyncadd.s32 $0xFFFFFFF8  }
0x1a: {  	[tilespmem:s16], [sflag:$0x5] =	stream.linear.gather [hbm4b:s8+s5], $0x100, $0x38;
	[tilespmem:$0x9308] =	vst v63  }
0x1b: {  	_ =	swait.ge [sflag:s15], $0x100  }
0x1c: {  	[sflag:s15] =	ssyncset.done $0x0  }
0x1d: {  	[sflag:s15] =	ssyncadd.s32 $0xFFFFFF00  }
0x1e: {  	[tilespmem:s18], [sflag:$0x1] =	stream.indirect.gather [hbm4b:s26+s17], $0x80, s5, s17, $0xb8;
	[tilespmem:$0x9308] =	vst v63  }
.Ltmp0:
0x1f: {  	_ = 	snop;
	(pc) =	sbr.rel @p0 .LBB2_5-.Ltmp0, $4  }
0x20: {  	_ = 	snop  }
0x21: {  	[tilespmem:s20], [sflag:$0x2] =	stream.indirect.gather [hbm4b:s3+s19], $0x80, s16, s19, $0xb8;
	[tilespmem:$0x9308] =	vst v63  }
0x22: {  	_ = 	snop  }
0x23: {  	[tilespmem:s22], [sflag:$0x3] =	stream.indirect.gather [hbm4b:s3+s19], $0x80, s21, s19, $0xb8;
	[tilespmem:$0x9308] =	vst v63  }
0x24: {  	s0 =	simm.s32 $0x0;
	s1 =	simm.s32 $0x1  }
0x25: {  	[tilespmem:s19], [sflag:$0x5] =	stream.linear.gather [hbm4b:s9+s0], $0x10, $0x38;
	v16 =	vmov s0;
	[tilespmem:$0x9308] =	vst v63  }
0x26: {  	s12 =	simm.s32 $0x2;
	v17 =	vmov s1;
	_ =	swait.ge [sflag:s15], $0x10;
	v16 =	vand.u32 $0x7C, v16  }
0x27: {  	s17 =	smov.u32 s26;
	s26 =	simm.s32 $0x3;
	v18 =	vmov s12;
	v17 =	vand.u32 $0x7D, v17;
	[sflag:s15] =	ssyncset.done $0x0;
	v16 =	vbroadcast v16, $0x0  }
0x28: {  	s1 =	simm.s32 $0x10;
	v19 =	vmov s26;
	v18 =	vand.u32 $0x7E, v18;
	v17 =	vbroadcast v17, $0x0;
	[sflag:s15] =	ssyncadd.s32 $0xFFFFFFF0  }
0x29: {  	v19 =	vand.u32 $0x7F, v19;
	v18 =	vbroadcast v18, $0x0;
	[tilespmem:s24], [sflag:$0x4] =	stream.indirect.gather [hbm4b:s3+s1], $0x80, s19, s1, $0xb8;
	v16 =	vor.u32 v0, v16;
	[tilespmem:$0x9308] =	vst v63  }
0x2a: {  	v19 =	vbroadcast v19, $0x0;
	s1 =	simm.s32 $0x4;
	v17 =	vor.u32 v0, v17  }
0x2b: {  	v22 =	vor.u32 v0, v18;
	v20 =	vmov s1;
	_ =	swait.ge [sflag:s25], $0x800;
	s1 =	simm.s32 $0x5  }
0x2c: {  	s12 =	simm.s32 $0x6;
	v24 =	vor.u32 v0, v19;
	[sflag:s25] =	ssyncset.done $0x0;
	v19 =	vand.u32 $0x7C, v20;
	v20 =	vmov s1  }
0x2d: {  	s26 =	simm.s32 $0x7;
	v18 =	vmov s12;
	[sflag:s25] =	ssyncadd.s32 $0xFFFFF800;
	v23 =	vbroadcast v19, $0x0;
	v19 =	vand.u32 $0x7D, v20  }
0x2e: {  	v21 =	vmov s26;
	v18 =	vand.u32 $0x7E, v18;
	v20 =	vbroadcast v19, $0x0;
	v16 =	vld.idx.msk [tilespmem:v16+s24+$0x0], $0xffff  }
0x2f: {  	v26 =	vand.u32 $0x7F, v21;
	v25 =	vbroadcast v18, $0x0;
	v18 =	vld.idx.msk [tilespmem:v17+s24+$0x0], $0xffff;
	v21 =	vor.u32 v0, v23  }
0x30: {  	s26 =	simm.s32 $0xA;
	v28 =	vbroadcast v26, $0x0;
	s12 =	simm.s32 $0x8;
	v17 =	vld.idx.msk [tilespmem:v22+s24+$0x0], $0xffff;
	v22 =	vor.u32 v0, v20  }
0x31: {  	v27 =	vmov s26;
	v26 =	vmov s12;
	s1 =	simm.s32 $0xB;
	v23 =	vor.u32 v0, v25;
	v20 =	vld.idx.msk [tilespmem:v24+s24+$0x0], $0xffff  }
0x32: {  	s0 =	simm.s32 $0xC;
	s12 =	simm.s32 $0x9;
	v19 =	vimm.f32 $0.0e+00;
	v25 =	vmov s1;
	v24 =	vor.u32 v0, v28  }
.LBB2_3:
0x33: {  	p1 =	sne.s32 s0, $0x7C;
	v26 =	vand.u32 $0x7C, v26;
	v28 =	vmov s12;
	v27 =	vand.u32 $0x7E, v27  }
0x34: {  	v29 =	vadd.f32 v18, v16;
	v26 =	vbroadcast v26, $0x0;
	v28 =	vand.u32 $0x7D, v28;
	v16 =	vld.idx.msk [tilespmem:v21+s24+$0x0], $0xffff  }
.Ltmp1:
0x35: {  	v25 =	vand.u32 $0x7F, v25;
	v27 =	vbroadcast v27, $0x0;
	v28 =	vbroadcast v28, $0x0;
	v18 =	vld.idx.msk [tilespmem:v22+s24+$0x0], $0xffff;
	(pc) =	sbr.rel @p1 .LBB2_3-.Ltmp1, $4  }
0x36: {  	v19 =	vadd.f32 v29, v19;
	v29 =	vadd.f32 v20, v17;
	v21 =	vor.u32 v0, v26;
	v17 =	vld.idx.msk [tilespmem:v23+s24+$0x0], $0xffff  }
0x37: {  	v22 =	vor.u32 v0, v28;
	v28 =	vbroadcast v25, $0x0;
	v20 =	vld.idx.msk [tilespmem:v24+s24+$0x0], $0xffff  }
0x38: {  	s26 =	sadd.s32 $0x2, s0;
	s1 =	sadd.s32 $0x3, s0;
	v26 =	vmov s0;
	v23 =	vor.u32 v0, v27;
	v19 =	vadd.f32 v29, v19  }
0x39: {  	s12 =	sadd.s32 $0x1, s0;
	v27 =	vmov s26;
	s0 =	sadd.s32 $0x4, s0;
	v25 =	vmov s1;
	v24 =	vor.u32 v0, v28  }
0x3a: {  	v26 =	vand.u32 $0x7C, v26;
	v28 =	vmov s12  }
0x3b: {  	v26 =	vbroadcast v26, $0x0;
	v28 =	vand.u32 $0x7D, v28  }
0x3c: {  	v27 =	vand.u32 $0x7E, v27;
	v28 =	vbroadcast v28, $0x0  }
0x3d: {  	v25 =	vand.u32 $0x7F, v25;
	v27 =	vbroadcast v27, $0x0;
	v26 =	vor.u32 v0, v26  }
0x3e: {  	v21 =	vld.idx.msk [tilespmem:v21+s24+$0x0], $0xffff;
	v25 =	vbroadcast v25, $0x0;
	v28 =	vor.u32 v0, v28  }
0x3f: {  	v22 =	vld.idx.msk [tilespmem:v22+s24+$0x0], $0xffff;
	v27 =	vor.u32 v0, v27  }
0x40: {  	v16 =	vadd.f32 v18, v16;
	v58 =	vld.idx.msk [tilespmem:v23+s24+$0x0], $0xffff;
	v59 =	vor.u32 v0, v25  }
0x41: {  	v24 =	vld.idx.msk [tilespmem:v24+s24+$0x0], $0xffff  }
0x42: {  	v16 =	vadd.f32 v16, v19;
	v17 =	vadd.f32 v20, v17;
	v60 =	vld.idx.msk [tilespmem:v26+s24+$0x0], $0xffff  }
0x43: {  	v61 =	vld.idx.msk [tilespmem:v28+s24+$0x0], $0xffff  }
0x44: {  	v16 =	vadd.f32 v17, v16;
	v17 =	vadd.f32 v22, v21;
	v62 =	vld.idx.msk [tilespmem:v27+s24+$0x0], $0xffff  }
0x45: {  	v63 =	vld.idx.msk [tilespmem:v59+s24+$0x0], $0xffff  }
0x46: {  	v16 =	vadd.f32 v17, v16;
	v17 =	vadd.f32 v24, v58;
	_ =	sdelay $0x1  }
0x47: {  	v16 =	vadd.f32 v17, v16;
	v17 =	vadd.f32 v61, v60;
	_ =	sdelay $0x1  }
0x48: {  	v16 =	vadd.f32 v17, v16;
	v17 =	vadd.f32 v63, v62;
	_ =	sdelay $0x1  }
0x49: {  	v16 =	vadd.f32 v17, v16;
	_ =	sdelay $0x1  }
0x4a: {  	s0 =	simm.s32 $0x8E00;
	[tilespmem:$0x8E00] =	vst v16  }
0x4b: {  	[spmem:s10] =	stream.linear.scatter [tilespmem:s0], [sflag:$0x5], $0x80, $0x38;
	[tilespmem:$0x9308] =	vst v63  }
0x4c: {  	_ =	swait.ge [sflag:s15], $0x80  }
0x4d: {  	[sflag:s15] =	ssyncset.done $0x0  }
0x4e: {  	s26 =	smov.u32 s17;
	s17 =	simm.s32 $0x8;
	[sflag:s15] =	ssyncadd.s32 $0xFFFFFF80  }
.LBB2_5:
0x4f: {  	_ =	swait.ge [sflag:s6], $0x400  }
0x50: {  	[sflag:s6] =	ssyncset.done $0x0  }
0x51: {  	[sflag:s6] =	ssyncadd.s32 $0xFFFFFC00  }
0x52: {  	v20 =	vimm.f32 $0.0e+00;
	_ =	swait.ge [sflag:s28], $0x4000  }
0x53: {  	v21 =	vimm.f32 $0.0e+00;
	v25 =	vimm.f32 $0.0e+00;
	v29 =	vimm.f32 $0.0e+00;
	[sflag:s28] =	ssyncset.done $0x0  }
0x54: {  	v26 =	vimm.f32 $0.0e+00;
	v30 =	vimm.f32 $0.0e+00;
	v28 =	vimm.f32 $0.0e+00;
	[sflag:s28] =	ssyncadd.s32 $0xFFFFC000  }
0x55: {  	v22 =	vimm.f32 $0.0e+00;
	v23 =	vimm.f32 $0.0e+00;
	v24 =	vimm.f32 $0.0e+00;
	_ =	swait.ge [sflag:s29], $0x4000  }
0x56: {  	v27 =	vimm.f32 $0.0e+00;
	v31 =	vimm.f32 $0.0e+00;
	v32 =	vimm.f32 $0.0e+00;
	[sflag:s29] =	ssyncset.done $0x0  }
0x57: {  	s0 =	simm.s32 $0xF;
	s12 =	smov.u32 s23;
	v34 =	vimm.f32 $0.0e+00;
	v35 =	vimm.f32 $0.0e+00;
	v33 =	vimm.f32 $0.0e+00;
	[sflag:s29] =	ssyncadd.s32 $0xFFFFC000  }
.LBB2_6:
0x58: {  	s1 =	sadd.s32 $0xFFFFFFF1, s0  }
0x59: {  	v16 =	vmov s1  }
0x5a: {  	v16 =	vand.u32 $0x70, v16  }
0x5b: {  	v36 =	vbroadcast v16, $0x0;
	_ =	sdelay $0x1  }
0x5c: {  	v16 =	vor.u32 v0, v36  }
0x5d: {  	v17 =	vor.u32 v1, v36;
	_ =	sdelay $0x1  }
0x5e: {  	v19 =	vld [tilespmem:s12+$0xFFFFFF00];
	v37 =	vor.u32 v2, v36  }
0x5f: {  	v18 =	vld [tilespmem:s12+$0xFFFFFF80];
	v39 =	vor.u32 v3, v36  }
0x60: {  	v40 =	vor.u32 v4, v36;
	v38 =	vld.idx.msk [tilespmem:v16+s20+$0x0], $0xffff  }
0x61: {  	v41 =	vor.u32 v5, v36;
	v17 =	vld.idx.msk [tilespmem:v17+s20+$0x0], $0xffff  }
0x62: {  	v43 =	vor.u32 v6, v36;
	v16 =	vld [tilespmem:s12+$0x0]  }
0x63: {  	v44 =	vor.u32 v7, v36;
	v37 =	vld.idx.msk [tilespmem:v37+s20+$0x0], $0xffff  }
0x64: {  	s1 =	sadd.s32 $0xFFFFFFF2, s0;
	v46 =	vor.u32 v8, v36;
	v39 =	vld.idx.msk [tilespmem:v39+s20+$0x0], $0xffff  }
0x65: {  	v49 =	vmov s1;
	v47 =	vor.u32 v9, v36;
	v40 =	vld.idx.msk [tilespmem:v40+s20+$0x0], $0xffff  }
0x66: {  	v49 =	vand.u32 $0x71, v49;
	v61 =	vor.u32 v10, v36;
	v60 =	vld.idx.msk [tilespmem:v41+s20+$0x0], $0xffff  }
0x67: {  	v49 =	vbroadcast v49, $0x0;
	v48 =	vor.u32 v11, v36;
	v43 =	vld.idx.msk [tilespmem:v43+s20+$0x0], $0xffff  }
0x68: {  	v42 =	vbroadcast v19, $0x0;
	v62 =	vbroadcast v18, $0x0;
	v52 =	vor.u32 v12, v36;
	v63 =	vld.idx.msk [tilespmem:v44+s20+$0x0], $0xffff  }
0x69: {  	v50 =	vor.u32 v13, v36;
	v54 =	vor.u32 v14, v36;
	v36 =	vor.u32 v15, v36;
	v46 =	vld.idx.msk [tilespmem:v46+s20+$0x0], $0xffff  }
0x6a: {  	v58 =	vor.u32 v0, v49;
	v53 =	vld.idx.msk [tilespmem:v47+s20+$0x0], $0xffff;
	v38 =	vmul.f32 v38, v42;
	v45 =	vmul.f32 v17, v42  }
0x6b: {  	v59 =	vor.u32 v1, v49;
	v55 =	vld.idx.msk [tilespmem:v61+s20+$0x0], $0xffff;
	v37 =	vmul.f32 v37, v42;
	v39 =	vmul.f32 v39, v42  }
0x6c: {  	v57 =	vld.idx.msk [tilespmem:v48+s20+$0x0], $0xffff;
	v40 =	vmul.f32 v40, v62;
	v56 =	vbroadcast v16, $0x0;
	v33 =	vadd.f32 v38, v33  }
0x6d: {  	v43 =	vmul.f32 v43, v62;
	v35 =	vadd.f32 v45, v35;
	v34 =	vadd.f32 v37, v34  }
0x6e: {  	v17 =	vld [tilespmem:s12+$0x80];
	v42 =	vmul.f32 v63, v62;
	v32 =	vadd.f32 v39, v32;
	v31 =	vadd.f32 v40, v31  }
0x6f: {  	v44 =	vld.idx.msk [tilespmem:v52+s20+$0x0], $0xffff;
	v38 =	vmul.f32 v60, v62;
	v60 =	vmul.f32 v46, v56;
	v62 =	vor.u32 v2, v49  }
0x70: {  	v61 =	vld.idx.msk [tilespmem:v50+s20+$0x0], $0xffff;
	v24 =	vadd.f32 v43, v24;
	v23 =	vadd.f32 v42, v23;
	v37 =	vmul.f32 v53, v56  }
0x71: {  	v63 =	vld.idx.msk [tilespmem:v54+s20+$0x0], $0xffff;
	v51 =	vmul.f32 v55, v56;
	v52 =	vmul.f32 v57, v56;
	v55 =	vor.u32 v3, v49  }
0x72: {  	v36 =	vld.idx.msk [tilespmem:v36+s20+$0x0], $0xffff;
	v57 =	vor.u32 v4, v49;
	v27 =	vadd.f32 v38, v27;
	v22 =	vadd.f32 v60, v22  }
0x73: {  	v54 =	vld.idx.msk [tilespmem:v58+s20+$0x0], $0xffff;
	v28 =	vadd.f32 v37, v28;
	v30 =	vadd.f32 v51, v30;
	v53 =	vbroadcast v17, $0x0  }
0x74: {  	v56 =	vld.idx.msk [tilespmem:v59+s20+$0x0], $0xffff;
	v26 =	vadd.f32 v52, v26;
	v60 =	vor.u32 v5, v49;
	v52 =	vor.u32 v8, v49  }
0x75: {  	v58 =	vmul.f32 v44, v53;
	v59 =	vld.idx.msk [tilespmem:v62+s20+$0x0], $0xffff;
	v46 =	vmul.f32 v61, v53;
	v61 =	vor.u32 v6, v49  }
0x76: {  	v42 =	vmul.f32 v63, v53;
	v62 =	vbroadcast v19, $0x1;
	v63 =	vor.u32 v7, v49;
	v51 =	vld.idx.msk [tilespmem:v55+s20+$0x0], $0xffff  }
0x77: {  	v36 =	vmul.f32 v36, v53;
	v38 =	vld.idx.msk [tilespmem:v57+s20+$0x0], $0xffff;
	v55 =	vor.u32 v9, v49;
	v57 =	vor.u32 v10, v49  }
0x78: {  	v29 =	vadd.f32 v58, v29;
	v25 =	vadd.f32 v46, v25;
	v41 =	vmul.f32 v54, v62  }
0x79: {  	v21 =	vadd.f32 v42, v21;
	v37 =	vmul.f32 v56, v62;
	v20 =	vadd.f32 v36, v20;
	v54 =	vld.idx.msk [tilespmem:v60+s20+$0x0], $0xffff  }
0x7a: {  	v58 =	vbroadcast v18, $0x1;
	v60 =	vor.u32 v11, v49;
	v33 =	vadd.f32 v41, v33;
	v56 =	vld.idx.msk [tilespmem:v61+s20+$0x0], $0xffff  }
0x7b: {  	s1 =	sadd.s32 $0xFFFFFFF3, s0;
	v35 =	vadd.f32 v37, v35;
	v53 =	vmul.f32 v59, v62;
	v59 =	vld.idx.msk [tilespmem:v63+s20+$0x0], $0xffff;
	v39 =	vmul.f32 v51, v62  }
0x7c: {  	v42 =	vld.idx.msk [tilespmem:v52+s20+$0x0], $0xffff;
	v61 =	vor.u32 v12, v49;
	v62 =	vmov s1;
	v38 =	vmul.f32 v38, v58  }
0x7d: {  	v63 =	vor.u32 v13, v49;
	v52 =	vld.idx.msk [tilespmem:v55+s20+$0x0], $0xffff;
	v55 =	vor.u32 v15, v49;
	v47 =	vand.u32 $0x72, v62  }
0x7e: {  	v41 =	vld.idx.msk [tilespmem:v57+s20+$0x0], $0xffff;
	v34 =	vadd.f32 v53, v34;
	v32 =	vadd.f32 v39, v32;
	v47 =	vbroadcast v47, $0x0  }
0x7f: {  	v53 =	vor.u32 v14, v49;
	v54 =	vmul.f32 v54, v58;
	v37 =	vmul.f32 v56, v58  }
0x80: {  	v31 =	vadd.f32 v38, v31;
	v36 =	vmul.f32 v59, v58;
	v56 =	vld.idx.msk [tilespmem:v60+s20+$0x0], $0xffff;
	v58 =	vbroadcast v16, $0x1  }
0x81: {  	v57 =	vor.u32 v0, v47;
	v27 =	vadd.f32 v54, v27;
	v40 =	vld.idx.msk [tilespmem:v61+s20+$0x0], $0xffff;
	v59 =	vor.u32 v1, v47  }
0x82: {  	v60 =	vld.idx.msk [tilespmem:v63+s20+$0x0], $0xffff;
	v63 =	vor.u32 v2, v47;
	v24 =	vadd.f32 v37, v24;
	v61 =	vmul.f32 v42, v58  }
0x83: {  	v43 =	vld.idx.msk [tilespmem:v55+s20+$0x0], $0xffff;
	v23 =	vadd.f32 v36, v23;
	v39 =	vmul.f32 v52, v58;
	v41 =	vmul.f32 v41, v58  }
0x84: {  	v62 =	vld.idx.msk [tilespmem:v53+s20+$0x0], $0xffff;
	v52 =	vbroadcast v17, $0x1;
	v53 =	vor.u32 v3, v47;
	v22 =	vadd.f32 v61, v22  }
0x85: {  	v28 =	vadd.f32 v39, v28;
	v30 =	vadd.f32 v41, v30  }
0x86: {  	v55 =	vld.idx.msk [tilespmem:v57+s20+$0x0], $0xffff;
	v61 =	vor.u32 v6, v47;
	v54 =	vmul.f32 v56, v58;
	v56 =	vmul.f32 v40, v52  }
0x87: {  	v57 =	vld.idx.msk [tilespmem:v59+s20+$0x0], $0xffff;
	v58 =	vor.u32 v4, v47;
	v36 =	vmul.f32 v60, v52;
	v59 =	vor.u32 v5, v47  }
0x88: {  	v60 =	vbroadcast v19, $0x2;
	v44 =	vld.idx.msk [tilespmem:v63+s20+$0x0], $0xffff;
	v43 =	vmul.f32 v43, v52;
	v26 =	vadd.f32 v54, v26  }
0x89: {  	v29 =	vadd.f32 v56, v29;
	v62 =	vmul.f32 v62, v52;
	v63 =	vld.idx.msk [tilespmem:v53+s20+$0x0], $0xffff;
	v54 =	vor.u32 v7, v47  }
0x8a: {  	v25 =	vadd.f32 v36, v25;
	v20 =	vadd.f32 v43, v20;
	v53 =	vor.u32 v11, v47  }
0x8b: {  	s1 =	sadd.s32 $0xFFFFFFF4, s0;
	v38 =	vmul.f32 v55, v60;
	v55 =	vor.u32 v8, v47;
	v21 =	vadd.f32 v62, v21;
	v43 =	vld.idx.msk [tilespmem:v61+s20+$0x0], $0xffff  }
0x8c: {  	v61 =	vor.u32 v12, v47;
	v62 =	vmov s1;
	v56 =	vmul.f32 v57, v60;
	v57 =	vld.idx.msk [tilespmem:v58+s20+$0x0], $0xffff  }
0x8d: {  	v58 =	vor.u32 v9, v47;
	v37 =	vld.idx.msk [tilespmem:v59+s20+$0x0], $0xffff;
	v59 =	vor.u32 v10, v47;
	v52 =	vmul.f32 v44, v60  }
0x8e: {  	v46 =	vand.u32 $0x73, v62;
	v33 =	vadd.f32 v38, v33;
	v39 =	vmul.f32 v63, v60;
	v60 =	vld.idx.msk [tilespmem:v54+s20+$0x0], $0xffff  }
0x8f: {  	v46 =	vbroadcast v46, $0x0;
	v35 =	vadd.f32 v56, v35;
	v54 =	vor.u32 v13, v47;
	v44 =	vld.idx.msk [tilespmem:v53+s20+$0x0], $0xffff  }
0x90: {  	v63 =	vbroadcast v18, $0x2;
	v34 =	vadd.f32 v52, v34;
	v56 =	vor.u32 v14, v47;
	v48 =	vld.idx.msk [tilespmem:v55+s20+$0x0], $0xffff  }
0x91: {  	v51 =	vor.u32 v0, v46;
	v52 =	vor.u32 v2, v46;
	v32 =	vadd.f32 v39, v32;
	v45 =	vld.idx.msk [tilespmem:v61+s20+$0x0], $0xffff  }
0x92: {  	v43 =	vmul.f32 v43, v63;
	v55 =	vld.idx.msk [tilespmem:v58+s20+$0x0], $0xffff;
	v57 =	vmul.f32 v57, v63;
	v58 =	vor.u32 v15, v47  }
0x93: {  	v38 =	vld.idx.msk [tilespmem:v59+s20+$0x0], $0xffff;
	v59 =	vbroadcast v16, $0x2;
	v42 =	vmul.f32 v60, v63;
	v60 =	vor.u32 v1, v46  }
0x94: {  	v37 =	vmul.f32 v37, v63;
	v24 =	vadd.f32 v43, v24;
	v31 =	vadd.f32 v57, v31;
	v62 =	vld.idx.msk [tilespmem:v54+s20+$0x0], $0xffff  }
0x95: {  	v41 =	vld.idx.msk [tilespmem:v56+s20+$0x0], $0xffff;
	v63 =	vbroadcast v17, $0x2;
	v54 =	vor.u32 v3, v46;
	v44 =	vmul.f32 v44, v59  }
0x96: {  	v27 =	vadd.f32 v37, v27;
	v56 =	vor.u32 v4, v46;
	v53 =	vld.idx.msk [tilespmem:v51+s20+$0x0], $0xffff;
	v61 =	vmul.f32 v48, v59  }
0x97: {  	v23 =	vadd.f32 v42, v23;
	v45 =	vmul.f32 v45, v63;
	v26 =	vadd.f32 v44, v26;
	v40 =	vld.idx.msk [tilespmem:v58+s20+$0x0], $0xffff  }
0x98: {  	v36 =	vmul.f32 v55, v59;
	v38 =	vmul.f32 v38, v59;
	v58 =	vor.u32 v5, v46;
	v55 =	vld.idx.msk [tilespmem:v60+s20+$0x0], $0xffff  }
0x99: {  	v59 =	vbroadcast v19, $0x3;
	v22 =	vadd.f32 v61, v22;
	v61 =	vor.u32 v6, v46;
	v60 =	vld.idx.msk [tilespmem:v52+s20+$0x0], $0xffff  }
0x9a: {  	v29 =	vadd.f32 v45, v29;
	v57 =	vmul.f32 v62, v63;
	v62 =	vld.idx.msk [tilespmem:v54+s20+$0x0], $0xffff;
	v54 =	vor.u32 v8, v46  }
0x9b: {  	v28 =	vadd.f32 v36, v28;
	v43 =	vmul.f32 v53, v59;
	v53 =	vld.idx.msk [tilespmem:v56+s20+$0x0], $0xffff;
	v56 =	vor.u32 v10, v46  }
0x9c: {  	v41 =	vmul.f32 v41, v63;
	v37 =	vmul.f32 v40, v63;
	v63 =	vor.u32 v7, v46  }
0x9d: {  	v30 =	vadd.f32 v38, v30;
	v25 =	vadd.f32 v57, v25;
	v38 =	vld.idx.msk [tilespmem:v58+s20+$0x0], $0xffff;
	v58 =	vor.u32 v11, v46  }
0x9e: {  	s1 =	sadd.s32 $0xFFFFFFF5, s0;
	v57 =	vbroadcast v18, $0x3;
	v42 =	vld.idx.msk [tilespmem:v61+s20+$0x0], $0xffff;
	v52 =	vmul.f32 v55, v59;
	v55 =	vor.u32 v9, v46  }
0x9f: {  	v61 =	vmov s1;
	v39 =	vmul.f32 v60, v59;
	v60 =	vor.u32 v12, v46;
	v48 =	vld.idx.msk [tilespmem:v54+s20+$0x0], $0xffff  }
0xa0: {  	v47 =	vmul.f32 v53, v57;
	v53 =	vor.u32 v15, v46;
	v35 =	vadd.f32 v52, v35;
	v52 =	vld.idx.msk [tilespmem:v56+s20+$0x0], $0xffff  }
0xa1: {  	v36 =	vmul.f32 v62, v59;
	v62 =	vor.u32 v13, v46;
	v49 =	vand.u32 $0x74, v61;
	v59 =	vld.idx.msk [tilespmem:v63+s20+$0x0], $0xffff  }
0xa2: {  	v21 =	vadd.f32 v41, v21;
	v49 =	vbroadcast v49, $0x0;
	v63 =	vor.u32 v14, v46;
	v45 =	vld.idx.msk [tilespmem:v58+s20+$0x0], $0xffff  }
0xa3: {  	v33 =	vadd.f32 v43, v33;
	v20 =	vadd.f32 v37, v20;
	v38 =	vmul.f32 v38, v57;
	v37 =	vld.idx.msk [tilespmem:v55+s20+$0x0], $0xffff  }
0xa4: {  	v54 =	vbroadcast v16, $0x3;
	v34 =	vadd.f32 v39, v34;
	v55 =	vor.u32 v0, v49;
	v56 =	vld.idx.msk [tilespmem:v60+s20+$0x0], $0xffff  }
0xa5: {  	v32 =	vadd.f32 v36, v32;
	v27 =	vadd.f32 v38, v27;
	v60 =	vor.u32 v2, v49;
	v38 =	vld.idx.msk [tilespmem:v53+s20+$0x0], $0xffff  }
0xa6: {  	v42 =	vmul.f32 v42, v57;
	v40 =	vmul.f32 v59, v57;
	v57 =	vor.u32 v1, v49;
	v59 =	vld.idx.msk [tilespmem:v62+s20+$0x0], $0xffff  }
0xa7: {  	v58 =	vmul.f32 v48, v54;
	v36 =	vmul.f32 v52, v54;
	v52 =	vor.u32 v3, v49;
	v39 =	vld.idx.msk [tilespmem:v63+s20+$0x0], $0xffff  }
0xa8: {  	v31 =	vadd.f32 v47, v31;
	v50 =	vor.u32 v8, v49;
	v62 =	vbroadcast v17, $0x3  }
0xa9: {  	v24 =	vadd.f32 v42, v24;
	v22 =	vadd.f32 v58, v22;
	v61 =	vmul.f32 v45, v54;
	v63 =	vld.idx.msk [tilespmem:v55+s20+$0x0], $0xffff  }
0xaa: {  	v37 =	vmul.f32 v37, v54;
	v54 =	vor.u32 v4, v49;
	v55 =	vmul.f32 v56, v62;
	v56 =	vld.idx.msk [tilespmem:v60+s20+$0x0], $0xffff  }
0xab: {  	v60 =	vbroadcast v19, $0x4;
	v38 =	vmul.f32 v38, v62;
	v53 =	vld.idx.msk [tilespmem:v57+s20+$0x0], $0xffff;
	v57 =	vor.u32 v5, v49  }
0xac: {  	v58 =	vmul.f32 v59, v62;
	v39 =	vmul.f32 v39, v62;
	v59 =	vor.u32 v6, v49;
	v62 =	vld.idx.msk [tilespmem:v52+s20+$0x0], $0xffff  }
0xad: {  	v30 =	vadd.f32 v36, v30;
	v26 =	vadd.f32 v61, v26;
	v61 =	vor.u32 v7, v49  }
0xae: {  	v28 =	vadd.f32 v37, v28;
	v29 =	vadd.f32 v55, v29;
	v63 =	vmul.f32 v63, v60  }
0xaf: {  	v55 =	vor.u32 v10, v49;
	v21 =	vadd.f32 v39, v21;
	v37 =	vld.idx.msk [tilespmem:v54+s20+$0x0], $0xffff;
	v51 =	vmul.f32 v56, v60  }
0xb0: {  	s1 =	sadd.s32 $0xFFFFFFF6, s0;
	v33 =	vadd.f32 v63, v33;
	v63 =	vor.u32 v14, v49;
	v36 =	vmul.f32 v53, v60;
	v52 =	vld.idx.msk [tilespmem:v57+s20+$0x0], $0xffff  }
0xb1: {  	v53 =	vor.u32 v9, v49;
	v54 =	vld.idx.msk [tilespmem:v59+s20+$0x0], $0xffff;
	v39 =	vmul.f32 v62, v60;
	v60 =	vmov s1  }
0xb2: {  	v25 =	vadd.f32 v58, v25;
	v58 =	vor.u32 v11, v49;
	v57 =	vld.idx.msk [tilespmem:v61+s20+$0x0], $0xffff;
	v47 =	vand.u32 $0x75, v60  }
0xb3: {  	v42 =	vld.idx.msk [tilespmem:v50+s20+$0x0], $0xffff;
	v56 =	vbroadcast v18, $0x4;
	v59 =	vor.u32 v12, v49;
	v47 =	vbroadcast v47, $0x0  }
0xb4: {  	v23 =	vadd.f32 v40, v23;
	v20 =	vadd.f32 v38, v20;
	v41 =	vld.idx.msk [tilespmem:v55+s20+$0x0], $0xffff;
	v61 =	vor.u32 v13, v49  }
0xb5: {  	v35 =	vadd.f32 v36, v35;
	v37 =	vmul.f32 v37, v56;
	v55 =	vor.u32 v0, v47;
	v60 =	vld.idx.msk [tilespmem:v63+s20+$0x0], $0xffff  }
0xb6: {  	v63 =	vor.u32 v3, v47;
	v62 =	vld.idx.msk [tilespmem:v53+s20+$0x0], $0xffff;
	v52 =	vmul.f32 v52, v56;
	v36 =	vmul.f32 v54, v56  }
0xb7: {  	v53 =	vor.u32 v15, v49;
	v38 =	vmul.f32 v57, v56;
	v54 =	vld.idx.msk [tilespmem:v58+s20+$0x0], $0xffff;
	v56 =	vbroadcast v16, $0x4  }
0xb8: {  	v34 =	vadd.f32 v51, v34;
	v32 =	vadd.f32 v39, v32;
	v40 =	vld.idx.msk [tilespmem:v59+s20+$0x0], $0xffff;
	v57 =	vor.u32 v1, v47  }
0xb9: {  	v31 =	vadd.f32 v37, v31;
	v58 =	vld.idx.msk [tilespmem:v61+s20+$0x0], $0xffff;
	v61 =	vor.u32 v2, v47;
	v59 =	vmul.f32 v42, v56  }
0xba: {  	v27 =	vadd.f32 v52, v27;
	v24 =	vadd.f32 v36, v24;
	v41 =	vmul.f32 v41, v56;
	v51 =	vld.idx.msk [tilespmem:v55+s20+$0x0], $0xffff  }
0xbb: {  	v23 =	vadd.f32 v38, v23;
	v22 =	vadd.f32 v59, v22;
	v59 =	vld.idx.msk [tilespmem:v63+s20+$0x0], $0xffff  }
0xbc: {  	v30 =	vadd.f32 v41, v30;
	v55 =	vor.u32 v5, v47;
	v39 =	vmul.f32 v62, v56;
	v43 =	vld.idx.msk [tilespmem:v53+s20+$0x0], $0xffff  }
0xbd: {  	v62 =	vbroadcast v17, $0x4;
	v37 =	vmul.f32 v54, v56;
	v53 =	vld.idx.msk [tilespmem:v57+s20+$0x0], $0xffff;
	v54 =	vor.u32 v4, v47  }
0xbe: {  	v56 =	vbroadcast v19, $0x5;
	v44 =	vld.idx.msk [tilespmem:v61+s20+$0x0], $0xffff;
	v57 =	vor.u32 v6, v47;
	v61 =	vor.u32 v8, v47  }
0xbf: {  	v28 =	vadd.f32 v39, v28;
	v52 =	vmul.f32 v40, v62;
	v36 =	vmul.f32 v58, v62  }
0xc0: {  	v26 =	vadd.f32 v37, v26;
	v58 =	vmul.f32 v60, v62;
	v60 =	vor.u32 v7, v47  }
0xc1: {  	v29 =	vadd.f32 v52, v29;
	v25 =	vadd.f32 v36, v25;
	v38 =	vmul.f32 v51, v56  }
0xc2: {  	s1 =	sadd.s32 $0xFFFFFFF7, s0;
	v21 =	vadd.f32 v58, v21;
	v52 =	vor.u32 v9, v47;
	v37 =	vld.idx.msk [tilespmem:v55+s20+$0x0], $0xffff;
	v55 =	vor.u32 v11, v47  }
0xc3: {  	v39 =	vmul.f32 v59, v56;
	v58 =	vmov s1;
	v43 =	vmul.f32 v43, v62;
	v63 =	vld.idx.msk [tilespmem:v54+s20+$0x0], $0xffff  }
0xc4: {  	v59 =	vbroadcast v18, $0x5;
	v62 =	vmul.f32 v53, v56;
	v53 =	vor.u32 v10, v47;
	v48 =	vld.idx.msk [tilespmem:v61+s20+$0x0], $0xffff  }
0xc5: {  	v54 =	vmul.f32 v44, v56;
	v61 =	vor.u32 v14, v47;
	v20 =	vadd.f32 v43, v20;
	v43 =	vld.idx.msk [tilespmem:v57+s20+$0x0], $0xffff  }
0xc6: {  	v46 =	vand.u32 $0x76, v58;
	v33 =	vadd.f32 v38, v33;
	v56 =	vld.idx.msk [tilespmem:v60+s20+$0x0], $0xffff;
	v57 =	vor.u32 v12, v47  }
0xc7: {  	v46 =	vbroadcast v46, $0x0;
	v32 =	vadd.f32 v39, v32;
	v60 =	vor.u32 v13, v47;
	v36 =	vld.idx.msk [tilespmem:v52+s20+$0x0], $0xffff  }
0xc8: {  	v35 =	vadd.f32 v62, v35;
	v34 =	vadd.f32 v54, v34;
	v37 =	vmul.f32 v37, v59;
	v44 =	vld.idx.msk [tilespmem:v55+s20+$0x0], $0xffff  }
0xc9: {  	v54 =	vbroadcast v16, $0x5;
	v55 =	vor.u32 v0, v46;
	v52 =	vor.u32 v4, v46;
	v38 =	vld.idx.msk [tilespmem:v53+s20+$0x0], $0xffff  }
0xca: {  	v62 =	vmul.f32 v63, v59;
	v63 =	vor.u32 v15, v47;
	v41 =	vld.idx.msk [tilespmem:v61+s20+$0x0], $0xffff;
	v27 =	vadd.f32 v37, v27  }
0xcb: {  	v43 =	vmul.f32 v43, v59;
	v42 =	vmul.f32 v56, v59;
	v45 =	vld.idx.msk [tilespmem:v57+s20+$0x0], $0xffff;
	v56 =	vor.u32 v1, v46  }
0xcc: {  	v31 =	vadd.f32 v62, v31;
	v57 =	vmul.f32 v48, v54;
	v58 =	vld.idx.msk [tilespmem:v60+s20+$0x0], $0xffff;
	v59 =	vbroadcast v17, $0x5  }
0xcd: {  	v60 =	vor.u32 v2, v46;
	v62 =	vor.u32 v3, v46;
	v24 =	vadd.f32 v43, v24  }
0xce: {  	v23 =	vadd.f32 v42, v23;
	v22 =	vadd.f32 v57, v22;
	v36 =	vmul.f32 v36, v54  }
0xcf: {  	v61 =	vld.idx.msk [tilespmem:v55+s20+$0x0], $0xffff;
	v44 =	vmul.f32 v44, v54;
	v57 =	vor.u32 v6, v46;
	v38 =	vmul.f32 v38, v54  }
0xd0: {  	v40 =	vld.idx.msk [tilespmem:v63+s20+$0x0], $0xffff;
	v54 =	vor.u32 v5, v46;
	v41 =	vmul.f32 v41, v59;
	v28 =	vadd.f32 v36, v28  }
0xd1: {  	v26 =	vadd.f32 v44, v26;
	v45 =	vmul.f32 v45, v59;
	v63 =	vld.idx.msk [tilespmem:v56+s20+$0x0], $0xffff;
	v53 =	vmul.f32 v58, v59  }
0xd2: {  	v55 =	vbroadcast v19, $0x6;
	v30 =	vadd.f32 v38, v30;
	v56 =	vld.idx.msk [tilespmem:v60+s20+$0x0], $0xffff;
	v21 =	vadd.f32 v41, v21  }
0xd3: {  	v58 =	vld.idx.msk [tilespmem:v62+s20+$0x0], $0xffff;
	v62 =	vor.u32 v8, v46;
	v29 =	vadd.f32 v45, v29;
	v25 =	vadd.f32 v53, v25  }
0xd4: {  	s1 =	sadd.s32 $0xFFFFFFF8, s0;
	v43 =	vmul.f32 v61, v55;
	v61 =	vld.idx.msk [tilespmem:v52+s20+$0x0], $0xffff;
	v52 =	vor.u32 v10, v46;
	v53 =	vbroadcast v18, $0x6  }
0xd5: {  	v42 =	vld.idx.msk [tilespmem:v57+s20+$0x0], $0xffff;
	v57 =	vmov s1;
	v37 =	vmul.f32 v40, v59;
	v59 =	vor.u32 v7, v46  }
0xd6: {  	v38 =	vld.idx.msk [tilespmem:v54+s20+$0x0], $0xffff;
	v54 =	vor.u32 v11, v46;
	v49 =	vand.u32 $0x77, v57;
	v33 =	vadd.f32 v43, v33  }
0xd7: {  	v49 =	vbroadcast v49, $0x0;
	v60 =	vmul.f32 v63, v55;
	v63 =	vor.u32 v9, v46  }
0xd8: {  	v20 =	vadd.f32 v37, v20;
	v39 =	vmul.f32 v56, v55;
	v56 =	vor.u32 v12, v46;
	v48 =	vld.idx.msk [tilespmem:v62+s20+$0x0], $0xffff  }
0xd9: {  	v35 =	vadd.f32 v60, v35;
	v47 =	vmul.f32 v61, v53;
	v60 =	vld.idx.msk [tilespmem:v52+s20+$0x0], $0xffff;
	v61 =	vor.u32 v15, v46  }
0xda: {  	v36 =	vmul.f32 v58, v55;
	v58 =	vor.u32 v13, v46;
	v62 =	vbroadcast v16, $0x6;
	v55 =	vld.idx.msk [tilespmem:v59+s20+$0x0], $0xffff  }
0xdb: {  	v34 =	vadd.f32 v39, v34;
	v42 =	vmul.f32 v42, v53;
	v59 =	vor.u32 v14, v46;
	v45 =	vld.idx.msk [tilespmem:v54+s20+$0x0], $0xffff  }
0xdc: {  	v32 =	vadd.f32 v36, v32;
	v38 =	vmul.f32 v38, v53;
	v37 =	vld.idx.msk [tilespmem:v63+s20+$0x0], $0xffff;
	v63 =	vor.u32 v0, v49  }
0xdd: {  	v31 =	vadd.f32 v47, v31;
	v24 =	vadd.f32 v42, v24;
	v52 =	vld.idx.msk [tilespmem:v56+s20+$0x0], $0xffff;
	v56 =	vor.u32 v2, v49  }
0xde: {  	v27 =	vadd.f32 v38, v27;
	v54 =	vmul.f32 v48, v62;
	v57 =	vld.idx.msk [tilespmem:v61+s20+$0x0], $0xffff;
	v61 =	vor.u32 v3, v49  }
0xdf: {  	v36 =	vmul.f32 v60, v62;
	v40 =	vmul.f32 v55, v53;
	v53 =	vor.u32 v1, v49;
	v55 =	vld.idx.msk [tilespmem:v58+s20+$0x0], $0xffff  }
0xe0: {  	v22 =	vadd.f32 v54, v22;
	v39 =	vld.idx.msk [tilespmem:v59+s20+$0x0], $0xffff;
	v58 =	vmul.f32 v45, v62;
	v59 =	vbroadcast v17, $0x6  }
0xe1: {  	v30 =	vadd.f32 v36, v30;
	v23 =	vadd.f32 v40, v23;
	v37 =	vmul.f32 v37, v62;
	v60 =	vld.idx.msk [tilespmem:v63+s20+$0x0], $0xffff  }
0xe2: {  	v63 =	vor.u32 v4, v49;
	v26 =	vadd.f32 v58, v26;
	v51 =	vmul.f32 v52, v59;
	v52 =	vld.idx.msk [tilespmem:v56+s20+$0x0], $0xffff  }
0xe3: {  	v40 =	vbroadcast v19, $0x7;
	v56 =	vor.u32 v7, v49;
	v38 =	vmul.f32 v57, v59;
	v57 =	vld.idx.msk [tilespmem:v61+s20+$0x0], $0xffff  }
0xe4: {  	v28 =	vadd.f32 v37, v28;
	v62 =	vld.idx.msk [tilespmem:v53+s20+$0x0], $0xffff;
	v53 =	vor.u32 v5, v49;
	v54 =	vmul.f32 v55, v59  }
0xe5: {  	v29 =	vadd.f32 v51, v29;
	v39 =	vmul.f32 v39, v59;
	v55 =	vor.u32 v6, v49  }
0xe6: {  	v59 =	vor.u32 v8, v49;
	v20 =	vadd.f32 v38, v20;
	v25 =	vadd.f32 v54, v25  }
0xe7: {  	v58 =	vmul.f32 v60, v40;
	v37 =	vld.idx.msk [tilespmem:v63+s20+$0x0], $0xffff;
	v60 =	vmul.f32 v52, v40;
	v52 =	vor.u32 v10, v49  }
0xe8: {  	s1 =	sadd.s32 $0xFFFFFFF9, s0;
	v21 =	vadd.f32 v39, v21;
	v54 =	vld.idx.msk [tilespmem:v56+s20+$0x0], $0xffff;
	v56 =	vor.u32 v12, v49;
	v39 =	vmul.f32 v57, v40  }
0xe9: {  	v57 =	vmov s1;
	v36 =	vmul.f32 v62, v40;
	v61 =	vld.idx.msk [tilespmem:v53+s20+$0x0], $0xffff;
	v62 =	vor.u32 v9, v49  }
0xea: {  	v33 =	vadd.f32 v58, v33;
	v63 =	vld.idx.msk [tilespmem:v55+s20+$0x0], $0xffff;
	v55 =	vor.u32 v11, v49;
	v47 =	vand.u32 $0x78, v57  }
0xeb: {  	v58 =	vor.u32 v13, v49;
	v53 =	vbroadcast v18, $0x7;
	v42 =	vld.idx.msk [tilespmem:v59+s20+$0x0], $0xffff;
	v47 =	vbroadcast v47, $0x0  }
0xec: {  	v34 =	vadd.f32 v60, v34;
	v60 =	vor.u32 v14, v49;
	v32 =	vadd.f32 v39, v32;
	v41 =	vld.idx.msk [tilespmem:v52+s20+$0x0], $0xffff  }
0xed: {  	v35 =	vadd.f32 v36, v35;
	v37 =	vmul.f32 v37, v53;
	v40 =	vld.idx.msk [tilespmem:v56+s20+$0x0], $0xffff;
	v52 =	vor.u32 v0, v47  }
0xee: {  	v38 =	vmul.f32 v54, v53;
	v59 =	vld.idx.msk [tilespmem:v62+s20+$0x0], $0xffff;
	v61 =	vmul.f32 v61, v53;
	v62 =	vor.u32 v15, v49  }
0xef: {  	v54 =	vor.u32 v1, v47;
	v36 =	vmul.f32 v63, v53;
	v63 =	vld.idx.msk [tilespmem:v55+s20+$0x0], $0xffff;
	v53 =	vbroadcast v16, $0x7  }
0xf0: {  	v31 =	vadd.f32 v37, v31;
	v23 =	vadd.f32 v38, v23;
	v55 =	vld.idx.msk [tilespmem:v58+s20+$0x0], $0xffff;
	v58 =	vor.u32 v2, v47  }
0xf1: {  	v57 =	vld.idx.msk [tilespmem:v60+s20+$0x0], $0xffff;
	v60 =	vor.u32 v3, v47;
	v56 =	vmul.f32 v42, v53;
	v41 =	vmul.f32 v41, v53  }
0xf2: {  	v27 =	vadd.f32 v61, v27;
	v24 =	vadd.f32 v36, v24;
	v61 =	vld.idx.msk [tilespmem:v52+s20+$0x0], $0xffff;
	v52 =	vor.u32 v4, v47  }
0xf3: {  	v22 =	vadd.f32 v56, v22;
	v30 =	vadd.f32 v41, v30;
	v39 =	vmul.f32 v59, v53;
	v43 =	vld.idx.msk [tilespmem:v62+s20+$0x0], $0xffff  }
0xf4: {  	v59 =	vbroadcast v17, $0x7;
	v37 =	vmul.f32 v63, v53;
	v63 =	vld.idx.msk [tilespmem:v54+s20+$0x0], $0xffff;
	v53 =	vor.u32 v5, v47  }
0xf5: {  	v54 =	vbroadcast v19, $0x8;
	v44 =	vld.idx.msk [tilespmem:v58+s20+$0x0], $0xffff;
	v58 =	vor.u32 v7, v47;
	v28 =	vadd.f32 v39, v28  }
0xf6: {  	v62 =	vmul.f32 v40, v59;
	v26 =	vadd.f32 v37, v26;
	v36 =	vmul.f32 v55, v59  }
0xf7: {  	v55 =	vor.u32 v6, v47;
	v56 =	vmul.f32 v57, v59;
	v57 =	vld.idx.msk [tilespmem:v60+s20+$0x0], $0xffff;
	v38 =	vmul.f32 v61, v54  }
0xf8: {  	v29 =	vadd.f32 v62, v29;
	v25 =	vadd.f32 v36, v25;
	v62 =	vor.u32 v9, v47  }
0xf9: {  	v61 =	vld.idx.msk [tilespmem:v52+s20+$0x0], $0xffff;
	v21 =	vadd.f32 v56, v21;
	v43 =	vmul.f32 v43, v59;
	v59 =	vor.u32 v8, v47  }
0xfa: {  	v56 =	vbroadcast v18, $0x8;
	v60 =	vmul.f32 v63, v54;
	v37 =	vld.idx.msk [tilespmem:v53+s20+$0x0], $0xffff;
	v63 =	vor.u32 v10, v47  }
0xfb: {  	s1 =	sadd.s32 $0xFFFFFFFA, s0;
	v52 =	vmul.f32 v44, v54;
	v53 =	vor.u32 v11, v47;
	v42 =	vld.idx.msk [tilespmem:v58+s20+$0x0], $0xffff;
	v20 =	vadd.f32 v43, v20  }
0xfc: {  	v43 =	vld.idx.msk [tilespmem:v55+s20+$0x0], $0xffff;
	v39 =	vmul.f32 v57, v54;
	v54 =	vor.u32 v12, v47;
	v55 =	vmov s1  }
0xfd: {  	v35 =	vadd.f32 v60, v35;
	v57 =	vor.u32 v13, v47;
	v46 =	vand.u32 $0x79, v55;
	v58 =	vld.idx.msk [tilespmem:v62+s20+$0x0], $0xffff  }
0xfe: {  	v60 =	vmul.f32 v61, v56;
	v61 =	vor.u32 v15, v47;
	v46 =	vbroadcast v46, $0x0;
	v48 =	vld.idx.msk [tilespmem:v59+s20+$0x0], $0xffff  }
0xff: {  	v33 =	vadd.f32 v38, v33;
	v34 =	vadd.f32 v52, v34;
	v59 =	vor.u32 v14, v47;
	v38 =	vld.idx.msk [tilespmem:v63+s20+$0x0], $0xffff  }
0x100: {  	v52 =	vbroadcast v19, $0x9;
	v32 =	vadd.f32 v39, v32;
	v44 =	vld.idx.msk [tilespmem:v53+s20+$0x0], $0xffff;
	v63 =	vor.u32 v0, v46  }
0x101: {  	v37 =	vmul.f32 v37, v56;
	v42 =	vmul.f32 v42, v56;
	v53 =	vor.u32 v1, v46;
	v45 =	vld.idx.msk [tilespmem:v54+s20+$0x0], $0xffff  }
0x102: {  	v62 =	vbroadcast v16, $0x8;
	v31 =	vadd.f32 v60, v31;
	v43 =	vmul.f32 v43, v56;
	v55 =	vld.idx.msk [tilespmem:v57+s20+$0x0], $0xffff  }
0x103: {  	v27 =	vadd.f32 v37, v27;
	v23 =	vadd.f32 v42, v23;
	v57 =	vor.u32 v2, v46;
	v40 =	vld.idx.msk [tilespmem:v61+s20+$0x0], $0xffff  }
0x104: {  	v56 =	vbroadcast v17, $0x8;
	v36 =	vmul.f32 v58, v62;
	v41 =	vld.idx.msk [tilespmem:v59+s20+$0x0], $0xffff;
	v59 =	vor.u32 v3, v46  }
0x105: {  	v61 =	vor.u32 v4, v46;
	v24 =	vadd.f32 v43, v24;
	v54 =	vmul.f32 v48, v62;
	v58 =	vld.idx.msk [tilespmem:v63+s20+$0x0], $0xffff  }
0x106: {  	v38 =	vmul.f32 v38, v62;
	v44 =	vmul.f32 v44, v62;
	v60 =	vld.idx.msk [tilespmem:v53+s20+$0x0], $0xffff;
	v28 =	vadd.f32 v36, v28  }
0x107: {  	v63 =	vor.u32 v5, v46;
	v22 =	vadd.f32 v54, v22;
	v45 =	vmul.f32 v45, v56  }
0x108: {  	v30 =	vadd.f32 v38, v30;
	v62 =	vmul.f32 v55, v56;
	v53 =	vld.idx.msk [tilespmem:v57+s20+$0x0], $0xffff;
	v54 =	vor.u32 v6, v46  }
0x109: {  	v37 =	vmul.f32 v40, v56;
	v41 =	vmul.f32 v41, v56;
	v55 =	vld.idx.msk [tilespmem:v59+s20+$0x0], $0xffff;
	v56 =	vor.u32 v7, v46  }
0x10a: {  	v26 =	vadd.f32 v44, v26;
	v29 =	vadd.f32 v45, v29;
	v59 =	vor.u32 v8, v46  }
0x10b: {  	v43 =	vmul.f32 v58, v52;
	v57 =	vmul.f32 v60, v52;
	v58 =	vld.idx.msk [tilespmem:v61+s20+$0x0], $0xffff;
	v60 =	vor.u32 v9, v46  }
0x10c: {  	v25 =	vadd.f32 v62, v25;
	v62 =	vbroadcast v18, $0x9;
	v38 =	vld.idx.msk [tilespmem:v63+s20+$0x0], $0xffff;
	v61 =	vor.u32 v10, v46  }
0x10d: {  	s1 =	sadd.s32 $0xFFFFFFFB, s0;
	v20 =	vadd.f32 v37, v20;
	v63 =	vor.u32 v11, v46;
	v39 =	vmul.f32 v53, v52;
	v42 =	vld.idx.msk [tilespmem:v54+s20+$0x0], $0xffff  }
0x10e: {  	v53 =	vor.u32 v12, v46;
	v54 =	vmov s1;
	v36 =	vmul.f32 v55, v52;
	v52 =	vld.idx.msk [tilespmem:v56+s20+$0x0], $0xffff  }
0x10f: {  	v21 =	vadd.f32 v41, v21;
	v49 =	vand.u32 $0x7A, v54;
	v48 =	vld.idx.msk [tilespmem:v59+s20+$0x0], $0xffff;
	v55 =	vor.u32 v13, v46  }
0x110: {  	v33 =	vadd.f32 v43, v33;
	v49 =	vbroadcast v49, $0x0;
	v56 =	vor.u32 v14, v46;
	v37 =	vld.idx.msk [tilespmem:v60+s20+$0x0], $0xffff  }
0x111: {  	v35 =	vadd.f32 v57, v35;
	v47 =	vmul.f32 v58, v62;
	v57 =	vld.idx.msk [tilespmem:v61+s20+$0x0], $0xffff;
	v58 =	vor.u32 v15, v46  }
0x112: {  	v34 =	vadd.f32 v39, v34;
	v59 =	vbroadcast v16, $0x9;
	v45 =	vld.idx.msk [tilespmem:v63+s20+$0x0], $0xffff;
	v60 =	vor.u32 v0, v49  }
0x113: {  	v38 =	vmul.f32 v38, v62;
	v32 =	vadd.f32 v36, v32;
	v42 =	vmul.f32 v42, v62;
	v61 =	vld.idx.msk [tilespmem:v53+s20+$0x0], $0xffff  }
0x114: {  	v53 =	vor.u32 v2, v49;
	v31 =	vadd.f32 v47, v31;
	v40 =	vmul.f32 v52, v62;
	v52 =	vld.idx.msk [tilespmem:v55+s20+$0x0], $0xffff  }
0x115: {  	v27 =	vadd.f32 v38, v27;
	v62 =	vor.u32 v1, v49;
	v63 =	vmul.f32 v48, v59;
	v39 =	vld.idx.msk [tilespmem:v56+s20+$0x0], $0xffff  }
0x116: {  	v24 =	vadd.f32 v42, v24;
	v55 =	vbroadcast v17, $0x9;
	v37 =	vmul.f32 v37, v59;
	v38 =	vld.idx.msk [tilespmem:v58+s20+$0x0], $0xffff  }
0x117: {  	v36 =	vmul.f32 v57, v59;
	v54 =	vmul.f32 v45, v59;
	v56 =	vld.idx.msk [tilespmem:v60+s20+$0x0], $0xffff;
	v57 =	vor.u32 v3, v49  }
0x118: {  	v59 =	vor.u32 v4, v49;
	v23 =	vadd.f32 v40, v23;
	v22 =	vadd.f32 v63, v22  }
0x119: {  	v60 =	vmul.f32 v61, v55;
	v61 =	vld.idx.msk [tilespmem:v53+s20+$0x0], $0xffff;
	v40 =	vbroadcast v19, $0xA;
	v53 =	vor.u32 v7, v49  }
0x11a: {  	v28 =	vadd.f32 v37, v28;
	v26 =	vadd.f32 v54, v26;
	v58 =	vld.idx.msk [tilespmem:v62+s20+$0x0], $0xffff;
	v62 =	vor.u32 v5, v49  }
0x11b: {  	v63 =	vmul.f32 v52, v55;
	v39 =	vmul.f32 v39, v55;
	v52 =	vor.u32 v6, v49  }
0x11c: {  	v38 =	vmul.f32 v38, v55;
	v54 =	vld.idx.msk [tilespmem:v57+s20+$0x0], $0xffff;
	v55 =	vmul.f32 v56, v40;
	v56 =	vor.u32 v8, v49  }
0x11d: {  	v30 =	vadd.f32 v36, v30;
	v29 =	vadd.f32 v60, v29;
	v37 =	vld.idx.msk [tilespmem:v59+s20+$0x0], $0xffff;
	v59 =	vor.u32 v9, v49  }
0x11e: {  	v25 =	vadd.f32 v63, v25;
	v57 =	vmul.f32 v61, v40;
	v61 =	vor.u32 v10, v49;
	v63 =	vld.idx.msk [tilespmem:v53+s20+$0x0], $0xffff  }
0x11f: {  	v21 =	vadd.f32 v39, v21;
	v53 =	vor.u32 v12, v49;
	v36 =	vmul.f32 v58, v40;
	v58 =	vld.idx.msk [tilespmem:v62+s20+$0x0], $0xffff  }
0x120: {  	v20 =	vadd.f32 v38, v20;
	v33 =	vadd.f32 v55, v33;
	v55 =	vor.u32 v13, v49;
	v60 =	vld.idx.msk [tilespmem:v52+s20+$0x0], $0xffff  }
0x121: {  	s1 =	sadd.s32 $0xFFFFFFFC, s0;
	v34 =	vadd.f32 v57, v34;
	v57 =	vor.u32 v14, v49;
	v62 =	vbroadcast v18, $0xA;
	v42 =	vld.idx.msk [tilespmem:v56+s20+$0x0], $0xffff  }
0x122: {  	v52 =	vor.u32 v11, v49;
	v39 =	vmul.f32 v54, v40;
	v54 =	vmov s1;
	v56 =	vld.idx.msk [tilespmem:v59+s20+$0x0], $0xffff  }
0x123: {  	v59 =	vor.u32 v15, v49;
	v35 =	vadd.f32 v36, v35;
	v37 =	vmul.f32 v37, v62;
	v41 =	vld.idx.msk [tilespmem:v61+s20+$0x0], $0xffff  }
0x124: {  	v47 =	vand.u32 $0x7B, v54;
	v38 =	vmul.f32 v63, v62;
	v40 =	vld.idx.msk [tilespmem:v53+s20+$0x0], $0xffff;
	v53 =	vbroadcast v17, $0xA  }
0x125: {  	v32 =	vadd.f32 v39, v32;
	v47 =	vbroadcast v47, $0x0;
	v54 =	vld.idx.msk [tilespmem:v55+s20+$0x0], $0xffff;
	v58 =	vmul.f32 v58, v62  }
0x126: {  	v31 =	vadd.f32 v37, v31;
	v36 =	vmul.f32 v60, v62;
	v62 =	vbroadcast v16, $0xA  }
0x127: {  	v23 =	vadd.f32 v38, v23;
	v60 =	vld.idx.msk [tilespmem:v52+s20+$0x0], $0xffff;
	v61 =	vor.u32 v0, v47;
	v63 =	vor.u32 v1, v47  }
0x128: {  	v52 =	vor.u32 v2, v47;
	v43 =	vld.idx.msk [tilespmem:v59+s20+$0x0], $0xffff;
	v27 =	vadd.f32 v58, v27;
	v55 =	vmul.f32 v42, v62  }
0x129: {  	v24 =	vadd.f32 v36, v24;
	v39 =	vmul.f32 v56, v62;
	v56 =	vld.idx.msk [tilespmem:v57+s20+$0x0], $0xffff;
	v41 =	vmul.f32 v41, v62  }
0x12a: {  	v57 =	vor.u32 v3, v47;
	v59 =	vmul.f32 v40, v53;
	v36 =	vmul.f32 v54, v53  }
0x12b: {  	v54 =	vor.u32 v6, v47;
	v22 =	vadd.f32 v55, v22;
	v28 =	vadd.f32 v39, v28  }
0x12c: {  	v30 =	vadd.f32 v41, v30;
	v29 =	vadd.f32 v59, v29;
	v59 =	vor.u32 v9, v47;
	v58 =	vld.idx.msk [tilespmem:v61+s20+$0x0], $0xffff  }
0x12d: {  	v37 =	vmul.f32 v60, v62;
	v60 =	vld.idx.msk [tilespmem:v63+s20+$0x0], $0xffff;
	v61 =	vor.u32 v4, v47;
	v63 =	vbroadcast v19, $0xB  }
0x12e: {  	v62 =	vor.u32 v5, v47;
	v44 =	vld.idx.msk [tilespmem:v52+s20+$0x0], $0xffff;
	v43 =	vmul.f32 v43, v53;
	v55 =	vmul.f32 v56, v53  }
0x12f: {  	s1 =	sadd.s32 $0xFFFFFFFD, s0;
	v25 =	vadd.f32 v36, v25;
	v26 =	vadd.f32 v37, v26;
	v56 =	vld.idx.msk [tilespmem:v57+s20+$0x0], $0xffff;
	v57 =	vor.u32 v7, v47  }
0x130: {  	v20 =	vadd.f32 v43, v20;
	v43 =	vld.idx.msk [tilespmem:v54+s20+$0x0], $0xffff;
	v54 =	vmov s1;
	v21 =	vadd.f32 v55, v21  }
0x131: {  	v55 =	vbroadcast v18, $0xB;
	v38 =	vmul.f32 v58, v63;
	v58 =	vor.u32 v8, v47  }
0x132: {  	v46 =	vand.u32 $0x7C, v54;
	v52 =	vmul.f32 v60, v63;
	v53 =	vld.idx.msk [tilespmem:v61+s20+$0x0], $0xffff;
	v60 =	vor.u32 v10, v47  }
0x133: {  	v54 =	vbroadcast v17, $0xB;
	v37 =	vld.idx.msk [tilespmem:v62+s20+$0x0], $0xffff;
	v61 =	vmul.f32 v44, v63;
	v62 =	vor.u32 v11, v47  }
0x134: {  	v46 =	vbroadcast v46, $0x0;
	v39 =	vmul.f32 v56, v63;
	v42 =	vld.idx.msk [tilespmem:v57+s20+$0x0], $0xffff;
	v63 =	vor.u32 v12, v47  }
0x135: {  	v33 =	vadd.f32 v38, v33;
	v35 =	vadd.f32 v52, v35;
	v56 =	vor.u32 v13, v47;
	v57 =	vld.idx.msk [tilespmem:v59+s20+$0x0], $0xffff  }
0x136: {  	v34 =	vadd.f32 v61, v34;
	v61 =	vbroadcast v16, $0xB;
	v48 =	vld.idx.msk [tilespmem:v58+s20+$0x0], $0xffff;
	v58 =	vor.u32 v14, v47  }
0x137: {  	v43 =	vmul.f32 v43, v55;
	v32 =	vadd.f32 v39, v32;
	v38 =	vld.idx.msk [tilespmem:v60+s20+$0x0], $0xffff;
	v60 =	vor.u32 v15, v47  }
0x138: {  	v59 =	vmul.f32 v53, v55;
	v37 =	vmul.f32 v37, v55;
	v44 =	vld.idx.msk [tilespmem:v62+s20+$0x0], $0xffff;
	v62 =	vor.u32 v0, v46  }
0x139: {  	v24 =	vadd.f32 v43, v24;
	v42 =	vmul.f32 v42, v55;
	v45 =	vld.idx.msk [tilespmem:v63+s20+$0x0], $0xffff;
	v63 =	vor.u32 v1, v46  }
0x13a: {  	v31 =	vadd.f32 v59, v31;
	v53 =	vld.idx.msk [tilespmem:v56+s20+$0x0], $0xffff;
	v55 =	vor.u32 v2, v46;
	v36 =	vmul.f32 v57, v61  }
0x13b: {  	v27 =	vadd.f32 v37, v27;
	v57 =	vor.u32 v3, v46;
	v59 =	vor.u32 v4, v46;
	v41 =	vld.idx.msk [tilespmem:v58+s20+$0x0], $0xffff  }
0x13c: {  	v23 =	vadd.f32 v42, v23;
	v28 =	vadd.f32 v36, v28;
	v52 =	vmul.f32 v48, v61;
	v40 =	vld.idx.msk [tilespmem:v60+s20+$0x0], $0xffff  }
0x13d: {  	v38 =	vmul.f32 v38, v61;
	v56 =	vld.idx.msk [tilespmem:v62+s20+$0x0], $0xffff;
	v44 =	vmul.f32 v44, v61;
	v61 =	vor.u32 v5, v46  }
0x13e: {  	v62 =	vbroadcast v19, $0xC;
	v22 =	vadd.f32 v52, v22;
	v45 =	vmul.f32 v45, v54;
	v58 =	vld.idx.msk [tilespmem:v63+s20+$0x0], $0xffff  }
0x13f: {  	v30 =	vadd.f32 v38, v30;
	v60 =	vmul.f32 v53, v54;
	v26 =	vadd.f32 v44, v26;
	v63 =	vld.idx.msk [tilespmem:v55+s20+$0x0], $0xffff  }
0x140: {  	v52 =	vor.u32 v6, v46;
	v53 =	vld.idx.msk [tilespmem:v57+s20+$0x0], $0xffff;
	v57 =	vor.u32 v8, v46;
	v29 =	vadd.f32 v45, v29  }
0x141: {  	v25 =	vadd.f32 v60, v25;
	v60 =	vbroadcast v18, $0xC;
	v41 =	vmul.f32 v41, v54  }
0x142: {  	v37 =	vmul.f32 v40, v54;
	v54 =	vor.u32 v7, v46;
	v43 =	vmul.f32 v56, v62;
	v56 =	vld.idx.msk [tilespmem:v59+s20+$0x0], $0xffff  }
0x143: {  	v38 =	vld.idx.msk [tilespmem:v61+s20+$0x0], $0xffff;
	v59 =	vor.u32 v10, v46;
	v61 =	vor.u32 v11, v46;
	v55 =	vmul.f32 v58, v62  }
0x144: {  	v21 =	vadd.f32 v41, v21;
	v20 =	vadd.f32 v37, v20;
	v58 =	vor.u32 v9, v46  }
0x145: {  	s1 =	sadd.s32 $0xFFFFFFFE, s0;
	v33 =	vadd.f32 v43, v33;
	v39 =	vmul.f32 v63, v62;
	v42 =	vld.idx.msk [tilespmem:v52+s20+$0x0], $0xffff;
	v36 =	vmul.f32 v53, v62  }
0x146: {  	v63 =	vor.u32 v12, v46;
	v52 =	vmov s1;
	v48 =	vld.idx.msk [tilespmem:v57+s20+$0x0], $0xffff;
	v53 =	vor.u32 v13, v46  }
0x147: {  	v57 =	vbroadcast v16, $0xC;
	v49 =	vand.u32 $0x7D, v52;
	v35 =	vadd.f32 v55, v35;
	v62 =	vld.idx.msk [tilespmem:v54+s20+$0x0], $0xffff  }
0x148: {  	v49 =	vbroadcast v49, $0x0;
	v47 =	vmul.f32 v56, v60;
	v54 =	vor.u32 v14, v46;
	v55 =	vld.idx.msk [tilespmem:v59+s20+$0x0], $0xffff  }
0x149: {  	v34 =	vadd.f32 v39, v34;
	v56 =	vor.u32 v15, v46;
	v38 =	vmul.f32 v38, v60;
	v45 =	vld.idx.msk [tilespmem:v61+s20+$0x0], $0xffff  }
0x14a: {  	v32 =	vadd.f32 v36, v32;
	v37 =	vld.idx.msk [tilespmem:v58+s20+$0x0], $0xffff;
	v31 =	vadd.f32 v47, v31;
	v58 =	vor.u32 v0, v49  }
0x14b: {  	v42 =	vmul.f32 v42, v60;
	v59 =	vld.idx.msk [tilespmem:v63+s20+$0x0], $0xffff;
	v27 =	vadd.f32 v38, v27;
	v63 =	vor.u32 v2, v49  }
0x14c: {  	v61 =	vmul.f32 v48, v57;
	v40 =	vmul.f32 v62, v60;
	v60 =	vor.u32 v1, v49;
	v62 =	vld.idx.msk [tilespmem:v53+s20+$0x0], $0xffff  }
0x14d: {  	v38 =	vbroadcast v17, $0xC;
	v47 =	vbroadcast v19, $0xD;
	v24 =	vadd.f32 v42, v24;
	v39 =	vld.idx.msk [tilespmem:v54+s20+$0x0], $0xffff  }
0x14e: {  	v22 =	vadd.f32 v61, v22;
	v52 =	vld.idx.msk [tilespmem:v56+s20+$0x0], $0xffff;
	v36 =	vmul.f32 v55, v57;
	v55 =	vor.u32 v3, v49  }
0x14f: {  	v53 =	vmul.f32 v45, v57;
	v23 =	vadd.f32 v40, v23;
	v54 =	vld.idx.msk [tilespmem:v58+s20+$0x0], $0xffff;
	v58 =	vor.u32 v4, v49  }
0x150: {  	v37 =	vmul.f32 v37, v57;
	v56 =	vmul.f32 v59, v38;
	v59 =	vld.idx.msk [tilespmem:v63+s20+$0x0], $0xffff;
	v63 =	vor.u32 v7, v49  }
0x151: {  	v30 =	vadd.f32 v36, v30;
	v26 =	vadd.f32 v53, v26;
	v53 =	vor.u32 v8, v49;
	v57 =	vld.idx.msk [tilespmem:v60+s20+$0x0], $0xffff  }
0x152: {  	v61 =	vmul.f32 v62, v38;
	v62 =	vor.u32 v6, v49;
	v39 =	vmul.f32 v39, v38  }
0x153: {  	v28 =	vadd.f32 v37, v28;
	v29 =	vadd.f32 v56, v29;
	v51 =	vmul.f32 v52, v38;
	v52 =	vld.idx.msk [tilespmem:v55+s20+$0x0], $0xffff  }
0x154: {  	v60 =	vor.u32 v5, v49;
	v25 =	vadd.f32 v61, v25;
	v21 =	vadd.f32 v39, v21;
	v56 =	vld.idx.msk [tilespmem:v58+s20+$0x0], $0xffff  }
0x155: {  	v54 =	vmul.f32 v54, v47;
	v36 =	vmul.f32 v59, v47;
	v59 =	vor.u32 v10, v49;
	v61 =	vld.idx.msk [tilespmem:v63+s20+$0x0], $0xffff  }
0x156: {  	v20 =	vadd.f32 v51, v20;
	v40 =	vld.idx.msk [tilespmem:v53+s20+$0x0], $0xffff;
	v55 =	vmul.f32 v57, v47;
	v57 =	vor.u32 v9, v49  }
0x157: {  	s1 =	sadd.s32 $0xFFFFFFFF, s0;
	v63 =	vor.u32 v12, v49;
	v53 =	vor.u32 v13, v49;
	v58 =	vld.idx.msk [tilespmem:v62+s20+$0x0], $0xffff;
	v62 =	vor.u32 v11, v49  }
0x158: {  	v33 =	vadd.f32 v54, v33;
	v38 =	vmul.f32 v52, v47;
	v52 =	vmov s1  }
0x159: {  	v34 =	vadd.f32 v36, v34;
	v37 =	vld.idx.msk [tilespmem:v60+s20+$0x0], $0xffff;
	v60 =	vbroadcast v18, $0xD;
	v47 =	vand.u32 $0x7E, v52  }
0x15a: {  	v35 =	vadd.f32 v55, v35;
	v55 =	vor.u32 v14, v49;
	v47 =	vbroadcast v47, $0x0;
	v42 =	vld.idx.msk [tilespmem:v59+s20+$0x0], $0xffff  }
0x15b: {  	v43 =	vmul.f32 v56, v60;
	v32 =	vadd.f32 v38, v32;
	v49 =	vor.u32 v15, v49;
	v54 =	vld.idx.msk [tilespmem:v57+s20+$0x0], $0xffff  }
0x15c: {  	v56 =	vbroadcast v16, $0xD;
	v36 =	vmul.f32 v61, v60;
	v59 =	vor.u32 v1, v47;
	v45 =	vld.idx.msk [tilespmem:v62+s20+$0x0], $0xffff  }
0x15d: {  	v31 =	vadd.f32 v43, v31;
	v52 =	vor.u32 v2, v47;
	v39 =	vmul.f32 v58, v60;
	v58 =	vld.idx.msk [tilespmem:v63+s20+$0x0], $0xffff  }
0x15e: {  	v40 =	vmul.f32 v40, v56;
	v23 =	vadd.f32 v36, v23;
	v37 =	vmul.f32 v37, v60;
	v60 =	vld.idx.msk [tilespmem:v53+s20+$0x0], $0xffff  }
0x15f: {  	v61 =	vor.u32 v3, v47;
	v57 =	vor.u32 v0, v47;
	v53 =	vld.idx.msk [tilespmem:v55+s20+$0x0], $0xffff;
	v42 =	vmul.f32 v42, v56  }
0x160: {  	v62 =	vbroadcast v17, $0xD;
	v22 =	vadd.f32 v40, v22;
	v27 =	vadd.f32 v37, v27;
	v63 =	vld.idx.msk [tilespmem:v49+s20+$0x0], $0xffff  }
0x161: {  	v24 =	vadd.f32 v39, v24;
	v44 =	vld.idx.msk [tilespmem:v59+s20+$0x0], $0xffff;
	v30 =	vadd.f32 v42, v30;
	v59 =	vor.u32 v7, v47  }
0x162: {  	v39 =	vld.idx.msk [tilespmem:v52+s20+$0x0], $0xffff;
	v52 =	vbroadcast v18, $0xE;
	v38 =	vmul.f32 v54, v56;
	v54 =	vor.u32 v4, v47  }
0x163: {  	v18 =	vbroadcast v18, $0xF;
	v43 =	vmul.f32 v45, v56;
	v56 =	vor.u32 v5, v47  }
0x164: {  	v55 =	vld.idx.msk [tilespmem:v57+s20+$0x0], $0xffff;
	v57 =	vmul.f32 v58, v62;
	v58 =	vor.u32 v6, v47;
	v37 =	vmul.f32 v60, v62  }
0x165: {  	v60 =	vor.u32 v8, v47;
	v28 =	vadd.f32 v38, v28;
	v26 =	vadd.f32 v43, v26;
	v38 =	vld.idx.msk [tilespmem:v61+s20+$0x0], $0xffff  }
0x166: {  	v29 =	vadd.f32 v57, v29;
	v61 =	vor.u32 v9, v47;
	v25 =	vadd.f32 v37, v25;
	v37 =	vld.idx.msk [tilespmem:v59+s20+$0x0], $0xffff  }
0x167: {  	v36 =	vmul.f32 v53, v62;
	v62 =	vmul.f32 v63, v62;
	v63 =	vor.u32 v10, v47;
	v49 =	vld.idx.msk [tilespmem:v54+s20+$0x0], $0xffff  }
0x168: {  	v43 =	vbroadcast v19, $0xE;
	v57 =	vor.u32 v12, v47;
	v53 =	vor.u32 v14, v47;
	v41 =	vld.idx.msk [tilespmem:v56+s20+$0x0], $0xffff  }
0x169: {  	v19 =	vbroadcast v19, $0xF;
	v21 =	vadd.f32 v36, v21;
	v45 =	vld.idx.msk [tilespmem:v58+s20+$0x0], $0xffff;
	v58 =	vmov s0  }
0x16a: {  	v44 =	vmul.f32 v44, v43;
	v56 =	vor.u32 v11, v47;
	v59 =	vld.idx.msk [tilespmem:v60+s20+$0x0], $0xffff;
	v50 =	vand.u32 $0x7F, v58  }
0x16b: {  	v39 =	vmul.f32 v39, v43;
	v60 =	vor.u32 v13, v47;
	v51 =	vld.idx.msk [tilespmem:v61+s20+$0x0], $0xffff;
	v50 =	vbroadcast v50, $0x0  }
0x16c: {  	v20 =	vadd.f32 v62, v20;
	v55 =	vmul.f32 v55, v43;
	v47 =	vor.u32 v15, v47;
	v48 =	vld.idx.msk [tilespmem:v63+s20+$0x0], $0xffff  }
0x16d: {  	v35 =	vadd.f32 v44, v35;
	v34 =	vadd.f32 v39, v34;
	v39 =	vld.idx.msk [tilespmem:v57+s20+$0x0], $0xffff;
	v62 =	vor.u32 v0, v50  }
0x16e: {  	v33 =	vadd.f32 v55, v33;
	v38 =	vmul.f32 v38, v43;
	v44 =	vld.idx.msk [tilespmem:v53+s20+$0x0], $0xffff;
	v63 =	vor.u32 v1, v50  }
0x16f: {  	v43 =	vbroadcast v16, $0xE;
	v16 =	vbroadcast v16, $0xF;
	v57 =	vor.u32 v3, v50;
	v46 =	vld.idx.msk [tilespmem:v56+s20+$0x0], $0xffff  }
0x170: {  	v32 =	vadd.f32 v38, v32;
	v54 =	vor.u32 v8, v50;
	v38 =	vld.idx.msk [tilespmem:v60+s20+$0x0], $0xffff;
	v41 =	vmul.f32 v41, v52  }
0x171: {  	v37 =	vmul.f32 v37, v52;
	v58 =	vor.u32 v4, v50;
	v56 =	vor.u32 v2, v50;
	v47 =	vld.idx.msk [tilespmem:v47+s20+$0x0], $0xffff  }
0x172: {  	v61 =	vmul.f32 v49, v52;
	v45 =	vmul.f32 v45, v52;
	v27 =	vadd.f32 v41, v27;
	v41 =	vld.idx.msk [tilespmem:v62+s20+$0x0], $0xffff  }
0x173: {  	v36 =	vmul.f32 v59, v43;
	v59 =	vor.u32 v5, v50;
	v23 =	vadd.f32 v37, v23;
	v37 =	vld.idx.msk [tilespmem:v63+s20+$0x0], $0xffff  }
0x174: {  	v60 =	vor.u32 v6, v50;
	v31 =	vadd.f32 v61, v31;
	v24 =	vadd.f32 v45, v24;
	v53 =	vld.idx.msk [tilespmem:v57+s20+$0x0], $0xffff  }
0x175: {  	v22 =	vadd.f32 v36, v22;
	v61 =	vmul.f32 v51, v43;
	v62 =	vor.u32 v7, v50;
	v36 =	vld.idx.msk [tilespmem:v54+s20+$0x0], $0xffff  }
0x176: {  	v48 =	vmul.f32 v48, v43;
	v63 =	vbroadcast v17, $0xE;
	v57 =	vor.u32 v10, v50;
	v40 =	vld.idx.msk [tilespmem:v56+s20+$0x0], $0xffff  }
0x177: {  	v28 =	vadd.f32 v61, v28;
	v61 =	vor.u32 v12, v50;
	v55 =	vmul.f32 v46, v43;
	v43 =	vld.idx.msk [tilespmem:v58+s20+$0x0], $0xffff  }
0x178: {  	v30 =	vadd.f32 v48, v30;
	v54 =	vor.u32 v14, v50;
	v56 =	vor.u32 v9, v50;
	v48 =	vld.idx.msk [tilespmem:v59+s20+$0x0], $0xffff  }
0x179: {  	v59 =	vor.u32 v11, v50;
	v39 =	vmul.f32 v39, v63;
	v58 =	vmul.f32 v38, v63;
	v38 =	vld.idx.msk [tilespmem:v60+s20+$0x0], $0xffff  }
0x17a: {  	v60 =	vmul.f32 v44, v63;
	v63 =	vmul.f32 v47, v63;
	v26 =	vadd.f32 v55, v26;
	v44 =	vld.idx.msk [tilespmem:v62+s20+$0x0], $0xffff  }
0x17b: {  	v29 =	vadd.f32 v39, v29;
	v25 =	vadd.f32 v58, v25;
	v62 =	vor.u32 v13, v50;
	v49 =	vld.idx.msk [tilespmem:v57+s20+$0x0], $0xffff  }
0x17c: {  	v41 =	vmul.f32 v41, v19;
	v37 =	vmul.f32 v37, v19;
	v50 =	vor.u32 v15, v50;
	v57 =	vld.idx.msk [tilespmem:v61+s20+$0x0], $0xffff  }
0x17d: {  	v21 =	vadd.f32 v60, v21;
	v46 =	vld.idx.msk [tilespmem:v56+s20+$0x0], $0xffff;
	v55 =	vmul.f32 v40, v19;
	v19 =	vmul.f32 v53, v19  }
0x17e: {  	v20 =	vadd.f32 v63, v20;
	v56 =	vld.idx.msk [tilespmem:v59+s20+$0x0], $0xffff;
	v58 =	vmul.f32 v43, v18;
	v59 =	vmul.f32 v48, v18  }
0x17f: {  	v61 =	vld.idx.msk [tilespmem:v54+s20+$0x0], $0xffff;
	v33 =	vadd.f32 v41, v33;
	v32 =	vadd.f32 v19, v32;
	v19 =	vmul.f32 v38, v18  }
0x180: {  	v35 =	vadd.f32 v37, v35;
	v34 =	vadd.f32 v55, v34;
	v60 =	vld.idx.msk [tilespmem:v62+s20+$0x0], $0xffff;
	v18 =	vmul.f32 v44, v18  }
0x181: {  	v17 =	vbroadcast v17, $0xF;
	v31 =	vadd.f32 v58, v31;
	v62 =	vld.idx.msk [tilespmem:v50+s20+$0x0], $0xffff;
	v24 =	vadd.f32 v19, v24  }
0x182: {  	v19 =	vmul.f32 v36, v16;
	v23 =	vadd.f32 v18, v23;
	v18 =	vmul.f32 v49, v16  }
0x183: {  	p1 =	sne.s32 s0, $0x7F;
	v27 =	vadd.f32 v59, v27;
	v63 =	vmul.f32 v46, v16;
	v16 =	vmul.f32 v56, v16  }
.Ltmp2:
0x184: {  	v22 =	vadd.f32 v19, v22;
	v30 =	vadd.f32 v18, v30;
	(pc) =	sbr.rel @p1 .LBB2_6-.Ltmp2, $4  }
0x185: {  	v18 =	vmul.f32 v57, v17;
	v26 =	vadd.f32 v16, v26;
	v16 =	vmul.f32 v61, v17  }
0x186: {  	v28 =	vadd.f32 v63, v28;
	v19 =	vmul.f32 v60, v17;
	v17 =	vmul.f32 v62, v17  }
0x187: {  	v29 =	vadd.f32 v18, v29;
	v21 =	vadd.f32 v16, v21  }
0x188: {  	s12 =	sadd.s32 $0x10, s12;
	s0 =	sadd.s32 $0x10, s0;
	v25 =	vadd.f32 v19, v25;
	v20 =	vadd.f32 v17, v20  }
0x189: {  	v16 =	vmax.f32 v33, $-1.000000000e+01  }
0x18a: {  	v16 =	vmin.f32 v16, $1.000000000e+01  }
0x18b: {  	v33 =	vsub.f32 $0.0e+00, v16;
	_ =	sdelay $0x1  }
0x18c: {  	v16 =	vand.u32 $0x7FFFFFFF, v33  }
0x18d: {  	v16 =	vsub.f32 $0.0e+00, v16  }
0x18e: {  	[bflag:$0x0] =	sbarrier.arrive $0xFFFF  }
0x18f: {  	[tilespmem:s30], [sflag:$0x5] =	stream.linear.gather [spmem:s4], $0x400, $0x38;
	v16 =	vmul.f32 $1.442695020e+00, v16;
	[tilespmem:$0x9308] =	vst v63  }
0x190: {  	_ =	swait.ge [sflag:s15], $0x400  }
0x191: {  	(erf) = vpow2.f32 v16;
	_ =	sdelay $0x3  }
0x192: {  	v16 =	vmax.f32 v35, $-1.000000000e+01  }
0x193: {  	v16 =	vmin.f32 v16, $1.000000000e+01  }
0x194: {  	v40 =	vsub.f32 $0.0e+00, v16;
	_ =	sdelay $0x1  }
0x195: {  	v16 =	vand.u32 $0x7FFFFFFF, v40  }
0x196: {  	v16 =	vsub.f32 $0.0e+00, v16;
	v18 =	vpop (erf)  }
0x197: {  	v17 =	vadd.f32 $2.000000000e+00, v18  }
0x198: {  	v16 =	vmul.f32 $1.442695020e+00, v16  }
0x199: {  	(erf) = vrcp.f32 v17  }
0x19a: {  	(erf) = vpow2.f32 v16;
	_ =	sdelay $0x3  }
0x19b: {  	v16 =	vmax.f32 v34, $-1.000000000e+01  }
0x19c: {  	v16 =	vmin.f32 v16, $1.000000000e+01  }
0x19d: {  	v39 =	vsub.f32 $0.0e+00, v16;
	_ =	sdelay $0x1  }
0x19e: {  	v17 =	vand.u32 $0x7FFFFFFF, v39;
	v16 =	vpop (erf)  }
0x19f: {  	v17 =	vsub.f32 $0.0e+00, v17;
	v19 =	vpop (erf)  }
0x1a0: {  	v62 =	vadd.f32 $2.000000000e+00, v19  }
0x1a1: {  	v17 =	vmul.f32 $1.442695020e+00, v17  }
0x1a2: {  	(erf) = vrcp.f32 v62  }
0x1a3: {  	(erf) = vpow2.f32 v17;
	_ =	sdelay $0x3  }
0x1a4: {  	v17 =	vmax.f32 v32, $-1.000000000e+01  }
0x1a5: {  	v17 =	vmin.f32 v17, $1.000000000e+01  }
0x1a6: {  	v37 =	vsub.f32 $0.0e+00, v17;
	_ =	sdelay $0x1  }
0x1a7: {  	v17 =	vand.u32 $0x7FFFFFFF, v37;
	v63 =	vpop (erf)  }
0x1a8: {  	v17 =	vsub.f32 $0.0e+00, v17;
	v41 =	vpop (erf)  }
0x1a9: {  	v56 =	vadd.f32 $2.000000000e+00, v41  }
0x1aa: {  	v17 =	vmul.f32 $1.442695020e+00, v17  }
0x1ab: {  	(erf) = vrcp.f32 v56  }
0x1ac: {  	(erf) = vpow2.f32 v17;
	_ =	sdelay $0x3  }
0x1ad: {  	v17 =	vmax.f32 v31, $-1.000000000e+01  }
0x1ae: {  	v17 =	vmin.f32 v17, $1.000000000e+01  }
0x1af: {  	v36 =	vsub.f32 $0.0e+00, v17;
	_ =	sdelay $0x1  }
0x1b0: {  	v17 =	vand.u32 $0x7FFFFFFF, v36;
	v42 =	vpop (erf)  }
0x1b1: {  	v17 =	vsub.f32 $0.0e+00, v17;
	v45 =	vpop (erf)  }
0x1b2: {  	v57 =	vadd.f32 $2.000000000e+00, v45  }
0x1b3: {  	v17 =	vmul.f32 $1.442695020e+00, v17  }
0x1b4: {  	(erf) = vrcp.f32 v57  }
0x1b5: {  	(erf) = vpow2.f32 v17;
	_ =	sdelay $0x3  }
0x1b6: {  	v17 =	vmax.f32 v27, $-1.000000000e+01  }
0x1b7: {  	v17 =	vmin.f32 v17, $1.000000000e+01  }
0x1b8: {  	v35 =	vsub.f32 $0.0e+00, v17;
	_ =	sdelay $0x1  }
0x1b9: {  	v17 =	vand.u32 $0x7FFFFFFF, v35;
	v51 =	vpop (erf)  }
0x1ba: {  	v17 =	vsub.f32 $0.0e+00, v17;
	v50 =	vpop (erf)  }
0x1bb: {  	v58 =	vadd.f32 $2.000000000e+00, v50  }
0x1bc: {  	v17 =	vmul.f32 $1.442695020e+00, v17  }
0x1bd: {  	(erf) = vrcp.f32 v58  }
0x1be: {  	(erf) = vpow2.f32 v17;
	_ =	sdelay $0x3  }
0x1bf: {  	v17 =	vmax.f32 v24, $-1.000000000e+01  }
0x1c0: {  	v17 =	vmin.f32 v17, $1.000000000e+01  }
0x1c1: {  	v34 =	vsub.f32 $0.0e+00, v17;
	_ =	sdelay $0x1  }
0x1c2: {  	v17 =	vand.u32 $0x7FFFFFFF, v34;
	v52 =	vpop (erf)  }
0x1c3: {  	v17 =	vsub.f32 $0.0e+00, v17;
	v46 =	vpop (erf)  }
0x1c4: {  	v59 =	vadd.f32 $2.000000000e+00, v46  }
0x1c5: {  	v17 =	vmul.f32 $1.442695020e+00, v17  }
0x1c6: {  	(erf) = vrcp.f32 v59  }
0x1c7: {  	(erf) = vpow2.f32 v17;
	_ =	sdelay $0x3  }
0x1c8: {  	v17 =	vmax.f32 v23, $-1.000000000e+01  }
0x1c9: {  	v17 =	vmin.f32 v17, $1.000000000e+01  }
0x1ca: {  	v31 =	vsub.f32 $0.0e+00, v17;
	_ =	sdelay $0x1  }
0x1cb: {  	v17 =	vand.u32 $0x7FFFFFFF, v31;
	v48 =	vpop (erf)  }
0x1cc: {  	v17 =	vsub.f32 $0.0e+00, v17;
	v44 =	vpop (erf)  }
0x1cd: {  	v60 =	vadd.f32 $2.000000000e+00, v44  }
0x1ce: {  	v17 =	vmul.f32 $1.442695020e+00, v17  }
0x1cf: {  	(erf) = vrcp.f32 v60  }
0x1d0: {  	(erf) = vpow2.f32 v17;
	_ =	sdelay $0x3  }
0x1d1: {  	v17 =	vmax.f32 v22, $-1.000000000e+01  }
0x1d2: {  	v17 =	vmin.f32 v17, $1.000000000e+01  }
0x1d3: {  	v17 =	vsub.f32 $0.0e+00, v17;
	_ =	sdelay $0x1  }
0x1d4: {  	[sflag:s15] =	ssyncset.done $0x0;
	[tilespmem:$0x1FFF0] =	vst v17;
	v17 =	vand.u32 $0x7FFFFFFF, v17;
	v47 =	vpop (erf)  }
0x1d5: {  	[sflag:s15] =	ssyncadd.s32 $0xFFFFFC00;
	v17 =	vsub.f32 $0.0e+00, v17;
	v43 =	vpop (erf)  }
0x1d6: {  	v38 =	vld [tilespmem:s11+$0x200];
	v61 =	vadd.f32 $2.000000000e+00, v43  }
0x1d7: {  	v49 =	vld [tilespmem:s11+$0x210];
	v17 =	vmul.f32 $1.442695020e+00, v17  }
0x1d8: {  	v53 =	vld [tilespmem:s11+$0x220];
	(erf) = vrcp.f32 v61  }
0x1d9: {  	v24 =	vld [tilespmem:$0x8E80];
	(erf) = vpow2.f32 v17  }
0x1da: {  	v23 =	vld [tilespmem:$0x8F00]  }
0x1db: {  	v22 =	vld [tilespmem:$0x8F80]  }
0x1dc: {  	v55 =	vmul.f32 v16, v18  }
0x1dd: {  	v54 =	vld [tilespmem:s11+$0x230];
	v58 =	vmul.f32 v63, v19;
	v17 =	vmax.f32 v28, $-1.000000000e+01  }
0x1de: {  	v57 =	vmul.f32 v55, v55;
	v16 =	vmul.f32 v24, v38;
	v28 =	vmin.f32 v17, $1.000000000e+01;
	v17 =	vld [tilespmem:$0x9000]  }
0x1df: {  	v18 =	vld [tilespmem:$0x9080];
	v59 =	vmul.f32 v58, v58;
	v62 =	vmul.f32 v23, v49;
	v28 =	vsub.f32 $0.0e+00, v28  }
0x1e0: {  	v56 =	vld [tilespmem:s11+$0x240];
	v27 =	vmul.f32 v22, v53;
	v53 =	vmul.f32 $7.692307980e-02, v57  }
0x1e1: {  	v16 =	vadd.f32 v62, v16;
	v63 =	vand.u32 $0x7FFFFFFF, v28;
	v49 =	vpop (erf)  }
0x1e2: {  	v62 =	vmul.f32 $7.692307980e-02, v59;
	v53 =	vadd.f32 $9.090909360e-02, v53;
	v19 =	vsub.f32 $0.0e+00, v63;
	v38 =	vpop (erf)  }
0x1e3: {  	v32 =	vadd.f32 v27, v16;
	v27 =	vld [tilespmem:$0x9100];
	v54 =	vmul.f32 v17, v54;
	v60 =	vadd.f32 $2.000000000e+00, v38  }
0x1e4: {  	v53 =	vmul.f32 v53, v57;
	v61 =	vld [tilespmem:s11+$0x250];
	v19 =	vmul.f32 $1.442695020e+00, v19  }
0x1e5: {  	v32 =	vadd.f32 v54, v32;
	(erf) = vrcp.f32 v60;
	v60 =	vmul.f32 v18, v56  }
0x1e6: {  	v63 =	vadd.f32 $9.090909360e-02, v62;
	(erf) = vpow2.f32 v19  }
0x1e7: {  	v19 =	vadd.f32 v60, v32;
	v60 =	vadd.f32 $1.111111120e-01, v53  }
0x1e8: {  	v30 =	vmax.f32 v30, $-1.000000000e+01;
	v62 =	vmul.f32 v63, v59;
	v56 =	vmul.f32 v42, v41  }
0x1e9: {  	v30 =	vmin.f32 v30, $1.000000000e+01;
	v42 =	vmul.f32 v27, v61;
	v54 =	vmul.f32 v60, v57  }
0x1ea: {  	v41 =	vadd.f32 $1.111111120e-01, v62;
	v53 =	vmul.f32 v56, v56;
	v32 =	vsub.f32 $0.0e+00, v30  }
0x1eb: {  	v26 =	vmax.f32 v26, $-1.000000000e+01;
	v30 =	vadd.f32 v42, v19;
	v42 =	vadd.f32 $1.428571490e-01, v54  }
0x1ec: {  	v29 =	vmax.f32 v29, $-1.000000000e+01;
	v21 =	vmax.f32 v21, $-1.000000000e+01;
	v60 =	vmul.f32 $7.692307980e-02, v53  }
0x1ed: {  	v26 =	vmin.f32 v26, $1.000000000e+01;
	v29 =	vmin.f32 v29, $1.000000000e+01;
	v54 =	vmul.f32 v41, v59  }
0x1ee: {  	v62 =	vmul.f32 v51, v45;
	v63 =	vand.u32 $0x7FFFFFFF, v32;
	v60 =	vadd.f32 $9.090909360e-02, v60;
	v41 =	vpop (erf)  }
0x1ef: {  	v45 =	vsub.f32 $0.0e+00, v63;
	v51 =	vmul.f32 v42, v57;
	v54 =	vadd.f32 $1.428571490e-01, v54;
	v42 =	vpop (erf)  }
0x1f0: {  	v25 =	vmax.f32 v25, $-1.000000000e+01;
	v60 =	vmul.f32 v60, v53;
	v16 =	vadd.f32 $2.000000000e+00, v42  }
0x1f1: {  	v61 =	vld [tilespmem:s11+$0x260];
	v45 =	vmul.f32 $1.442695020e+00, v45;
	v51 =	vadd.f32 $2.000000030e-01, v51;
	v54 =	vmul.f32 v54, v59  }
0x1f2: {  	v21 =	vmin.f32 v21, $1.000000000e+01;
	v19 =	vld [tilespmem:$0x9180];
	v60 =	vadd.f32 $1.111111120e-01, v60;
	(erf) = vrcp.f32 v16  }
0x1f3: {  	v51 =	vmul.f32 v51, v57;
	v54 =	vadd.f32 $2.000000030e-01, v54;
	(erf) = vpow2.f32 v45  }
0x1f4: {  	v20 =	vmax.f32 v20, $-1.000000000e+01;
	v63 =	vmul.f32 v62, v62;
	v60 =	vmul.f32 v60, v53  }
0x1f5: {  	v25 =	vmin.f32 v25, $1.000000000e+01;
	v51 =	vadd.f32 $3.333333430e-01, v51;
	v54 =	vmul.f32 v54, v59  }
0x1f6: {  	v21 =	vsub.f32 $0.0e+00, v21;
	v16 =	vmul.f32 $7.692307980e-02, v63;
	v60 =	vadd.f32 $1.428571490e-01, v60  }
0x1f7: {  	v45 =	vmul.f32 v19, v61;
	v57 =	vmul.f32 v51, v57;
	v51 =	vadd.f32 $3.333333430e-01, v54  }
0x1f8: {  	v20 =	vmin.f32 v20, $1.000000000e+01;
	v16 =	vadd.f32 $9.090909360e-02, v16;
	v60 =	vmul.f32 v60, v53  }
0x1f9: {  	v61 =	vadd.f32 v45, v30;
	v30 =	vsub.f32 $0.0e+00, v26;
	v59 =	vmul.f32 v51, v59  }
0x1fa: {  	v58 =	vadd.f32 v58, v58;
	v16 =	vmul.f32 v16, v63;
	v54 =	vadd.f32 $2.000000030e-01, v60  }
0x1fb: {  	v26 =	vadd.f32 v55, v55;
	v60 =	vand.u32 $0x7FFFFFFF, v30;
	v55 =	vadd.f32 $1.000000000e+00, v59;
	v51 =	vpop (erf)  }
0x1fc: {  	v16 =	vadd.f32 $1.111111120e-01, v16;
	v54 =	vmul.f32 v54, v53;
	v59 =	vsub.f32 $0.0e+00, v60;
	v45 =	vpop (erf)  }
0x1fd: {  	v57 =	vadd.f32 $1.000000000e+00, v57;
	v55 =	vmul.f32 v55, v58;
	v58 =	vadd.f32 $2.000000000e+00, v45  }
0x1fe: {  	v60 =	vld [tilespmem:s11+$0x270];
	v16 =	vmul.f32 v16, v63;
	v54 =	vadd.f32 $3.333333430e-01, v54;
	v59 =	vmul.f32 $1.442695020e+00, v59  }
0x1ff: {  	v25 =	vsub.f32 $0.0e+00, v25;
	v57 =	vmul.f32 v57, v26;
	v26 =	vld [tilespmem:$0x9200];
	(erf) = vrcp.f32 v58  }
0x200: {  	v16 =	vadd.f32 $1.428571490e-01, v16;
	v53 =	vmul.f32 v54, v53;
	(erf) = vpow2.f32 v59  }
0x201: {  	v33 =	vmin.f32 v33, $0.0e+00;
	v40 =	vmin.f32 v40, $0.0e+00;
	v39 =	vmin.f32 v39, $0.0e+00  }
0x202: {  	v16 =	vmul.f32 v16, v63;
	v53 =	vadd.f32 $1.000000000e+00, v53;
	v59 =	vadd.f32 v56, v56  }
0x203: {  	v52 =	vmul.f32 v52, v50;
	v33 =	vsub.f32 v33, v57;
	v40 =	vsub.f32 v40, v55  }
0x204: {  	v54 =	vld [tilespmem:s11+$0x290];
	v60 =	vmul.f32 v26, v60;
	v16 =	vadd.f32 $2.000000030e-01, v16;
	v50 =	vmul.f32 v53, v59  }
0x205: {  	v40 =	vadd.f32 v40, v33;
	v33 =	vsub.f32 $0.0e+00, v29;
	v56 =	vmul.f32 v52, v52;
	v53 =	vld [tilespmem:s11+$0x280]  }
0x206: {  	v46 =	vmul.f32 v48, v46;
	v29 =	vadd.f32 v60, v61;
	v16 =	vmul.f32 v16, v63  }
0x207: {  	v61 =	vand.u32 $0x7FFFFFFF, v33;
	v60 =	vmul.f32 $7.692307980e-02, v56;
	v39 =	vsub.f32 v39, v50  }
0x208: {  	v44 =	vmul.f32 v47, v44;
	v58 =	vsub.f32 $0.0e+00, v61;
	v16 =	vadd.f32 $3.333333430e-01, v16;
	v50 =	vpop (erf)  }
0x209: {  	v54 =	vmul.f32 v54, v23;
	v55 =	vadd.f32 $9.090909360e-02, v60;
	v57 =	vadd.f32 v39, v40;
	v39 =	vld [tilespmem:s11+$0x2A0];
	v40 =	vpop (erf)  }
0x20a: {  	v59 =	vld [tilespmem:s11+$0x2B0];
	v58 =	vmul.f32 $1.442695020e+00, v58;
	v53 =	vmul.f32 v53, v24;
	v48 =	vadd.f32 $2.000000000e+00, v40  }
0x20b: {  	v20 =	vsub.f32 $0.0e+00, v20;
	v60 =	vmul.f32 v46, v46;
	v16 =	vmul.f32 v16, v63  }
0x20c: {  	v55 =	vmul.f32 v55, v56;
	v53 =	vadd.f32 v54, v53;
	v54 =	vld [tilespmem:s11+$0x2C0];
	(erf) = vrcp.f32 v48  }
0x20d: {  	v63 =	vadd.f32 v62, v62;
	v16 =	vadd.f32 $1.000000000e+00, v16;
	(erf) = vpow2.f32 v58  }
0x20e: {  	v37 =	vmin.f32 v37, $0.0e+00;
	v61 =	vmul.f32 $7.692307980e-02, v60;
	v39 =	vmul.f32 v39, v22  }
0x20f: {  	v62 =	vmul.f32 v59, v17;
	v16 =	vmul.f32 v16, v63;
	v48 =	vadd.f32 $1.111111120e-01, v55  }
0x210: {  	v63 =	vadd.f32 $9.090909360e-02, v61;
	v39 =	vadd.f32 v39, v53;
	v58 =	vmul.f32 v44, v44  }
0x211: {  	v36 =	vmin.f32 v36, $0.0e+00;
	v53 =	vld [tilespmem:s11+$0x2D0];
	v48 =	vmul.f32 v48, v56;
	v61 =	vmul.f32 v54, v18  }
0x212: {  	v39 =	vadd.f32 v62, v39;
	v62 =	vmul.f32 v63, v60;
	v63 =	vmul.f32 $7.692307980e-02, v58  }
0x213: {  	v35 =	vmin.f32 v35, $0.0e+00;
	v34 =	vmin.f32 v34, $0.0e+00;
	v48 =	vadd.f32 $1.428571490e-01, v48  }
0x214: {  	v43 =	vmul.f32 v49, v43;
	v47 =	vadd.f32 v61, v39;
	v61 =	vadd.f32 $9.090909360e-02, v63  }
0x215: {  	v16 =	vsub.f32 v37, v16;
	v37 =	vadd.f32 $1.111111120e-01, v62;
	v59 =	vmul.f32 v48, v56;
	v49 =	vpop (erf)  }
0x216: {  	v62 =	vand.u32 $0x7FFFFFFF, v25;
	v53 =	vmul.f32 v53, v27;
	v48 =	vmul.f32 v61, v58;
	v39 =	vpop (erf)  }
0x217: {  	v54 =	vadd.f32 $2.000000030e-01, v59;
	v59 =	vmul.f32 v43, v43;
	v61 =	vadd.f32 $2.000000000e+00, v39  }
0x218: {  	v31 =	vmin.f32 v31, $0.0e+00;
	v62 =	vsub.f32 $0.0e+00, v62;
	v37 =	vmul.f32 v37, v60  }
0x219: {  	v55 =	vld [tilespmem:s11+$0x2E0];
	v47 =	vadd.f32 v53, v47;
	(erf) = vrcp.f32 v61;
	v61 =	vmul.f32 $7.692307980e-02, v59  }
0x21a: {  	v28 =	vmin.f32 v28, $0.0e+00;
	v37 =	vadd.f32 $1.428571490e-01, v37;
	v48 =	vadd.f32 $1.111111120e-01, v48  }
0x21b: {  	v53 =	vmul.f32 $1.442695020e+00, v62;
	v54 =	vmul.f32 v54, v56;
	v61 =	vadd.f32 $9.090909360e-02, v61  }
0x21c: {  	v32 =	vmin.f32 v32, $0.0e+00;
	v37 =	vmul.f32 v37, v60;
	v48 =	vmul.f32 v48, v58  }
0x21d: {  	v54 =	vadd.f32 $3.333333430e-01, v54;
	(erf) = vpow2.f32 v53;
	v61 =	vmul.f32 v61, v59  }
0x21e: {  	v62 =	vmul.f32 v55, v19;
	v63 =	vadd.f32 $2.000000030e-01, v37;
	v48 =	vadd.f32 $1.428571490e-01, v48  }
0x21f: {  	v37 =	vadd.f32 v16, v57;
	v54 =	vmul.f32 v54, v56;
	v57 =	vadd.f32 $1.111111120e-01, v61  }
0x220: {  	v38 =	vmul.f32 v41, v38;
	v16 =	vadd.f32 v62, v47;
	v48 =	vmul.f32 v48, v58  }
0x221: {  	v62 =	vmul.f32 v63, v60;
	v63 =	vadd.f32 $1.000000000e+00, v54;
	v54 =	vmul.f32 v57, v59  }
0x222: {  	v30 =	vmin.f32 v30, $0.0e+00;
	v42 =	vmul.f32 v51, v42;
	v48 =	vadd.f32 $2.000000030e-01, v48  }
0x223: {  	v52 =	vadd.f32 v52, v52;
	v33 =	vmin.f32 v33, $0.0e+00;
	v47 =	vadd.f32 $3.333333430e-01, v62  }
0x224: {  	v46 =	vadd.f32 v46, v46;
	v45 =	vmul.f32 v50, v45;
	v48 =	vmul.f32 v48, v58  }
0x225: {  	v55 =	vld [tilespmem:s11+$0x2F0];
	v62 =	vand.u32 $0x7FFFFFFF, v21;
	v47 =	vmul.f32 v47, v60;
	v61 =	vadd.f32 $1.428571490e-01, v54;
	v54 =	vpop (erf)  }
0x226: {  	v52 =	vmul.f32 v63, v52;
	v56 =	vsub.f32 $0.0e+00, v62;
	v48 =	vadd.f32 $3.333333430e-01, v48;
	v57 =	vpop (erf)  }
0x227: {  	v47 =	vadd.f32 $1.000000000e+00, v47;
	v53 =	vmul.f32 v61, v59;
	v63 =	vadd.f32 $2.000000000e+00, v57  }
0x228: {  	v44 =	vadd.f32 v44, v44;
	v60 =	vmul.f32 $1.442695020e+00, v56;
	v48 =	vmul.f32 v48, v58  }
0x229: {  	v62 =	vld [tilespmem:s11+$0x300];
	v46 =	vmul.f32 v47, v46;
	v58 =	vadd.f32 $2.000000030e-01, v53;
	(erf) = vrcp.f32 v63  }
0x22a: {  	v55 =	vmul.f32 v55, v26;
	v48 =	vadd.f32 $1.000000000e+00, v48;
	(erf) = vpow2.f32 v60  }
0x22b: {  	v50 =	vmul.f32 v45, v45;
	v46 =	vsub.f32 v35, v46;
	v61 =	vmul.f32 v58, v59;
	v63 =	vld [tilespmem:s11+$0x310]  }
0x22c: {  	v35 =	vadd.f32 v55, v16;
	v55 =	vmul.f32 v48, v44;
	v44 =	vmul.f32 v38, v38  }
0x22d: {  	v36 =	vsub.f32 v36, v52;
	v47 =	vmul.f32 v42, v42;
	v58 =	vld [tilespmem:s11+$0x320];
	v16 =	vadd.f32 $3.333333430e-01, v61  }
0x22e: {  	v43 =	vadd.f32 v43, v43;
	v56 =	vmul.f32 v62, v24;
	v61 =	vmul.f32 $7.692307980e-02, v44  }
0x22f: {  	v62 =	vmul.f32 $7.692307980e-02, v47;
	v36 =	vadd.f32 v46, v36;
	v16 =	vmul.f32 v16, v59  }
0x230: {  	v34 =	vsub.f32 v34, v55;
	v51 =	vadd.f32 $9.090909360e-02, v61;
	v60 =	vmul.f32 v63, v23;
	v63 =	vld [tilespmem:s11+$0x330]  }
0x231: {  	v59 =	vadd.f32 $9.090909360e-02, v62;
	v61 =	vand.u32 $0x7FFFFFFF, v20;
	v16 =	vadd.f32 $1.000000000e+00, v16  }
0x232: {  	v46 =	vmul.f32 v58, v22;
	v55 =	vsub.f32 $0.0e+00, v61;
	v51 =	vmul.f32 v51, v44;
	v53 =	vpop (erf)  }
0x233: {  	v41 =	vadd.f32 v60, v56;
	v16 =	vmul.f32 v16, v43;
	v43 =	vmul.f32 v59, v47;
	v52 =	vpop (erf)  }
0x234: {  	v62 =	vld [tilespmem:s11+$0x340];
	v55 =	vmul.f32 $1.442695020e+00, v55;
	v51 =	vadd.f32 $1.111111120e-01, v51;
	v60 =	vadd.f32 $2.000000000e+00, v52  }
0x235: {  	v48 =	vmul.f32 v63, v17;
	v43 =	vadd.f32 $1.111111120e-01, v43;
	v63 =	vmul.f32 $7.692307980e-02, v50  }
0x236: {  	v34 =	vadd.f32 v34, v36;
	v59 =	vld [tilespmem:s11+$0x350];
	v58 =	vmul.f32 v51, v44;
	(erf) = vrcp.f32 v60  }
0x237: {  	v61 =	vld [tilespmem:s11+$0x360];
	v41 =	vadd.f32 v46, v41;
	v43 =	vmul.f32 v43, v47;
	(erf) = vpow2.f32 v55  }
0x238: {  	v40 =	vmul.f32 v49, v40;
	v46 =	vadd.f32 $9.090909360e-02, v63;
	v36 =	vadd.f32 $1.428571490e-01, v58  }
0x239: {  	v41 =	vadd.f32 v48, v41;
	v60 =	vmul.f32 v62, v18;
	v43 =	vadd.f32 $1.428571490e-01, v43  }
0x23a: {  	v16 =	vsub.f32 v31, v16;
	v46 =	vmul.f32 v46, v50;
	v62 =	vmul.f32 v36, v44  }
0x23b: {  	v48 =	vmul.f32 v59, v27;
	v41 =	vadd.f32 v60, v41;
	v63 =	vmul.f32 v43, v47  }
0x23c: {  	v49 =	vmul.f32 v61, v19;
	v55 =	vadd.f32 $1.111111120e-01, v46;
	v56 =	vadd.f32 $2.000000030e-01, v62  }
0x23d: {  	v46 =	vmul.f32 v40, v40;
	v41 =	vadd.f32 v48, v41;
	v36 =	vadd.f32 $2.000000030e-01, v63  }
0x23e: {  	v31 =	vadd.f32 v16, v34;
	v16 =	vmul.f32 v55, v50;
	v60 =	vmul.f32 v56, v44  }
0x23f: {  	v25 =	vmin.f32 v25, $0.0e+00;
	v59 =	vld [tilespmem:s11+$0x370];
	v41 =	vadd.f32 v49, v41;
	v36 =	vmul.f32 v36, v47;
	v61 =	vpop (erf)  }
0x240: {  	v58 =	vmul.f32 $7.692307980e-02, v46;
	v16 =	vadd.f32 $1.428571490e-01, v16;
	v48 =	vadd.f32 $3.333333430e-01, v60;
	v49 =	vpop (erf)  }
0x241: {  	v21 =	vmin.f32 v21, $0.0e+00;
	v36 =	vadd.f32 $3.333333430e-01, v36;
	v62 =	vadd.f32 $2.000000000e+00, v49  }
0x242: {  	v34 =	vadd.f32 $9.090909360e-02, v58;
	v16 =	vmul.f32 v16, v50;
	v44 =	vmul.f32 v48, v44  }
0x243: {  	v42 =	vadd.f32 v42, v42;
	v56 =	vld [tilespmem:$0x1FFF0];
	v36 =	vmul.f32 v36, v47;
	(erf) = vrcp.f32 v62  }
0x244: {  	v38 =	vadd.f32 v38, v38;
	v34 =	vmul.f32 v34, v46;
	v16 =	vadd.f32 $2.000000030e-01, v16  }
0x245: {  	v43 =	vmul.f32 v59, v26;
	v44 =	vadd.f32 $1.000000000e+00, v44;
	v36 =	vadd.f32 $1.000000000e+00, v36  }
0x246: {  	v39 =	vmul.f32 v54, v39;
	v63 =	vadd.f32 $1.111111120e-01, v34;
	v16 =	vmul.f32 v16, v50  }
0x247: {  	v34 =	vadd.f32 v43, v41;
	v38 =	vmul.f32 v44, v38;
	v36 =	vmul.f32 v36, v42  }
0x248: {  	v43 =	vmin.f32 v56, $0.0e+00;
	v16 =	vadd.f32 $3.333333430e-01, v16;
	v42 =	vmul.f32 v53, v57  }
0x249: {  	v55 =	vmul.f32 v63, v46;
	v38 =	vsub.f32 v43, v38;
	v28 =	vsub.f32 v28, v36  }
0x24a: {  	v57 =	vadd.f32 v45, v45;
	v36 =	vmul.f32 v39, v39;
	v45 =	vmul.f32 v42, v42  }
0x24b: {  	v16 =	vmul.f32 v16, v50;
	v28 =	vadd.f32 v28, v38;
	v38 =	vmul.f32 v61, v52  }
0x24c: {  	v41 =	vadd.f32 $1.428571490e-01, v55;
	v58 =	vmul.f32 $7.692307980e-02, v36;
	v60 =	vmul.f32 $7.692307980e-02, v45;
	v47 =	vpop (erf)  }
0x24d: {  	v40 =	vadd.f32 v40, v40;
	v62 =	vld [tilespmem:s11+$0x390];
	v50 =	vmul.f32 v38, v38;
	v47 =	vmul.f32 v47, v49  }
0x24e: {  	v41 =	vmul.f32 v41, v46;
	v16 =	vadd.f32 $1.000000000e+00, v16;
	v59 =	vadd.f32 $9.090909360e-02, v58  }
0x24f: {  	v44 =	vadd.f32 $9.090909360e-02, v60;
	v63 =	vmul.f32 $7.692307980e-02, v50;
	v51 =	vmul.f32 v47, v47  }
0x250: {  	v41 =	vadd.f32 $2.000000030e-01, v41;
	v16 =	vmul.f32 v16, v57;
	v43 =	vmul.f32 v59, v36  }
0x251: {  	v61 =	vld [tilespmem:s11+$0x380];
	v55 =	vmul.f32 v44, v45;
	v56 =	vadd.f32 $9.090909360e-02, v63;
	v57 =	vmul.f32 $7.692307980e-02, v51  }
0x252: {  	v23 =	vmul.f32 v62, v23;
	v16 =	vsub.f32 v32, v16;
	v54 =	vadd.f32 $1.111111120e-01, v43  }
0x253: {  	v43 =	vadd.f32 $1.111111120e-01, v55;
	v59 =	vmul.f32 v56, v50;
	v60 =	vadd.f32 $9.090909360e-02, v57  }
0x254: {  	v41 =	vmul.f32 v41, v46;
	v16 =	vadd.f32 v16, v28;
	v28 =	vmul.f32 v54, v36  }
0x255: {  	v58 =	vld [tilespmem:s11+$0x3A0];
	v43 =	vmul.f32 v43, v45;
	v32 =	vadd.f32 $1.111111120e-01, v59;
	v44 =	vmul.f32 v60, v51  }
0x256: {  	v41 =	vadd.f32 $3.333333430e-01, v41;
	v24 =	vmul.f32 v61, v24;
	v28 =	vadd.f32 $1.428571490e-01, v28  }
0x257: {  	v61 =	vld [tilespmem:s11+$0x3B0];
	v43 =	vadd.f32 $1.428571490e-01, v43;
	v32 =	vmul.f32 v32, v50;
	v44 =	vadd.f32 $1.111111120e-01, v44  }
0x258: {  	v41 =	vmul.f32 v41, v46;
	v23 =	vadd.f32 v23, v24;
	v28 =	vmul.f32 v28, v36  }
0x259: {  	v62 =	vmul.f32 v43, v45;
	v32 =	vadd.f32 $1.428571490e-01, v32;
	v46 =	vmul.f32 v44, v51  }
0x25a: {  	v22 =	vmul.f32 v58, v22;
	v41 =	vadd.f32 $1.000000000e+00, v41;
	v28 =	vadd.f32 $2.000000030e-01, v28  }
0x25b: {  	v49 =	vadd.f32 $2.000000030e-01, v62;
	v32 =	vmul.f32 v32, v50;
	v52 =	vadd.f32 $1.428571490e-01, v46  }
0x25c: {  	v22 =	vadd.f32 v22, v23;
	v17 =	vmul.f32 v61, v17;
	v48 =	vmul.f32 v28, v36  }
0x25d: {  	v63 =	vld [tilespmem:s11+$0x3C0];
	v28 =	vmul.f32 v49, v45;
	v53 =	vadd.f32 $2.000000030e-01, v32;
	v54 =	vmul.f32 v52, v51  }
0x25e: {  	v40 =	vmul.f32 v41, v40;
	v17 =	vadd.f32 v17, v22;
	v24 =	vadd.f32 $3.333333430e-01, v48  }
0x25f: {  	v56 =	vadd.f32 $3.333333430e-01, v28;
	v22 =	vmul.f32 v53, v50;
	v57 =	vadd.f32 $2.000000030e-01, v54  }
0x260: {  	v61 =	vadd.f32 v39, v39;
	v41 =	vadd.f32 v38, v38;
	v55 =	vmul.f32 v24, v36  }
0x261: {  	v60 =	vld [tilespmem:s11+$0x3D0];
	v59 =	vmul.f32 v56, v45;
	v22 =	vadd.f32 $3.333333430e-01, v22;
	v28 =	vmul.f32 v57, v51  }
0x262: {  	v18 =	vmul.f32 v63, v18;
	v62 =	vadd.f32 v42, v42;
	v58 =	vadd.f32 $1.000000000e+00, v55  }
0x263: {  	v63 =	vld [tilespmem:s11+$0x3E0];
	v23 =	vadd.f32 $1.000000000e+00, v59;
	v22 =	vmul.f32 v22, v50;
	v28 =	vadd.f32 $3.333333430e-01, v28  }
0x264: {  	v30 =	vsub.f32 v30, v40;
	v17 =	vadd.f32 v18, v17;
	v18 =	vmul.f32 v58, v61  }
0x265: {  	v40 =	vld [tilespmem:s11+$0x3F0];
	v23 =	vmul.f32 v23, v62;
	v22 =	vadd.f32 $1.000000000e+00, v22;
	v28 =	vmul.f32 v28, v51  }
0x266: {  	v43 =	vadd.f32 v47, v47;
	v24 =	vmul.f32 v60, v27;
	v18 =	vsub.f32 v33, v18  }
0x267: {  	v23 =	vsub.f32 v25, v23;
	v22 =	vmul.f32 v22, v41;
	v42 =	vadd.f32 $1.000000000e+00, v28  }
0x268: {  	(xrf2) =	vadd.scan.msk.f32 $0xffff, v29;
	v20 =	vmin.f32 v20, $0.0e+00;
	v19 =	vmul.f32 v63, v19;
	v17 =	vadd.f32 v24, v17  }
0x269: {  	(xrf2) =	vadd.scan.msk.f32 $0xffff, v37;
	v18 =	vadd.f32 v23, v18;
	v21 =	vsub.f32 v21, v22;
	v44 =	vmul.f32 v42, v43  }
0x26a: {  	(xrf2) =	vadd.scan.msk.f32 $0xffff, v35;
	v16 =	vadd.f32 v30, v16;
	v45 =	vmul.f32 v40, v26;
	v17 =	vadd.f32 v19, v17  }
0x26b: {  	(xrf2) =	vadd.scan.msk.f32 $0xffff, v31;
	v18 =	vadd.f32 v21, v18;
	v20 =	vsub.f32 v20, v44  }
0x26c: {  	(xrf2) =	vadd.scan.msk.f32 $0xffff, v34;
	v17 =	vadd.f32 v45, v17  }
0x26d: {  	(xrf2) =	vadd.scan.msk.f32 $0xffff, v16;
	v16 =	vadd.f32 v20, v18  }
0x26e: {  	(xrf2) =	vadd.scan.msk.f32 $0xffff, v17  }
0x26f: {  	(xrf2) =	vadd.scan.msk.f32 $0xffff, v16;
	_ =	sdelay $0x2  }
0x270: {  	v16, _, _ =	vpop (xrf2)  }
0x271: {  	v17, _, _ =	vpop (xrf2)  }
0x272: {  	v46, _, _ =	vpop (xrf2)  }
0x273: {  	v47, _, _ =	vpop (xrf2)  }
0x274: {  	(v2sf) =	vpush v17, $0xF;
	v48, _, _ =	vpop (xrf2)  }
0x275: {  	v17, _, _ =	vpop (xrf2)  }
0x276: {  	(v2sf) =	vpush v47, $0xF;
	v49, _, _ =	vpop (xrf2)  }
0x277: {  	(v2sf) =	vpush v17, $0xF;
	v17, _, _ =	vpop (xrf2)  }
0x278: {  	(v2sf) =	vpush v17, $0xF;
	_ =	sdelay $0x1  }
0x279: {  	v16 =	vbroadcast v16, $0xF  }
0x27a: {  	vm7 =	vmmov $0x1;
	v17 =	vbroadcast v46, $0xF  }
0x27b: {  	v16 =	vnsel vm7, $0x0, v16;
	v50 =	vbroadcast v48, $0xF  }
0x27c: {  	v16 =	vsel vm0, v16, v17;
	v17 =	vbroadcast v49, $0xF  }
0x27d: {  	v16 =	vsel vm1, v16, v50  }
0x27e: {  	v16 =	vsel vm2, v16, v17  }
0x27f: {  	v17 =	vand.u32 $0x7FFFFFFF, v16  }
0x280: {  	v17 =	vsub.f32 $0.0e+00, v17;
	_ =	sdelay $0x1  }
0x281: {  	s0 =	spop (v2sf);
	v17 =	vmul.f32 $1.442695020e+00, v17  }
0x282: {  	s0 =	ssub.f32 $0.0e+00, s0  }
0x283: {  	s1 =	spop (v2sf);
	(erf) = vpow2.f32 v17  }
0x284: {  	s1 =	ssub.f32 $0.0e+00, s1;
	v17 =	vmov s0;
	s12 =	spop (v2sf)  }
0x285: {  	v17 =	vnsel vm3, $0x0, v17;
	s0 =	ssub.f32 $0.0e+00, s12;
	s12 =	spop (v2sf)  }
0x286: {  	v17 =	vsel vm4, s1, v17;
	s12 =	ssub.f32 $0.0e+00, s12  }
0x287: {  	v17 =	vsel vm5, s0, v17  }
0x288: {  	v17 =	vsel vm6, s12, v17  }
0x289: {  	v17 =	vsub.f32 $0.0e+00, v17;
	_ =	sdelay $0x1  }
0x28a: {  	v51 =	vand.u32 $0x7FFFFFFF, v17  }
0x28b: {  	v52 =	vpop (erf);
	v18 =	vsub.f32 $0.0e+00, v51  }
0x28c: {  	v53 =	vadd.f32 $2.000000000e+00, v52  }
0x28d: {  	v18 =	vmul.f32 $1.442695020e+00, v18  }
0x28e: {  	(erf) = vrcp.f32 v53  }
0x28f: {  	(erf) = vpow2.f32 v18;
	_ =	sdelay $0x7  }
0x290: {  	v54 =	vpop (erf)  }
0x291: {  	v55 =	vpop (erf)  }
0x292: {  	v56 =	vadd.f32 $2.000000000e+00, v55;
	_ =	sdelay $0x1  }
0x293: {  	(erf) = vrcp.f32 v56;
	_ =	sdelay $0x5  }
0x294: {  	v18 =	vmul.f32 v54, v52;
	_ =	sdelay $0x1  }
0x295: {  	v19 =	vmul.f32 v18, v18  }
0x296: {  	v58 =	vpop (erf)  }
0x297: {  	v57 =	vmul.f32 $7.692307980e-02, v19;
	v20 =	vmul.f32 v58, v55;
	_ =	sdelay $0x1  }
0x298: {  	v21 =	vadd.f32 $9.090909360e-02, v57;
	v22 =	vmul.f32 v20, v20;
	_ =	sdelay $0x1  }
0x299: {  	v21 =	vmul.f32 v21, v19;
	v59 =	vmul.f32 $7.692307980e-02, v22;
	_ =	sdelay $0x1  }
0x29a: {  	v21 =	vadd.f32 $1.111111120e-01, v21;
	v23 =	vadd.f32 $9.090909360e-02, v59;
	_ =	sdelay $0x1  }
0x29b: {  	v21 =	vmul.f32 v21, v19;
	v23 =	vmul.f32 v23, v22;
	_ =	sdelay $0x1  }
0x29c: {  	v21 =	vadd.f32 $1.428571490e-01, v21;
	v23 =	vadd.f32 $1.111111120e-01, v23;
	_ =	sdelay $0x1  }
0x29d: {  	v21 =	vmul.f32 v21, v19;
	v23 =	vmul.f32 v23, v22;
	_ =	sdelay $0x1  }
0x29e: {  	v21 =	vadd.f32 $2.000000030e-01, v21;
	v23 =	vadd.f32 $1.428571490e-01, v23;
	_ =	sdelay $0x1  }
0x29f: {  	v21 =	vmul.f32 v21, v19;
	v23 =	vmul.f32 v23, v22;
	_ =	sdelay $0x1  }
0x2a0: {  	v21 =	vadd.f32 $3.333333430e-01, v21;
	v23 =	vadd.f32 $2.000000030e-01, v23;
	_ =	sdelay $0x1  }
0x2a1: {  	v19 =	vmul.f32 v21, v19;
	v60 =	vmul.f32 v23, v22  }
0x2a2: {  	v18 =	vadd.f32 v18, v18  }
0x2a3: {  	v19 =	vadd.f32 $1.000000000e+00, v19;
	v21 =	vadd.f32 $3.333333430e-01, v60;
	_ =	sdelay $0x1  }
0x2a4: {  	v18 =	vmul.f32 v19, v18;
	v61 =	vmul.f32 v21, v22  }
0x2a5: {  	v16 =	vmin.f32 v16, $0.0e+00;
	v63 =	vadd.f32 v20, v20  }
0x2a6: {  	v16 =	vsub.f32 v18, v16;
	v62 =	vadd.f32 $1.000000000e+00, v61;
	_ =	sdelay $0x1  }
0x2a7: {  	v16 =	vadd.f32 $0.0e+00, v16;
	v18 =	vmul.f32 v62, v63  }
0x2a8: {  	v17 =	vmin.f32 v17, $0.0e+00  }
0x2a9: {  	v16 =	vmul.f32 $7.812500000e-03, v16;
	v17 =	vsub.f32 v17, v18;
	_ =	sdelay $0x1  }
0x2aa: {  	v16 =	vsub.f32 v16, v17  }
0x2ab: {  	s2 =	sadd.s32 $0x1, s2;
	vm7 =	vmmov $0xf  }
0x2ac: {  	p1 =	sne.s32 s2, s14;
	v16 =	vnsel vm7, $0x0, v16  }
.Ltmp3:
0x2ad: {  	[tilespmem:$0x9280] =	vst v16;
	(pc) =	sbr.rel @p1 .LBB2_1-.Ltmp3, $4  }
0x2ae: {  	[hbm4b:s13+s5] =	stream.linear.scatter [tilespmem:s31], [sflag:$0x5], $0x80, $0x38;
	[tilespmem:$0x9308] =	vst v63  }
0x2af: {  	_ =	swait.ge [sflag:s15], $0x80  }
0x2b0: {  	[sflag:s15] =	ssyncset.done $0x0  }
0x2b1: {  	[sflag:s15] =	ssyncadd.s32 $0xFFFFFF80  }
0x2b2: {  	_ =	sfence.sel $0x180000  }
0x2b3: {  	[bflag:$0x0] =	sbarrier.arrive $0xFFFF  }
0x2b4: {  	_ =	strace $0x90000047  }
0x2b5: {  	s0 =	stileid.u32;
	[bflag:$0x2] =	sbarrier.arrive $0xFFFF  }
0x2b6: {  	p0 =	sne.s32 s0, $0x0;
	s0 =	rddreg [dreg:$0x6]  }
0x2b7: {  	s0 =	sadd.s32 @!p0 $0x100000, s0  }
0x2b8: {  	[sflag:s0] =	ssyncadd.tile.s32 @!p0 $0x1;
	_ =	shalt  }
.Lfunc_end2:
_tile_overlayer_lowered:
.L_overlay_start_2:
0x2b9: {  	(tag) =	ssettag $0x2  }
0x2ba: {  	s0 =	rddreg [dreg:$0x0];
	s2 =	stileid.u32  }
0x2bb: {  	s1 =	rddreg [dreg:$0x1];
	p0 =	sne.s32 s2, $0x0  }
0x2bc: {  	s3 =	rddreg [dreg:$0x2];
	[bflag:$0x3] =	sbarrier.arrive $0xFFFF;
	s2 =	simm.s32 @!p0 $0x1C05  }
0x2bd: {  	[timem:s3], [sflag:s2] =	dma.local @!p0 [hbm:s0], s1  }
0x2be: {  	s0 =	simm.s32 @!p0 $0x5  }
0x2bf: {  	_ =	swait.ge @!p0 [sflag:s0], s1  }
0x2c0: {  	s1 =	ssub.s32 @!p0 $0x0, s1;
	[sflag:s0] =	ssyncset.done @!p0 $0x0  }
0x2c1: {  	[sflag:s0] =	ssyncadd.s32 @!p0 s1  }
0x2c2: {  	[bflag:$0x3] =	sbarrier.arrive $0xFFFF  }
0x2c3: {  	_ =	shalt  }

</sc_bundles>
